<compile_context>
chip_gen: v7x
topology: tpu7x:2x2x1
jax: 0.10.2.dev20260603
libtpu: 0.0.44.dev20260713+nightly
codegen_flags: <defaults>
</compile_context>

<pallas_src>
import jax
import jax.numpy as jnp
from jax import lax
from jax.experimental import pallas as pl
from jax.experimental.pallas import tpu as pltpu
from jax.experimental.pallas import tpu_sc as plsc

_SEQ = 200
_DIM = 64
_BATCH = 1024

_NUM_CORES = 2
_NUM_SUBCORES = 16
_NUM_WORKERS = _NUM_CORES * _NUM_SUBCORES
_SEQ_PER_WORKER = _BATCH // _NUM_WORKERS
_TOK_PER_WORKER = _SEQ_PER_WORKER * _SEQ

_HALF_A = 96
_HALF_B = 104


def _positional_encoding():
    positions = jnp.arange(_SEQ, dtype=jnp.float32)
    indices = jnp.arange(_DIM // 2, dtype=jnp.float32)
    scaling = 10000.0 ** (2.0 * indices / _DIM)
    angles = positions[:, None] / scaling[None, :]
    pe = jnp.zeros((_SEQ, _DIM), dtype=jnp.float32)
    pe = pe.at[:, 0::2].set(jnp.sin(angles))
    pe = pe.at[:, 1::2].set(jnp.cos(angles))
    return pe


def _sc_body(x_hbm, table_hbm, pos_hbm, out_hbm, idx_v, pidx0, pidx1, in0,
             in1, out0, out1, pos_v, gsem0, gsem1, osem0, osem1):
    wid = lax.axis_index("s") * _NUM_CORES + lax.axis_index("c")
    tok_base = wid * _TOK_PER_WORKER
    seq_base = wid * _SEQ_PER_WORKER

    pltpu.sync_copy(pos_hbm, pos_v)
    pltpu.sync_copy(x_hbm.at[pl.ds(tok_base, _TOK_PER_WORKER)],
                    idx_v.at[pl.ds(0, _TOK_PER_WORKER)])

    def fire_gathers(abs_base, n_rows, pidx, in_buf, gsem):
        def fill(i, _):
            v = idx_v[pl.ds(abs_base + i * 16, 16)]
            pidx[pl.ds(i * 16, 16)] = lax.shift_right_logical(v, 1)
            return 0

        lax.fori_loop(0, (n_rows + 15) // 16, fill, 0)
        pltpu.async_copy(
            table_hbm.at[pidx.at[pl.ds(0, n_rows)]],
            in_buf.at[pl.ds(0, n_rows)],
            gsem,
        )

    def drain_gathers(n_rows, pidx, in_buf, gsem):
        pltpu.make_async_copy(
            table_hbm.at[pidx.at[pl.ds(0, n_rows)]],
            in_buf.at[pl.ds(0, n_rows)],
            gsem,
        ).wait()

    def fire_out(seq, pos0, n_rows, out_buf, osem):
        pltpu.async_copy(out_buf, out_hbm.at[seq_base + seq, pl.ds(pos0, n_rows)],
                         osem)

    def drain_out(pos0, n_rows, out_buf, osem):
        pltpu.make_async_copy(out_buf,
                              out_hbm.at[seq_base, pl.ds(pos0, n_rows)],
                              osem).wait()

    def compute(abs_base, pos0, full_groups, peel, in_buf, out_buf):
        def token_block(off, r_range):
            idxg = idx_v[pl.ds(abs_base + off, 16)]
            mf = jnp.where(idxg == 0, 0.0, 1.0).astype(jnp.float32)
            hf = jnp.bitwise_and(idxg, 1) * _DIM
            for r in r_range:
                m = mf[r]
                h = hf[r]
                t = off + r
                vs = [in_buf[t, pl.ds(h + q * 16, 16)] for q in range(4)]
                ps = [pos_v[pos0 + t, pl.ds(q * 16, 16)] for q in range(4)]
                res = [(vs[q] + ps[q]) * m for q in range(4)]
                for q in range(4):
                    out_buf[t, pl.ds(q * 16, 16)] = res[q]

        def per_group(g, _):
            token_block(g * 16, range(16))
            return 0

        lax.fori_loop(0, full_groups, per_group, 0)
        if peel:
            token_block(full_groups * 16, range(peel))

    fire_gathers(0, _HALF_A, pidx0, in0, gsem0)

    def body(j, _):
        base = j * _SEQ
        fire_gathers(base + _HALF_A, _HALF_B, pidx1, in1, gsem1)
        drain_gathers(_HALF_A, pidx0, in0, gsem0)

        @pl.when(j > 0)
        def _():
            drain_out(0, _HALF_A, out0, osem0)

        compute(base, 0, _HALF_A // 16, 0, in0, out0)
        fire_out(j, 0, _HALF_A, out0, osem0)

        @pl.when(j < _SEQ_PER_WORKER - 1)
        def _():
            fire_gathers(base + _SEQ, _HALF_A, pidx0, in0, gsem0)

        drain_gathers(_HALF_B, pidx1, in1, gsem1)

        @pl.when(j > 0)
        def _():
            drain_out(_HALF_A, _HALF_B, out1, osem1)

        compute(base + _HALF_A, _HALF_A, _HALF_B // 16, 8, in1, out1)
        fire_out(j, _HALF_A, _HALF_B, out1, osem1)
        return 0

    lax.fori_loop(0, _SEQ_PER_WORKER, body, 0)
    drain_out(0, _HALF_A, out0, osem0)
    drain_out(_HALF_A, _HALF_B, out1, osem1)


def kernel(x, table):
    pos = _positional_encoding()
    x = x.astype(jnp.int32).reshape(-1)
    tp = table.reshape(500000, 2 * _DIM)
    mesh = plsc.VectorSubcoreMesh(core_axis_name="c", subcore_axis_name="s")
    run = pl.kernel(
        _sc_body,
        out_type=jax.ShapeDtypeStruct((_BATCH, _SEQ, _DIM), jnp.float32),
        mesh=mesh,
        scratch_types=[
            pltpu.VMEM((_TOK_PER_WORKER + 16,), jnp.int32),
            pltpu.VMEM((_HALF_A + 16,), jnp.int32),
            pltpu.VMEM((_HALF_B + 16,), jnp.int32),
            pltpu.VMEM((_HALF_A, 2 * _DIM), jnp.float32),
            pltpu.VMEM((_HALF_B, 2 * _DIM), jnp.float32),
            pltpu.VMEM((_HALF_A, _DIM), jnp.float32),
            pltpu.VMEM((_HALF_B, _DIM), jnp.float32),
            pltpu.VMEM((_SEQ, _DIM), jnp.float32),
            pltpu.SemaphoreType.DMA,
            pltpu.SemaphoreType.DMA,
            pltpu.SemaphoreType.DMA,
            pltpu.SemaphoreType.DMA,
        ],
    )
    return run(x, tp, pos)

# --- scband reference (transcript-rebuilt; emitter-appended) ---
"""Pipeline reference for scband-embedding-53171695125164 (READ-ONLY COPY).

The authoritative reference and input builder live on the scoring server;
editing this copy changes nothing except your own understanding.
"""

import jax, jax.numpy as jnp
import numpy as np

VOCAB_SIZE = 1000000
CONTEXT_SIZE = 200
EMBEDDING_SIZE = 64
PADDING_ID = 0


def sinusoidal_positional_encoding(context_size, embedding_size):
    positions = jnp.arange(context_size, dtype=jnp.float32)
    indices = jnp.arange(embedding_size // 2, dtype=jnp.float32)
    scaling_factor = 10000.0 ** (2.0 * indices / embedding_size)
    angles = positions[:, None] / scaling_factor[None, :]
    pos_encoding = jnp.zeros((context_size, embedding_size), dtype=jnp.float32)
    pos_encoding = pos_encoding.at[:, 0::2].set(jnp.sin(angles))
    pos_encoding = pos_encoding.at[:, 1::2].set(jnp.cos(angles))
    return pos_encoding


def setup_inputs(seed: int = 0) -> dict:
    key = jax.random.key(seed)
    k1, k2 = jax.random.split(key)
    x = jax.random.randint(k1, (1024, 200), 0, VOCAB_SIZE, dtype=jnp.int64 if jax.config.jax_enable_x64 else jnp.int32)
    table = jax.random.normal(k2, (VOCAB_SIZE, EMBEDDING_SIZE), dtype=jnp.float32)
    return {"x": x, "table": table}


def reference(x, table):
    # token embedding gather
    token_embeddings = jnp.take(table, x, axis=0)
    # add sinusoidal positional encoding (sliced to sequence length)
    pos_encoding = sinusoidal_positional_encoding(CONTEXT_SIZE, EMBEDDING_SIZE)
    token_embeddings = token_embeddings + pos_encoding[: x.shape[-1], :]
    # zero out padding positions (padding token id == 0)
    token_embeddings = jnp.where((x == PADDING_ID)[..., None], 0.0, token_embeddings)
    return token_embeddings

if __name__ == "__main__":
    import jax
    _d = setup_inputs()
    print(jax.jit(kernel)(*tuple(_d.values())))

</pallas_src>

<mosaic_0001>
#map = affine_map<(d0, d1) -> (0)>
#map1 = affine_map<(d0, d1) -> (0, 0)>
#map2 = affine_map<(d0, d1) -> (0, 0, 0)>
module attributes {stable_mosaic.version = 14 : i64} {
  func.func @_sc_body(%arg0: i32, %arg1: i32, %arg2: memref<204800xi32, #tpu.memory_space<hbm>>, %arg3: memref<500000x128xf32, #tpu.memory_space<hbm>>, %arg4: memref<200x64xf32, #tpu.memory_space<hbm>>, %arg5: memref<1024x200x64xf32, #tpu.memory_space<hbm>>, %arg6: memref<6416xi32, #tpu.memory_space<vmem>>, %arg7: memref<112xi32, #tpu.memory_space<vmem>>, %arg8: memref<120xi32, #tpu.memory_space<vmem>>, %arg9: memref<96x128xf32, #tpu.memory_space<vmem>>, %arg10: memref<104x128xf32, #tpu.memory_space<vmem>>, %arg11: memref<96x64xf32, #tpu.memory_space<vmem>>, %arg12: memref<104x64xf32, #tpu.memory_space<vmem>>, %arg13: memref<200x64xf32, #tpu.memory_space<vmem>>, %arg14: memref<!tpu.dma_semaphore, #tpu.memory_space<semaphore_mem>>, %arg15: memref<!tpu.dma_semaphore, #tpu.memory_space<semaphore_mem>>, %arg16: memref<!tpu.dma_semaphore, #tpu.memory_space<semaphore_mem>>, %arg17: memref<!tpu.dma_semaphore, #tpu.memory_space<semaphore_mem>>) attributes {dimension_semantics = [#tpu.dimension_semantics<core_parallel>, #tpu.dimension_semantics<subcore_parallel>], iteration_bounds = array<i64: 2, 16>, scalar_prefetch = 0 : i64, scratch_operands = 12 : i64, tpu.core_type = #tpu.core_type<sc_vector_subcore>, window_params = [{transform_indices = #map}, {transform_indices = #map1}, {transform_indices = #map1}, {transform_indices = #map2}]} {
    %mul3A = arith.constant 2 : i32
    %mul3A_0 = arith.muli %arg1, %mul3A : i32
    %add3A = arith.addi %mul3A_0, %arg0 : i32
    %mul3A_1 = arith.constant 6400 : i32
    %mul3A_2 = arith.muli %add3A, %mul3A_1 : i32
    %mul3A_3 = arith.constant 32 : i32
    %mul3A_4 = arith.muli %add3A, %mul3A_3 : i32
    "tpu.region"() ({
      %run_scoped3A = tpu.sem_alloc : memref<!tpu.dma_semaphore, #tpu.memory_space<semaphore_mem>>
      tpu.enqueue_dma source(%arg4 : memref<200x64xf32, #tpu.memory_space<hbm>>) target(%arg13 : memref<200x64xf32, #tpu.memory_space<vmem>>) target_semaphore(%run_scoped3A : memref<!tpu.dma_semaphore, #tpu.memory_space<semaphore_mem>>)
      tpu.wait_dma2 semaphore(%run_scoped3A : memref<!tpu.dma_semaphore, #tpu.memory_space<semaphore_mem>>) src(%arg4 : memref<200x64xf32, #tpu.memory_space<hbm>>) dst(%arg13 : memref<200x64xf32, #tpu.memory_space<vmem>>)
      tpu.yield
    }) : () -> ()
    "tpu.region"() ({
      %run_scoped3A = tpu.sem_alloc : memref<!tpu.dma_semaphore, #tpu.memory_space<semaphore_mem>>
      %dma_start3A_40 = arith.constant 0 : i32
      %dma_start3A_41 = tpu.memref_slice %arg6[%dma_start3A_40] : memref<6416xi32, #tpu.memory_space<vmem>> -> memref<6400xi32, #tpu.memory_space<vmem>>
      %dma_start3A_42 = tpu.memref_slice %arg2[%mul3A_2] : memref<204800xi32, #tpu.memory_space<hbm>> -> memref<6400xi32, #tpu.memory_space<hbm>>
      %dma_start3A_43 = arith.constant 0 : i32
      %dma_start3A_44 = tpu.memref_slice %arg6[%dma_start3A_43] : memref<6416xi32, #tpu.memory_space<vmem>> -> memref<6400xi32, #tpu.memory_space<vmem>>
      %dma_start3A_45 = tpu.memref_slice %arg2[%mul3A_2] : memref<204800xi32, #tpu.memory_space<hbm>> -> memref<6400xi32, #tpu.memory_space<hbm>>
      tpu.enqueue_dma source(%dma_start3A_45 : memref<6400xi32, #tpu.memory_space<hbm>>) target(%dma_start3A_44 : memref<6400xi32, #tpu.memory_space<vmem>>) target_semaphore(%run_scoped3A : memref<!tpu.dma_semaphore, #tpu.memory_space<semaphore_mem>>)
      %dma_wait3A_46 = arith.constant 0 : i32
      %dma_wait3A_47 = tpu.memref_slice %arg6[%dma_wait3A_46] : memref<6416xi32, #tpu.memory_space<vmem>> -> memref<6400xi32, #tpu.memory_space<vmem>>
      %dma_wait3A_48 = tpu.memref_slice %arg2[%mul3A_2] : memref<204800xi32, #tpu.memory_space<hbm>> -> memref<6400xi32, #tpu.memory_space<hbm>>
      %dma_wait3A_49 = arith.constant 0 : i32
      %dma_wait3A_50 = tpu.memref_slice %arg6[%dma_wait3A_49] : memref<6416xi32, #tpu.memory_space<vmem>> -> memref<6400xi32, #tpu.memory_space<vmem>>
      %dma_wait3A_51 = tpu.memref_slice %arg2[%mul3A_2] : memref<204800xi32, #tpu.memory_space<hbm>> -> memref<6400xi32, #tpu.memory_space<hbm>>
      tpu.wait_dma2 semaphore(%run_scoped3A : memref<!tpu.dma_semaphore, #tpu.memory_space<semaphore_mem>>) src(%dma_wait3A_51 : memref<6400xi32, #tpu.memory_space<hbm>>) dst(%dma_wait3A_50 : memref<6400xi32, #tpu.memory_space<vmem>>)
      tpu.yield
    }) : () -> ()
    %scan3A = arith.constant 0 : i32
    %scan3A_5 = arith.constant 0 : i32
    %scan3A_6 = arith.constant 6 : i32
    %scan3A_7 = arith.addi %scan3A_5, %scan3A_6 : i32
    %scan3A_8 = arith.constant 1 : i32
    %scan3A_9 = scf.for %scan3A_40 = %scan3A_5 to %scan3A_7 step %scan3A_8 iter_args(%scan3A_41 = %scan3A) -> (i32)  : i32 {
      %mul3A_42 = arith.constant 16 : i32
      %mul3A_43 = arith.muli %scan3A_40, %mul3A_42 : i32
      %add3A_44 = arith.constant 0 : i32
      %add3A_45 = arith.addi %add3A_44, %mul3A_43 : i32
      %get3A = arith.index_cast %add3A_45 : i32 to index
      %get3A_46 = tpu.vector_load %arg6[%get3A] {strides = array<i32>} : memref<6416xi32, #tpu.memory_space<vmem>>, vector<16xi32>,
      %get3A_47 = vector.shape_cast %get3A_46 : vector<16xi32> to vector<16xi32>
      %shift_right_logical3A = arith.constant 1 : i32
      %shift_right_logical3A_48 = vector.broadcast %shift_right_logical3A : i32 to vector<16xi32>
      %shift_right_logical3A_49 = arith.shrui %get3A_47, %shift_right_logical3A_48 : vector<16xi32>
      %mul3A_50 = arith.constant 16 : i32
      %mul3A_51 = arith.muli %scan3A_40, %mul3A_50 : i32
      %swap3A = arith.index_cast %mul3A_51 : i32 to index
      %swap3A_52 = tpu.vector_load %arg7[%swap3A] {strides = array<i32>} : memref<112xi32, #tpu.memory_space<vmem>>, vector<16xi32>,
      %swap3A_53 = vector.shape_cast %swap3A_52 : vector<16xi32> to vector<16xi32>
      %swap3A_54 = vector.shape_cast %shift_right_logical3A_49 : vector<16xi32> to vector<16xi32>
      tpu.vector_store %arg7[%swap3A], %swap3A_54 {strides = array<i32>} : memref<112xi32, #tpu.memory_space<vmem>>, vector<16xi32>,
      %scan3A_55 = arith.constant 0 : i32
      scf.yield %scan3A_55 : i32
    }
    %scan3A_10 = arith.constant 6 : i32
    %dma_start3A = arith.constant 0 : i32
    %dma_start3A_11 = arith.constant 0 : i32
    %dma_start3A_12 = tpu.memref_slice %arg9[%dma_start3A, %dma_start3A_11] : memref<96x128xf32, #tpu.memory_space<vmem>> -> memref<96x128xf32, #tpu.memory_space<vmem>>
    %dma_start3A_13 = arith.constant 0 : i32
    %dma_start3A_14 = tpu.memref_slice %arg7[%dma_start3A_13] : memref<112xi32, #tpu.memory_space<vmem>> -> memref<96xi32, #tpu.memory_space<vmem>>
    %dma_start3A_15 = arith.constant 0 : i32
    %dma_start3A_16 = arith.constant 0 : i32
    %dma_start3A_17 = tpu.memref_slice %arg3[%dma_start3A_15, %dma_start3A_16] : memref<500000x128xf32, #tpu.memory_space<hbm>> -> memref<500000x128xf32, #tpu.memory_space<hbm>>
    tpu.enqueue_indirect_dma source(%dma_start3A_17 : memref<500000x128xf32, #tpu.memory_space<hbm>>) target(%dma_start3A_12 : memref<96x128xf32, #tpu.memory_space<vmem>>) offsets(%dma_start3A_14 : memref<96xi32, #tpu.memory_space<vmem>>) semaphore(%arg14 : memref<!tpu.dma_semaphore, #tpu.memory_space<semaphore_mem>>)
    %scan3A_18 = arith.constant 0 : i32
    %scan3A_19 = arith.constant 0 : i32
    %scan3A_20 = arith.constant 32 : i32
    %scan3A_21 = arith.addi %scan3A_19, %scan3A_20 : i32
    %scan3A_22 = arith.constant 1 : i32
    %scan3A_23 = scf.for %scan3A_40 = %scan3A_19 to %scan3A_21 step %scan3A_22 iter_args(%scan3A_41 = %scan3A_18) -> (i32)  : i32 {
      %mul3A_42 = arith.constant 200 : i32
      %mul3A_43 = arith.muli %scan3A_40, %mul3A_42 : i32
      %add3A_44 = arith.constant 96 : i32
      %add3A_45 = arith.addi %mul3A_43, %add3A_44 : i32
      %scan3A_46 = arith.constant 0 : i32
      %scan3A_47 = arith.constant 0 : i32
      %scan3A_48 = arith.constant 7 : i32
      %scan3A_49 = arith.addi %scan3A_47, %scan3A_48 : i32
      %scan3A_50 = arith.constant 1 : i32
      %scan3A_51 = scf.for %scan3A_837 = %scan3A_47 to %scan3A_49 step %scan3A_50 iter_args(%scan3A_838 = %scan3A_46) -> (i32)  : i32 {
        %mul3A_839 = arith.constant 16 : i32
        %mul3A_840 = arith.muli %scan3A_837, %mul3A_839 : i32
        %add3A_841 = arith.addi %add3A_45, %mul3A_840 : i32
        %get3A_842 = arith.index_cast %add3A_841 : i32 to index
        %get3A_843 = tpu.vector_load %arg6[%get3A_842] {strides = array<i32>} : memref<6416xi32, #tpu.memory_space<vmem>>, vector<16xi32>,
        %get3A_844 = vector.shape_cast %get3A_843 : vector<16xi32> to vector<16xi32>
        %shift_right_logical3A = arith.constant 1 : i32
        %shift_right_logical3A_845 = vector.broadcast %shift_right_logical3A : i32 to vector<16xi32>
        %shift_right_logical3A_846 = arith.shrui %get3A_844, %shift_right_logical3A_845 : vector<16xi32>
        %mul3A_847 = arith.constant 16 : i32
        %mul3A_848 = arith.muli %scan3A_837, %mul3A_847 : i32
        %swap3A_849 = arith.index_cast %mul3A_848 : i32 to index
        %swap3A_850 = tpu.vector_load %arg8[%swap3A_849] {strides = array<i32>} : memref<120xi32, #tpu.memory_space<vmem>>, vector<16xi32>,
        %swap3A_851 = vector.shape_cast %swap3A_850 : vector<16xi32> to vector<16xi32>
        %swap3A_852 = vector.shape_cast %shift_right_logical3A_846 : vector<16xi32> to vector<16xi32>
        tpu.vector_store %arg8[%swap3A_849], %swap3A_852 {strides = array<i32>} : memref<120xi32, #tpu.memory_space<vmem>>, vector<16xi32>,
        %scan3A_853 = arith.constant 0 : i32
        scf.yield %scan3A_853 : i32
      }
      %scan3A_52 = arith.constant 7 : i32
      %dma_start3A_53 = arith.constant 0 : i32
      %dma_start3A_54 = arith.constant 0 : i32
      %dma_start3A_55 = tpu.memref_slice %arg10[%dma_start3A_53, %dma_start3A_54] : memref<104x128xf32, #tpu.memory_space<vmem>> -> memref<104x128xf32, #tpu.memory_space<vmem>>
      %dma_start3A_56 = arith.constant 0 : i32
      %dma_start3A_57 = tpu.memref_slice %arg8[%dma_start3A_56] : memref<120xi32, #tpu.memory_space<vmem>> -> memref<104xi32, #tpu.memory_space<vmem>>
      %dma_start3A_58 = arith.constant 0 : i32
      %dma_start3A_59 = arith.constant 0 : i32
      %dma_start3A_60 = tpu.memref_slice %arg3[%dma_start3A_58, %dma_start3A_59] : memref<500000x128xf32, #tpu.memory_space<hbm>> -> memref<500000x128xf32, #tpu.memory_space<hbm>>
      tpu.enqueue_indirect_dma source(%dma_start3A_60 : memref<500000x128xf32, #tpu.memory_space<hbm>>) target(%dma_start3A_55 : memref<104x128xf32, #tpu.memory_space<vmem>>) offsets(%dma_start3A_57 : memref<104xi32, #tpu.memory_space<vmem>>) semaphore(%arg15 : memref<!tpu.dma_semaphore, #tpu.memory_space<semaphore_mem>>)
      %dma_wait3A_61 = arith.constant 0 : i32
      %dma_wait3A_62 = arith.constant 0 : i32
      %dma_wait3A_63 = tpu.memref_slice %arg9[%dma_wait3A_61, %dma_wait3A_62] : memref<96x128xf32, #tpu.memory_space<vmem>> -> memref<96x128xf32, #tpu.memory_space<vmem>>
      %dma_wait3A_64 = arith.constant 0 : i32
      %dma_wait3A_65 = tpu.memref_slice %arg7[%dma_wait3A_64] : memref<112xi32, #tpu.memory_space<vmem>> -> memref<96xi32, #tpu.memory_space<vmem>>
      %dma_wait3A_66 = arith.constant 0 : i32
      %dma_wait3A_67 = arith.constant 0 : i32
      %dma_wait3A_68 = tpu.memref_slice %arg3[%dma_wait3A_66, %dma_wait3A_67] : memref<500000x128xf32, #tpu.memory_space<hbm>> -> memref<500000x128xf32, #tpu.memory_space<hbm>>
      tpu.wait_indirect_dma semaphore(%arg14 : memref<!tpu.dma_semaphore, #tpu.memory_space<semaphore_mem>>) src(%dma_wait3A_68 : memref<500000x128xf32, #tpu.memory_space<hbm>>) dst(%dma_wait3A_63 : memref<96x128xf32, #tpu.memory_space<vmem>>)
      %gt3A = arith.constant 0 : i32
      %gt3A_69 = arith.cmpi sgt, %scan3A_40, %gt3A : i32
      %convert_element_type3A = arith.extui %gt3A_69 : i1 to i32
      %cond3A = arith.constant 0 : i32
      %cond3A_70 = arith.cmpi ne, %convert_element_type3A, %cond3A : i32
      scf.if %cond3A_70 {
        %dma_wait3A_837 = arith.constant 0 : i32
        %dma_wait3A_838 = arith.constant 0 : i32
        %dma_wait3A_839 = tpu.memref_slice %arg5[%mul3A_4, %dma_wait3A_837, %dma_wait3A_838] : memref<1024x200x64xf32, #tpu.memory_space<hbm>> -> memref<1x96x64xf32, #tpu.memory_space<hbm>>
        %dma_wait3A_840 = tpu.memref_squeeze %dma_wait3A_839 : memref<1x96x64xf32, #tpu.memory_space<hbm>> -> memref<96x64xf32, #tpu.memory_space<hbm>>
        %dma_wait3A_841 = arith.constant 0 : i32
        %dma_wait3A_842 = arith.constant 0 : i32
        %dma_wait3A_843 = tpu.memref_slice %arg5[%mul3A_4, %dma_wait3A_841, %dma_wait3A_842] : memref<1024x200x64xf32, #tpu.memory_space<hbm>> -> memref<1x96x64xf32, #tpu.memory_space<hbm>>
        %dma_wait3A_844 = tpu.memref_squeeze %dma_wait3A_843 : memref<1x96x64xf32, #tpu.memory_space<hbm>> -> memref<96x64xf32, #tpu.memory_space<hbm>>
        tpu.wait_dma2 semaphore(%arg16 : memref<!tpu.dma_semaphore, #tpu.memory_space<semaphore_mem>>) src(%arg11 : memref<96x64xf32, #tpu.memory_space<vmem>>) dst(%dma_wait3A_844 : memref<96x64xf32, #tpu.memory_space<hbm>>)
      } else {
      }
      %scan3A_71 = arith.constant 0 : i32
      %scan3A_72 = arith.constant 0 : i32
      %scan3A_73 = arith.constant 6 : i32
      %scan3A_74 = arith.addi %scan3A_72, %scan3A_73 : i32
      %scan3A_75 = arith.constant 1 : i32
      %scan3A_76 = scf.for %scan3A_837 = %scan3A_72 to %scan3A_74 step %scan3A_75 iter_args(%scan3A_838 = %scan3A_71) -> (i32)  : i32 {
        %mul3A_839 = arith.constant 16 : i32
        %mul3A_840 = arith.muli %scan3A_837, %mul3A_839 : i32
        %add3A_841 = arith.addi %mul3A_43, %mul3A_840 : i32
        %get3A_842 = arith.index_cast %add3A_841 : i32 to index
        %get3A_843 = tpu.vector_load %arg6[%get3A_842] {strides = array<i32>} : memref<6416xi32, #tpu.memory_space<vmem>>, vector<16xi32>,
        %get3A_844 = vector.shape_cast %get3A_843 : vector<16xi32> to vector<16xi32>
        %eq3A_845 = arith.constant 0 : i32
        %eq3A_846 = vector.broadcast %eq3A_845 : i32 to vector<16xi32>
        %eq3A_847 = arith.cmpi eq, %get3A_844, %eq3A_846 : vector<16xi32>
        %jit3A_848 = arith.constant 0.000000e+00 : f32
        %jit3A_849 = arith.constant 1.000000e+00 : f32
        %broadcast_in_dim3A_850 = vector.broadcast %jit3A_848 : f32 to vector<16xf32>
        %broadcast_in_dim3A_851 = vector.broadcast %jit3A_849 : f32 to vector<16xf32>
        %select_n3A_852 = arith.select %eq3A_847, %broadcast_in_dim3A_850, %broadcast_in_dim3A_851 : vector<16xi1>, vector<16xf32>
        %and3A_853 = arith.constant 1 : i32
        %and3A_854 = vector.broadcast %and3A_853 : i32 to vector<16xi32>
        %and3A_855 = arith.andi %get3A_844, %and3A_854 : vector<16xi32>
        %mul3A_856 = arith.constant 64 : i32
        %mul3A_857 = vector.broadcast %mul3A_856 : i32 to vector<16xi32>
        %mul3A_858 = arith.muli %and3A_855, %mul3A_857 : vector<16xi32>
        %slice3A_859 = vector.extract_strided_slice %select_n3A_852 {offsets = [0], sizes = [1], strides = [1]} : vector<16xf32> to vector<1xf32>
        %squeeze3A_860 = vector.extract %slice3A_859[0] : f32 from vector<1xf32>
        %slice3A_861 = vector.extract_strided_slice %mul3A_858 {offsets = [0], sizes = [1], strides = [1]} : vector<16xi32> to vector<1xi32>
        %squeeze3A_862 = vector.extract %slice3A_861[0] : i32 from vector<1xi32>
        %add3A_863 = arith.constant 0 : i32
        %add3A_864 = arith.addi %mul3A_840, %add3A_863 : i32
        %add3A_865 = arith.constant 0 : i32
        %add3A_866 = arith.addi %squeeze3A_862, %add3A_865 : i32
        %get3A_867 = arith.index_cast %add3A_864 : i32 to index
        %get3A_868 = arith.index_cast %add3A_866 : i32 to index
        %get3A_869 = tpu.vector_load %arg9[%get3A_867, %get3A_868] {strides = array<i32>} : memref<96x128xf32, #tpu.memory_space<vmem>>, vector<1x16xf32>,
        %get3A_870 = vector.shape_cast %get3A_869 : vector<1x16xf32> to vector<16xf32>
        %add3A_871 = arith.constant 16 : i32
        %add3A_872 = arith.addi %squeeze3A_862, %add3A_871 : i32
        %get3A_873 = arith.index_cast %add3A_864 : i32 to index
        %get3A_874 = arith.index_cast %add3A_872 : i32 to index
        %get3A_875 = tpu.vector_load %arg9[%get3A_873, %get3A_874] {strides = array<i32>} : memref<96x128xf32, #tpu.memory_space<vmem>>, vector<1x16xf32>,
        %get3A_876 = vector.shape_cast %get3A_875 : vector<1x16xf32> to vector<16xf32>
        %add3A_877 = arith.constant 32 : i32
        %add3A_878 = arith.addi %squeeze3A_862, %add3A_877 : i32
        %get3A_879 = arith.index_cast %add3A_864 : i32 to index
        %get3A_880 = arith.index_cast %add3A_878 : i32 to index
        %get3A_881 = tpu.vector_load %arg9[%get3A_879, %get3A_880] {strides = array<i32>} : memref<96x128xf32, #tpu.memory_space<vmem>>, vector<1x16xf32>,
        %get3A_882 = vector.shape_cast %get3A_881 : vector<1x16xf32> to vector<16xf32>
        %add3A_883 = arith.constant 48 : i32
        %add3A_884 = arith.addi %squeeze3A_862, %add3A_883 : i32
        %get3A_885 = arith.index_cast %add3A_864 : i32 to index
        %get3A_886 = arith.index_cast %add3A_884 : i32 to index
        %get3A_887 = tpu.vector_load %arg9[%get3A_885, %get3A_886] {strides = array<i32>} : memref<96x128xf32, #tpu.memory_space<vmem>>, vector<1x16xf32>,
        %get3A_888 = vector.shape_cast %get3A_887 : vector<1x16xf32> to vector<16xf32>
        %add3A_889 = arith.constant 0 : i32
        %add3A_890 = arith.addi %add3A_889, %add3A_864 : i32
        %get3A_891 = arith.index_cast %add3A_890 : i32 to index
        %get3A_892 = arith.constant 0 : index
        %get3A_893 = tpu.vector_load %arg13[%get3A_891, %get3A_892] {strides = array<i32>} : memref<200x64xf32, #tpu.memory_space<vmem>>, vector<1x16xf32>,
        %get3A_894 = vector.shape_cast %get3A_893 : vector<1x16xf32> to vector<16xf32>
        %add3A_895 = arith.constant 0 : i32
        %add3A_896 = arith.addi %add3A_895, %add3A_864 : i32
        %get3A_897 = arith.index_cast %add3A_896 : i32 to index
        %get3A_898 = arith.constant 16 : index
        %get3A_899 = tpu.vector_load %arg13[%get3A_897, %get3A_898] {strides = array<i32>} : memref<200x64xf32, #tpu.memory_space<vmem>>, vector<1x16xf32>,
        %get3A_900 = vector.shape_cast %get3A_899 : vector<1x16xf32> to vector<16xf32>
        %add3A_901 = arith.constant 0 : i32
        %add3A_902 = arith.addi %add3A_901, %add3A_864 : i32
        %get3A_903 = arith.index_cast %add3A_902 : i32 to index
        %get3A_904 = arith.constant 32 : index
        %get3A_905 = tpu.vector_load %arg13[%get3A_903, %get3A_904] {strides = array<i32>} : memref<200x64xf32, #tpu.memory_space<vmem>>, vector<1x16xf32>,
        %get3A_906 = vector.shape_cast %get3A_905 : vector<1x16xf32> to vector<16xf32>
        %add3A_907 = arith.constant 0 : i32
        %add3A_908 = arith.addi %add3A_907, %add3A_864 : i32
        %get3A_909 = arith.index_cast %add3A_908 : i32 to index
        %get3A_910 = arith.constant 48 : index
        %get3A_911 = tpu.vector_load %arg13[%get3A_909, %get3A_910] {strides = array<i32>} : memref<200x64xf32, #tpu.memory_space<vmem>>, vector<1x16xf32>,
        %get3A_912 = vector.shape_cast %get3A_911 : vector<1x16xf32> to vector<16xf32>
        %add3A_913 = arith.addf %get3A_870, %get3A_894 : vector<16xf32>
        %mul3A_914 = vector.broadcast %squeeze3A_860 : f32 to vector<16xf32>
        %mul3A_915 = arith.mulf %add3A_913, %mul3A_914 : vector<16xf32>
        %add3A_916 = arith.addf %get3A_876, %get3A_900 : vector<16xf32>
        %mul3A_917 = vector.broadcast %squeeze3A_860 : f32 to vector<16xf32>
        %mul3A_918 = arith.mulf %add3A_916, %mul3A_917 : vector<16xf32>
        %add3A_919 = arith.addf %get3A_882, %get3A_906 : vector<16xf32>
        %mul3A_920 = vector.broadcast %squeeze3A_860 : f32 to vector<16xf32>
        %mul3A_921 = arith.mulf %add3A_919, %mul3A_920 : vector<16xf32>
        %add3A_922 = arith.addf %get3A_888, %get3A_912 : vector<16xf32>
        %mul3A_923 = vector.broadcast %squeeze3A_860 : f32 to vector<16xf32>
        %mul3A_924 = arith.mulf %add3A_922, %mul3A_923 : vector<16xf32>
        %swap3A_925 = arith.index_cast %add3A_864 : i32 to index
        %swap3A_926 = arith.constant 0 : index
        %swap3A_927 = tpu.vector_load %arg11[%swap3A_925, %swap3A_926] {strides = array<i32>} : memref<96x64xf32, #tpu.memory_space<vmem>>, vector<1x16xf32>,
        %swap3A_928 = vector.shape_cast %swap3A_927 : vector<1x16xf32> to vector<16xf32>
        %swap3A_929 = vector.shape_cast %mul3A_915 : vector<16xf32> to vector<1x16xf32>
        tpu.vector_store %arg11[%swap3A_925, %swap3A_926], %swap3A_929 {strides = array<i32>} : memref<96x64xf32, #tpu.memory_space<vmem>>, vector<1x16xf32>,
        %swap3A_930 = arith.index_cast %add3A_864 : i32 to index
        %swap3A_931 = arith.constant 16 : index
        %swap3A_932 = tpu.vector_load %arg11[%swap3A_930, %swap3A_931] {strides = array<i32>} : memref<96x64xf32, #tpu.memory_space<vmem>>, vector<1x16xf32>,
        %swap3A_933 = vector.shape_cast %swap3A_932 : vector<1x16xf32> to vector<16xf32>
        %swap3A_934 = vector.shape_cast %mul3A_918 : vector<16xf32> to vector<1x16xf32>
        tpu.vector_store %arg11[%swap3A_930, %swap3A_931], %swap3A_934 {strides = array<i32>} : memref<96x64xf32, #tpu.memory_space<vmem>>, vector<1x16xf32>,
        %swap3A_935 = arith.index_cast %add3A_864 : i32 to index
        %swap3A_936 = arith.constant 32 : index
        %swap3A_937 = tpu.vector_load %arg11[%swap3A_935, %swap3A_936] {strides = array<i32>} : memref<96x64xf32, #tpu.memory_space<vmem>>, vector<1x16xf32>,
        %swap3A_938 = vector.shape_cast %swap3A_937 : vector<1x16xf32> to vector<16xf32>
        %swap3A_939 = vector.shape_cast %mul3A_921 : vector<16xf32> to vector<1x16xf32>
        tpu.vector_store %arg11[%swap3A_935, %swap3A_936], %swap3A_939 {strides = array<i32>} : memref<96x64xf32, #tpu.memory_space<vmem>>, vector<1x16xf32>,
        %swap3A_940 = arith.index_cast %add3A_864 : i32 to index
        %swap3A_941 = arith.constant 48 : index
        %swap3A_942 = tpu.vector_load %arg11[%swap3A_940, %swap3A_941] {strides = array<i32>} : memref<96x64xf32, #tpu.memory_space<vmem>>, vector<1x16xf32>,
        %swap3A_943 = vector.shape_cast %swap3A_942 : vector<1x16xf32> to vector<16xf32>
        %swap3A_944 = vector.shape_cast %mul3A_924 : vector<16xf32> to vector<1x16xf32>
        tpu.vector_store %arg11[%swap3A_940, %swap3A_941], %swap3A_944 {strides = array<i32>} : memref<96x64xf32, #tpu.memory_space<vmem>>, vector<1x16xf32>,
        %slice3A_945 = vector.extract_strided_slice %select_n3A_852 {offsets = [1], sizes = [1], strides = [1]} : vector<16xf32> to vector<1xf32>
        %squeeze3A_946 = vector.extract %slice3A_945[0] : f32 from vector<1xf32>
        %slice3A_947 = vector.extract_strided_slice %mul3A_858 {offsets = [1], sizes = [1], strides = [1]} : vector<16xi32> to vector<1xi32>
        %squeeze3A_948 = vector.extract %slice3A_947[0] : i32 from vector<1xi32>
        %add3A_949 = arith.constant 1 : i32
        %add3A_950 = arith.addi %mul3A_840, %add3A_949 : i32
        %add3A_951 = arith.constant 0 : i32
        %add3A_952 = arith.addi %squeeze3A_948, %add3A_951 : i32
        %get3A_953 = arith.index_cast %add3A_950 : i32 to index
        %get3A_954 = arith.index_cast %add3A_952 : i32 to index
        %get3A_955 = tpu.vector_load %arg9[%get3A_953, %get3A_954] {strides = array<i32>} : memref<96x128xf32, #tpu.memory_space<vmem>>, vector<1x16xf32>,
        %get3A_956 = vector.shape_cast %get3A_955 : vector<1x16xf32> to vector<16xf32>
        %add3A_957 = arith.constant 16 : i32
        %add3A_958 = arith.addi %squeeze3A_948, %add3A_957 : i32
        %get3A_959 = arith.index_cast %add3A_950 : i32 to index
        %get3A_960 = arith.index_cast %add3A_958 : i32 to index
        %get3A_961 = tpu.vector_load %arg9[%get3A_959, %get3A_960] {strides = array<i32>} : memref<96x128xf32, #tpu.memory_space<vmem>>, vector<1x16xf32>,
        %get3A_962 = vector.shape_cast %get3A_961 : vector<1x16xf32> to vector<16xf32>
        %add3A_963 = arith.constant 32 : i32
        %add3A_964 = arith.addi %squeeze3A_948, %add3A_963 : i32
        %get3A_965 = arith.index_cast %add3A_950 : i32 to index
        %get3A_966 = arith.index_cast %add3A_964 : i32 to index
        %get3A_967 = tpu.vector_load %arg9[%get3A_965, %get3A_966] {strides = array<i32>} : memref<96x128xf32, #tpu.memory_space<vmem>>, vector<1x16xf32>,
        %get3A_968 = vector.shape_cast %get3A_967 : vector<1x16xf32> to vector<16xf32>
        %add3A_969 = arith.constant 48 : i32
        %add3A_970 = arith.addi %squeeze3A_948, %add3A_969 : i32
        %get3A_971 = arith.index_cast %add3A_950 : i32 to index
        %get3A_972 = arith.index_cast %add3A_970 : i32 to index
        %get3A_973 = tpu.vector_load %arg9[%get3A_971, %get3A_972] {strides = array<i32>} : memref<96x128xf32, #tpu.memory_space<vmem>>, vector<1x16xf32>,
        %get3A_974 = vector.shape_cast %get3A_973 : vector<1x16xf32> to vector<16xf32>
        %add3A_975 = arith.constant 0 : i32
        %add3A_976 = arith.addi %add3A_975, %add3A_950 : i32
        %get3A_977 = arith.index_cast %add3A_976 : i32 to index
        %get3A_978 = arith.constant 0 : index
        %get3A_979 = tpu.vector_load %arg13[%get3A_977, %get3A_978] {strides = array<i32>} : memref<200x64xf32, #tpu.memory_space<vmem>>, vector<1x16xf32>,
        %get3A_980 = vector.shape_cast %get3A_979 : vector<1x16xf32> to vector<16xf32>
        %add3A_981 = arith.constant 0 : i32
        %add3A_982 = arith.addi %add3A_981, %add3A_950 : i32
        %get3A_983 = arith.index_cast %add3A_982 : i32 to index
        %get3A_984 = arith.constant 16 : index
        %get3A_985 = tpu.vector_load %arg13[%get3A_983, %get3A_984] {strides = array<i32>} : memref<200x64xf32, #tpu.memory_space<vmem>>, vector<1x16xf32>,
        %get3A_986 = vector.shape_cast %get3A_985 : vector<1x16xf32> to vector<16xf32>
        %add3A_987 = arith.constant 0 : i32
        %add3A_988 = arith.addi %add3A_987, %add3A_950 : i32
        %get3A_989 = arith.index_cast %add3A_988 : i32 to index
        %get3A_990 = arith.constant 32 : index
        %get3A_991 = tpu.vector_load %arg13[%get3A_989, %get3A_990] {strides = array<i32>} : memref<200x64xf32, #tpu.memory_space<vmem>>, vector<1x16xf32>,
        %get3A_992 = vector.shape_cast %get3A_991 : vector<1x16xf32> to vector<16xf32>
        %add3A_993 = arith.constant 0 : i32
        %add3A_994 = arith.addi %add3A_993, %add3A_950 : i32
        %get3A_995 = arith.index_cast %add3A_994 : i32 to index
        %get3A_996 = arith.constant 48 : index
        %get3A_997 = tpu.vector_load %arg13[%get3A_995, %get3A_996] {strides = array<i32>} : memref<200x64xf32, #tpu.memory_space<vmem>>, vector<1x16xf32>,
        %get3A_998 = vector.shape_cast %get3A_997 : vector<1x16xf32> to vector<16xf32>
        %add3A_999 = arith.addf %get3A_956, %get3A_980 : vector<16xf32>
        %mul3A_1000 = vector.broadcast %squeeze3A_946 : f32 to vector<16xf32>
        %mul3A_1001 = arith.mulf %add3A_999, %mul3A_1000 : vector<16xf32>
        %add3A_1002 = arith.addf %get3A_962, %get3A_986 : vector<16xf32>
        %mul3A_1003 = vector.broadcast %squeeze3A_946 : f32 to vector<16xf32>
        %mul3A_1004 = arith.mulf %add3A_1002, %mul3A_1003 : vector<16xf32>
        %add3A_1005 = arith.addf %get3A_968, %get3A_992 : vector<16xf32>
        %mul3A_1006 = vector.broadcast %squeeze3A_946 : f32 to vector<16xf32>
        %mul3A_1007 = arith.mulf %add3A_1005, %mul3A_1006 : vector<16xf32>
        %add3A_1008 = arith.addf %get3A_974, %get3A_998 : vector<16xf32>
        %mul3A_1009 = vector.broadcast %squeeze3A_946 : f32 to vector<16xf32>
        %mul3A_1010 = arith.mulf %add3A_1008, %mul3A_1009 : vector<16xf32>
        %swap3A_1011 = arith.index_cast %add3A_950 : i32 to index
        %swap3A_1012 = arith.constant 0 : index
        %swap3A_1013 = tpu.vector_load %arg11[%swap3A_1011, %swap3A_1012] {strides = array<i32>} : memref<96x64xf32, #tpu.memory_space<vmem>>, vector<1x16xf32>,
        %swap3A_1014 = vector.shape_cast %swap3A_1013 : vector<1x16xf32> to vector<16xf32>
        %swap3A_1015 = vector.shape_cast %mul3A_1001 : vector<16xf32> to vector<1x16xf32>
        tpu.vector_store %arg11[%swap3A_1011, %swap3A_1012], %swap3A_1015 {strides = array<i32>} : memref<96x64xf32, #tpu.memory_space<vmem>>, vector<1x16xf32>,
        %swap3A_1016 = arith.index_cast %add3A_950 : i32 to index
        %swap3A_1017 = arith.constant 16 : index
        %swap3A_1018 = tpu.vector_load %arg11[%swap3A_1016, %swap3A_1017] {strides = array<i32>} : memref<96x64xf32, #tpu.memory_space<vmem>>, vector<1x16xf32>,
        %swap3A_1019 = vector.shape_cast %swap3A_1018 : vector<1x16xf32> to vector<16xf32>
        %swap3A_1020 = vector.shape_cast %mul3A_1004 : vector<16xf32> to vector<1x16xf32>
        tpu.vector_store %arg11[%swap3A_1016, %swap3A_1017], %swap3A_1020 {strides = array<i32>} : memref<96x64xf32, #tpu.memory_space<vmem>>, vector<1x16xf32>,
        %swap3A_1021 = arith.index_cast %add3A_950 : i32 to index
        %swap3A_1022 = arith.constant 32 : index
        %swap3A_1023 = tpu.vector_load %arg11[%swap3A_1021, %swap3A_1022] {strides = array<i32>} : memref<96x64xf32, #tpu.memory_space<vmem>>, vector<1x16xf32>,
        %swap3A_1024 = vector.shape_cast %swap3A_1023 : vector<1x16xf32> to vector<16xf32>
        %swap3A_1025 = vector.shape_cast %mul3A_1007 : vector<16xf32> to vector<1x16xf32>
        tpu.vector_store %arg11[%swap3A_1021, %swap3A_1022], %swap3A_1025 {strides = array<i32>} : memref<96x64xf32, #tpu.memory_space<vmem>>, vector<1x16xf32>,
        %swap3A_1026 = arith.index_cast %add3A_950 : i32 to index
        %swap3A_1027 = arith.constant 48 : index
        %swap3A_1028 = tpu.vector_load %arg11[%swap3A_1026, %swap3A_1027] {strides = array<i32>} : memref<96x64xf32, #tpu.memory_space<vmem>>, vector<1x16xf32>,
        %swap3A_1029 = vector.shape_cast %swap3A_1028 : vector<1x16xf32> to vector<16xf32>
        %swap3A_1030 = vector.shape_cast %mul3A_1010 : vector<16xf32> to vector<1x16xf32>
        tpu.vector_store %arg11[%swap3A_1026, %swap3A_1027], %swap3A_1030 {strides = array<i32>} : memref<96x64xf32, #tpu.memory_space<vmem>>, vector<1x16xf32>,
        %slice3A_1031 = vector.extract_strided_slice %select_n3A_852 {offsets = [2], sizes = [1], strides = [1]} : vector<16xf32> to vector<1xf32>
        %squeeze3A_1032 = vector.extract %slice3A_1031[0] : f32 from vector<1xf32>
        %slice3A_1033 = vector.extract_strided_slice %mul3A_858 {offsets = [2], sizes = [1], strides = [1]} : vector<16xi32> to vector<1xi32>
        %squeeze3A_1034 = vector.extract %slice3A_1033[0] : i32 from vector<1xi32>
        %add3A_1035 = arith.constant 2 : i32
        %add3A_1036 = arith.addi %mul3A_840, %add3A_1035 : i32
        %add3A_1037 = arith.constant 0 : i32
        %add3A_1038 = arith.addi %squeeze3A_1034, %add3A_1037 : i32
        %get3A_1039 = arith.index_cast %add3A_1036 : i32 to index
        %get3A_1040 = arith.index_cast %add3A_1038 : i32 to index
        %get3A_1041 = tpu.vector_load %arg9[%get3A_1039, %get3A_1040] {strides = array<i32>} : memref<96x128xf32, #tpu.memory_space<vmem>>, vector<1x16xf32>,
        %get3A_1042 = vector.shape_cast %get3A_1041 : vector<1x16xf32> to vector<16xf32>
        %add3A_1043 = arith.constant 16 : i32
        %add3A_1044 = arith.addi %squeeze3A_1034, %add3A_1043 : i32
        %get3A_1045 = arith.index_cast %add3A_1036 : i32 to index
        %get3A_1046 = arith.index_cast %add3A_1044 : i32 to index
        %get3A_1047 = tpu.vector_load %arg9[%get3A_1045, %get3A_1046] {strides = array<i32>} : memref<96x128xf32, #tpu.memory_space<vmem>>, vector<1x16xf32>,
        %get3A_1048 = vector.shape_cast %get3A_1047 : vector<1x16xf32> to vector<16xf32>
        %add3A_1049 = arith.constant 32 : i32
        %add3A_1050 = arith.addi %squeeze3A_1034, %add3A_1049 : i32
        %get3A_1051 = arith.index_cast %add3A_1036 : i32 to index
        %get3A_1052 = arith.index_cast %add3A_1050 : i32 to index
        %get3A_1053 = tpu.vector_load %arg9[%get3A_1051, %get3A_1052] {strides = array<i32>} : memref<96x128xf32, #tpu.memory_space<vmem>>, vector<1x16xf32>,
        %get3A_1054 = vector.shape_cast %get3A_1053 : vector<1x16xf32> to vector<16xf32>
        %add3A_1055 = arith.constant 48 : i32
        %add3A_1056 = arith.addi %squeeze3A_1034, %add3A_1055 : i32
        %get3A_1057 = arith.index_cast %add3A_1036 : i32 to index
        %get3A_1058 = arith.index_cast %add3A_1056 : i32 to index
        %get3A_1059 = tpu.vector_load %arg9[%get3A_1057, %get3A_1058] {strides = array<i32>} : memref<96x128xf32, #tpu.memory_space<vmem>>, vector<1x16xf32>,
        %get3A_1060 = vector.shape_cast %get3A_1059 : vector<1x16xf32> to vector<16xf32>
        %add3A_1061 = arith.constant 0 : i32
        %add3A_1062 = arith.addi %add3A_1061, %add3A_1036 : i32
        %get3A_1063 = arith.index_cast %add3A_1062 : i32 to index
        %get3A_1064 = arith.constant 0 : index
        %get3A_1065 = tpu.vector_load %arg13[%get3A_1063, %get3A_1064] {strides = array<i32>} : memref<200x64xf32, #tpu.memory_space<vmem>>, vector<1x16xf32>,
        %get3A_1066 = vector.shape_cast %get3A_1065 : vector<1x16xf32> to vector<16xf32>
        %add3A_1067 = arith.constant 0 : i32
        %add3A_1068 = arith.addi %add3A_1067, %add3A_1036 : i32
        %get3A_1069 = arith.index_cast %add3A_1068 : i32 to index
        %get3A_1070 = arith.constant 16 : index
        %get3A_1071 = tpu.vector_load %arg13[%get3A_1069, %get3A_1070] {strides = array<i32>} : memref<200x64xf32, #tpu.memory_space<vmem>>, vector<1x16xf32>,
        %get3A_1072 = vector.shape_cast %get3A_1071 : vector<1x16xf32> to vector<16xf32>
        %add3A_1073 = arith.constant 0 : i32
        %add3A_1074 = arith.addi %add3A_1073, %add3A_1036 : i32
        %get3A_1075 = arith.index_cast %add3A_1074 : i32 to index
        %get3A_1076 = arith.constant 32 : index
        %get3A_1077 = tpu.vector_load %arg13[%get3A_1075, %get3A_1076] {strides = array<i32>} : memref<200x64xf32, #tpu.memory_space<vmem>>, vector<1x16xf32>,
        %get3A_1078 = vector.shape_cast %get3A_1077 : vector<1x16xf32> to vector<16xf32>
        %add3A_1079 = arith.constant 0 : i32
        %add3A_1080 = arith.addi %add3A_1079, %add3A_1036 : i32
        %get3A_1081 = arith.index_cast %add3A_1080 : i32 to index
        %get3A_1082 = arith.constant 48 : index
        %get3A_1083 = tpu.vector_load %arg13[%get3A_1081, %get3A_1082] {strides = array<i32>} : memref<200x64xf32, #tpu.memory_space<vmem>>, vector<1x16xf32>,
        %get3A_1084 = vector.shape_cast %get3A_1083 : vector<1x16xf32> to vector<16xf32>
        %add3A_1085 = arith.addf %get3A_1042, %get3A_1066 : vector<16xf32>
        %mul3A_1086 = vector.broadcast %squeeze3A_1032 : f32 to vector<16xf32>
        %mul3A_1087 = arith.mulf %add3A_1085, %mul3A_1086 : vector<16xf32>
        %add3A_1088 = arith.addf %get3A_1048, %get3A_1072 : vector<16xf32>
        %mul3A_1089 = vector.broadcast %squeeze3A_1032 : f32 to vector<16xf32>
        %mul3A_1090 = arith.mulf %add3A_1088, %mul3A_1089 : vector<16xf32>
        %add3A_1091 = arith.addf %get3A_1054, %get3A_1078 : vector<16xf32>
        %mul3A_1092 = vector.broadcast %squeeze3A_1032 : f32 to vector<16xf32>
        %mul3A_1093 = arith.mulf %add3A_1091, %mul3A_1092 : vector<16xf32>
        %add3A_1094 = arith.addf %get3A_1060, %get3A_1084 : vector<16xf32>
        %mul3A_1095 = vector.broadcast %squeeze3A_1032 : f32 to vector<16xf32>
        %mul3A_1096 = arith.mulf %add3A_1094, %mul3A_1095 : vector<16xf32>
        %swap3A_1097 = arith.index_cast %add3A_1036 : i32 to index
        %swap3A_1098 = arith.constant 0 : index
        %swap3A_1099 = tpu.vector_load %arg11[%swap3A_1097, %swap3A_1098] {strides = array<i32>} : memref<96x64xf32, #tpu.memory_space<vmem>>, vector<1x16xf32>,
        %swap3A_1100 = vector.shape_cast %swap3A_1099 : vector<1x16xf32> to vector<16xf32>
        %swap3A_1101 = vector.shape_cast %mul3A_1087 : vector<16xf32> to vector<1x16xf32>
        tpu.vector_store %arg11[%swap3A_1097, %swap3A_1098], %swap3A_1101 {strides = array<i32>} : memref<96x64xf32, #tpu.memory_space<vmem>>, vector<1x16xf32>,
        %swap3A_1102 = arith.index_cast %add3A_1036 : i32 to index
        %swap3A_1103 = arith.constant 16 : index
        %swap3A_1104 = tpu.vector_load %arg11[%swap3A_1102, %swap3A_1103] {strides = array<i32>} : memref<96x64xf32, #tpu.memory_space<vmem>>, vector<1x16xf32>,
        %swap3A_1105 = vector.shape_cast %swap3A_1104 : vector<1x16xf32> to vector<16xf32>
        %swap3A_1106 = vector.shape_cast %mul3A_1090 : vector<16xf32> to vector<1x16xf32>
        tpu.vector_store %arg11[%swap3A_1102, %swap3A_1103], %swap3A_1106 {strides = array<i32>} : memref<96x64xf32, #tpu.memory_space<vmem>>, vector<1x16xf32>,
        %swap3A_1107 = arith.index_cast %add3A_1036 : i32 to index
        %swap3A_1108 = arith.constant 32 : index
        %swap3A_1109 = tpu.vector_load %arg11[%swap3A_1107, %swap3A_1108] {strides = array<i32>} : memref<96x64xf32, #tpu.memory_space<vmem>>, vector<1x16xf32>,
        %swap3A_1110 = vector.shape_cast %swap3A_1109 : vector<1x16xf32> to vector<16xf32>
        %swap3A_1111 = vector.shape_cast %mul3A_1093 : vector<16xf32> to vector<1x16xf32>
        tpu.vector_store %arg11[%swap3A_1107, %swap3A_1108], %swap3A_1111 {strides = array<i32>} : memref<96x64xf32, #tpu.memory_space<vmem>>, vector<1x16xf32>,
        %swap3A_1112 = arith.index_cast %add3A_1036 : i32 to index
        %swap3A_1113 = arith.constant 48 : index
        %swap3A_1114 = tpu.vector_load %arg11[%swap3A_1112, %swap3A_1113] {strides = array<i32>} : memref<96x64xf32, #tpu.memory_space<vmem>>, vector<1x16xf32>,
        %swap3A_1115 = vector.shape_cast %swap3A_1114 : vector<1x16xf32> to vector<16xf32>
        %swap3A_1116 = vector.shape_cast %mul3A_1096 : vector<16xf32> to vector<1x16xf32>
        tpu.vector_store %arg11[%swap3A_1112, %swap3A_1113], %swap3A_1116 {strides = array<i32>} : memref<96x64xf32, #tpu.memory_space<vmem>>, vector<1x16xf32>,
        %slice3A_1117 = vector.extract_strided_slice %select_n3A_852 {offsets = [3], sizes = [1], strides = [1]} : vector<16xf32> to vector<1xf32>
        %squeeze3A_1118 = vector.extract %slice3A_1117[0] : f32 from vector<1xf32>
        %slice3A_1119 = vector.extract_strided_slice %mul3A_858 {offsets = [3], sizes = [1], strides = [1]} : vector<16xi32> to vector<1xi32>
        %squeeze3A_1120 = vector.extract %slice3A_1119[0] : i32 from vector<1xi32>
        %add3A_1121 = arith.constant 3 : i32
        %add3A_1122 = arith.addi %mul3A_840, %add3A_1121 : i32
        %add3A_1123 = arith.constant 0 : i32
        %add3A_1124 = arith.addi %squeeze3A_1120, %add3A_1123 : i32
        %get3A_1125 = arith.index_cast %add3A_1122 : i32 to index
        %get3A_1126 = arith.index_cast %add3A_1124 : i32 to index
        %get3A_1127 = tpu.vector_load %arg9[%get3A_1125, %get3A_1126] {strides = array<i32>} : memref<96x128xf32, #tpu.memory_space<vmem>>, vector<1x16xf32>,
        %get3A_1128 = vector.shape_cast %get3A_1127 : vector<1x16xf32> to vector<16xf32>
        %add3A_1129 = arith.constant 16 : i32
        %add3A_1130 = arith.addi %squeeze3A_1120, %add3A_1129 : i32
        %get3A_1131 = arith.index_cast %add3A_1122 : i32 to index
        %get3A_1132 = arith.index_cast %add3A_1130 : i32 to index
        %get3A_1133 = tpu.vector_load %arg9[%get3A_1131, %get3A_1132] {strides = array<i32>} : memref<96x128xf32, #tpu.memory_space<vmem>>, vector<1x16xf32>,
        %get3A_1134 = vector.shape_cast %get3A_1133 : vector<1x16xf32> to vector<16xf32>
        %add3A_1135 = arith.constant 32 : i32
        %add3A_1136 = arith.addi %squeeze3A_1120, %add3A_1135 : i32
        %get3A_1137 = arith.index_cast %add3A_1122 : i32 to index
        %get3A_1138 = arith.index_cast %add3A_1136 : i32 to index
        %get3A_1139 = tpu.vector_load %arg9[%get3A_1137, %get3A_1138] {strides = array<i32>} : memref<96x128xf32, #tpu.memory_space<vmem>>, vector<1x16xf32>,
        %get3A_1140 = vector.shape_cast %get3A_1139 : vector<1x16xf32> to vector<16xf32>
        %add3A_1141 = arith.constant 48 : i32
        %add3A_1142 = arith.addi %squeeze3A_1120, %add3A_1141 : i32
        %get3A_1143 = arith.index_cast %add3A_1122 : i32 to index
        %get3A_1144 = arith.index_cast %add3A_1142 : i32 to index
        %get3A_1145 = tpu.vector_load %arg9[%get3A_1143, %get3A_1144] {strides = array<i32>} : memref<96x128xf32, #tpu.memory_space<vmem>>, vector<1x16xf32>,
        %get3A_1146 = vector.shape_cast %get3A_1145 : vector<1x16xf32> to vector<16xf32>
        %add3A_1147 = arith.constant 0 : i32
        %add3A_1148 = arith.addi %add3A_1147, %add3A_1122 : i32
        %get3A_1149 = arith.index_cast %add3A_1148 : i32 to index
        %get3A_1150 = arith.constant 0 : index
        %get3A_1151 = tpu.vector_load %arg13[%get3A_1149, %get3A_1150] {strides = array<i32>} : memref<200x64xf32, #tpu.memory_space<vmem>>, vector<1x16xf32>,
        %get3A_1152 = vector.shape_cast %get3A_1151 : vector<1x16xf32> to vector<16xf32>
        %add3A_1153 = arith.constant 0 : i32
        %add3A_1154 = arith.addi %add3A_1153, %add3A_1122 : i32
        %get3A_1155 = arith.index_cast %add3A_1154 : i32 to index
        %get3A_1156 = arith.constant 16 : index
        %get3A_1157 = tpu.vector_load %arg13[%get3A_1155, %get3A_1156] {strides = array<i32>} : memref<200x64xf32, #tpu.memory_space<vmem>>, vector<1x16xf32>,
        %get3A_1158 = vector.shape_cast %get3A_1157 : vector<1x16xf32> to vector<16xf32>
        %add3A_1159 = arith.constant 0 : i32
        %add3A_1160 = arith.addi %add3A_1159, %add3A_1122 : i32
        %get3A_1161 = arith.index_cast %add3A_1160 : i32 to index
        %get3A_1162 = arith.constant 32 : index
        %get3A_1163 = tpu.vector_load %arg13[%get3A_1161, %get3A_1162] {strides = array<i32>} : memref<200x64xf32, #tpu.memory_space<vmem>>, vector<1x16xf32>,
        %get3A_1164 = vector.shape_cast %get3A_1163 : vector<1x16xf32> to vector<16xf32>
        %add3A_1165 = arith.constant 0 : i32
        %add3A_1166 = arith.addi %add3A_1165, %add3A_1122 : i32
        %get3A_1167 = arith.index_cast %add3A_1166 : i32 to index
        %get3A_1168 = arith.constant 48 : index
        %get3A_1169 = tpu.vector_load %arg13[%get3A_1167, %get3A_1168] {strides = array<i32>} : memref<200x64xf32, #tpu.memory_space<vmem>>, vector<1x16xf32>,
        %get3A_1170 = vector.shape_cast %get3A_1169 : vector<1x16xf32> to vector<16xf32>
        %add3A_1171 = arith.addf %get3A_1128, %get3A_1152 : vector<16xf32>
        %mul3A_1172 = vector.broadcast %squeeze3A_1118 : f32 to vector<16xf32>
        %mul3A_1173 = arith.mulf %add3A_1171, %mul3A_1172 : vector<16xf32>
        %add3A_1174 = arith.addf %get3A_1134, %get3A_1158 : vector<16xf32>
        %mul3A_1175 = vector.broadcast %squeeze3A_1118 : f32 to vector<16xf32>
        %mul3A_1176 = arith.mulf %add3A_1174, %mul3A_1175 : vector<16xf32>
        %add3A_1177 = arith.addf %get3A_1140, %get3A_1164 : vector<16xf32>
        %mul3A_1178 = vector.broadcast %squeeze3A_1118 : f32 to vector<16xf32>
        %mul3A_1179 = arith.mulf %add3A_1177, %mul3A_1178 : vector<16xf32>
        %add3A_1180 = arith.addf %get3A_1146, %get3A_1170 : vector<16xf32>
        %mul3A_1181 = vector.broadcast %squeeze3A_1118 : f32 to vector<16xf32>
        %mul3A_1182 = arith.mulf %add3A_1180, %mul3A_1181 : vector<16xf32>
        %swap3A_1183 = arith.index_cast %add3A_1122 : i32 to index
        %swap3A_1184 = arith.constant 0 : index
        %swap3A_1185 = tpu.vector_load %arg11[%swap3A_1183, %swap3A_1184] {strides = array<i32>} : memref<96x64xf32, #tpu.memory_space<vmem>>, vector<1x16xf32>,
        %swap3A_1186 = vector.shape_cast %swap3A_1185 : vector<1x16xf32> to vector<16xf32>
        %swap3A_1187 = vector.shape_cast %mul3A_1173 : vector<16xf32> to vector<1x16xf32>
        tpu.vector_store %arg11[%swap3A_1183, %swap3A_1184], %swap3A_1187 {strides = array<i32>} : memref<96x64xf32, #tpu.memory_space<vmem>>, vector<1x16xf32>,
        %swap3A_1188 = arith.index_cast %add3A_1122 : i32 to index
        %swap3A_1189 = arith.constant 16 : index
        %swap3A_1190 = tpu.vector_load %arg11[%swap3A_1188, %swap3A_1189] {strides = array<i32>} : memref<96x64xf32, #tpu.memory_space<vmem>>, vector<1x16xf32>,
        %swap3A_1191 = vector.shape_cast %swap3A_1190 : vector<1x16xf32> to vector<16xf32>
        %swap3A_1192 = vector.shape_cast %mul3A_1176 : vector<16xf32> to vector<1x16xf32>
        tpu.vector_store %arg11[%swap3A_1188, %swap3A_1189], %swap3A_1192 {strides = array<i32>} : memref<96x64xf32, #tpu.memory_space<vmem>>, vector<1x16xf32>,
        %swap3A_1193 = arith.index_cast %add3A_1122 : i32 to index
        %swap3A_1194 = arith.constant 32 : index
        %swap3A_1195 = tpu.vector_load %arg11[%swap3A_1193, %swap3A_1194] {strides = array<i32>} : memref<96x64xf32, #tpu.memory_space<vmem>>, vector<1x16xf32>,
        %swap3A_1196 = vector.shape_cast %swap3A_1195 : vector<1x16xf32> to vector<16xf32>
        %swap3A_1197 = vector.shape_cast %mul3A_1179 : vector<16xf32> to vector<1x16xf32>
        tpu.vector_store %arg11[%swap3A_1193, %swap3A_1194], %swap3A_1197 {strides = array<i32>} : memref<96x64xf32, #tpu.memory_space<vmem>>, vector<1x16xf32>,
        %swap3A_1198 = arith.index_cast %add3A_1122 : i32 to index
        %swap3A_1199 = arith.constant 48 : index
        %swap3A_1200 = tpu.vector_load %arg11[%swap3A_1198, %swap3A_1199] {strides = array<i32>} : memref<96x64xf32, #tpu.memory_space<vmem>>, vector<1x16xf32>,
        %swap3A_1201 = vector.shape_cast %swap3A_1200 : vector<1x16xf32> to vector<16xf32>
        %swap3A_1202 = vector.shape_cast %mul3A_1182 : vector<16xf32> to vector<1x16xf32>
        tpu.vector_store %arg11[%swap3A_1198, %swap3A_1199], %swap3A_1202 {strides = array<i32>} : memref<96x64xf32, #tpu.memory_space<vmem>>, vector<1x16xf32>,
        %slice3A_1203 = vector.extract_strided_slice %select_n3A_852 {offsets = [4], sizes = [1], strides = [1]} : vector<16xf32> to vector<1xf32>
        %squeeze3A_1204 = vector.extract %slice3A_1203[0] : f32 from vector<1xf32>
        %slice3A_1205 = vector.extract_strided_slice %mul3A_858 {offsets = [4], sizes = [1], strides = [1]} : vector<16xi32> to vector<1xi32>
        %squeeze3A_1206 = vector.extract %slice3A_1205[0] : i32 from vector<1xi32>
        %add3A_1207 = arith.constant 4 : i32
        %add3A_1208 = arith.addi %mul3A_840, %add3A_1207 : i32
        %add3A_1209 = arith.constant 0 : i32
        %add3A_1210 = arith.addi %squeeze3A_1206, %add3A_1209 : i32
        %get3A_1211 = arith.index_cast %add3A_1208 : i32 to index
        %get3A_1212 = arith.index_cast %add3A_1210 : i32 to index
        %get3A_1213 = tpu.vector_load %arg9[%get3A_1211, %get3A_1212] {strides = array<i32>} : memref<96x128xf32, #tpu.memory_space<vmem>>, vector<1x16xf32>,
        %get3A_1214 = vector.shape_cast %get3A_1213 : vector<1x16xf32> to vector<16xf32>
        %add3A_1215 = arith.constant 16 : i32
        %add3A_1216 = arith.addi %squeeze3A_1206, %add3A_1215 : i32
        %get3A_1217 = arith.index_cast %add3A_1208 : i32 to index
        %get3A_1218 = arith.index_cast %add3A_1216 : i32 to index
        %get3A_1219 = tpu.vector_load %arg9[%get3A_1217, %get3A_1218] {strides = array<i32>} : memref<96x128xf32, #tpu.memory_space<vmem>>, vector<1x16xf32>,
        %get3A_1220 = vector.shape_cast %get3A_1219 : vector<1x16xf32> to vector<16xf32>
        %add3A_1221 = arith.constant 32 : i32
        %add3A_1222 = arith.addi %squeeze3A_1206, %add3A_1221 : i32
        %get3A_1223 = arith.index_cast %add3A_1208 : i32 to index
        %get3A_1224 = arith.index_cast %add3A_1222 : i32 to index
        %get3A_1225 = tpu.vector_load %arg9[%get3A_1223, %get3A_1224] {strides = array<i32>} : memref<96x128xf32, #tpu.memory_space<vmem>>, vector<1x16xf32>,
        %get3A_1226 = vector.shape_cast %get3A_1225 : vector<1x16xf32> to vector<16xf32>
        %add3A_1227 = arith.constant 48 : i32
        %add3A_1228 = arith.addi %squeeze3A_1206, %add3A_1227 : i32
        %get3A_1229 = arith.index_cast %add3A_1208 : i32 to index
        %get3A_1230 = arith.index_cast %add3A_1228 : i32 to index
        %get3A_1231 = tpu.vector_load %arg9[%get3A_1229, %get3A_1230] {strides = array<i32>} : memref<96x128xf32, #tpu.memory_space<vmem>>, vector<1x16xf32>,
        %get3A_1232 = vector.shape_cast %get3A_1231 : vector<1x16xf32> to vector<16xf32>
        %add3A_1233 = arith.constant 0 : i32
        %add3A_1234 = arith.addi %add3A_1233, %add3A_1208 : i32
        %get3A_1235 = arith.index_cast %add3A_1234 : i32 to index
        %get3A_1236 = arith.constant 0 : index
        %get3A_1237 = tpu.vector_load %arg13[%get3A_1235, %get3A_1236] {strides = array<i32>} : memref<200x64xf32, #tpu.memory_space<vmem>>, vector<1x16xf32>,
        %get3A_1238 = vector.shape_cast %get3A_1237 : vector<1x16xf32> to vector<16xf32>
        %add3A_1239 = arith.constant 0 : i32
        %add3A_1240 = arith.addi %add3A_1239, %add3A_1208 : i32
        %get3A_1241 = arith.index_cast %add3A_1240 : i32 to index
        %get3A_1242 = arith.constant 16 : index
        %get3A_1243 = tpu.vector_load %arg13[%get3A_1241, %get3A_1242] {strides = array<i32>} : memref<200x64xf32, #tpu.memory_space<vmem>>, vector<1x16xf32>,
        %get3A_1244 = vector.shape_cast %get3A_1243 : vector<1x16xf32> to vector<16xf32>
        %add3A_1245 = arith.constant 0 : i32
        %add3A_1246 = arith.addi %add3A_1245, %add3A_1208 : i32
        %get3A_1247 = arith.index_cast %add3A_1246 : i32 to index
        %get3A_1248 = arith.constant 32 : index
        %get3A_1249 = tpu.vector_load %arg13[%get3A_1247, %get3A_1248] {strides = array<i32>} : memref<200x64xf32, #tpu.memory_space<vmem>>, vector<1x16xf32>,
        %get3A_1250 = vector.shape_cast %get3A_1249 : vector<1x16xf32> to vector<16xf32>
        %add3A_1251 = arith.constant 0 : i32
        %add3A_1252 = arith.addi %add3A_1251, %add3A_1208 : i32
        %get3A_1253 = arith.index_cast %add3A_1252 : i32 to index
        %get3A_1254 = arith.constant 48 : index
        %get3A_1255 = tpu.vector_load %arg13[%get3A_1253, %get3A_1254] {strides = array<i32>} : memref<200x64xf32, #tpu.memory_space<vmem>>, vector<1x16xf32>,
        %get3A_1256 = vector.shape_cast %get3A_1255 : vector<1x16xf32> to vector<16xf32>
        %add3A_1257 = arith.addf %get3A_1214, %get3A_1238 : vector<16xf32>
        %mul3A_1258 = vector.broadcast %squeeze3A_1204 : f32 to vector<16xf32>
        %mul3A_1259 = arith.mulf %add3A_1257, %mul3A_1258 : vector<16xf32>
        %add3A_1260 = arith.addf %get3A_1220, %get3A_1244 : vector<16xf32>
        %mul3A_1261 = vector.broadcast %squeeze3A_1204 : f32 to vector<16xf32>
        %mul3A_1262 = arith.mulf %add3A_1260, %mul3A_1261 : vector<16xf32>
        %add3A_1263 = arith.addf %get3A_1226, %get3A_1250 : vector<16xf32>
        %mul3A_1264 = vector.broadcast %squeeze3A_1204 : f32 to vector<16xf32>
        %mul3A_1265 = arith.mulf %add3A_1263, %mul3A_1264 : vector<16xf32>
        %add3A_1266 = arith.addf %get3A_1232, %get3A_1256 : vector<16xf32>
        %mul3A_1267 = vector.broadcast %squeeze3A_1204 : f32 to vector<16xf32>
        %mul3A_1268 = arith.mulf %add3A_1266, %mul3A_1267 : vector<16xf32>
        %swap3A_1269 = arith.index_cast %add3A_1208 : i32 to index
        %swap3A_1270 = arith.constant 0 : index
        %swap3A_1271 = tpu.vector_load %arg11[%swap3A_1269, %swap3A_1270] {strides = array<i32>} : memref<96x64xf32, #tpu.memory_space<vmem>>, vector<1x16xf32>,
        %swap3A_1272 = vector.shape_cast %swap3A_1271 : vector<1x16xf32> to vector<16xf32>
        %swap3A_1273 = vector.shape_cast %mul3A_1259 : vector<16xf32> to vector<1x16xf32>
        tpu.vector_store %arg11[%swap3A_1269, %swap3A_1270], %swap3A_1273 {strides = array<i32>} : memref<96x64xf32, #tpu.memory_space<vmem>>, vector<1x16xf32>,
        %swap3A_1274 = arith.index_cast %add3A_1208 : i32 to index
        %swap3A_1275 = arith.constant 16 : index
        %swap3A_1276 = tpu.vector_load %arg11[%swap3A_1274, %swap3A_1275] {strides = array<i32>} : memref<96x64xf32, #tpu.memory_space<vmem>>, vector<1x16xf32>,
        %swap3A_1277 = vector.shape_cast %swap3A_1276 : vector<1x16xf32> to vector<16xf32>
        %swap3A_1278 = vector.shape_cast %mul3A_1262 : vector<16xf32> to vector<1x16xf32>
        tpu.vector_store %arg11[%swap3A_1274, %swap3A_1275], %swap3A_1278 {strides = array<i32>} : memref<96x64xf32, #tpu.memory_space<vmem>>, vector<1x16xf32>,
        %swap3A_1279 = arith.index_cast %add3A_1208 : i32 to index
        %swap3A_1280 = arith.constant 32 : index
        %swap3A_1281 = tpu.vector_load %arg11[%swap3A_1279, %swap3A_1280] {strides = array<i32>} : memref<96x64xf32, #tpu.memory_space<vmem>>, vector<1x16xf32>,
        %swap3A_1282 = vector.shape_cast %swap3A_1281 : vector<1x16xf32> to vector<16xf32>
        %swap3A_1283 = vector.shape_cast %mul3A_1265 : vector<16xf32> to vector<1x16xf32>
        tpu.vector_store %arg11[%swap3A_1279, %swap3A_1280], %swap3A_1283 {strides = array<i32>} : memref<96x64xf32, #tpu.memory_space<vmem>>, vector<1x16xf32>,
        %swap3A_1284 = arith.index_cast %add3A_1208 : i32 to index
        %swap3A_1285 = arith.constant 48 : index
        %swap3A_1286 = tpu.vector_load %arg11[%swap3A_1284, %swap3A_1285] {strides = array<i32>} : memref<96x64xf32, #tpu.memory_space<vmem>>, vector<1x16xf32>,
        %swap3A_1287 = vector.shape_cast %swap3A_1286 : vector<1x16xf32> to vector<16xf32>
        %swap3A_1288 = vector.shape_cast %mul3A_1268 : vector<16xf32> to vector<1x16xf32>
        tpu.vector_store %arg11[%swap3A_1284, %swap3A_1285], %swap3A_1288 {strides = array<i32>} : memref<96x64xf32, #tpu.memory_space<vmem>>, vector<1x16xf32>,
        %slice3A_1289 = vector.extract_strided_slice %select_n3A_852 {offsets = [5], sizes = [1], strides = [1]} : vector<16xf32> to vector<1xf32>
        %squeeze3A_1290 = vector.extract %slice3A_1289[0] : f32 from vector<1xf32>
        %slice3A_1291 = vector.extract_strided_slice %mul3A_858 {offsets = [5], sizes = [1], strides = [1]} : vector<16xi32> to vector<1xi32>
        %squeeze3A_1292 = vector.extract %slice3A_1291[0] : i32 from vector<1xi32>
        %add3A_1293 = arith.constant 5 : i32
        %add3A_1294 = arith.addi %mul3A_840, %add3A_1293 : i32
        %add3A_1295 = arith.constant 0 : i32
        %add3A_1296 = arith.addi %squeeze3A_1292, %add3A_1295 : i32
        %get3A_1297 = arith.index_cast %add3A_1294 : i32 to index
        %get3A_1298 = arith.index_cast %add3A_1296 : i32 to index
        %get3A_1299 = tpu.vector_load %arg9[%get3A_1297, %get3A_1298] {strides = array<i32>} : memref<96x128xf32, #tpu.memory_space<vmem>>, vector<1x16xf32>,
        %get3A_1300 = vector.shape_cast %get3A_1299 : vector<1x16xf32> to vector<16xf32>
        %add3A_1301 = arith.constant 16 : i32
        %add3A_1302 = arith.addi %squeeze3A_1292, %add3A_1301 : i32
        %get3A_1303 = arith.index_cast %add3A_1294 : i32 to index
        %get3A_1304 = arith.index_cast %add3A_1302 : i32 to index
        %get3A_1305 = tpu.vector_load %arg9[%get3A_1303, %get3A_1304] {strides = array<i32>} : memref<96x128xf32, #tpu.memory_space<vmem>>, vector<1x16xf32>,
        %get3A_1306 = vector.shape_cast %get3A_1305 : vector<1x16xf32> to vector<16xf32>
        %add3A_1307 = arith.constant 32 : i32
        %add3A_1308 = arith.addi %squeeze3A_1292, %add3A_1307 : i32
        %get3A_1309 = arith.index_cast %add3A_1294 : i32 to index
        %get3A_1310 = arith.index_cast %add3A_1308 : i32 to index
        %get3A_1311 = tpu.vector_load %arg9[%get3A_1309, %get3A_1310] {strides = array<i32>} : memref<96x128xf32, #tpu.memory_space<vmem>>, vector<1x16xf32>,
        %get3A_1312 = vector.shape_cast %get3A_1311 : vector<1x16xf32> to vector<16xf32>
        %add3A_1313 = arith.constant 48 : i32
        %add3A_1314 = arith.addi %squeeze3A_1292, %add3A_1313 : i32
        %get3A_1315 = arith.index_cast %add3A_1294 : i32 to index
        %get3A_1316 = arith.index_cast %add3A_1314 : i32 to index
        %get3A_1317 = tpu.vector_load %arg9[%get3A_1315, %get3A_1316] {strides = array<i32>} : memref<96x128xf32, #tpu.memory_space<vmem>>, vector<1x16xf32>,
        %get3A_1318 = vector.shape_cast %get3A_1317 : vector<1x16xf32> to vector<16xf32>
        %add3A_1319 = arith.constant 0 : i32
        %add3A_1320 = arith.addi %add3A_1319, %add3A_1294 : i32
        %get3A_1321 = arith.index_cast %add3A_1320 : i32 to index
        %get3A_1322 = arith.constant 0 : index
        %get3A_1323 = tpu.vector_load %arg13[%get3A_1321, %get3A_1322] {strides = array<i32>} : memref<200x64xf32, #tpu.memory_space<vmem>>, vector<1x16xf32>,
        %get3A_1324 = vector.shape_cast %get3A_1323 : vector<1x16xf32> to vector<16xf32>
        %add3A_1325 = arith.constant 0 : i32
        %add3A_1326 = arith.addi %add3A_1325, %add3A_1294 : i32
        %get3A_1327 = arith.index_cast %add3A_1326 : i32 to index
        %get3A_1328 = arith.constant 16 : index
        %get3A_1329 = tpu.vector_load %arg13[%get3A_1327, %get3A_1328] {strides = array<i32>} : memref<200x64xf32, #tpu.memory_space<vmem>>, vector<1x16xf32>,
        %get3A_1330 = vector.shape_cast %get3A_1329 : vector<1x16xf32> to vector<16xf32>
        %add3A_1331 = arith.constant 0 : i32
        %add3A_1332 = arith.addi %add3A_1331, %add3A_1294 : i32
        %get3A_1333 = arith.index_cast %add3A_1332 : i32 to index
        %get3A_1334 = arith.constant 32 : index
        %get3A_1335 = tpu.vector_load %arg13[%get3A_1333, %get3A_1334] {strides = array<i32>} : memref<200x64xf32, #tpu.memory_space<vmem>>, vector<1x16xf32>,
        %get3A_1336 = vector.shape_cast %get3A_1335 : vector<1x16xf32> to vector<16xf32>
        %add3A_1337 = arith.constant 0 : i32
        %add3A_1338 = arith.addi %add3A_1337, %add3A_1294 : i32
        %get3A_1339 = arith.index_cast %add3A_1338 : i32 to index
        %get3A_1340 = arith.constant 48 : index
        %get3A_1341 = tpu.vector_load %arg13[%get3A_1339, %get3A_1340] {strides = array<i32>} : memref<200x64xf32, #tpu.memory_space<vmem>>, vector<1x16xf32>,
        %get3A_1342 = vector.shape_cast %get3A_1341 : vector<1x16xf32> to vector<16xf32>
        %add3A_1343 = arith.addf %get3A_1300, %get3A_1324 : vector<16xf32>
        %mul3A_1344 = vector.broadcast %squeeze3A_1290 : f32 to vector<16xf32>
        %mul3A_1345 = arith.mulf %add3A_1343, %mul3A_1344 : vector<16xf32>
        %add3A_1346 = arith.addf %get3A_1306, %get3A_1330 : vector<16xf32>
        %mul3A_1347 = vector.broadcast %squeeze3A_1290 : f32 to vector<16xf32>
        %mul3A_1348 = arith.mulf %add3A_1346, %mul3A_1347 : vector<16xf32>
        %add3A_1349 = arith.addf %get3A_1312, %get3A_1336 : vector<16xf32>
        %mul3A_1350 = vector.broadcast %squeeze3A_1290 : f32 to vector<16xf32>
        %mul3A_1351 = arith.mulf %add3A_1349, %mul3A_1350 : vector<16xf32>
        %add3A_1352 = arith.addf %get3A_1318, %get3A_1342 : vector<16xf32>
        %mul3A_1353 = vector.broadcast %squeeze3A_1290 : f32 to vector<16xf32>
        %mul3A_1354 = arith.mulf %add3A_1352, %mul3A_1353 : vector<16xf32>
        %swap3A_1355 = arith.index_cast %add3A_1294 : i32 to index
        %swap3A_1356 = arith.constant 0 : index
        %swap3A_1357 = tpu.vector_load %arg11[%swap3A_1355, %swap3A_1356] {strides = array<i32>} : memref<96x64xf32, #tpu.memory_space<vmem>>, vector<1x16xf32>,
        %swap3A_1358 = vector.shape_cast %swap3A_1357 : vector<1x16xf32> to vector<16xf32>
        %swap3A_1359 = vector.shape_cast %mul3A_1345 : vector<16xf32> to vector<1x16xf32>
        tpu.vector_store %arg11[%swap3A_1355, %swap3A_1356], %swap3A_1359 {strides = array<i32>} : memref<96x64xf32, #tpu.memory_space<vmem>>, vector<1x16xf32>,
        %swap3A_1360 = arith.index_cast %add3A_1294 : i32 to index
        %swap3A_1361 = arith.constant 16 : index
        %swap3A_1362 = tpu.vector_load %arg11[%swap3A_1360, %swap3A_1361] {strides = array<i32>} : memref<96x64xf32, #tpu.memory_space<vmem>>, vector<1x16xf32>,
        %swap3A_1363 = vector.shape_cast %swap3A_1362 : vector<1x16xf32> to vector<16xf32>
        %swap3A_1364 = vector.shape_cast %mul3A_1348 : vector<16xf32> to vector<1x16xf32>
        tpu.vector_store %arg11[%swap3A_1360, %swap3A_1361], %swap3A_1364 {strides = array<i32>} : memref<96x64xf32, #tpu.memory_space<vmem>>, vector<1x16xf32>,
        %swap3A_1365 = arith.index_cast %add3A_1294 : i32 to index
        %swap3A_1366 = arith.constant 32 : index
        %swap3A_1367 = tpu.vector_load %arg11[%swap3A_1365, %swap3A_1366] {strides = array<i32>} : memref<96x64xf32, #tpu.memory_space<vmem>>, vector<1x16xf32>,
        %swap3A_1368 = vector.shape_cast %swap3A_1367 : vector<1x16xf32> to vector<16xf32>
        %swap3A_1369 = vector.shape_cast %mul3A_1351 : vector<16xf32> to vector<1x16xf32>
        tpu.vector_store %arg11[%swap3A_1365, %swap3A_1366], %swap3A_1369 {strides = array<i32>} : memref<96x64xf32, #tpu.memory_space<vmem>>, vector<1x16xf32>,
        %swap3A_1370 = arith.index_cast %add3A_1294 : i32 to index
        %swap3A_1371 = arith.constant 48 : index
        %swap3A_1372 = tpu.vector_load %arg11[%swap3A_1370, %swap3A_1371] {strides = array<i32>} : memref<96x64xf32, #tpu.memory_space<vmem>>, vector<1x16xf32>,
        %swap3A_1373 = vector.shape_cast %swap3A_1372 : vector<1x16xf32> to vector<16xf32>
        %swap3A_1374 = vector.shape_cast %mul3A_1354 : vector<16xf32> to vector<1x16xf32>
        tpu.vector_store %arg11[%swap3A_1370, %swap3A_1371], %swap3A_1374 {strides = array<i32>} : memref<96x64xf32, #tpu.memory_space<vmem>>, vector<1x16xf32>,
        %slice3A_1375 = vector.extract_strided_slice %select_n3A_852 {offsets = [6], sizes = [1], strides = [1]} : vector<16xf32> to vector<1xf32>
        %squeeze3A_1376 = vector.extract %slice3A_1375[0] : f32 from vector<1xf32>
        %slice3A_1377 = vector.extract_strided_slice %mul3A_858 {offsets = [6], sizes = [1], strides = [1]} : vector<16xi32> to vector<1xi32>
        %squeeze3A_1378 = vector.extract %slice3A_1377[0] : i32 from vector<1xi32>
        %add3A_1379 = arith.constant 6 : i32
        %add3A_1380 = arith.addi %mul3A_840, %add3A_1379 : i32
        %add3A_1381 = arith.constant 0 : i32
        %add3A_1382 = arith.addi %squeeze3A_1378, %add3A_1381 : i32
        %get3A_1383 = arith.index_cast %add3A_1380 : i32 to index
        %get3A_1384 = arith.index_cast %add3A_1382 : i32 to index
        %get3A_1385 = tpu.vector_load %arg9[%get3A_1383, %get3A_1384] {strides = array<i32>} : memref<96x128xf32, #tpu.memory_space<vmem>>, vector<1x16xf32>,
        %get3A_1386 = vector.shape_cast %get3A_1385 : vector<1x16xf32> to vector<16xf32>
        %add3A_1387 = arith.constant 16 : i32
        %add3A_1388 = arith.addi %squeeze3A_1378, %add3A_1387 : i32
        %get3A_1389 = arith.index_cast %add3A_1380 : i32 to index
        %get3A_1390 = arith.index_cast %add3A_1388 : i32 to index
        %get3A_1391 = tpu.vector_load %arg9[%get3A_1389, %get3A_1390] {strides = array<i32>} : memref<96x128xf32, #tpu.memory_space<vmem>>, vector<1x16xf32>,
        %get3A_1392 = vector.shape_cast %get3A_1391 : vector<1x16xf32> to vector<16xf32>
        %add3A_1393 = arith.constant 32 : i32
        %add3A_1394 = arith.addi %squeeze3A_1378, %add3A_1393 : i32
        %get3A_1395 = arith.index_cast %add3A_1380 : i32 to index
        %get3A_1396 = arith.index_cast %add3A_1394 : i32 to index
        %get3A_1397 = tpu.vector_load %arg9[%get3A_1395, %get3A_1396] {strides = array<i32>} : memref<96x128xf32, #tpu.memory_space<vmem>>, vector<1x16xf32>,
        %get3A_1398 = vector.shape_cast %get3A_1397 : vector<1x16xf32> to vector<16xf32>
        %add3A_1399 = arith.constant 48 : i32
        %add3A_1400 = arith.addi %squeeze3A_1378, %add3A_1399 : i32
        %get3A_1401 = arith.index_cast %add3A_1380 : i32 to index
        %get3A_1402 = arith.index_cast %add3A_1400 : i32 to index
        %get3A_1403 = tpu.vector_load %arg9[%get3A_1401, %get3A_1402] {strides = array<i32>} : memref<96x128xf32, #tpu.memory_space<vmem>>, vector<1x16xf32>,
        %get3A_1404 = vector.shape_cast %get3A_1403 : vector<1x16xf32> to vector<16xf32>
        %add3A_1405 = arith.constant 0 : i32
        %add3A_1406 = arith.addi %add3A_1405, %add3A_1380 : i32
        %get3A_1407 = arith.index_cast %add3A_1406 : i32 to index
        %get3A_1408 = arith.constant 0 : index
        %get3A_1409 = tpu.vector_load %arg13[%get3A_1407, %get3A_1408] {strides = array<i32>} : memref<200x64xf32, #tpu.memory_space<vmem>>, vector<1x16xf32>,
        %get3A_1410 = vector.shape_cast %get3A_1409 : vector<1x16xf32> to vector<16xf32>
        %add3A_1411 = arith.constant 0 : i32
        %add3A_1412 = arith.addi %add3A_1411, %add3A_1380 : i32
        %get3A_1413 = arith.index_cast %add3A_1412 : i32 to index
        %get3A_1414 = arith.constant 16 : index
        %get3A_1415 = tpu.vector_load %arg13[%get3A_1413, %get3A_1414] {strides = array<i32>} : memref<200x64xf32, #tpu.memory_space<vmem>>, vector<1x16xf32>,
        %get3A_1416 = vector.shape_cast %get3A_1415 : vector<1x16xf32> to vector<16xf32>
        %add3A_1417 = arith.constant 0 : i32
        %add3A_1418 = arith.addi %add3A_1417, %add3A_1380 : i32
        %get3A_1419 = arith.index_cast %add3A_1418 : i32 to index
        %get3A_1420 = arith.constant 32 : index
        %get3A_1421 = tpu.vector_load %arg13[%get3A_1419, %get3A_1420] {strides = array<i32>} : memref<200x64xf32, #tpu.memory_space<vmem>>, vector<1x16xf32>,
        %get3A_1422 = vector.shape_cast %get3A_1421 : vector<1x16xf32> to vector<16xf32>
        %add3A_1423 = arith.constant 0 : i32
        %add3A_1424 = arith.addi %add3A_1423, %add3A_1380 : i32
        %get3A_1425 = arith.index_cast %add3A_1424 : i32 to index
        %get3A_1426 = arith.constant 48 : index
        %get3A_1427 = tpu.vector_load %arg13[%get3A_1425, %get3A_1426] {strides = array<i32>} : memref<200x64xf32, #tpu.memory_space<vmem>>, vector<1x16xf32>,
        %get3A_1428 = vector.shape_cast %get3A_1427 : vector<1x16xf32> to vector<16xf32>
        %add3A_1429 = arith.addf %get3A_1386, %get3A_1410 : vector<16xf32>
        %mul3A_1430 = vector.broadcast %squeeze3A_1376 : f32 to vector<16xf32>
        %mul3A_1431 = arith.mulf %add3A_1429, %mul3A_1430 : vector<16xf32>
        %add3A_1432 = arith.addf %get3A_1392, %get3A_1416 : vector<16xf32>
        %mul3A_1433 = vector.broadcast %squeeze3A_1376 : f32 to vector<16xf32>
        %mul3A_1434 = arith.mulf %add3A_1432, %mul3A_1433 : vector<16xf32>
        %add3A_1435 = arith.addf %get3A_1398, %get3A_1422 : vector<16xf32>
        %mul3A_1436 = vector.broadcast %squeeze3A_1376 : f32 to vector<16xf32>
        %mul3A_1437 = arith.mulf %add3A_1435, %mul3A_1436 : vector<16xf32>
        %add3A_1438 = arith.addf %get3A_1404, %get3A_1428 : vector<16xf32>
        %mul3A_1439 = vector.broadcast %squeeze3A_1376 : f32 to vector<16xf32>
        %mul3A_1440 = arith.mulf %add3A_1438, %mul3A_1439 : vector<16xf32>
        %swap3A_1441 = arith.index_cast %add3A_1380 : i32 to index
        %swap3A_1442 = arith.constant 0 : index
        %swap3A_1443 = tpu.vector_load %arg11[%swap3A_1441, %swap3A_1442] {strides = array<i32>} : memref<96x64xf32, #tpu.memory_space<vmem>>, vector<1x16xf32>,
        %swap3A_1444 = vector.shape_cast %swap3A_1443 : vector<1x16xf32> to vector<16xf32>
        %swap3A_1445 = vector.shape_cast %mul3A_1431 : vector<16xf32> to vector<1x16xf32>
        tpu.vector_store %arg11[%swap3A_1441, %swap3A_1442], %swap3A_1445 {strides = array<i32>} : memref<96x64xf32, #tpu.memory_space<vmem>>, vector<1x16xf32>,
        %swap3A_1446 = arith.index_cast %add3A_1380 : i32 to index
        %swap3A_1447 = arith.constant 16 : index
        %swap3A_1448 = tpu.vector_load %arg11[%swap3A_1446, %swap3A_1447] {strides = array<i32>} : memref<96x64xf32, #tpu.memory_space<vmem>>, vector<1x16xf32>,
        %swap3A_1449 = vector.shape_cast %swap3A_1448 : vector<1x16xf32> to vector<16xf32>
        %swap3A_1450 = vector.shape_cast %mul3A_1434 : vector<16xf32> to vector<1x16xf32>
        tpu.vector_store %arg11[%swap3A_1446, %swap3A_1447], %swap3A_1450 {strides = array<i32>} : memref<96x64xf32, #tpu.memory_space<vmem>>, vector<1x16xf32>,
        %swap3A_1451 = arith.index_cast %add3A_1380 : i32 to index
        %swap3A_1452 = arith.constant 32 : index
        %swap3A_1453 = tpu.vector_load %arg11[%swap3A_1451, %swap3A_1452] {strides = array<i32>} : memref<96x64xf32, #tpu.memory_space<vmem>>, vector<1x16xf32>,
        %swap3A_1454 = vector.shape_cast %swap3A_1453 : vector<1x16xf32> to vector<16xf32>
        %swap3A_1455 = vector.shape_cast %mul3A_1437 : vector<16xf32> to vector<1x16xf32>
        tpu.vector_store %arg11[%swap3A_1451, %swap3A_1452], %swap3A_1455 {strides = array<i32>} : memref<96x64xf32, #tpu.memory_space<vmem>>, vector<1x16xf32>,
        %swap3A_1456 = arith.index_cast %add3A_1380 : i32 to index
        %swap3A_1457 = arith.constant 48 : index
        %swap3A_1458 = tpu.vector_load %arg11[%swap3A_1456, %swap3A_1457] {strides = array<i32>} : memref<96x64xf32, #tpu.memory_space<vmem>>, vector<1x16xf32>,
        %swap3A_1459 = vector.shape_cast %swap3A_1458 : vector<1x16xf32> to vector<16xf32>
        %swap3A_1460 = vector.shape_cast %mul3A_1440 : vector<16xf32> to vector<1x16xf32>
        tpu.vector_store %arg11[%swap3A_1456, %swap3A_1457], %swap3A_1460 {strides = array<i32>} : memref<96x64xf32, #tpu.memory_space<vmem>>, vector<1x16xf32>,
        %slice3A_1461 = vector.extract_strided_slice %select_n3A_852 {offsets = [7], sizes = [1], strides = [1]} : vector<16xf32> to vector<1xf32>
        %squeeze3A_1462 = vector.extract %slice3A_1461[0] : f32 from vector<1xf32>
        %slice3A_1463 = vector.extract_strided_slice %mul3A_858 {offsets = [7], sizes = [1], strides = [1]} : vector<16xi32> to vector<1xi32>
        %squeeze3A_1464 = vector.extract %slice3A_1463[0] : i32 from vector<1xi32>
        %add3A_1465 = arith.constant 7 : i32
        %add3A_1466 = arith.addi %mul3A_840, %add3A_1465 : i32
        %add3A_1467 = arith.constant 0 : i32
        %add3A_1468 = arith.addi %squeeze3A_1464, %add3A_1467 : i32
        %get3A_1469 = arith.index_cast %add3A_1466 : i32 to index
        %get3A_1470 = arith.index_cast %add3A_1468 : i32 to index
        %get3A_1471 = tpu.vector_load %arg9[%get3A_1469, %get3A_1470] {strides = array<i32>} : memref<96x128xf32, #tpu.memory_space<vmem>>, vector<1x16xf32>,
        %get3A_1472 = vector.shape_cast %get3A_1471 : vector<1x16xf32> to vector<16xf32>
        %add3A_1473 = arith.constant 16 : i32
        %add3A_1474 = arith.addi %squeeze3A_1464, %add3A_1473 : i32
        %get3A_1475 = arith.index_cast %add3A_1466 : i32 to index
        %get3A_1476 = arith.index_cast %add3A_1474 : i32 to index
        %get3A_1477 = tpu.vector_load %arg9[%get3A_1475, %get3A_1476] {strides = array<i32>} : memref<96x128xf32, #tpu.memory_space<vmem>>, vector<1x16xf32>,
        %get3A_1478 = vector.shape_cast %get3A_1477 : vector<1x16xf32> to vector<16xf32>
        %add3A_1479 = arith.constant 32 : i32
        %add3A_1480 = arith.addi %squeeze3A_1464, %add3A_1479 : i32
        %get3A_1481 = arith.index_cast %add3A_1466 : i32 to index
        %get3A_1482 = arith.index_cast %add3A_1480 : i32 to index
        %get3A_1483 = tpu.vector_load %arg9[%get3A_1481, %get3A_1482] {strides = array<i32>} : memref<96x128xf32, #tpu.memory_space<vmem>>, vector<1x16xf32>,
        %get3A_1484 = vector.shape_cast %get3A_1483 : vector<1x16xf32> to vector<16xf32>
        %add3A_1485 = arith.constant 48 : i32
        %add3A_1486 = arith.addi %squeeze3A_1464, %add3A_1485 : i32
        %get3A_1487 = arith.index_cast %add3A_1466 : i32 to index
        %get3A_1488 = arith.index_cast %add3A_1486 : i32 to index
        %get3A_1489 = tpu.vector_load %arg9[%get3A_1487, %get3A_1488] {strides = array<i32>} : memref<96x128xf32, #tpu.memory_space<vmem>>, vector<1x16xf32>,
        %get3A_1490 = vector.shape_cast %get3A_1489 : vector<1x16xf32> to vector<16xf32>
        %add3A_1491 = arith.constant 0 : i32
        %add3A_1492 = arith.addi %add3A_1491, %add3A_1466 : i32
        %get3A_1493 = arith.index_cast %add3A_1492 : i32 to index
        %get3A_1494 = arith.constant 0 : index
        %get3A_1495 = tpu.vector_load %arg13[%get3A_1493, %get3A_1494] {strides = array<i32>} : memref<200x64xf32, #tpu.memory_space<vmem>>, vector<1x16xf32>,
        %get3A_1496 = vector.shape_cast %get3A_1495 : vector<1x16xf32> to vector<16xf32>
        %add3A_1497 = arith.constant 0 : i32
        %add3A_1498 = arith.addi %add3A_1497, %add3A_1466 : i32
        %get3A_1499 = arith.index_cast %add3A_1498 : i32 to index
        %get3A_1500 = arith.constant 16 : index
        %get3A_1501 = tpu.vector_load %arg13[%get3A_1499, %get3A_1500] {strides = array<i32>} : memref<200x64xf32, #tpu.memory_space<vmem>>, vector<1x16xf32>,
        %get3A_1502 = vector.shape_cast %get3A_1501 : vector<1x16xf32> to vector<16xf32>
        %add3A_1503 = arith.constant 0 : i32
        %add3A_1504 = arith.addi %add3A_1503, %add3A_1466 : i32
        %get3A_1505 = arith.index_cast %add3A_1504 : i32 to index
        %get3A_1506 = arith.constant 32 : index
        %get3A_1507 = tpu.vector_load %arg13[%get3A_1505, %get3A_1506] {strides = array<i32>} : memref<200x64xf32, #tpu.memory_space<vmem>>, vector<1x16xf32>,
        %get3A_1508 = vector.shape_cast %get3A_1507 : vector<1x16xf32> to vector<16xf32>
        %add3A_1509 = arith.constant 0 : i32
        %add3A_1510 = arith.addi %add3A_1509, %add3A_1466 : i32
        %get3A_1511 = arith.index_cast %add3A_1510 : i32 to index
        %get3A_1512 = arith.constant 48 : index
        %get3A_1513 = tpu.vector_load %arg13[%get3A_1511, %get3A_1512] {strides = array<i32>} : memref<200x64xf32, #tpu.memory_space<vmem>>, vector<1x16xf32>,
        %get3A_1514 = vector.shape_cast %get3A_1513 : vector<1x16xf32> to vector<16xf32>
        %add3A_1515 = arith.addf %get3A_1472, %get3A_1496 : vector<16xf32>
        %mul3A_1516 = vector.broadcast %squeeze3A_1462 : f32 to vector<16xf32>
        %mul3A_1517 = arith.mulf %add3A_1515, %mul3A_1516 : vector<16xf32>
        %add3A_1518 = arith.addf %get3A_1478, %get3A_1502 : vector<16xf32>
        %mul3A_1519 = vector.broadcast %squeeze3A_1462 : f32 to vector<16xf32>
        %mul3A_1520 = arith.mulf %add3A_1518, %mul3A_1519 : vector<16xf32>
        %add3A_1521 = arith.addf %get3A_1484, %get3A_1508 : vector<16xf32>
        %mul3A_1522 = vector.broadcast %squeeze3A_1462 : f32 to vector<16xf32>
        %mul3A_1523 = arith.mulf %add3A_1521, %mul3A_1522 : vector<16xf32>
        %add3A_1524 = arith.addf %get3A_1490, %get3A_1514 : vector<16xf32>
        %mul3A_1525 = vector.broadcast %squeeze3A_1462 : f32 to vector<16xf32>
        %mul3A_1526 = arith.mulf %add3A_1524, %mul3A_1525 : vector<16xf32>
        %swap3A_1527 = arith.index_cast %add3A_1466 : i32 to index
        %swap3A_1528 = arith.constant 0 : index
        %swap3A_1529 = tpu.vector_load %arg11[%swap3A_1527, %swap3A_1528] {strides = array<i32>} : memref<96x64xf32, #tpu.memory_space<vmem>>, vector<1x16xf32>,
        %swap3A_1530 = vector.shape_cast %swap3A_1529 : vector<1x16xf32> to vector<16xf32>
        %swap3A_1531 = vector.shape_cast %mul3A_1517 : vector<16xf32> to vector<1x16xf32>
        tpu.vector_store %arg11[%swap3A_1527, %swap3A_1528], %swap3A_1531 {strides = array<i32>} : memref<96x64xf32, #tpu.memory_space<vmem>>, vector<1x16xf32>,
        %swap3A_1532 = arith.index_cast %add3A_1466 : i32 to index
        %swap3A_1533 = arith.constant 16 : index
        %swap3A_1534 = tpu.vector_load %arg11[%swap3A_1532, %swap3A_1533] {strides = array<i32>} : memref<96x64xf32, #tpu.memory_space<vmem>>, vector<1x16xf32>,
        %swap3A_1535 = vector.shape_cast %swap3A_1534 : vector<1x16xf32> to vector<16xf32>
        %swap3A_1536 = vector.shape_cast %mul3A_1520 : vector<16xf32> to vector<1x16xf32>
        tpu.vector_store %arg11[%swap3A_1532, %swap3A_1533], %swap3A_1536 {strides = array<i32>} : memref<96x64xf32, #tpu.memory_space<vmem>>, vector<1x16xf32>,
        %swap3A_1537 = arith.index_cast %add3A_1466 : i32 to index
        %swap3A_1538 = arith.constant 32 : index
        %swap3A_1539 = tpu.vector_load %arg11[%swap3A_1537, %swap3A_1538] {strides = array<i32>} : memref<96x64xf32, #tpu.memory_space<vmem>>, vector<1x16xf32>,
        %swap3A_1540 = vector.shape_cast %swap3A_1539 : vector<1x16xf32> to vector<16xf32>
        %swap3A_1541 = vector.shape_cast %mul3A_1523 : vector<16xf32> to vector<1x16xf32>
        tpu.vector_store %arg11[%swap3A_1537, %swap3A_1538], %swap3A_1541 {strides = array<i32>} : memref<96x64xf32, #tpu.memory_space<vmem>>, vector<1x16xf32>,
        %swap3A_1542 = arith.index_cast %add3A_1466 : i32 to index
        %swap3A_1543 = arith.constant 48 : index
        %swap3A_1544 = tpu.vector_load %arg11[%swap3A_1542, %swap3A_1543] {strides = array<i32>} : memref<96x64xf32, #tpu.memory_space<vmem>>, vector<1x16xf32>,
        %swap3A_1545 = vector.shape_cast %swap3A_1544 : vector<1x16xf32> to vector<16xf32>
        %swap3A_1546 = vector.shape_cast %mul3A_1526 : vector<16xf32> to vector<1x16xf32>
        tpu.vector_store %arg11[%swap3A_1542, %swap3A_1543], %swap3A_1546 {strides = array<i32>} : memref<96x64xf32, #tpu.memory_space<vmem>>, vector<1x16xf32>,
        %slice3A_1547 = vector.extract_strided_slice %select_n3A_852 {offsets = [8], sizes = [1], strides = [1]} : vector<16xf32> to vector<1xf32>
        %squeeze3A_1548 = vector.extract %slice3A_1547[0] : f32 from vector<1xf32>
        %slice3A_1549 = vector.extract_strided_slice %mul3A_858 {offsets = [8], sizes = [1], strides = [1]} : vector<16xi32> to vector<1xi32>
        %squeeze3A_1550 = vector.extract %slice3A_1549[0] : i32 from vector<1xi32>
        %add3A_1551 = arith.constant 8 : i32
        %add3A_1552 = arith.addi %mul3A_840, %add3A_1551 : i32
        %add3A_1553 = arith.constant 0 : i32
        %add3A_1554 = arith.addi %squeeze3A_1550, %add3A_1553 : i32
        %get3A_1555 = arith.index_cast %add3A_1552 : i32 to index
        %get3A_1556 = arith.index_cast %add3A_1554 : i32 to index
        %get3A_1557 = tpu.vector_load %arg9[%get3A_1555, %get3A_1556] {strides = array<i32>} : memref<96x128xf32, #tpu.memory_space<vmem>>, vector<1x16xf32>,
        %get3A_1558 = vector.shape_cast %get3A_1557 : vector<1x16xf32> to vector<16xf32>
        %add3A_1559 = arith.constant 16 : i32
        %add3A_1560 = arith.addi %squeeze3A_1550, %add3A_1559 : i32
        %get3A_1561 = arith.index_cast %add3A_1552 : i32 to index
        %get3A_1562 = arith.index_cast %add3A_1560 : i32 to index
        %get3A_1563 = tpu.vector_load %arg9[%get3A_1561, %get3A_1562] {strides = array<i32>} : memref<96x128xf32, #tpu.memory_space<vmem>>, vector<1x16xf32>,
        %get3A_1564 = vector.shape_cast %get3A_1563 : vector<1x16xf32> to vector<16xf32>
        %add3A_1565 = arith.constant 32 : i32
        %add3A_1566 = arith.addi %squeeze3A_1550, %add3A_1565 : i32
        %get3A_1567 = arith.index_cast %add3A_1552 : i32 to index
        %get3A_1568 = arith.index_cast %add3A_1566 : i32 to index
        %get3A_1569 = tpu.vector_load %arg9[%get3A_1567, %get3A_1568] {strides = array<i32>} : memref<96x128xf32, #tpu.memory_space<vmem>>, vector<1x16xf32>,
        %get3A_1570 = vector.shape_cast %get3A_1569 : vector<1x16xf32> to vector<16xf32>
        %add3A_1571 = arith.constant 48 : i32
        %add3A_1572 = arith.addi %squeeze3A_1550, %add3A_1571 : i32
        %get3A_1573 = arith.index_cast %add3A_1552 : i32 to index
        %get3A_1574 = arith.index_cast %add3A_1572 : i32 to index
        %get3A_1575 = tpu.vector_load %arg9[%get3A_1573, %get3A_1574] {strides = array<i32>} : memref<96x128xf32, #tpu.memory_space<vmem>>, vector<1x16xf32>,
        %get3A_1576 = vector.shape_cast %get3A_1575 : vector<1x16xf32> to vector<16xf32>
        %add3A_1577 = arith.constant 0 : i32
        %add3A_1578 = arith.addi %add3A_1577, %add3A_1552 : i32
        %get3A_1579 = arith.index_cast %add3A_1578 : i32 to index
        %get3A_1580 = arith.constant 0 : index
        %get3A_1581 = tpu.vector_load %arg13[%get3A_1579, %get3A_1580] {strides = array<i32>} : memref<200x64xf32, #tpu.memory_space<vmem>>, vector<1x16xf32>,
        %get3A_1582 = vector.shape_cast %get3A_1581 : vector<1x16xf32> to vector<16xf32>
        %add3A_1583 = arith.constant 0 : i32
        %add3A_1584 = arith.addi %add3A_1583, %add3A_1552 : i32
        %get3A_1585 = arith.index_cast %add3A_1584 : i32 to index
        %get3A_1586 = arith.constant 16 : index
        %get3A_1587 = tpu.vector_load %arg13[%get3A_1585, %get3A_1586] {strides = array<i32>} : memref<200x64xf32, #tpu.memory_space<vmem>>, vector<1x16xf32>,
        %get3A_1588 = vector.shape_cast %get3A_1587 : vector<1x16xf32> to vector<16xf32>
        %add3A_1589 = arith.constant 0 : i32
        %add3A_1590 = arith.addi %add3A_1589, %add3A_1552 : i32
        %get3A_1591 = arith.index_cast %add3A_1590 : i32 to index
        %get3A_1592 = arith.constant 32 : index
        %get3A_1593 = tpu.vector_load %arg13[%get3A_1591, %get3A_1592] {strides = array<i32>} : memref<200x64xf32, #tpu.memory_space<vmem>>, vector<1x16xf32>,
        %get3A_1594 = vector.shape_cast %get3A_1593 : vector<1x16xf32> to vector<16xf32>
        %add3A_1595 = arith.constant 0 : i32
        %add3A_1596 = arith.addi %add3A_1595, %add3A_1552 : i32
        %get3A_1597 = arith.index_cast %add3A_1596 : i32 to index
        %get3A_1598 = arith.constant 48 : index
        %get3A_1599 = tpu.vector_load %arg13[%get3A_1597, %get3A_1598] {strides = array<i32>} : memref<200x64xf32, #tpu.memory_space<vmem>>, vector<1x16xf32>,
        %get3A_1600 = vector.shape_cast %get3A_1599 : vector<1x16xf32> to vector<16xf32>
        %add3A_1601 = arith.addf %get3A_1558, %get3A_1582 : vector<16xf32>
        %mul3A_1602 = vector.broadcast %squeeze3A_1548 : f32 to vector<16xf32>
        %mul3A_1603 = arith.mulf %add3A_1601, %mul3A_1602 : vector<16xf32>
        %add3A_1604 = arith.addf %get3A_1564, %get3A_1588 : vector<16xf32>
        %mul3A_1605 = vector.broadcast %squeeze3A_1548 : f32 to vector<16xf32>
        %mul3A_1606 = arith.mulf %add3A_1604, %mul3A_1605 : vector<16xf32>
        %add3A_1607 = arith.addf %get3A_1570, %get3A_1594 : vector<16xf32>
        %mul3A_1608 = vector.broadcast %squeeze3A_1548 : f32 to vector<16xf32>
        %mul3A_1609 = arith.mulf %add3A_1607, %mul3A_1608 : vector<16xf32>
        %add3A_1610 = arith.addf %get3A_1576, %get3A_1600 : vector<16xf32>
        %mul3A_1611 = vector.broadcast %squeeze3A_1548 : f32 to vector<16xf32>
        %mul3A_1612 = arith.mulf %add3A_1610, %mul3A_1611 : vector<16xf32>
        %swap3A_1613 = arith.index_cast %add3A_1552 : i32 to index
        %swap3A_1614 = arith.constant 0 : index
        %swap3A_1615 = tpu.vector_load %arg11[%swap3A_1613, %swap3A_1614] {strides = array<i32>} : memref<96x64xf32, #tpu.memory_space<vmem>>, vector<1x16xf32>,
        %swap3A_1616 = vector.shape_cast %swap3A_1615 : vector<1x16xf32> to vector<16xf32>
        %swap3A_1617 = vector.shape_cast %mul3A_1603 : vector<16xf32> to vector<1x16xf32>
        tpu.vector_store %arg11[%swap3A_1613, %swap3A_1614], %swap3A_1617 {strides = array<i32>} : memref<96x64xf32, #tpu.memory_space<vmem>>, vector<1x16xf32>,
        %swap3A_1618 = arith.index_cast %add3A_1552 : i32 to index
        %swap3A_1619 = arith.constant 16 : index
        %swap3A_1620 = tpu.vector_load %arg11[%swap3A_1618, %swap3A_1619] {strides = array<i32>} : memref<96x64xf32, #tpu.memory_space<vmem>>, vector<1x16xf32>,
        %swap3A_1621 = vector.shape_cast %swap3A_1620 : vector<1x16xf32> to vector<16xf32>
        %swap3A_1622 = vector.shape_cast %mul3A_1606 : vector<16xf32> to vector<1x16xf32>
        tpu.vector_store %arg11[%swap3A_1618, %swap3A_1619], %swap3A_1622 {strides = array<i32>} : memref<96x64xf32, #tpu.memory_space<vmem>>, vector<1x16xf32>,
        %swap3A_1623 = arith.index_cast %add3A_1552 : i32 to index
        %swap3A_1624 = arith.constant 32 : index
        %swap3A_1625 = tpu.vector_load %arg11[%swap3A_1623, %swap3A_1624] {strides = array<i32>} : memref<96x64xf32, #tpu.memory_space<vmem>>, vector<1x16xf32>,
        %swap3A_1626 = vector.shape_cast %swap3A_1625 : vector<1x16xf32> to vector<16xf32>
        %swap3A_1627 = vector.shape_cast %mul3A_1609 : vector<16xf32> to vector<1x16xf32>
        tpu.vector_store %arg11[%swap3A_1623, %swap3A_1624], %swap3A_1627 {strides = array<i32>} : memref<96x64xf32, #tpu.memory_space<vmem>>, vector<1x16xf32>,
        %swap3A_1628 = arith.index_cast %add3A_1552 : i32 to index
        %swap3A_1629 = arith.constant 48 : index
        %swap3A_1630 = tpu.vector_load %arg11[%swap3A_1628, %swap3A_1629] {strides = array<i32>} : memref<96x64xf32, #tpu.memory_space<vmem>>, vector<1x16xf32>,
        %swap3A_1631 = vector.shape_cast %swap3A_1630 : vector<1x16xf32> to vector<16xf32>
        %swap3A_1632 = vector.shape_cast %mul3A_1612 : vector<16xf32> to vector<1x16xf32>
        tpu.vector_store %arg11[%swap3A_1628, %swap3A_1629], %swap3A_1632 {strides = array<i32>} : memref<96x64xf32, #tpu.memory_space<vmem>>, vector<1x16xf32>,
        %slice3A_1633 = vector.extract_strided_slice %select_n3A_852 {offsets = [9], sizes = [1], strides = [1]} : vector<16xf32> to vector<1xf32>
        %squeeze3A_1634 = vector.extract %slice3A_1633[0] : f32 from vector<1xf32>
        %slice3A_1635 = vector.extract_strided_slice %mul3A_858 {offsets = [9], sizes = [1], strides = [1]} : vector<16xi32> to vector<1xi32>
        %squeeze3A_1636 = vector.extract %slice3A_1635[0] : i32 from vector<1xi32>
        %add3A_1637 = arith.constant 9 : i32
        %add3A_1638 = arith.addi %mul3A_840, %add3A_1637 : i32
        %add3A_1639 = arith.constant 0 : i32
        %add3A_1640 = arith.addi %squeeze3A_1636, %add3A_1639 : i32
        %get3A_1641 = arith.index_cast %add3A_1638 : i32 to index
        %get3A_1642 = arith.index_cast %add3A_1640 : i32 to index
        %get3A_1643 = tpu.vector_load %arg9[%get3A_1641, %get3A_1642] {strides = array<i32>} : memref<96x128xf32, #tpu.memory_space<vmem>>, vector<1x16xf32>,
        %get3A_1644 = vector.shape_cast %get3A_1643 : vector<1x16xf32> to vector<16xf32>
        %add3A_1645 = arith.constant 16 : i32
        %add3A_1646 = arith.addi %squeeze3A_1636, %add3A_1645 : i32
        %get3A_1647 = arith.index_cast %add3A_1638 : i32 to index
        %get3A_1648 = arith.index_cast %add3A_1646 : i32 to index
        %get3A_1649 = tpu.vector_load %arg9[%get3A_1647, %get3A_1648] {strides = array<i32>} : memref<96x128xf32, #tpu.memory_space<vmem>>, vector<1x16xf32>,
        %get3A_1650 = vector.shape_cast %get3A_1649 : vector<1x16xf32> to vector<16xf32>
        %add3A_1651 = arith.constant 32 : i32
        %add3A_1652 = arith.addi %squeeze3A_1636, %add3A_1651 : i32
        %get3A_1653 = arith.index_cast %add3A_1638 : i32 to index
        %get3A_1654 = arith.index_cast %add3A_1652 : i32 to index
        %get3A_1655 = tpu.vector_load %arg9[%get3A_1653, %get3A_1654] {strides = array<i32>} : memref<96x128xf32, #tpu.memory_space<vmem>>, vector<1x16xf32>,
        %get3A_1656 = vector.shape_cast %get3A_1655 : vector<1x16xf32> to vector<16xf32>
        %add3A_1657 = arith.constant 48 : i32
        %add3A_1658 = arith.addi %squeeze3A_1636, %add3A_1657 : i32
        %get3A_1659 = arith.index_cast %add3A_1638 : i32 to index
        %get3A_1660 = arith.index_cast %add3A_1658 : i32 to index
        %get3A_1661 = tpu.vector_load %arg9[%get3A_1659, %get3A_1660] {strides = array<i32>} : memref<96x128xf32, #tpu.memory_space<vmem>>, vector<1x16xf32>,
        %get3A_1662 = vector.shape_cast %get3A_1661 : vector<1x16xf32> to vector<16xf32>
        %add3A_1663 = arith.constant 0 : i32
        %add3A_1664 = arith.addi %add3A_1663, %add3A_1638 : i32
        %get3A_1665 = arith.index_cast %add3A_1664 : i32 to index
        %get3A_1666 = arith.constant 0 : index
        %get3A_1667 = tpu.vector_load %arg13[%get3A_1665, %get3A_1666] {strides = array<i32>} : memref<200x64xf32, #tpu.memory_space<vmem>>, vector<1x16xf32>,
        %get3A_1668 = vector.shape_cast %get3A_1667 : vector<1x16xf32> to vector<16xf32>
        %add3A_1669 = arith.constant 0 : i32
        %add3A_1670 = arith.addi %add3A_1669, %add3A_1638 : i32
        %get3A_1671 = arith.index_cast %add3A_1670 : i32 to index
        %get3A_1672 = arith.constant 16 : index
        %get3A_1673 = tpu.vector_load %arg13[%get3A_1671, %get3A_1672] {strides = array<i32>} : memref<200x64xf32, #tpu.memory_space<vmem>>, vector<1x16xf32>,
        %get3A_1674 = vector.shape_cast %get3A_1673 : vector<1x16xf32> to vector<16xf32>
        %add3A_1675 = arith.constant 0 : i32
        %add3A_1676 = arith.addi %add3A_1675, %add3A_1638 : i32
        %get3A_1677 = arith.index_cast %add3A_1676 : i32 to index
        %get3A_1678 = arith.constant 32 : index
        %get3A_1679 = tpu.vector_load %arg13[%get3A_1677, %get3A_1678] {strides = array<i32>} : memref<200x64xf32, #tpu.memory_space<vmem>>, vector<1x16xf32>,
        %get3A_1680 = vector.shape_cast %get3A_1679 : vector<1x16xf32> to vector<16xf32>
        %add3A_1681 = arith.constant 0 : i32
        %add3A_1682 = arith.addi %add3A_1681, %add3A_1638 : i32
        %get3A_1683 = arith.index_cast %add3A_1682 : i32 to index
        %get3A_1684 = arith.constant 48 : index
        %get3A_1685 = tpu.vector_load %arg13[%get3A_1683, %get3A_1684] {strides = array<i32>} : memref<200x64xf32, #tpu.memory_space<vmem>>, vector<1x16xf32>,
        %get3A_1686 = vector.shape_cast %get3A_1685 : vector<1x16xf32> to vector<16xf32>
        %add3A_1687 = arith.addf %get3A_1644, %get3A_1668 : vector<16xf32>
        %mul3A_1688 = vector.broadcast %squeeze3A_1634 : f32 to vector<16xf32>
        %mul3A_1689 = arith.mulf %add3A_1687, %mul3A_1688 : vector<16xf32>
        %add3A_1690 = arith.addf %get3A_1650, %get3A_1674 : vector<16xf32>
        %mul3A_1691 = vector.broadcast %squeeze3A_1634 : f32 to vector<16xf32>
        %mul3A_1692 = arith.mulf %add3A_1690, %mul3A_1691 : vector<16xf32>
        %add3A_1693 = arith.addf %get3A_1656, %get3A_1680 : vector<16xf32>
        %mul3A_1694 = vector.broadcast %squeeze3A_1634 : f32 to vector<16xf32>
        %mul3A_1695 = arith.mulf %add3A_1693, %mul3A_1694 : vector<16xf32>
        %add3A_1696 = arith.addf %get3A_1662, %get3A_1686 : vector<16xf32>
        %mul3A_1697 = vector.broadcast %squeeze3A_1634 : f32 to vector<16xf32>
        %mul3A_1698 = arith.mulf %add3A_1696, %mul3A_1697 : vector<16xf32>
        %swap3A_1699 = arith.index_cast %add3A_1638 : i32 to index
        %swap3A_1700 = arith.constant 0 : index
        %swap3A_1701 = tpu.vector_load %arg11[%swap3A_1699, %swap3A_1700] {strides = array<i32>} : memref<96x64xf32, #tpu.memory_space<vmem>>, vector<1x16xf32>,
        %swap3A_1702 = vector.shape_cast %swap3A_1701 : vector<1x16xf32> to vector<16xf32>
        %swap3A_1703 = vector.shape_cast %mul3A_1689 : vector<16xf32> to vector<1x16xf32>
        tpu.vector_store %arg11[%swap3A_1699, %swap3A_1700], %swap3A_1703 {strides = array<i32>} : memref<96x64xf32, #tpu.memory_space<vmem>>, vector<1x16xf32>,
        %swap3A_1704 = arith.index_cast %add3A_1638 : i32 to index
        %swap3A_1705 = arith.constant 16 : index
        %swap3A_1706 = tpu.vector_load %arg11[%swap3A_1704, %swap3A_1705] {strides = array<i32>} : memref<96x64xf32, #tpu.memory_space<vmem>>, vector<1x16xf32>,
        %swap3A_1707 = vector.shape_cast %swap3A_1706 : vector<1x16xf32> to vector<16xf32>
        %swap3A_1708 = vector.shape_cast %mul3A_1692 : vector<16xf32> to vector<1x16xf32>
        tpu.vector_store %arg11[%swap3A_1704, %swap3A_1705], %swap3A_1708 {strides = array<i32>} : memref<96x64xf32, #tpu.memory_space<vmem>>, vector<1x16xf32>,
        %swap3A_1709 = arith.index_cast %add3A_1638 : i32 to index
        %swap3A_1710 = arith.constant 32 : index
        %swap3A_1711 = tpu.vector_load %arg11[%swap3A_1709, %swap3A_1710] {strides = array<i32>} : memref<96x64xf32, #tpu.memory_space<vmem>>, vector<1x16xf32>,
        %swap3A_1712 = vector.shape_cast %swap3A_1711 : vector<1x16xf32> to vector<16xf32>
        %swap3A_1713 = vector.shape_cast %mul3A_1695 : vector<16xf32> to vector<1x16xf32>
        tpu.vector_store %arg11[%swap3A_1709, %swap3A_1710], %swap3A_1713 {strides = array<i32>} : memref<96x64xf32, #tpu.memory_space<vmem>>, vector<1x16xf32>,
        %swap3A_1714 = arith.index_cast %add3A_1638 : i32 to index
        %swap3A_1715 = arith.constant 48 : index
        %swap3A_1716 = tpu.vector_load %arg11[%swap3A_1714, %swap3A_1715] {strides = array<i32>} : memref<96x64xf32, #tpu.memory_space<vmem>>, vector<1x16xf32>,
        %swap3A_1717 = vector.shape_cast %swap3A_1716 : vector<1x16xf32> to vector<16xf32>
        %swap3A_1718 = vector.shape_cast %mul3A_1698 : vector<16xf32> to vector<1x16xf32>
        tpu.vector_store %arg11[%swap3A_1714, %swap3A_1715], %swap3A_1718 {strides = array<i32>} : memref<96x64xf32, #tpu.memory_space<vmem>>, vector<1x16xf32>,
        %slice3A_1719 = vector.extract_strided_slice %select_n3A_852 {offsets = [10], sizes = [1], strides = [1]} : vector<16xf32> to vector<1xf32>
        %squeeze3A_1720 = vector.extract %slice3A_1719[0] : f32 from vector<1xf32>
        %slice3A_1721 = vector.extract_strided_slice %mul3A_858 {offsets = [10], sizes = [1], strides = [1]} : vector<16xi32> to vector<1xi32>
        %squeeze3A_1722 = vector.extract %slice3A_1721[0] : i32 from vector<1xi32>
        %add3A_1723 = arith.constant 10 : i32
        %add3A_1724 = arith.addi %mul3A_840, %add3A_1723 : i32
        %add3A_1725 = arith.constant 0 : i32
        %add3A_1726 = arith.addi %squeeze3A_1722, %add3A_1725 : i32
        %get3A_1727 = arith.index_cast %add3A_1724 : i32 to index
        %get3A_1728 = arith.index_cast %add3A_1726 : i32 to index
        %get3A_1729 = tpu.vector_load %arg9[%get3A_1727, %get3A_1728] {strides = array<i32>} : memref<96x128xf32, #tpu.memory_space<vmem>>, vector<1x16xf32>,
        %get3A_1730 = vector.shape_cast %get3A_1729 : vector<1x16xf32> to vector<16xf32>
        %add3A_1731 = arith.constant 16 : i32
        %add3A_1732 = arith.addi %squeeze3A_1722, %add3A_1731 : i32
        %get3A_1733 = arith.index_cast %add3A_1724 : i32 to index
        %get3A_1734 = arith.index_cast %add3A_1732 : i32 to index
        %get3A_1735 = tpu.vector_load %arg9[%get3A_1733, %get3A_1734] {strides = array<i32>} : memref<96x128xf32, #tpu.memory_space<vmem>>, vector<1x16xf32>,
        %get3A_1736 = vector.shape_cast %get3A_1735 : vector<1x16xf32> to vector<16xf32>
        %add3A_1737 = arith.constant 32 : i32
        %add3A_1738 = arith.addi %squeeze3A_1722, %add3A_1737 : i32
        %get3A_1739 = arith.index_cast %add3A_1724 : i32 to index
        %get3A_1740 = arith.index_cast %add3A_1738 : i32 to index
        %get3A_1741 = tpu.vector_load %arg9[%get3A_1739, %get3A_1740] {strides = array<i32>} : memref<96x128xf32, #tpu.memory_space<vmem>>, vector<1x16xf32>,
        %get3A_1742 = vector.shape_cast %get3A_1741 : vector<1x16xf32> to vector<16xf32>
        %add3A_1743 = arith.constant 48 : i32
        %add3A_1744 = arith.addi %squeeze3A_1722, %add3A_1743 : i32
        %get3A_1745 = arith.index_cast %add3A_1724 : i32 to index
        %get3A_1746 = arith.index_cast %add3A_1744 : i32 to index
        %get3A_1747 = tpu.vector_load %arg9[%get3A_1745, %get3A_1746] {strides = array<i32>} : memref<96x128xf32, #tpu.memory_space<vmem>>, vector<1x16xf32>,
        %get3A_1748 = vector.shape_cast %get3A_1747 : vector<1x16xf32> to vector<16xf32>
        %add3A_1749 = arith.constant 0 : i32
        %add3A_1750 = arith.addi %add3A_1749, %add3A_1724 : i32
        %get3A_1751 = arith.index_cast %add3A_1750 : i32 to index
        %get3A_1752 = arith.constant 0 : index
        %get3A_1753 = tpu.vector_load %arg13[%get3A_1751, %get3A_1752] {strides = array<i32>} : memref<200x64xf32, #tpu.memory_space<vmem>>, vector<1x16xf32>,
        %get3A_1754 = vector.shape_cast %get3A_1753 : vector<1x16xf32> to vector<16xf32>
        %add3A_1755 = arith.constant 0 : i32
        %add3A_1756 = arith.addi %add3A_1755, %add3A_1724 : i32
        %get3A_1757 = arith.index_cast %add3A_1756 : i32 to index
        %get3A_1758 = arith.constant 16 : index
        %get3A_1759 = tpu.vector_load %arg13[%get3A_1757, %get3A_1758] {strides = array<i32>} : memref<200x64xf32, #tpu.memory_space<vmem>>, vector<1x16xf32>,
        %get3A_1760 = vector.shape_cast %get3A_1759 : vector<1x16xf32> to vector<16xf32>
        %add3A_1761 = arith.constant 0 : i32
        %add3A_1762 = arith.addi %add3A_1761, %add3A_1724 : i32
        %get3A_1763 = arith.index_cast %add3A_1762 : i32 to index
        %get3A_1764 = arith.constant 32 : index
        %get3A_1765 = tpu.vector_load %arg13[%get3A_1763, %get3A_1764] {strides = array<i32>} : memref<200x64xf32, #tpu.memory_space<vmem>>, vector<1x16xf32>,
        %get3A_1766 = vector.shape_cast %get3A_1765 : vector<1x16xf32> to vector<16xf32>
        %add3A_1767 = arith.constant 0 : i32
        %add3A_1768 = arith.addi %add3A_1767, %add3A_1724 : i32
        %get3A_1769 = arith.index_cast %add3A_1768 : i32 to index
        %get3A_1770 = arith.constant 48 : index
        %get3A_1771 = tpu.vector_load %arg13[%get3A_1769, %get3A_1770] {strides = array<i32>} : memref<200x64xf32, #tpu.memory_space<vmem>>, vector<1x16xf32>,
        %get3A_1772 = vector.shape_cast %get3A_1771 : vector<1x16xf32> to vector<16xf32>
        %add3A_1773 = arith.addf %get3A_1730, %get3A_1754 : vector<16xf32>
        %mul3A_1774 = vector.broadcast %squeeze3A_1720 : f32 to vector<16xf32>
        %mul3A_1775 = arith.mulf %add3A_1773, %mul3A_1774 : vector<16xf32>
        %add3A_1776 = arith.addf %get3A_1736, %get3A_1760 : vector<16xf32>
        %mul3A_1777 = vector.broadcast %squeeze3A_1720 : f32 to vector<16xf32>
        %mul3A_1778 = arith.mulf %add3A_1776, %mul3A_1777 : vector<16xf32>
        %add3A_1779 = arith.addf %get3A_1742, %get3A_1766 : vector<16xf32>
        %mul3A_1780 = vector.broadcast %squeeze3A_1720 : f32 to vector<16xf32>
        %mul3A_1781 = arith.mulf %add3A_1779, %mul3A_1780 : vector<16xf32>
        %add3A_1782 = arith.addf %get3A_1748, %get3A_1772 : vector<16xf32>
        %mul3A_1783 = vector.broadcast %squeeze3A_1720 : f32 to vector<16xf32>
        %mul3A_1784 = arith.mulf %add3A_1782, %mul3A_1783 : vector<16xf32>
        %swap3A_1785 = arith.index_cast %add3A_1724 : i32 to index
        %swap3A_1786 = arith.constant 0 : index
        %swap3A_1787 = tpu.vector_load %arg11[%swap3A_1785, %swap3A_1786] {strides = array<i32>} : memref<96x64xf32, #tpu.memory_space<vmem>>, vector<1x16xf32>,
        %swap3A_1788 = vector.shape_cast %swap3A_1787 : vector<1x16xf32> to vector<16xf32>
        %swap3A_1789 = vector.shape_cast %mul3A_1775 : vector<16xf32> to vector<1x16xf32>
        tpu.vector_store %arg11[%swap3A_1785, %swap3A_1786], %swap3A_1789 {strides = array<i32>} : memref<96x64xf32, #tpu.memory_space<vmem>>, vector<1x16xf32>,
        %swap3A_1790 = arith.index_cast %add3A_1724 : i32 to index
        %swap3A_1791 = arith.constant 16 : index
        %swap3A_1792 = tpu.vector_load %arg11[%swap3A_1790, %swap3A_1791] {strides = array<i32>} : memref<96x64xf32, #tpu.memory_space<vmem>>, vector<1x16xf32>,
        %swap3A_1793 = vector.shape_cast %swap3A_1792 : vector<1x16xf32> to vector<16xf32>
        %swap3A_1794 = vector.shape_cast %mul3A_1778 : vector<16xf32> to vector<1x16xf32>
        tpu.vector_store %arg11[%swap3A_1790, %swap3A_1791], %swap3A_1794 {strides = array<i32>} : memref<96x64xf32, #tpu.memory_space<vmem>>, vector<1x16xf32>,
        %swap3A_1795 = arith.index_cast %add3A_1724 : i32 to index
        %swap3A_1796 = arith.constant 32 : index
        %swap3A_1797 = tpu.vector_load %arg11[%swap3A_1795, %swap3A_1796] {strides = array<i32>} : memref<96x64xf32, #tpu.memory_space<vmem>>, vector<1x16xf32>,
        %swap3A_1798 = vector.shape_cast %swap3A_1797 : vector<1x16xf32> to vector<16xf32>
        %swap3A_1799 = vector.shape_cast %mul3A_1781 : vector<16xf32> to vector<1x16xf32>
        tpu.vector_store %arg11[%swap3A_1795, %swap3A_1796], %swap3A_1799 {strides = array<i32>} : memref<96x64xf32, #tpu.memory_space<vmem>>, vector<1x16xf32>,
        %swap3A_1800 = arith.index_cast %add3A_1724 : i32 to index
        %swap3A_1801 = arith.constant 48 : index
        %swap3A_1802 = tpu.vector_load %arg11[%swap3A_1800, %swap3A_1801] {strides = array<i32>} : memref<96x64xf32, #tpu.memory_space<vmem>>, vector<1x16xf32>,
        %swap3A_1803 = vector.shape_cast %swap3A_1802 : vector<1x16xf32> to vector<16xf32>
        %swap3A_1804 = vector.shape_cast %mul3A_1784 : vector<16xf32> to vector<1x16xf32>
        tpu.vector_store %arg11[%swap3A_1800, %swap3A_1801], %swap3A_1804 {strides = array<i32>} : memref<96x64xf32, #tpu.memory_space<vmem>>, vector<1x16xf32>,
        %slice3A_1805 = vector.extract_strided_slice %select_n3A_852 {offsets = [11], sizes = [1], strides = [1]} : vector<16xf32> to vector<1xf32>
        %squeeze3A_1806 = vector.extract %slice3A_1805[0] : f32 from vector<1xf32>
        %slice3A_1807 = vector.extract_strided_slice %mul3A_858 {offsets = [11], sizes = [1], strides = [1]} : vector<16xi32> to vector<1xi32>
        %squeeze3A_1808 = vector.extract %slice3A_1807[0] : i32 from vector<1xi32>
        %add3A_1809 = arith.constant 11 : i32
        %add3A_1810 = arith.addi %mul3A_840, %add3A_1809 : i32
        %add3A_1811 = arith.constant 0 : i32
        %add3A_1812 = arith.addi %squeeze3A_1808, %add3A_1811 : i32
        %get3A_1813 = arith.index_cast %add3A_1810 : i32 to index
        %get3A_1814 = arith.index_cast %add3A_1812 : i32 to index
        %get3A_1815 = tpu.vector_load %arg9[%get3A_1813, %get3A_1814] {strides = array<i32>} : memref<96x128xf32, #tpu.memory_space<vmem>>, vector<1x16xf32>,
        %get3A_1816 = vector.shape_cast %get3A_1815 : vector<1x16xf32> to vector<16xf32>
        %add3A_1817 = arith.constant 16 : i32
        %add3A_1818 = arith.addi %squeeze3A_1808, %add3A_1817 : i32
        %get3A_1819 = arith.index_cast %add3A_1810 : i32 to index
        %get3A_1820 = arith.index_cast %add3A_1818 : i32 to index
        %get3A_1821 = tpu.vector_load %arg9[%get3A_1819, %get3A_1820] {strides = array<i32>} : memref<96x128xf32, #tpu.memory_space<vmem>>, vector<1x16xf32>,
        %get3A_1822 = vector.shape_cast %get3A_1821 : vector<1x16xf32> to vector<16xf32>
        %add3A_1823 = arith.constant 32 : i32
        %add3A_1824 = arith.addi %squeeze3A_1808, %add3A_1823 : i32
        %get3A_1825 = arith.index_cast %add3A_1810 : i32 to index
        %get3A_1826 = arith.index_cast %add3A_1824 : i32 to index
        %get3A_1827 = tpu.vector_load %arg9[%get3A_1825, %get3A_1826] {strides = array<i32>} : memref<96x128xf32, #tpu.memory_space<vmem>>, vector<1x16xf32>,
        %get3A_1828 = vector.shape_cast %get3A_1827 : vector<1x16xf32> to vector<16xf32>
        %add3A_1829 = arith.constant 48 : i32
        %add3A_1830 = arith.addi %squeeze3A_1808, %add3A_1829 : i32
        %get3A_1831 = arith.index_cast %add3A_1810 : i32 to index
        %get3A_1832 = arith.index_cast %add3A_1830 : i32 to index
        %get3A_1833 = tpu.vector_load %arg9[%get3A_1831, %get3A_1832] {strides = array<i32>} : memref<96x128xf32, #tpu.memory_space<vmem>>, vector<1x16xf32>,
        %get3A_1834 = vector.shape_cast %get3A_1833 : vector<1x16xf32> to vector<16xf32>
        %add3A_1835 = arith.constant 0 : i32
        %add3A_1836 = arith.addi %add3A_1835, %add3A_1810 : i32
        %get3A_1837 = arith.index_cast %add3A_1836 : i32 to index
        %get3A_1838 = arith.constant 0 : index
        %get3A_1839 = tpu.vector_load %arg13[%get3A_1837, %get3A_1838] {strides = array<i32>} : memref<200x64xf32, #tpu.memory_space<vmem>>, vector<1x16xf32>,
        %get3A_1840 = vector.shape_cast %get3A_1839 : vector<1x16xf32> to vector<16xf32>
        %add3A_1841 = arith.constant 0 : i32
        %add3A_1842 = arith.addi %add3A_1841, %add3A_1810 : i32
        %get3A_1843 = arith.index_cast %add3A_1842 : i32 to index
        %get3A_1844 = arith.constant 16 : index
        %get3A_1845 = tpu.vector_load %arg13[%get3A_1843, %get3A_1844] {strides = array<i32>} : memref<200x64xf32, #tpu.memory_space<vmem>>, vector<1x16xf32>,
        %get3A_1846 = vector.shape_cast %get3A_1845 : vector<1x16xf32> to vector<16xf32>
        %add3A_1847 = arith.constant 0 : i32
        %add3A_1848 = arith.addi %add3A_1847, %add3A_1810 : i32
        %get3A_1849 = arith.index_cast %add3A_1848 : i32 to index
        %get3A_1850 = arith.constant 32 : index
        %get3A_1851 = tpu.vector_load %arg13[%get3A_1849, %get3A_1850] {strides = array<i32>} : memref<200x64xf32, #tpu.memory_space<vmem>>, vector<1x16xf32>,
        %get3A_1852 = vector.shape_cast %get3A_1851 : vector<1x16xf32> to vector<16xf32>
        %add3A_1853 = arith.constant 0 : i32
        %add3A_1854 = arith.addi %add3A_1853, %add3A_1810 : i32
        %get3A_1855 = arith.index_cast %add3A_1854 : i32 to index
        %get3A_1856 = arith.constant 48 : index
        %get3A_1857 = tpu.vector_load %arg13[%get3A_1855, %get3A_1856] {strides = array<i32>} : memref<200x64xf32, #tpu.memory_space<vmem>>, vector<1x16xf32>,
        %get3A_1858 = vector.shape_cast %get3A_1857 : vector<1x16xf32> to vector<16xf32>
        %add3A_1859 = arith.addf %get3A_1816, %get3A_1840 : vector<16xf32>
        %mul3A_1860 = vector.broadcast %squeeze3A_1806 : f32 to vector<16xf32>
        %mul3A_1861 = arith.mulf %add3A_1859, %mul3A_1860 : vector<16xf32>
        %add3A_1862 = arith.addf %get3A_1822, %get3A_1846 : vector<16xf32>
        %mul3A_1863 = vector.broadcast %squeeze3A_1806 : f32 to vector<16xf32>
        %mul3A_1864 = arith.mulf %add3A_1862, %mul3A_1863 : vector<16xf32>
        %add3A_1865 = arith.addf %get3A_1828, %get3A_1852 : vector<16xf32>
        %mul3A_1866 = vector.broadcast %squeeze3A_1806 : f32 to vector<16xf32>
        %mul3A_1867 = arith.mulf %add3A_1865, %mul3A_1866 : vector<16xf32>
        %add3A_1868 = arith.addf %get3A_1834, %get3A_1858 : vector<16xf32>
        %mul3A_1869 = vector.broadcast %squeeze3A_1806 : f32 to vector<16xf32>
        %mul3A_1870 = arith.mulf %add3A_1868, %mul3A_1869 : vector<16xf32>
        %swap3A_1871 = arith.index_cast %add3A_1810 : i32 to index
        %swap3A_1872 = arith.constant 0 : index
        %swap3A_1873 = tpu.vector_load %arg11[%swap3A_1871, %swap3A_1872] {strides = array<i32>} : memref<96x64xf32, #tpu.memory_space<vmem>>, vector<1x16xf32>,
        %swap3A_1874 = vector.shape_cast %swap3A_1873 : vector<1x16xf32> to vector<16xf32>
        %swap3A_1875 = vector.shape_cast %mul3A_1861 : vector<16xf32> to vector<1x16xf32>
        tpu.vector_store %arg11[%swap3A_1871, %swap3A_1872], %swap3A_1875 {strides = array<i32>} : memref<96x64xf32, #tpu.memory_space<vmem>>, vector<1x16xf32>,
        %swap3A_1876 = arith.index_cast %add3A_1810 : i32 to index
        %swap3A_1877 = arith.constant 16 : index
        %swap3A_1878 = tpu.vector_load %arg11[%swap3A_1876, %swap3A_1877] {strides = array<i32>} : memref<96x64xf32, #tpu.memory_space<vmem>>, vector<1x16xf32>,
        %swap3A_1879 = vector.shape_cast %swap3A_1878 : vector<1x16xf32> to vector<16xf32>
        %swap3A_1880 = vector.shape_cast %mul3A_1864 : vector<16xf32> to vector<1x16xf32>
        tpu.vector_store %arg11[%swap3A_1876, %swap3A_1877], %swap3A_1880 {strides = array<i32>} : memref<96x64xf32, #tpu.memory_space<vmem>>, vector<1x16xf32>,
        %swap3A_1881 = arith.index_cast %add3A_1810 : i32 to index
        %swap3A_1882 = arith.constant 32 : index
        %swap3A_1883 = tpu.vector_load %arg11[%swap3A_1881, %swap3A_1882] {strides = array<i32>} : memref<96x64xf32, #tpu.memory_space<vmem>>, vector<1x16xf32>,
        %swap3A_1884 = vector.shape_cast %swap3A_1883 : vector<1x16xf32> to vector<16xf32>
        %swap3A_1885 = vector.shape_cast %mul3A_1867 : vector<16xf32> to vector<1x16xf32>
        tpu.vector_store %arg11[%swap3A_1881, %swap3A_1882], %swap3A_1885 {strides = array<i32>} : memref<96x64xf32, #tpu.memory_space<vmem>>, vector<1x16xf32>,
        %swap3A_1886 = arith.index_cast %add3A_1810 : i32 to index
        %swap3A_1887 = arith.constant 48 : index
        %swap3A_1888 = tpu.vector_load %arg11[%swap3A_1886, %swap3A_1887] {strides = array<i32>} : memref<96x64xf32, #tpu.memory_space<vmem>>, vector<1x16xf32>,
        %swap3A_1889 = vector.shape_cast %swap3A_1888 : vector<1x16xf32> to vector<16xf32>
        %swap3A_1890 = vector.shape_cast %mul3A_1870 : vector<16xf32> to vector<1x16xf32>
        tpu.vector_store %arg11[%swap3A_1886, %swap3A_1887], %swap3A_1890 {strides = array<i32>} : memref<96x64xf32, #tpu.memory_space<vmem>>, vector<1x16xf32>,
        %slice3A_1891 = vector.extract_strided_slice %select_n3A_852 {offsets = [12], sizes = [1], strides = [1]} : vector<16xf32> to vector<1xf32>
        %squeeze3A_1892 = vector.extract %slice3A_1891[0] : f32 from vector<1xf32>
        %slice3A_1893 = vector.extract_strided_slice %mul3A_858 {offsets = [12], sizes = [1], strides = [1]} : vector<16xi32> to vector<1xi32>
        %squeeze3A_1894 = vector.extract %slice3A_1893[0] : i32 from vector<1xi32>
        %add3A_1895 = arith.constant 12 : i32
        %add3A_1896 = arith.addi %mul3A_840, %add3A_1895 : i32
        %add3A_1897 = arith.constant 0 : i32
        %add3A_1898 = arith.addi %squeeze3A_1894, %add3A_1897 : i32
        %get3A_1899 = arith.index_cast %add3A_1896 : i32 to index
        %get3A_1900 = arith.index_cast %add3A_1898 : i32 to index
        %get3A_1901 = tpu.vector_load %arg9[%get3A_1899, %get3A_1900] {strides = array<i32>} : memref<96x128xf32, #tpu.memory_space<vmem>>, vector<1x16xf32>,
        %get3A_1902 = vector.shape_cast %get3A_1901 : vector<1x16xf32> to vector<16xf32>
        %add3A_1903 = arith.constant 16 : i32
        %add3A_1904 = arith.addi %squeeze3A_1894, %add3A_1903 : i32
        %get3A_1905 = arith.index_cast %add3A_1896 : i32 to index
        %get3A_1906 = arith.index_cast %add3A_1904 : i32 to index
        %get3A_1907 = tpu.vector_load %arg9[%get3A_1905, %get3A_1906] {strides = array<i32>} : memref<96x128xf32, #tpu.memory_space<vmem>>, vector<1x16xf32>,
        %get3A_1908 = vector.shape_cast %get3A_1907 : vector<1x16xf32> to vector<16xf32>
        %add3A_1909 = arith.constant 32 : i32
        %add3A_1910 = arith.addi %squeeze3A_1894, %add3A_1909 : i32
        %get3A_1911 = arith.index_cast %add3A_1896 : i32 to index
        %get3A_1912 = arith.index_cast %add3A_1910 : i32 to index
        %get3A_1913 = tpu.vector_load %arg9[%get3A_1911, %get3A_1912] {strides = array<i32>} : memref<96x128xf32, #tpu.memory_space<vmem>>, vector<1x16xf32>,
        %get3A_1914 = vector.shape_cast %get3A_1913 : vector<1x16xf32> to vector<16xf32>
        %add3A_1915 = arith.constant 48 : i32
        %add3A_1916 = arith.addi %squeeze3A_1894, %add3A_1915 : i32
        %get3A_1917 = arith.index_cast %add3A_1896 : i32 to index
        %get3A_1918 = arith.index_cast %add3A_1916 : i32 to index
        %get3A_1919 = tpu.vector_load %arg9[%get3A_1917, %get3A_1918] {strides = array<i32>} : memref<96x128xf32, #tpu.memory_space<vmem>>, vector<1x16xf32>,
        %get3A_1920 = vector.shape_cast %get3A_1919 : vector<1x16xf32> to vector<16xf32>
        %add3A_1921 = arith.constant 0 : i32
        %add3A_1922 = arith.addi %add3A_1921, %add3A_1896 : i32
        %get3A_1923 = arith.index_cast %add3A_1922 : i32 to index
        %get3A_1924 = arith.constant 0 : index
        %get3A_1925 = tpu.vector_load %arg13[%get3A_1923, %get3A_1924] {strides = array<i32>} : memref<200x64xf32, #tpu.memory_space<vmem>>, vector<1x16xf32>,
        %get3A_1926 = vector.shape_cast %get3A_1925 : vector<1x16xf32> to vector<16xf32>
        %add3A_1927 = arith.constant 0 : i32
        %add3A_1928 = arith.addi %add3A_1927, %add3A_1896 : i32
        %get3A_1929 = arith.index_cast %add3A_1928 : i32 to index
        %get3A_1930 = arith.constant 16 : index
        %get3A_1931 = tpu.vector_load %arg13[%get3A_1929, %get3A_1930] {strides = array<i32>} : memref<200x64xf32, #tpu.memory_space<vmem>>, vector<1x16xf32>,
        %get3A_1932 = vector.shape_cast %get3A_1931 : vector<1x16xf32> to vector<16xf32>
        %add3A_1933 = arith.constant 0 : i32
        %add3A_1934 = arith.addi %add3A_1933, %add3A_1896 : i32
        %get3A_1935 = arith.index_cast %add3A_1934 : i32 to index
        %get3A_1936 = arith.constant 32 : index
        %get3A_1937 = tpu.vector_load %arg13[%get3A_1935, %get3A_1936] {strides = array<i32>} : memref<200x64xf32, #tpu.memory_space<vmem>>, vector<1x16xf32>,
        %get3A_1938 = vector.shape_cast %get3A_1937 : vector<1x16xf32> to vector<16xf32>
        %add3A_1939 = arith.constant 0 : i32
        %add3A_1940 = arith.addi %add3A_1939, %add3A_1896 : i32
        %get3A_1941 = arith.index_cast %add3A_1940 : i32 to index
        %get3A_1942 = arith.constant 48 : index
        %get3A_1943 = tpu.vector_load %arg13[%get3A_1941, %get3A_1942] {strides = array<i32>} : memref<200x64xf32, #tpu.memory_space<vmem>>, vector<1x16xf32>,
        %get3A_1944 = vector.shape_cast %get3A_1943 : vector<1x16xf32> to vector<16xf32>
        %add3A_1945 = arith.addf %get3A_1902, %get3A_1926 : vector<16xf32>
        %mul3A_1946 = vector.broadcast %squeeze3A_1892 : f32 to vector<16xf32>
        %mul3A_1947 = arith.mulf %add3A_1945, %mul3A_1946 : vector<16xf32>
        %add3A_1948 = arith.addf %get3A_1908, %get3A_1932 : vector<16xf32>
        %mul3A_1949 = vector.broadcast %squeeze3A_1892 : f32 to vector<16xf32>
        %mul3A_1950 = arith.mulf %add3A_1948, %mul3A_1949 : vector<16xf32>
        %add3A_1951 = arith.addf %get3A_1914, %get3A_1938 : vector<16xf32>
        %mul3A_1952 = vector.broadcast %squeeze3A_1892 : f32 to vector<16xf32>
        %mul3A_1953 = arith.mulf %add3A_1951, %mul3A_1952 : vector<16xf32>
        %add3A_1954 = arith.addf %get3A_1920, %get3A_1944 : vector<16xf32>
        %mul3A_1955 = vector.broadcast %squeeze3A_1892 : f32 to vector<16xf32>
        %mul3A_1956 = arith.mulf %add3A_1954, %mul3A_1955 : vector<16xf32>
        %swap3A_1957 = arith.index_cast %add3A_1896 : i32 to index
        %swap3A_1958 = arith.constant 0 : index
        %swap3A_1959 = tpu.vector_load %arg11[%swap3A_1957, %swap3A_1958] {strides = array<i32>} : memref<96x64xf32, #tpu.memory_space<vmem>>, vector<1x16xf32>,
        %swap3A_1960 = vector.shape_cast %swap3A_1959 : vector<1x16xf32> to vector<16xf32>
        %swap3A_1961 = vector.shape_cast %mul3A_1947 : vector<16xf32> to vector<1x16xf32>
        tpu.vector_store %arg11[%swap3A_1957, %swap3A_1958], %swap3A_1961 {strides = array<i32>} : memref<96x64xf32, #tpu.memory_space<vmem>>, vector<1x16xf32>,
        %swap3A_1962 = arith.index_cast %add3A_1896 : i32 to index
        %swap3A_1963 = arith.constant 16 : index
        %swap3A_1964 = tpu.vector_load %arg11[%swap3A_1962, %swap3A_1963] {strides = array<i32>} : memref<96x64xf32, #tpu.memory_space<vmem>>, vector<1x16xf32>,
        %swap3A_1965 = vector.shape_cast %swap3A_1964 : vector<1x16xf32> to vector<16xf32>
        %swap3A_1966 = vector.shape_cast %mul3A_1950 : vector<16xf32> to vector<1x16xf32>
        tpu.vector_store %arg11[%swap3A_1962, %swap3A_1963], %swap3A_1966 {strides = array<i32>} : memref<96x64xf32, #tpu.memory_space<vmem>>, vector<1x16xf32>,
        %swap3A_1967 = arith.index_cast %add3A_1896 : i32 to index
        %swap3A_1968 = arith.constant 32 : index
        %swap3A_1969 = tpu.vector_load %arg11[%swap3A_1967, %swap3A_1968] {strides = array<i32>} : memref<96x64xf32, #tpu.memory_space<vmem>>, vector<1x16xf32>,
        %swap3A_1970 = vector.shape_cast %swap3A_1969 : vector<1x16xf32> to vector<16xf32>
        %swap3A_1971 = vector.shape_cast %mul3A_1953 : vector<16xf32> to vector<1x16xf32>
        tpu.vector_store %arg11[%swap3A_1967, %swap3A_1968], %swap3A_1971 {strides = array<i32>} : memref<96x64xf32, #tpu.memory_space<vmem>>, vector<1x16xf32>,
        %swap3A_1972 = arith.index_cast %add3A_1896 : i32 to index
        %swap3A_1973 = arith.constant 48 : index
        %swap3A_1974 = tpu.vector_load %arg11[%swap3A_1972, %swap3A_1973] {strides = array<i32>} : memref<96x64xf32, #tpu.memory_space<vmem>>, vector<1x16xf32>,
        %swap3A_1975 = vector.shape_cast %swap3A_1974 : vector<1x16xf32> to vector<16xf32>
        %swap3A_1976 = vector.shape_cast %mul3A_1956 : vector<16xf32> to vector<1x16xf32>
        tpu.vector_store %arg11[%swap3A_1972, %swap3A_1973], %swap3A_1976 {strides = array<i32>} : memref<96x64xf32, #tpu.memory_space<vmem>>, vector<1x16xf32>,
        %slice3A_1977 = vector.extract_strided_slice %select_n3A_852 {offsets = [13], sizes = [1], strides = [1]} : vector<16xf32> to vector<1xf32>
        %squeeze3A_1978 = vector.extract %slice3A_1977[0] : f32 from vector<1xf32>
        %slice3A_1979 = vector.extract_strided_slice %mul3A_858 {offsets = [13], sizes = [1], strides = [1]} : vector<16xi32> to vector<1xi32>
        %squeeze3A_1980 = vector.extract %slice3A_1979[0] : i32 from vector<1xi32>
        %add3A_1981 = arith.constant 13 : i32
        %add3A_1982 = arith.addi %mul3A_840, %add3A_1981 : i32
        %add3A_1983 = arith.constant 0 : i32
        %add3A_1984 = arith.addi %squeeze3A_1980, %add3A_1983 : i32
        %get3A_1985 = arith.index_cast %add3A_1982 : i32 to index
        %get3A_1986 = arith.index_cast %add3A_1984 : i32 to index
        %get3A_1987 = tpu.vector_load %arg9[%get3A_1985, %get3A_1986] {strides = array<i32>} : memref<96x128xf32, #tpu.memory_space<vmem>>, vector<1x16xf32>,
        %get3A_1988 = vector.shape_cast %get3A_1987 : vector<1x16xf32> to vector<16xf32>
        %add3A_1989 = arith.constant 16 : i32
        %add3A_1990 = arith.addi %squeeze3A_1980, %add3A_1989 : i32
        %get3A_1991 = arith.index_cast %add3A_1982 : i32 to index
        %get3A_1992 = arith.index_cast %add3A_1990 : i32 to index
        %get3A_1993 = tpu.vector_load %arg9[%get3A_1991, %get3A_1992] {strides = array<i32>} : memref<96x128xf32, #tpu.memory_space<vmem>>, vector<1x16xf32>,
        %get3A_1994 = vector.shape_cast %get3A_1993 : vector<1x16xf32> to vector<16xf32>
        %add3A_1995 = arith.constant 32 : i32
        %add3A_1996 = arith.addi %squeeze3A_1980, %add3A_1995 : i32
        %get3A_1997 = arith.index_cast %add3A_1982 : i32 to index
        %get3A_1998 = arith.index_cast %add3A_1996 : i32 to index
        %get3A_1999 = tpu.vector_load %arg9[%get3A_1997, %get3A_1998] {strides = array<i32>} : memref<96x128xf32, #tpu.memory_space<vmem>>, vector<1x16xf32>,
        %get3A_2000 = vector.shape_cast %get3A_1999 : vector<1x16xf32> to vector<16xf32>
        %add3A_2001 = arith.constant 48 : i32
        %add3A_2002 = arith.addi %squeeze3A_1980, %add3A_2001 : i32
        %get3A_2003 = arith.index_cast %add3A_1982 : i32 to index
        %get3A_2004 = arith.index_cast %add3A_2002 : i32 to index
        %get3A_2005 = tpu.vector_load %arg9[%get3A_2003, %get3A_2004] {strides = array<i32>} : memref<96x128xf32, #tpu.memory_space<vmem>>, vector<1x16xf32>,
        %get3A_2006 = vector.shape_cast %get3A_2005 : vector<1x16xf32> to vector<16xf32>
        %add3A_2007 = arith.constant 0 : i32
        %add3A_2008 = arith.addi %add3A_2007, %add3A_1982 : i32
        %get3A_2009 = arith.index_cast %add3A_2008 : i32 to index
        %get3A_2010 = arith.constant 0 : index
        %get3A_2011 = tpu.vector_load %arg13[%get3A_2009, %get3A_2010] {strides = array<i32>} : memref<200x64xf32, #tpu.memory_space<vmem>>, vector<1x16xf32>,
        %get3A_2012 = vector.shape_cast %get3A_2011 : vector<1x16xf32> to vector<16xf32>
        %add3A_2013 = arith.constant 0 : i32
        %add3A_2014 = arith.addi %add3A_2013, %add3A_1982 : i32
        %get3A_2015 = arith.index_cast %add3A_2014 : i32 to index
        %get3A_2016 = arith.constant 16 : index
        %get3A_2017 = tpu.vector_load %arg13[%get3A_2015, %get3A_2016] {strides = array<i32>} : memref<200x64xf32, #tpu.memory_space<vmem>>, vector<1x16xf32>,
        %get3A_2018 = vector.shape_cast %get3A_2017 : vector<1x16xf32> to vector<16xf32>
        %add3A_2019 = arith.constant 0 : i32
        %add3A_2020 = arith.addi %add3A_2019, %add3A_1982 : i32
        %get3A_2021 = arith.index_cast %add3A_2020 : i32 to index
        %get3A_2022 = arith.constant 32 : index
        %get3A_2023 = tpu.vector_load %arg13[%get3A_2021, %get3A_2022] {strides = array<i32>} : memref<200x64xf32, #tpu.memory_space<vmem>>, vector<1x16xf32>,
        %get3A_2024 = vector.shape_cast %get3A_2023 : vector<1x16xf32> to vector<16xf32>
        %add3A_2025 = arith.constant 0 : i32
        %add3A_2026 = arith.addi %add3A_2025, %add3A_1982 : i32
        %get3A_2027 = arith.index_cast %add3A_2026 : i32 to index
        %get3A_2028 = arith.constant 48 : index
        %get3A_2029 = tpu.vector_load %arg13[%get3A_2027, %get3A_2028] {strides = array<i32>} : memref<200x64xf32, #tpu.memory_space<vmem>>, vector<1x16xf32>,
        %get3A_2030 = vector.shape_cast %get3A_2029 : vector<1x16xf32> to vector<16xf32>
        %add3A_2031 = arith.addf %get3A_1988, %get3A_2012 : vector<16xf32>
        %mul3A_2032 = vector.broadcast %squeeze3A_1978 : f32 to vector<16xf32>
        %mul3A_2033 = arith.mulf %add3A_2031, %mul3A_2032 : vector<16xf32>
        %add3A_2034 = arith.addf %get3A_1994, %get3A_2018 : vector<16xf32>
        %mul3A_2035 = vector.broadcast %squeeze3A_1978 : f32 to vector<16xf32>
        %mul3A_2036 = arith.mulf %add3A_2034, %mul3A_2035 : vector<16xf32>
        %add3A_2037 = arith.addf %get3A_2000, %get3A_2024 : vector<16xf32>
        %mul3A_2038 = vector.broadcast %squeeze3A_1978 : f32 to vector<16xf32>
        %mul3A_2039 = arith.mulf %add3A_2037, %mul3A_2038 : vector<16xf32>
        %add3A_2040 = arith.addf %get3A_2006, %get3A_2030 : vector<16xf32>
        %mul3A_2041 = vector.broadcast %squeeze3A_1978 : f32 to vector<16xf32>
        %mul3A_2042 = arith.mulf %add3A_2040, %mul3A_2041 : vector<16xf32>
        %swap3A_2043 = arith.index_cast %add3A_1982 : i32 to index
        %swap3A_2044 = arith.constant 0 : index
        %swap3A_2045 = tpu.vector_load %arg11[%swap3A_2043, %swap3A_2044] {strides = array<i32>} : memref<96x64xf32, #tpu.memory_space<vmem>>, vector<1x16xf32>,
        %swap3A_2046 = vector.shape_cast %swap3A_2045 : vector<1x16xf32> to vector<16xf32>
        %swap3A_2047 = vector.shape_cast %mul3A_2033 : vector<16xf32> to vector<1x16xf32>
        tpu.vector_store %arg11[%swap3A_2043, %swap3A_2044], %swap3A_2047 {strides = array<i32>} : memref<96x64xf32, #tpu.memory_space<vmem>>, vector<1x16xf32>,
        %swap3A_2048 = arith.index_cast %add3A_1982 : i32 to index
        %swap3A_2049 = arith.constant 16 : index
        %swap3A_2050 = tpu.vector_load %arg11[%swap3A_2048, %swap3A_2049] {strides = array<i32>} : memref<96x64xf32, #tpu.memory_space<vmem>>, vector<1x16xf32>,
        %swap3A_2051 = vector.shape_cast %swap3A_2050 : vector<1x16xf32> to vector<16xf32>
        %swap3A_2052 = vector.shape_cast %mul3A_2036 : vector<16xf32> to vector<1x16xf32>
        tpu.vector_store %arg11[%swap3A_2048, %swap3A_2049], %swap3A_2052 {strides = array<i32>} : memref<96x64xf32, #tpu.memory_space<vmem>>, vector<1x16xf32>,
        %swap3A_2053 = arith.index_cast %add3A_1982 : i32 to index
        %swap3A_2054 = arith.constant 32 : index
        %swap3A_2055 = tpu.vector_load %arg11[%swap3A_2053, %swap3A_2054] {strides = array<i32>} : memref<96x64xf32, #tpu.memory_space<vmem>>, vector<1x16xf32>,
        %swap3A_2056 = vector.shape_cast %swap3A_2055 : vector<1x16xf32> to vector<16xf32>
        %swap3A_2057 = vector.shape_cast %mul3A_2039 : vector<16xf32> to vector<1x16xf32>
        tpu.vector_store %arg11[%swap3A_2053, %swap3A_2054], %swap3A_2057 {strides = array<i32>} : memref<96x64xf32, #tpu.memory_space<vmem>>, vector<1x16xf32>,
        %swap3A_2058 = arith.index_cast %add3A_1982 : i32 to index
        %swap3A_2059 = arith.constant 48 : index
        %swap3A_2060 = tpu.vector_load %arg11[%swap3A_2058, %swap3A_2059] {strides = array<i32>} : memref<96x64xf32, #tpu.memory_space<vmem>>, vector<1x16xf32>,
        %swap3A_2061 = vector.shape_cast %swap3A_2060 : vector<1x16xf32> to vector<16xf32>
        %swap3A_2062 = vector.shape_cast %mul3A_2042 : vector<16xf32> to vector<1x16xf32>
        tpu.vector_store %arg11[%swap3A_2058, %swap3A_2059], %swap3A_2062 {strides = array<i32>} : memref<96x64xf32, #tpu.memory_space<vmem>>, vector<1x16xf32>,
        %slice3A_2063 = vector.extract_strided_slice %select_n3A_852 {offsets = [14], sizes = [1], strides = [1]} : vector<16xf32> to vector<1xf32>
        %squeeze3A_2064 = vector.extract %slice3A_2063[0] : f32 from vector<1xf32>
        %slice3A_2065 = vector.extract_strided_slice %mul3A_858 {offsets = [14], sizes = [1], strides = [1]} : vector<16xi32> to vector<1xi32>
        %squeeze3A_2066 = vector.extract %slice3A_2065[0] : i32 from vector<1xi32>
        %add3A_2067 = arith.constant 14 : i32
        %add3A_2068 = arith.addi %mul3A_840, %add3A_2067 : i32
        %add3A_2069 = arith.constant 0 : i32
        %add3A_2070 = arith.addi %squeeze3A_2066, %add3A_2069 : i32
        %get3A_2071 = arith.index_cast %add3A_2068 : i32 to index
        %get3A_2072 = arith.index_cast %add3A_2070 : i32 to index
        %get3A_2073 = tpu.vector_load %arg9[%get3A_2071, %get3A_2072] {strides = array<i32>} : memref<96x128xf32, #tpu.memory_space<vmem>>, vector<1x16xf32>,
        %get3A_2074 = vector.shape_cast %get3A_2073 : vector<1x16xf32> to vector<16xf32>
        %add3A_2075 = arith.constant 16 : i32
        %add3A_2076 = arith.addi %squeeze3A_2066, %add3A_2075 : i32
        %get3A_2077 = arith.index_cast %add3A_2068 : i32 to index
        %get3A_2078 = arith.index_cast %add3A_2076 : i32 to index
        %get3A_2079 = tpu.vector_load %arg9[%get3A_2077, %get3A_2078] {strides = array<i32>} : memref<96x128xf32, #tpu.memory_space<vmem>>, vector<1x16xf32>,
        %get3A_2080 = vector.shape_cast %get3A_2079 : vector<1x16xf32> to vector<16xf32>
        %add3A_2081 = arith.constant 32 : i32
        %add3A_2082 = arith.addi %squeeze3A_2066, %add3A_2081 : i32
        %get3A_2083 = arith.index_cast %add3A_2068 : i32 to index
        %get3A_2084 = arith.index_cast %add3A_2082 : i32 to index
        %get3A_2085 = tpu.vector_load %arg9[%get3A_2083, %get3A_2084] {strides = array<i32>} : memref<96x128xf32, #tpu.memory_space<vmem>>, vector<1x16xf32>,
        %get3A_2086 = vector.shape_cast %get3A_2085 : vector<1x16xf32> to vector<16xf32>
        %add3A_2087 = arith.constant 48 : i32
        %add3A_2088 = arith.addi %squeeze3A_2066, %add3A_2087 : i32
        %get3A_2089 = arith.index_cast %add3A_2068 : i32 to index
        %get3A_2090 = arith.index_cast %add3A_2088 : i32 to index
        %get3A_2091 = tpu.vector_load %arg9[%get3A_2089, %get3A_2090] {strides = array<i32>} : memref<96x128xf32, #tpu.memory_space<vmem>>, vector<1x16xf32>,
        %get3A_2092 = vector.shape_cast %get3A_2091 : vector<1x16xf32> to vector<16xf32>
        %add3A_2093 = arith.constant 0 : i32
        %add3A_2094 = arith.addi %add3A_2093, %add3A_2068 : i32
        %get3A_2095 = arith.index_cast %add3A_2094 : i32 to index
        %get3A_2096 = arith.constant 0 : index
        %get3A_2097 = tpu.vector_load %arg13[%get3A_2095, %get3A_2096] {strides = array<i32>} : memref<200x64xf32, #tpu.memory_space<vmem>>, vector<1x16xf32>,
        %get3A_2098 = vector.shape_cast %get3A_2097 : vector<1x16xf32> to vector<16xf32>
        %add3A_2099 = arith.constant 0 : i32
        %add3A_2100 = arith.addi %add3A_2099, %add3A_2068 : i32
        %get3A_2101 = arith.index_cast %add3A_2100 : i32 to index
        %get3A_2102 = arith.constant 16 : index
        %get3A_2103 = tpu.vector_load %arg13[%get3A_2101, %get3A_2102] {strides = array<i32>} : memref<200x64xf32, #tpu.memory_space<vmem>>, vector<1x16xf32>,
        %get3A_2104 = vector.shape_cast %get3A_2103 : vector<1x16xf32> to vector<16xf32>
        %add3A_2105 = arith.constant 0 : i32
        %add3A_2106 = arith.addi %add3A_2105, %add3A_2068 : i32
        %get3A_2107 = arith.index_cast %add3A_2106 : i32 to index
        %get3A_2108 = arith.constant 32 : index
        %get3A_2109 = tpu.vector_load %arg13[%get3A_2107, %get3A_2108] {strides = array<i32>} : memref<200x64xf32, #tpu.memory_space<vmem>>, vector<1x16xf32>,
        %get3A_2110 = vector.shape_cast %get3A_2109 : vector<1x16xf32> to vector<16xf32>
        %add3A_2111 = arith.constant 0 : i32
        %add3A_2112 = arith.addi %add3A_2111, %add3A_2068 : i32
        %get3A_2113 = arith.index_cast %add3A_2112 : i32 to index
        %get3A_2114 = arith.constant 48 : index
        %get3A_2115 = tpu.vector_load %arg13[%get3A_2113, %get3A_2114] {strides = array<i32>} : memref<200x64xf32, #tpu.memory_space<vmem>>, vector<1x16xf32>,
        %get3A_2116 = vector.shape_cast %get3A_2115 : vector<1x16xf32> to vector<16xf32>
        %add3A_2117 = arith.addf %get3A_2074, %get3A_2098 : vector<16xf32>
        %mul3A_2118 = vector.broadcast %squeeze3A_2064 : f32 to vector<16xf32>
        %mul3A_2119 = arith.mulf %add3A_2117, %mul3A_2118 : vector<16xf32>
        %add3A_2120 = arith.addf %get3A_2080, %get3A_2104 : vector<16xf32>
        %mul3A_2121 = vector.broadcast %squeeze3A_2064 : f32 to vector<16xf32>
        %mul3A_2122 = arith.mulf %add3A_2120, %mul3A_2121 : vector<16xf32>
        %add3A_2123 = arith.addf %get3A_2086, %get3A_2110 : vector<16xf32>
        %mul3A_2124 = vector.broadcast %squeeze3A_2064 : f32 to vector<16xf32>
        %mul3A_2125 = arith.mulf %add3A_2123, %mul3A_2124 : vector<16xf32>
        %add3A_2126 = arith.addf %get3A_2092, %get3A_2116 : vector<16xf32>
        %mul3A_2127 = vector.broadcast %squeeze3A_2064 : f32 to vector<16xf32>
        %mul3A_2128 = arith.mulf %add3A_2126, %mul3A_2127 : vector<16xf32>
        %swap3A_2129 = arith.index_cast %add3A_2068 : i32 to index
        %swap3A_2130 = arith.constant 0 : index
        %swap3A_2131 = tpu.vector_load %arg11[%swap3A_2129, %swap3A_2130] {strides = array<i32>} : memref<96x64xf32, #tpu.memory_space<vmem>>, vector<1x16xf32>,
        %swap3A_2132 = vector.shape_cast %swap3A_2131 : vector<1x16xf32> to vector<16xf32>
        %swap3A_2133 = vector.shape_cast %mul3A_2119 : vector<16xf32> to vector<1x16xf32>
        tpu.vector_store %arg11[%swap3A_2129, %swap3A_2130], %swap3A_2133 {strides = array<i32>} : memref<96x64xf32, #tpu.memory_space<vmem>>, vector<1x16xf32>,
        %swap3A_2134 = arith.index_cast %add3A_2068 : i32 to index
        %swap3A_2135 = arith.constant 16 : index
        %swap3A_2136 = tpu.vector_load %arg11[%swap3A_2134, %swap3A_2135] {strides = array<i32>} : memref<96x64xf32, #tpu.memory_space<vmem>>, vector<1x16xf32>,
        %swap3A_2137 = vector.shape_cast %swap3A_2136 : vector<1x16xf32> to vector<16xf32>
        %swap3A_2138 = vector.shape_cast %mul3A_2122 : vector<16xf32> to vector<1x16xf32>
        tpu.vector_store %arg11[%swap3A_2134, %swap3A_2135], %swap3A_2138 {strides = array<i32>} : memref<96x64xf32, #tpu.memory_space<vmem>>, vector<1x16xf32>,
        %swap3A_2139 = arith.index_cast %add3A_2068 : i32 to index
        %swap3A_2140 = arith.constant 32 : index
        %swap3A_2141 = tpu.vector_load %arg11[%swap3A_2139, %swap3A_2140] {strides = array<i32>} : memref<96x64xf32, #tpu.memory_space<vmem>>, vector<1x16xf32>,
        %swap3A_2142 = vector.shape_cast %swap3A_2141 : vector<1x16xf32> to vector<16xf32>
        %swap3A_2143 = vector.shape_cast %mul3A_2125 : vector<16xf32> to vector<1x16xf32>
        tpu.vector_store %arg11[%swap3A_2139, %swap3A_2140], %swap3A_2143 {strides = array<i32>} : memref<96x64xf32, #tpu.memory_space<vmem>>, vector<1x16xf32>,
        %swap3A_2144 = arith.index_cast %add3A_2068 : i32 to index
        %swap3A_2145 = arith.constant 48 : index
        %swap3A_2146 = tpu.vector_load %arg11[%swap3A_2144, %swap3A_2145] {strides = array<i32>} : memref<96x64xf32, #tpu.memory_space<vmem>>, vector<1x16xf32>,
        %swap3A_2147 = vector.shape_cast %swap3A_2146 : vector<1x16xf32> to vector<16xf32>
        %swap3A_2148 = vector.shape_cast %mul3A_2128 : vector<16xf32> to vector<1x16xf32>
        tpu.vector_store %arg11[%swap3A_2144, %swap3A_2145], %swap3A_2148 {strides = array<i32>} : memref<96x64xf32, #tpu.memory_space<vmem>>, vector<1x16xf32>,
        %slice3A_2149 = vector.extract_strided_slice %select_n3A_852 {offsets = [15], sizes = [1], strides = [1]} : vector<16xf32> to vector<1xf32>
        %squeeze3A_2150 = vector.extract %slice3A_2149[0] : f32 from vector<1xf32>
        %slice3A_2151 = vector.extract_strided_slice %mul3A_858 {offsets = [15], sizes = [1], strides = [1]} : vector<16xi32> to vector<1xi32>
        %squeeze3A_2152 = vector.extract %slice3A_2151[0] : i32 from vector<1xi32>
        %add3A_2153 = arith.constant 15 : i32
        %add3A_2154 = arith.addi %mul3A_840, %add3A_2153 : i32
        %add3A_2155 = arith.constant 0 : i32
        %add3A_2156 = arith.addi %squeeze3A_2152, %add3A_2155 : i32
        %get3A_2157 = arith.index_cast %add3A_2154 : i32 to index
        %get3A_2158 = arith.index_cast %add3A_2156 : i32 to index
        %get3A_2159 = tpu.vector_load %arg9[%get3A_2157, %get3A_2158] {strides = array<i32>} : memref<96x128xf32, #tpu.memory_space<vmem>>, vector<1x16xf32>,
        %get3A_2160 = vector.shape_cast %get3A_2159 : vector<1x16xf32> to vector<16xf32>
        %add3A_2161 = arith.constant 16 : i32
        %add3A_2162 = arith.addi %squeeze3A_2152, %add3A_2161 : i32
        %get3A_2163 = arith.index_cast %add3A_2154 : i32 to index
        %get3A_2164 = arith.index_cast %add3A_2162 : i32 to index
        %get3A_2165 = tpu.vector_load %arg9[%get3A_2163, %get3A_2164] {strides = array<i32>} : memref<96x128xf32, #tpu.memory_space<vmem>>, vector<1x16xf32>,
        %get3A_2166 = vector.shape_cast %get3A_2165 : vector<1x16xf32> to vector<16xf32>
        %add3A_2167 = arith.constant 32 : i32
        %add3A_2168 = arith.addi %squeeze3A_2152, %add3A_2167 : i32
        %get3A_2169 = arith.index_cast %add3A_2154 : i32 to index
        %get3A_2170 = arith.index_cast %add3A_2168 : i32 to index
        %get3A_2171 = tpu.vector_load %arg9[%get3A_2169, %get3A_2170] {strides = array<i32>} : memref<96x128xf32, #tpu.memory_space<vmem>>, vector<1x16xf32>,
        %get3A_2172 = vector.shape_cast %get3A_2171 : vector<1x16xf32> to vector<16xf32>
        %add3A_2173 = arith.constant 48 : i32
        %add3A_2174 = arith.addi %squeeze3A_2152, %add3A_2173 : i32
        %get3A_2175 = arith.index_cast %add3A_2154 : i32 to index
        %get3A_2176 = arith.index_cast %add3A_2174 : i32 to index
        %get3A_2177 = tpu.vector_load %arg9[%get3A_2175, %get3A_2176] {strides = array<i32>} : memref<96x128xf32, #tpu.memory_space<vmem>>, vector<1x16xf32>,
        %get3A_2178 = vector.shape_cast %get3A_2177 : vector<1x16xf32> to vector<16xf32>
        %add3A_2179 = arith.constant 0 : i32
        %add3A_2180 = arith.addi %add3A_2179, %add3A_2154 : i32
        %get3A_2181 = arith.index_cast %add3A_2180 : i32 to index
        %get3A_2182 = arith.constant 0 : index
        %get3A_2183 = tpu.vector_load %arg13[%get3A_2181, %get3A_2182] {strides = array<i32>} : memref<200x64xf32, #tpu.memory_space<vmem>>, vector<1x16xf32>,
        %get3A_2184 = vector.shape_cast %get3A_2183 : vector<1x16xf32> to vector<16xf32>
        %add3A_2185 = arith.constant 0 : i32
        %add3A_2186 = arith.addi %add3A_2185, %add3A_2154 : i32
        %get3A_2187 = arith.index_cast %add3A_2186 : i32 to index
        %get3A_2188 = arith.constant 16 : index
        %get3A_2189 = tpu.vector_load %arg13[%get3A_2187, %get3A_2188] {strides = array<i32>} : memref<200x64xf32, #tpu.memory_space<vmem>>, vector<1x16xf32>,
        %get3A_2190 = vector.shape_cast %get3A_2189 : vector<1x16xf32> to vector<16xf32>
        %add3A_2191 = arith.constant 0 : i32
        %add3A_2192 = arith.addi %add3A_2191, %add3A_2154 : i32
        %get3A_2193 = arith.index_cast %add3A_2192 : i32 to index
        %get3A_2194 = arith.constant 32 : index
        %get3A_2195 = tpu.vector_load %arg13[%get3A_2193, %get3A_2194] {strides = array<i32>} : memref<200x64xf32, #tpu.memory_space<vmem>>, vector<1x16xf32>,
        %get3A_2196 = vector.shape_cast %get3A_2195 : vector<1x16xf32> to vector<16xf32>
        %add3A_2197 = arith.constant 0 : i32
        %add3A_2198 = arith.addi %add3A_2197, %add3A_2154 : i32
        %get3A_2199 = arith.index_cast %add3A_2198 : i32 to index
        %get3A_2200 = arith.constant 48 : index
        %get3A_2201 = tpu.vector_load %arg13[%get3A_2199, %get3A_2200] {strides = array<i32>} : memref<200x64xf32, #tpu.memory_space<vmem>>, vector<1x16xf32>,
        %get3A_2202 = vector.shape_cast %get3A_2201 : vector<1x16xf32> to vector<16xf32>
        %add3A_2203 = arith.addf %get3A_2160, %get3A_2184 : vector<16xf32>
        %mul3A_2204 = vector.broadcast %squeeze3A_2150 : f32 to vector<16xf32>
        %mul3A_2205 = arith.mulf %add3A_2203, %mul3A_2204 : vector<16xf32>
        %add3A_2206 = arith.addf %get3A_2166, %get3A_2190 : vector<16xf32>
        %mul3A_2207 = vector.broadcast %squeeze3A_2150 : f32 to vector<16xf32>
        %mul3A_2208 = arith.mulf %add3A_2206, %mul3A_2207 : vector<16xf32>
        %add3A_2209 = arith.addf %get3A_2172, %get3A_2196 : vector<16xf32>
        %mul3A_2210 = vector.broadcast %squeeze3A_2150 : f32 to vector<16xf32>
        %mul3A_2211 = arith.mulf %add3A_2209, %mul3A_2210 : vector<16xf32>
        %add3A_2212 = arith.addf %get3A_2178, %get3A_2202 : vector<16xf32>
        %mul3A_2213 = vector.broadcast %squeeze3A_2150 : f32 to vector<16xf32>
        %mul3A_2214 = arith.mulf %add3A_2212, %mul3A_2213 : vector<16xf32>
        %swap3A_2215 = arith.index_cast %add3A_2154 : i32 to index
        %swap3A_2216 = arith.constant 0 : index
        %swap3A_2217 = tpu.vector_load %arg11[%swap3A_2215, %swap3A_2216] {strides = array<i32>} : memref<96x64xf32, #tpu.memory_space<vmem>>, vector<1x16xf32>,
        %swap3A_2218 = vector.shape_cast %swap3A_2217 : vector<1x16xf32> to vector<16xf32>
        %swap3A_2219 = vector.shape_cast %mul3A_2205 : vector<16xf32> to vector<1x16xf32>
        tpu.vector_store %arg11[%swap3A_2215, %swap3A_2216], %swap3A_2219 {strides = array<i32>} : memref<96x64xf32, #tpu.memory_space<vmem>>, vector<1x16xf32>,
        %swap3A_2220 = arith.index_cast %add3A_2154 : i32 to index
        %swap3A_2221 = arith.constant 16 : index
        %swap3A_2222 = tpu.vector_load %arg11[%swap3A_2220, %swap3A_2221] {strides = array<i32>} : memref<96x64xf32, #tpu.memory_space<vmem>>, vector<1x16xf32>,
        %swap3A_2223 = vector.shape_cast %swap3A_2222 : vector<1x16xf32> to vector<16xf32>
        %swap3A_2224 = vector.shape_cast %mul3A_2208 : vector<16xf32> to vector<1x16xf32>
        tpu.vector_store %arg11[%swap3A_2220, %swap3A_2221], %swap3A_2224 {strides = array<i32>} : memref<96x64xf32, #tpu.memory_space<vmem>>, vector<1x16xf32>,
        %swap3A_2225 = arith.index_cast %add3A_2154 : i32 to index
        %swap3A_2226 = arith.constant 32 : index
        %swap3A_2227 = tpu.vector_load %arg11[%swap3A_2225, %swap3A_2226] {strides = array<i32>} : memref<96x64xf32, #tpu.memory_space<vmem>>, vector<1x16xf32>,
        %swap3A_2228 = vector.shape_cast %swap3A_2227 : vector<1x16xf32> to vector<16xf32>
        %swap3A_2229 = vector.shape_cast %mul3A_2211 : vector<16xf32> to vector<1x16xf32>
        tpu.vector_store %arg11[%swap3A_2225, %swap3A_2226], %swap3A_2229 {strides = array<i32>} : memref<96x64xf32, #tpu.memory_space<vmem>>, vector<1x16xf32>,
        %swap3A_2230 = arith.index_cast %add3A_2154 : i32 to index
        %swap3A_2231 = arith.constant 48 : index
        %swap3A_2232 = tpu.vector_load %arg11[%swap3A_2230, %swap3A_2231] {strides = array<i32>} : memref<96x64xf32, #tpu.memory_space<vmem>>, vector<1x16xf32>,
        %swap3A_2233 = vector.shape_cast %swap3A_2232 : vector<1x16xf32> to vector<16xf32>
        %swap3A_2234 = vector.shape_cast %mul3A_2214 : vector<16xf32> to vector<1x16xf32>
        tpu.vector_store %arg11[%swap3A_2230, %swap3A_2231], %swap3A_2234 {strides = array<i32>} : memref<96x64xf32, #tpu.memory_space<vmem>>, vector<1x16xf32>,
        %scan3A_2235 = arith.constant 0 : i32
        scf.yield %scan3A_2235 : i32
      }
      %scan3A_77 = arith.constant 6 : i32
      %add3A_78 = arith.addi %mul3A_4, %scan3A_40 : i32
      %dma_start3A_79 = arith.constant 0 : i32
      %dma_start3A_80 = arith.constant 0 : i32
      %dma_start3A_81 = tpu.memref_slice %arg5[%add3A_78, %dma_start3A_79, %dma_start3A_80] : memref<1024x200x64xf32, #tpu.memory_space<hbm>> -> memref<1x96x64xf32, #tpu.memory_space<hbm>>
      %dma_start3A_82 = tpu.memref_squeeze %dma_start3A_81 : memref<1x96x64xf32, #tpu.memory_space<hbm>> -> memref<96x64xf32, #tpu.memory_space<hbm>>
      %dma_start3A_83 = arith.constant 0 : i32
      %dma_start3A_84 = arith.constant 0 : i32
      %dma_start3A_85 = tpu.memref_slice %arg5[%add3A_78, %dma_start3A_83, %dma_start3A_84] : memref<1024x200x64xf32, #tpu.memory_space<hbm>> -> memref<1x96x64xf32, #tpu.memory_space<hbm>>
      %dma_start3A_86 = tpu.memref_squeeze %dma_start3A_85 : memref<1x96x64xf32, #tpu.memory_space<hbm>> -> memref<96x64xf32, #tpu.memory_space<hbm>>
      tpu.enqueue_dma source(%arg11 : memref<96x64xf32, #tpu.memory_space<vmem>>) target(%dma_start3A_86 : memref<96x64xf32, #tpu.memory_space<hbm>>) target_semaphore(%arg16 : memref<!tpu.dma_semaphore, #tpu.memory_space<semaphore_mem>>)
      %lt3A = arith.constant 31 : i32
      %lt3A_87 = arith.cmpi slt, %scan3A_40, %lt3A : i32
      %convert_element_type3A_88 = arith.extui %lt3A_87 : i1 to i32
      %cond3A_89 = arith.constant 0 : i32
      %cond3A_90 = arith.cmpi ne, %convert_element_type3A_88, %cond3A_89 : i32
      scf.if %cond3A_90 {
        %add3A_837 = arith.constant 200 : i32
        %add3A_838 = arith.addi %mul3A_43, %add3A_837 : i32
        %scan3A_839 = arith.constant 0 : i32
        %scan3A_840 = arith.constant 0 : i32
        %scan3A_841 = arith.constant 6 : i32
        %scan3A_842 = arith.addi %scan3A_840, %scan3A_841 : i32
        %scan3A_843 = arith.constant 1 : i32
        %scan3A_844 = scf.for %scan3A_854 = %scan3A_840 to %scan3A_842 step %scan3A_843 iter_args(%scan3A_855 = %scan3A_839) -> (i32)  : i32 {
          %mul3A_856 = arith.constant 16 : i32
          %mul3A_857 = arith.muli %scan3A_854, %mul3A_856 : i32
          %add3A_858 = arith.addi %add3A_838, %mul3A_857 : i32
          %get3A_859 = arith.index_cast %add3A_858 : i32 to index
          %get3A_860 = tpu.vector_load %arg6[%get3A_859] {strides = array<i32>} : memref<6416xi32, #tpu.memory_space<vmem>>, vector<16xi32>,
          %get3A_861 = vector.shape_cast %get3A_860 : vector<16xi32> to vector<16xi32>
          %shift_right_logical3A = arith.constant 1 : i32
          %shift_right_logical3A_862 = vector.broadcast %shift_right_logical3A : i32 to vector<16xi32>
          %shift_right_logical3A_863 = arith.shrui %get3A_861, %shift_right_logical3A_862 : vector<16xi32>
          %mul3A_864 = arith.constant 16 : i32
          %mul3A_865 = arith.muli %scan3A_854, %mul3A_864 : i32
          %swap3A_866 = arith.index_cast %mul3A_865 : i32 to index
          %swap3A_867 = tpu.vector_load %arg7[%swap3A_866] {strides = array<i32>} : memref<112xi32, #tpu.memory_space<vmem>>, vector<16xi32>,
          %swap3A_868 = vector.shape_cast %swap3A_867 : vector<16xi32> to vector<16xi32>
          %swap3A_869 = vector.shape_cast %shift_right_logical3A_863 : vector<16xi32> to vector<16xi32>
          tpu.vector_store %arg7[%swap3A_866], %swap3A_869 {strides = array<i32>} : memref<112xi32, #tpu.memory_space<vmem>>, vector<16xi32>,
          %scan3A_870 = arith.constant 0 : i32
          scf.yield %scan3A_870 : i32
        }
        %scan3A_845 = arith.constant 6 : i32
        %dma_start3A_846 = arith.constant 0 : i32
        %dma_start3A_847 = arith.constant 0 : i32
        %dma_start3A_848 = tpu.memref_slice %arg9[%dma_start3A_846, %dma_start3A_847] : memref<96x128xf32, #tpu.memory_space<vmem>> -> memref<96x128xf32, #tpu.memory_space<vmem>>
        %dma_start3A_849 = arith.constant 0 : i32
        %dma_start3A_850 = tpu.memref_slice %arg7[%dma_start3A_849] : memref<112xi32, #tpu.memory_space<vmem>> -> memref<96xi32, #tpu.memory_space<vmem>>
        %dma_start3A_851 = arith.constant 0 : i32
        %dma_start3A_852 = arith.constant 0 : i32
        %dma_start3A_853 = tpu.memref_slice %arg3[%dma_start3A_851, %dma_start3A_852] : memref<500000x128xf32, #tpu.memory_space<hbm>> -> memref<500000x128xf32, #tpu.memory_space<hbm>>
        tpu.enqueue_indirect_dma source(%dma_start3A_853 : memref<500000x128xf32, #tpu.memory_space<hbm>>) target(%dma_start3A_848 : memref<96x128xf32, #tpu.memory_space<vmem>>) offsets(%dma_start3A_850 : memref<96xi32, #tpu.memory_space<vmem>>) semaphore(%arg14 : memref<!tpu.dma_semaphore, #tpu.memory_space<semaphore_mem>>)
      } else {
      }
      %dma_wait3A_91 = arith.constant 0 : i32
      %dma_wait3A_92 = arith.constant 0 : i32
      %dma_wait3A_93 = tpu.memref_slice %arg10[%dma_wait3A_91, %dma_wait3A_92] : memref<104x128xf32, #tpu.memory_space<vmem>> -> memref<104x128xf32, #tpu.memory_space<vmem>>
      %dma_wait3A_94 = arith.constant 0 : i32
      %dma_wait3A_95 = tpu.memref_slice %arg8[%dma_wait3A_94] : memref<120xi32, #tpu.memory_space<vmem>> -> memref<104xi32, #tpu.memory_space<vmem>>
      %dma_wait3A_96 = arith.constant 0 : i32
      %dma_wait3A_97 = arith.constant 0 : i32
      %dma_wait3A_98 = tpu.memref_slice %arg3[%dma_wait3A_96, %dma_wait3A_97] : memref<500000x128xf32, #tpu.memory_space<hbm>> -> memref<500000x128xf32, #tpu.memory_space<hbm>>
      tpu.wait_indirect_dma semaphore(%arg15 : memref<!tpu.dma_semaphore, #tpu.memory_space<semaphore_mem>>) src(%dma_wait3A_98 : memref<500000x128xf32, #tpu.memory_space<hbm>>) dst(%dma_wait3A_93 : memref<104x128xf32, #tpu.memory_space<vmem>>)
      %gt3A_99 = arith.constant 0 : i32
      %gt3A_100 = arith.cmpi sgt, %scan3A_40, %gt3A_99 : i32
      %convert_element_type3A_101 = arith.extui %gt3A_100 : i1 to i32
      %cond3A_102 = arith.constant 0 : i32
      %cond3A_103 = arith.cmpi ne, %convert_element_type3A_101, %cond3A_102 : i32
      scf.if %cond3A_103 {
        %dma_wait3A_837 = arith.constant 96 : i32
        %dma_wait3A_838 = arith.constant 0 : i32
        %dma_wait3A_839 = tpu.memref_slice %arg5[%mul3A_4, %dma_wait3A_837, %dma_wait3A_838] : memref<1024x200x64xf32, #tpu.memory_space<hbm>> -> memref<1x104x64xf32, #tpu.memory_space<hbm>>
        %dma_wait3A_840 = tpu.memref_squeeze %dma_wait3A_839 : memref<1x104x64xf32, #tpu.memory_space<hbm>> -> memref<104x64xf32, #tpu.memory_space<hbm>>
        %dma_wait3A_841 = arith.constant 96 : i32
        %dma_wait3A_842 = arith.constant 0 : i32
        %dma_wait3A_843 = tpu.memref_slice %arg5[%mul3A_4, %dma_wait3A_841, %dma_wait3A_842] : memref<1024x200x64xf32, #tpu.memory_space<hbm>> -> memref<1x104x64xf32, #tpu.memory_space<hbm>>
        %dma_wait3A_844 = tpu.memref_squeeze %dma_wait3A_843 : memref<1x104x64xf32, #tpu.memory_space<hbm>> -> memref<104x64xf32, #tpu.memory_space<hbm>>
        tpu.wait_dma2 semaphore(%arg17 : memref<!tpu.dma_semaphore, #tpu.memory_space<semaphore_mem>>) src(%arg12 : memref<104x64xf32, #tpu.memory_space<vmem>>) dst(%dma_wait3A_844 : memref<104x64xf32, #tpu.memory_space<hbm>>)
      } else {
      }
      %add3A_104 = arith.constant 96 : i32
      %add3A_105 = arith.addi %mul3A_43, %add3A_104 : i32
      %scan3A_106 = arith.constant 0 : i32
      %scan3A_107 = arith.constant 0 : i32
      %scan3A_108 = arith.constant 6 : i32
      %scan3A_109 = arith.addi %scan3A_107, %scan3A_108 : i32
      %scan3A_110 = arith.constant 1 : i32
      %scan3A_111 = scf.for %scan3A_837 = %scan3A_107 to %scan3A_109 step %scan3A_110 iter_args(%scan3A_838 = %scan3A_106) -> (i32)  : i32 {
        %mul3A_839 = arith.constant 16 : i32
        %mul3A_840 = arith.muli %scan3A_837, %mul3A_839 : i32
        %add3A_841 = arith.addi %add3A_105, %mul3A_840 : i32
        %get3A_842 = arith.index_cast %add3A_841 : i32 to index
        %get3A_843 = tpu.vector_load %arg6[%get3A_842] {strides = array<i32>} : memref<6416xi32, #tpu.memory_space<vmem>>, vector<16xi32>,
        %get3A_844 = vector.shape_cast %get3A_843 : vector<16xi32> to vector<16xi32>
        %eq3A_845 = arith.constant 0 : i32
        %eq3A_846 = vector.broadcast %eq3A_845 : i32 to vector<16xi32>
        %eq3A_847 = arith.cmpi eq, %get3A_844, %eq3A_846 : vector<16xi32>
        %jit3A_848 = arith.constant 0.000000e+00 : f32
        %jit3A_849 = arith.constant 1.000000e+00 : f32
        %broadcast_in_dim3A_850 = vector.broadcast %jit3A_848 : f32 to vector<16xf32>
        %broadcast_in_dim3A_851 = vector.broadcast %jit3A_849 : f32 to vector<16xf32>
        %select_n3A_852 = arith.select %eq3A_847, %broadcast_in_dim3A_850, %broadcast_in_dim3A_851 : vector<16xi1>, vector<16xf32>
        %and3A_853 = arith.constant 1 : i32
        %and3A_854 = vector.broadcast %and3A_853 : i32 to vector<16xi32>
        %and3A_855 = arith.andi %get3A_844, %and3A_854 : vector<16xi32>
        %mul3A_856 = arith.constant 64 : i32
        %mul3A_857 = vector.broadcast %mul3A_856 : i32 to vector<16xi32>
        %mul3A_858 = arith.muli %and3A_855, %mul3A_857 : vector<16xi32>
        %slice3A_859 = vector.extract_strided_slice %select_n3A_852 {offsets = [0], sizes = [1], strides = [1]} : vector<16xf32> to vector<1xf32>
        %squeeze3A_860 = vector.extract %slice3A_859[0] : f32 from vector<1xf32>
        %slice3A_861 = vector.extract_strided_slice %mul3A_858 {offsets = [0], sizes = [1], strides = [1]} : vector<16xi32> to vector<1xi32>
        %squeeze3A_862 = vector.extract %slice3A_861[0] : i32 from vector<1xi32>
        %add3A_863 = arith.constant 0 : i32
        %add3A_864 = arith.addi %mul3A_840, %add3A_863 : i32
        %add3A_865 = arith.constant 0 : i32
        %add3A_866 = arith.addi %squeeze3A_862, %add3A_865 : i32
        %get3A_867 = arith.index_cast %add3A_864 : i32 to index
        %get3A_868 = arith.index_cast %add3A_866 : i32 to index
        %get3A_869 = tpu.vector_load %arg10[%get3A_867, %get3A_868] {strides = array<i32>} : memref<104x128xf32, #tpu.memory_space<vmem>>, vector<1x16xf32>,
        %get3A_870 = vector.shape_cast %get3A_869 : vector<1x16xf32> to vector<16xf32>
        %add3A_871 = arith.constant 16 : i32
        %add3A_872 = arith.addi %squeeze3A_862, %add3A_871 : i32
        %get3A_873 = arith.index_cast %add3A_864 : i32 to index
        %get3A_874 = arith.index_cast %add3A_872 : i32 to index
        %get3A_875 = tpu.vector_load %arg10[%get3A_873, %get3A_874] {strides = array<i32>} : memref<104x128xf32, #tpu.memory_space<vmem>>, vector<1x16xf32>,
        %get3A_876 = vector.shape_cast %get3A_875 : vector<1x16xf32> to vector<16xf32>
        %add3A_877 = arith.constant 32 : i32
        %add3A_878 = arith.addi %squeeze3A_862, %add3A_877 : i32
        %get3A_879 = arith.index_cast %add3A_864 : i32 to index
        %get3A_880 = arith.index_cast %add3A_878 : i32 to index
        %get3A_881 = tpu.vector_load %arg10[%get3A_879, %get3A_880] {strides = array<i32>} : memref<104x128xf32, #tpu.memory_space<vmem>>, vector<1x16xf32>,
        %get3A_882 = vector.shape_cast %get3A_881 : vector<1x16xf32> to vector<16xf32>
        %add3A_883 = arith.constant 48 : i32
        %add3A_884 = arith.addi %squeeze3A_862, %add3A_883 : i32
        %get3A_885 = arith.index_cast %add3A_864 : i32 to index
        %get3A_886 = arith.index_cast %add3A_884 : i32 to index
        %get3A_887 = tpu.vector_load %arg10[%get3A_885, %get3A_886] {strides = array<i32>} : memref<104x128xf32, #tpu.memory_space<vmem>>, vector<1x16xf32>,
        %get3A_888 = vector.shape_cast %get3A_887 : vector<1x16xf32> to vector<16xf32>
        %add3A_889 = arith.constant 96 : i32
        %add3A_890 = arith.addi %add3A_889, %add3A_864 : i32
        %get3A_891 = arith.index_cast %add3A_890 : i32 to index
        %get3A_892 = arith.constant 0 : index
        %get3A_893 = tpu.vector_load %arg13[%get3A_891, %get3A_892] {strides = array<i32>} : memref<200x64xf32, #tpu.memory_space<vmem>>, vector<1x16xf32>,
        %get3A_894 = vector.shape_cast %get3A_893 : vector<1x16xf32> to vector<16xf32>
        %add3A_895 = arith.constant 96 : i32
        %add3A_896 = arith.addi %add3A_895, %add3A_864 : i32
        %get3A_897 = arith.index_cast %add3A_896 : i32 to index
        %get3A_898 = arith.constant 16 : index
        %get3A_899 = tpu.vector_load %arg13[%get3A_897, %get3A_898] {strides = array<i32>} : memref<200x64xf32, #tpu.memory_space<vmem>>, vector<1x16xf32>,
        %get3A_900 = vector.shape_cast %get3A_899 : vector<1x16xf32> to vector<16xf32>
        %add3A_901 = arith.constant 96 : i32
        %add3A_902 = arith.addi %add3A_901, %add3A_864 : i32
        %get3A_903 = arith.index_cast %add3A_902 : i32 to index
        %get3A_904 = arith.constant 32 : index
        %get3A_905 = tpu.vector_load %arg13[%get3A_903, %get3A_904] {strides = array<i32>} : memref<200x64xf32, #tpu.memory_space<vmem>>, vector<1x16xf32>,
        %get3A_906 = vector.shape_cast %get3A_905 : vector<1x16xf32> to vector<16xf32>
        %add3A_907 = arith.constant 96 : i32
        %add3A_908 = arith.addi %add3A_907, %add3A_864 : i32
        %get3A_909 = arith.index_cast %add3A_908 : i32 to index
        %get3A_910 = arith.constant 48 : index
        %get3A_911 = tpu.vector_load %arg13[%get3A_909, %get3A_910] {strides = array<i32>} : memref<200x64xf32, #tpu.memory_space<vmem>>, vector<1x16xf32>,
        %get3A_912 = vector.shape_cast %get3A_911 : vector<1x16xf32> to vector<16xf32>
        %add3A_913 = arith.addf %get3A_870, %get3A_894 : vector<16xf32>
        %mul3A_914 = vector.broadcast %squeeze3A_860 : f32 to vector<16xf32>
        %mul3A_915 = arith.mulf %add3A_913, %mul3A_914 : vector<16xf32>
        %add3A_916 = arith.addf %get3A_876, %get3A_900 : vector<16xf32>
        %mul3A_917 = vector.broadcast %squeeze3A_860 : f32 to vector<16xf32>
        %mul3A_918 = arith.mulf %add3A_916, %mul3A_917 : vector<16xf32>
        %add3A_919 = arith.addf %get3A_882, %get3A_906 : vector<16xf32>
        %mul3A_920 = vector.broadcast %squeeze3A_860 : f32 to vector<16xf32>
        %mul3A_921 = arith.mulf %add3A_919, %mul3A_920 : vector<16xf32>
        %add3A_922 = arith.addf %get3A_888, %get3A_912 : vector<16xf32>
        %mul3A_923 = vector.broadcast %squeeze3A_860 : f32 to vector<16xf32>
        %mul3A_924 = arith.mulf %add3A_922, %mul3A_923 : vector<16xf32>
        %swap3A_925 = arith.index_cast %add3A_864 : i32 to index
        %swap3A_926 = arith.constant 0 : index
        %swap3A_927 = tpu.vector_load %arg12[%swap3A_925, %swap3A_926] {strides = array<i32>} : memref<104x64xf32, #tpu.memory_space<vmem>>, vector<1x16xf32>,
        %swap3A_928 = vector.shape_cast %swap3A_927 : vector<1x16xf32> to vector<16xf32>
        %swap3A_929 = vector.shape_cast %mul3A_915 : vector<16xf32> to vector<1x16xf32>
        tpu.vector_store %arg12[%swap3A_925, %swap3A_926], %swap3A_929 {strides = array<i32>} : memref<104x64xf32, #tpu.memory_space<vmem>>, vector<1x16xf32>,
        %swap3A_930 = arith.index_cast %add3A_864 : i32 to index
        %swap3A_931 = arith.constant 16 : index
        %swap3A_932 = tpu.vector_load %arg12[%swap3A_930, %swap3A_931] {strides = array<i32>} : memref<104x64xf32, #tpu.memory_space<vmem>>, vector<1x16xf32>,
        %swap3A_933 = vector.shape_cast %swap3A_932 : vector<1x16xf32> to vector<16xf32>
        %swap3A_934 = vector.shape_cast %mul3A_918 : vector<16xf32> to vector<1x16xf32>
        tpu.vector_store %arg12[%swap3A_930, %swap3A_931], %swap3A_934 {strides = array<i32>} : memref<104x64xf32, #tpu.memory_space<vmem>>, vector<1x16xf32>,
        %swap3A_935 = arith.index_cast %add3A_864 : i32 to index
        %swap3A_936 = arith.constant 32 : index
        %swap3A_937 = tpu.vector_load %arg12[%swap3A_935, %swap3A_936] {strides = array<i32>} : memref<104x64xf32, #tpu.memory_space<vmem>>, vector<1x16xf32>,
        %swap3A_938 = vector.shape_cast %swap3A_937 : vector<1x16xf32> to vector<16xf32>
        %swap3A_939 = vector.shape_cast %mul3A_921 : vector<16xf32> to vector<1x16xf32>
        tpu.vector_store %arg12[%swap3A_935, %swap3A_936], %swap3A_939 {strides = array<i32>} : memref<104x64xf32, #tpu.memory_space<vmem>>, vector<1x16xf32>,
        %swap3A_940 = arith.index_cast %add3A_864 : i32 to index
        %swap3A_941 = arith.constant 48 : index
        %swap3A_942 = tpu.vector_load %arg12[%swap3A_940, %swap3A_941] {strides = array<i32>} : memref<104x64xf32, #tpu.memory_space<vmem>>, vector<1x16xf32>,
        %swap3A_943 = vector.shape_cast %swap3A_942 : vector<1x16xf32> to vector<16xf32>
        %swap3A_944 = vector.shape_cast %mul3A_924 : vector<16xf32> to vector<1x16xf32>
        tpu.vector_store %arg12[%swap3A_940, %swap3A_941], %swap3A_944 {strides = array<i32>} : memref<104x64xf32, #tpu.memory_space<vmem>>, vector<1x16xf32>,
        %slice3A_945 = vector.extract_strided_slice %select_n3A_852 {offsets = [1], sizes = [1], strides = [1]} : vector<16xf32> to vector<1xf32>
        %squeeze3A_946 = vector.extract %slice3A_945[0] : f32 from vector<1xf32>
        %slice3A_947 = vector.extract_strided_slice %mul3A_858 {offsets = [1], sizes = [1], strides = [1]} : vector<16xi32> to vector<1xi32>
        %squeeze3A_948 = vector.extract %slice3A_947[0] : i32 from vector<1xi32>
        %add3A_949 = arith.constant 1 : i32
        %add3A_950 = arith.addi %mul3A_840, %add3A_949 : i32
        %add3A_951 = arith.constant 0 : i32
        %add3A_952 = arith.addi %squeeze3A_948, %add3A_951 : i32
        %get3A_953 = arith.index_cast %add3A_950 : i32 to index
        %get3A_954 = arith.index_cast %add3A_952 : i32 to index
        %get3A_955 = tpu.vector_load %arg10[%get3A_953, %get3A_954] {strides = array<i32>} : memref<104x128xf32, #tpu.memory_space<vmem>>, vector<1x16xf32>,
        %get3A_956 = vector.shape_cast %get3A_955 : vector<1x16xf32> to vector<16xf32>
        %add3A_957 = arith.constant 16 : i32
        %add3A_958 = arith.addi %squeeze3A_948, %add3A_957 : i32
        %get3A_959 = arith.index_cast %add3A_950 : i32 to index
        %get3A_960 = arith.index_cast %add3A_958 : i32 to index
        %get3A_961 = tpu.vector_load %arg10[%get3A_959, %get3A_960] {strides = array<i32>} : memref<104x128xf32, #tpu.memory_space<vmem>>, vector<1x16xf32>,
        %get3A_962 = vector.shape_cast %get3A_961 : vector<1x16xf32> to vector<16xf32>
        %add3A_963 = arith.constant 32 : i32
        %add3A_964 = arith.addi %squeeze3A_948, %add3A_963 : i32
        %get3A_965 = arith.index_cast %add3A_950 : i32 to index
        %get3A_966 = arith.index_cast %add3A_964 : i32 to index
        %get3A_967 = tpu.vector_load %arg10[%get3A_965, %get3A_966] {strides = array<i32>} : memref<104x128xf32, #tpu.memory_space<vmem>>, vector<1x16xf32>,
        %get3A_968 = vector.shape_cast %get3A_967 : vector<1x16xf32> to vector<16xf32>
        %add3A_969 = arith.constant 48 : i32
        %add3A_970 = arith.addi %squeeze3A_948, %add3A_969 : i32
        %get3A_971 = arith.index_cast %add3A_950 : i32 to index
        %get3A_972 = arith.index_cast %add3A_970 : i32 to index
        %get3A_973 = tpu.vector_load %arg10[%get3A_971, %get3A_972] {strides = array<i32>} : memref<104x128xf32, #tpu.memory_space<vmem>>, vector<1x16xf32>,
        %get3A_974 = vector.shape_cast %get3A_973 : vector<1x16xf32> to vector<16xf32>
        %add3A_975 = arith.constant 96 : i32
        %add3A_976 = arith.addi %add3A_975, %add3A_950 : i32
        %get3A_977 = arith.index_cast %add3A_976 : i32 to index
        %get3A_978 = arith.constant 0 : index
        %get3A_979 = tpu.vector_load %arg13[%get3A_977, %get3A_978] {strides = array<i32>} : memref<200x64xf32, #tpu.memory_space<vmem>>, vector<1x16xf32>,
        %get3A_980 = vector.shape_cast %get3A_979 : vector<1x16xf32> to vector<16xf32>
        %add3A_981 = arith.constant 96 : i32
        %add3A_982 = arith.addi %add3A_981, %add3A_950 : i32
        %get3A_983 = arith.index_cast %add3A_982 : i32 to index
        %get3A_984 = arith.constant 16 : index
        %get3A_985 = tpu.vector_load %arg13[%get3A_983, %get3A_984] {strides = array<i32>} : memref<200x64xf32, #tpu.memory_space<vmem>>, vector<1x16xf32>,
        %get3A_986 = vector.shape_cast %get3A_985 : vector<1x16xf32> to vector<16xf32>
        %add3A_987 = arith.constant 96 : i32
        %add3A_988 = arith.addi %add3A_987, %add3A_950 : i32
        %get3A_989 = arith.index_cast %add3A_988 : i32 to index
        %get3A_990 = arith.constant 32 : index
        %get3A_991 = tpu.vector_load %arg13[%get3A_989, %get3A_990] {strides = array<i32>} : memref<200x64xf32, #tpu.memory_space<vmem>>, vector<1x16xf32>,
        %get3A_992 = vector.shape_cast %get3A_991 : vector<1x16xf32> to vector<16xf32>
        %add3A_993 = arith.constant 96 : i32
        %add3A_994 = arith.addi %add3A_993, %add3A_950 : i32
        %get3A_995 = arith.index_cast %add3A_994 : i32 to index
        %get3A_996 = arith.constant 48 : index
        %get3A_997 = tpu.vector_load %arg13[%get3A_995, %get3A_996] {strides = array<i32>} : memref<200x64xf32, #tpu.memory_space<vmem>>, vector<1x16xf32>,
        %get3A_998 = vector.shape_cast %get3A_997 : vector<1x16xf32> to vector<16xf32>
        %add3A_999 = arith.addf %get3A_956, %get3A_980 : vector<16xf32>
        %mul3A_1000 = vector.broadcast %squeeze3A_946 : f32 to vector<16xf32>
        %mul3A_1001 = arith.mulf %add3A_999, %mul3A_1000 : vector<16xf32>
        %add3A_1002 = arith.addf %get3A_962, %get3A_986 : vector<16xf32>
        %mul3A_1003 = vector.broadcast %squeeze3A_946 : f32 to vector<16xf32>
        %mul3A_1004 = arith.mulf %add3A_1002, %mul3A_1003 : vector<16xf32>
        %add3A_1005 = arith.addf %get3A_968, %get3A_992 : vector<16xf32>
        %mul3A_1006 = vector.broadcast %squeeze3A_946 : f32 to vector<16xf32>
        %mul3A_1007 = arith.mulf %add3A_1005, %mul3A_1006 : vector<16xf32>
        %add3A_1008 = arith.addf %get3A_974, %get3A_998 : vector<16xf32>
        %mul3A_1009 = vector.broadcast %squeeze3A_946 : f32 to vector<16xf32>
        %mul3A_1010 = arith.mulf %add3A_1008, %mul3A_1009 : vector<16xf32>
        %swap3A_1011 = arith.index_cast %add3A_950 : i32 to index
        %swap3A_1012 = arith.constant 0 : index
        %swap3A_1013 = tpu.vector_load %arg12[%swap3A_1011, %swap3A_1012] {strides = array<i32>} : memref<104x64xf32, #tpu.memory_space<vmem>>, vector<1x16xf32>,
        %swap3A_1014 = vector.shape_cast %swap3A_1013 : vector<1x16xf32> to vector<16xf32>
        %swap3A_1015 = vector.shape_cast %mul3A_1001 : vector<16xf32> to vector<1x16xf32>
        tpu.vector_store %arg12[%swap3A_1011, %swap3A_1012], %swap3A_1015 {strides = array<i32>} : memref<104x64xf32, #tpu.memory_space<vmem>>, vector<1x16xf32>,
        %swap3A_1016 = arith.index_cast %add3A_950 : i32 to index
        %swap3A_1017 = arith.constant 16 : index
        %swap3A_1018 = tpu.vector_load %arg12[%swap3A_1016, %swap3A_1017] {strides = array<i32>} : memref<104x64xf32, #tpu.memory_space<vmem>>, vector<1x16xf32>,
        %swap3A_1019 = vector.shape_cast %swap3A_1018 : vector<1x16xf32> to vector<16xf32>
        %swap3A_1020 = vector.shape_cast %mul3A_1004 : vector<16xf32> to vector<1x16xf32>
        tpu.vector_store %arg12[%swap3A_1016, %swap3A_1017], %swap3A_1020 {strides = array<i32>} : memref<104x64xf32, #tpu.memory_space<vmem>>, vector<1x16xf32>,
        %swap3A_1021 = arith.index_cast %add3A_950 : i32 to index
        %swap3A_1022 = arith.constant 32 : index
        %swap3A_1023 = tpu.vector_load %arg12[%swap3A_1021, %swap3A_1022] {strides = array<i32>} : memref<104x64xf32, #tpu.memory_space<vmem>>, vector<1x16xf32>,
        %swap3A_1024 = vector.shape_cast %swap3A_1023 : vector<1x16xf32> to vector<16xf32>
        %swap3A_1025 = vector.shape_cast %mul3A_1007 : vector<16xf32> to vector<1x16xf32>
        tpu.vector_store %arg12[%swap3A_1021, %swap3A_1022], %swap3A_1025 {strides = array<i32>} : memref<104x64xf32, #tpu.memory_space<vmem>>, vector<1x16xf32>,
        %swap3A_1026 = arith.index_cast %add3A_950 : i32 to index
        %swap3A_1027 = arith.constant 48 : index
        %swap3A_1028 = tpu.vector_load %arg12[%swap3A_1026, %swap3A_1027] {strides = array<i32>} : memref<104x64xf32, #tpu.memory_space<vmem>>, vector<1x16xf32>,
        %swap3A_1029 = vector.shape_cast %swap3A_1028 : vector<1x16xf32> to vector<16xf32>
        %swap3A_1030 = vector.shape_cast %mul3A_1010 : vector<16xf32> to vector<1x16xf32>
        tpu.vector_store %arg12[%swap3A_1026, %swap3A_1027], %swap3A_1030 {strides = array<i32>} : memref<104x64xf32, #tpu.memory_space<vmem>>, vector<1x16xf32>,
        %slice3A_1031 = vector.extract_strided_slice %select_n3A_852 {offsets = [2], sizes = [1], strides = [1]} : vector<16xf32> to vector<1xf32>
        %squeeze3A_1032 = vector.extract %slice3A_1031[0] : f32 from vector<1xf32>
        %slice3A_1033 = vector.extract_strided_slice %mul3A_858 {offsets = [2], sizes = [1], strides = [1]} : vector<16xi32> to vector<1xi32>
        %squeeze3A_1034 = vector.extract %slice3A_1033[0] : i32 from vector<1xi32>
        %add3A_1035 = arith.constant 2 : i32
        %add3A_1036 = arith.addi %mul3A_840, %add3A_1035 : i32
        %add3A_1037 = arith.constant 0 : i32
        %add3A_1038 = arith.addi %squeeze3A_1034, %add3A_1037 : i32
        %get3A_1039 = arith.index_cast %add3A_1036 : i32 to index
        %get3A_1040 = arith.index_cast %add3A_1038 : i32 to index
        %get3A_1041 = tpu.vector_load %arg10[%get3A_1039, %get3A_1040] {strides = array<i32>} : memref<104x128xf32, #tpu.memory_space<vmem>>, vector<1x16xf32>,
        %get3A_1042 = vector.shape_cast %get3A_1041 : vector<1x16xf32> to vector<16xf32>
        %add3A_1043 = arith.constant 16 : i32
        %add3A_1044 = arith.addi %squeeze3A_1034, %add3A_1043 : i32
        %get3A_1045 = arith.index_cast %add3A_1036 : i32 to index
        %get3A_1046 = arith.index_cast %add3A_1044 : i32 to index
        %get3A_1047 = tpu.vector_load %arg10[%get3A_1045, %get3A_1046] {strides = array<i32>} : memref<104x128xf32, #tpu.memory_space<vmem>>, vector<1x16xf32>,
        %get3A_1048 = vector.shape_cast %get3A_1047 : vector<1x16xf32> to vector<16xf32>
        %add3A_1049 = arith.constant 32 : i32
        %add3A_1050 = arith.addi %squeeze3A_1034, %add3A_1049 : i32
        %get3A_1051 = arith.index_cast %add3A_1036 : i32 to index
        %get3A_1052 = arith.index_cast %add3A_1050 : i32 to index
        %get3A_1053 = tpu.vector_load %arg10[%get3A_1051, %get3A_1052] {strides = array<i32>} : memref<104x128xf32, #tpu.memory_space<vmem>>, vector<1x16xf32>,
        %get3A_1054 = vector.shape_cast %get3A_1053 : vector<1x16xf32> to vector<16xf32>
        %add3A_1055 = arith.constant 48 : i32
        %add3A_1056 = arith.addi %squeeze3A_1034, %add3A_1055 : i32
        %get3A_1057 = arith.index_cast %add3A_1036 : i32 to index
        %get3A_1058 = arith.index_cast %add3A_1056 : i32 to index
        %get3A_1059 = tpu.vector_load %arg10[%get3A_1057, %get3A_1058] {strides = array<i32>} : memref<104x128xf32, #tpu.memory_space<vmem>>, vector<1x16xf32>,
        %get3A_1060 = vector.shape_cast %get3A_1059 : vector<1x16xf32> to vector<16xf32>
        %add3A_1061 = arith.constant 96 : i32
        %add3A_1062 = arith.addi %add3A_1061, %add3A_1036 : i32
        %get3A_1063 = arith.index_cast %add3A_1062 : i32 to index
        %get3A_1064 = arith.constant 0 : index
        %get3A_1065 = tpu.vector_load %arg13[%get3A_1063, %get3A_1064] {strides = array<i32>} : memref<200x64xf32, #tpu.memory_space<vmem>>, vector<1x16xf32>,
        %get3A_1066 = vector.shape_cast %get3A_1065 : vector<1x16xf32> to vector<16xf32>
        %add3A_1067 = arith.constant 96 : i32
        %add3A_1068 = arith.addi %add3A_1067, %add3A_1036 : i32
        %get3A_1069 = arith.index_cast %add3A_1068 : i32 to index
        %get3A_1070 = arith.constant 16 : index
        %get3A_1071 = tpu.vector_load %arg13[%get3A_1069, %get3A_1070] {strides = array<i32>} : memref<200x64xf32, #tpu.memory_space<vmem>>, vector<1x16xf32>,
        %get3A_1072 = vector.shape_cast %get3A_1071 : vector<1x16xf32> to vector<16xf32>
        %add3A_1073 = arith.constant 96 : i32
        %add3A_1074 = arith.addi %add3A_1073, %add3A_1036 : i32
        %get3A_1075 = arith.index_cast %add3A_1074 : i32 to index
        %get3A_1076 = arith.constant 32 : index
        %get3A_1077 = tpu.vector_load %arg13[%get3A_1075, %get3A_1076] {strides = array<i32>} : memref<200x64xf32, #tpu.memory_space<vmem>>, vector<1x16xf32>,
        %get3A_1078 = vector.shape_cast %get3A_1077 : vector<1x16xf32> to vector<16xf32>
        %add3A_1079 = arith.constant 96 : i32
        %add3A_1080 = arith.addi %add3A_1079, %add3A_1036 : i32
        %get3A_1081 = arith.index_cast %add3A_1080 : i32 to index
        %get3A_1082 = arith.constant 48 : index
        %get3A_1083 = tpu.vector_load %arg13[%get3A_1081, %get3A_1082] {strides = array<i32>} : memref<200x64xf32, #tpu.memory_space<vmem>>, vector<1x16xf32>,
        %get3A_1084 = vector.shape_cast %get3A_1083 : vector<1x16xf32> to vector<16xf32>
        %add3A_1085 = arith.addf %get3A_1042, %get3A_1066 : vector<16xf32>
        %mul3A_1086 = vector.broadcast %squeeze3A_1032 : f32 to vector<16xf32>
        %mul3A_1087 = arith.mulf %add3A_1085, %mul3A_1086 : vector<16xf32>
        %add3A_1088 = arith.addf %get3A_1048, %get3A_1072 : vector<16xf32>
        %mul3A_1089 = vector.broadcast %squeeze3A_1032 : f32 to vector<16xf32>
        %mul3A_1090 = arith.mulf %add3A_1088, %mul3A_1089 : vector<16xf32>
        %add3A_1091 = arith.addf %get3A_1054, %get3A_1078 : vector<16xf32>
        %mul3A_1092 = vector.broadcast %squeeze3A_1032 : f32 to vector<16xf32>
        %mul3A_1093 = arith.mulf %add3A_1091, %mul3A_1092 : vector<16xf32>
        %add3A_1094 = arith.addf %get3A_1060, %get3A_1084 : vector<16xf32>
        %mul3A_1095 = vector.broadcast %squeeze3A_1032 : f32 to vector<16xf32>
        %mul3A_1096 = arith.mulf %add3A_1094, %mul3A_1095 : vector<16xf32>
        %swap3A_1097 = arith.index_cast %add3A_1036 : i32 to index
        %swap3A_1098 = arith.constant 0 : index
        %swap3A_1099 = tpu.vector_load %arg12[%swap3A_1097, %swap3A_1098] {strides = array<i32>} : memref<104x64xf32, #tpu.memory_space<vmem>>, vector<1x16xf32>,
        %swap3A_1100 = vector.shape_cast %swap3A_1099 : vector<1x16xf32> to vector<16xf32>
        %swap3A_1101 = vector.shape_cast %mul3A_1087 : vector<16xf32> to vector<1x16xf32>
        tpu.vector_store %arg12[%swap3A_1097, %swap3A_1098], %swap3A_1101 {strides = array<i32>} : memref<104x64xf32, #tpu.memory_space<vmem>>, vector<1x16xf32>,
        %swap3A_1102 = arith.index_cast %add3A_1036 : i32 to index
        %swap3A_1103 = arith.constant 16 : index
        %swap3A_1104 = tpu.vector_load %arg12[%swap3A_1102, %swap3A_1103] {strides = array<i32>} : memref<104x64xf32, #tpu.memory_space<vmem>>, vector<1x16xf32>,
        %swap3A_1105 = vector.shape_cast %swap3A_1104 : vector<1x16xf32> to vector<16xf32>
        %swap3A_1106 = vector.shape_cast %mul3A_1090 : vector<16xf32> to vector<1x16xf32>
        tpu.vector_store %arg12[%swap3A_1102, %swap3A_1103], %swap3A_1106 {strides = array<i32>} : memref<104x64xf32, #tpu.memory_space<vmem>>, vector<1x16xf32>,
        %swap3A_1107 = arith.index_cast %add3A_1036 : i32 to index
        %swap3A_1108 = arith.constant 32 : index
        %swap3A_1109 = tpu.vector_load %arg12[%swap3A_1107, %swap3A_1108] {strides = array<i32>} : memref<104x64xf32, #tpu.memory_space<vmem>>, vector<1x16xf32>,
        %swap3A_1110 = vector.shape_cast %swap3A_1109 : vector<1x16xf32> to vector<16xf32>
        %swap3A_1111 = vector.shape_cast %mul3A_1093 : vector<16xf32> to vector<1x16xf32>
        tpu.vector_store %arg12[%swap3A_1107, %swap3A_1108], %swap3A_1111 {strides = array<i32>} : memref<104x64xf32, #tpu.memory_space<vmem>>, vector<1x16xf32>,
        %swap3A_1112 = arith.index_cast %add3A_1036 : i32 to index
        %swap3A_1113 = arith.constant 48 : index
        %swap3A_1114 = tpu.vector_load %arg12[%swap3A_1112, %swap3A_1113] {strides = array<i32>} : memref<104x64xf32, #tpu.memory_space<vmem>>, vector<1x16xf32>,
        %swap3A_1115 = vector.shape_cast %swap3A_1114 : vector<1x16xf32> to vector<16xf32>
        %swap3A_1116 = vector.shape_cast %mul3A_1096 : vector<16xf32> to vector<1x16xf32>
        tpu.vector_store %arg12[%swap3A_1112, %swap3A_1113], %swap3A_1116 {strides = array<i32>} : memref<104x64xf32, #tpu.memory_space<vmem>>, vector<1x16xf32>,
        %slice3A_1117 = vector.extract_strided_slice %select_n3A_852 {offsets = [3], sizes = [1], strides = [1]} : vector<16xf32> to vector<1xf32>
        %squeeze3A_1118 = vector.extract %slice3A_1117[0] : f32 from vector<1xf32>
        %slice3A_1119 = vector.extract_strided_slice %mul3A_858 {offsets = [3], sizes = [1], strides = [1]} : vector<16xi32> to vector<1xi32>
        %squeeze3A_1120 = vector.extract %slice3A_1119[0] : i32 from vector<1xi32>
        %add3A_1121 = arith.constant 3 : i32
        %add3A_1122 = arith.addi %mul3A_840, %add3A_1121 : i32
        %add3A_1123 = arith.constant 0 : i32
        %add3A_1124 = arith.addi %squeeze3A_1120, %add3A_1123 : i32
        %get3A_1125 = arith.index_cast %add3A_1122 : i32 to index
        %get3A_1126 = arith.index_cast %add3A_1124 : i32 to index
        %get3A_1127 = tpu.vector_load %arg10[%get3A_1125, %get3A_1126] {strides = array<i32>} : memref<104x128xf32, #tpu.memory_space<vmem>>, vector<1x16xf32>,
        %get3A_1128 = vector.shape_cast %get3A_1127 : vector<1x16xf32> to vector<16xf32>
        %add3A_1129 = arith.constant 16 : i32
        %add3A_1130 = arith.addi %squeeze3A_1120, %add3A_1129 : i32
        %get3A_1131 = arith.index_cast %add3A_1122 : i32 to index
        %get3A_1132 = arith.index_cast %add3A_1130 : i32 to index
        %get3A_1133 = tpu.vector_load %arg10[%get3A_1131, %get3A_1132] {strides = array<i32>} : memref<104x128xf32, #tpu.memory_space<vmem>>, vector<1x16xf32>,
        %get3A_1134 = vector.shape_cast %get3A_1133 : vector<1x16xf32> to vector<16xf32>
        %add3A_1135 = arith.constant 32 : i32
        %add3A_1136 = arith.addi %squeeze3A_1120, %add3A_1135 : i32
        %get3A_1137 = arith.index_cast %add3A_1122 : i32 to index
        %get3A_1138 = arith.index_cast %add3A_1136 : i32 to index
        %get3A_1139 = tpu.vector_load %arg10[%get3A_1137, %get3A_1138] {strides = array<i32>} : memref<104x128xf32, #tpu.memory_space<vmem>>, vector<1x16xf32>,
        %get3A_1140 = vector.shape_cast %get3A_1139 : vector<1x16xf32> to vector<16xf32>
        %add3A_1141 = arith.constant 48 : i32
        %add3A_1142 = arith.addi %squeeze3A_1120, %add3A_1141 : i32
        %get3A_1143 = arith.index_cast %add3A_1122 : i32 to index
        %get3A_1144 = arith.index_cast %add3A_1142 : i32 to index
        %get3A_1145 = tpu.vector_load %arg10[%get3A_1143, %get3A_1144] {strides = array<i32>} : memref<104x128xf32, #tpu.memory_space<vmem>>, vector<1x16xf32>,
        %get3A_1146 = vector.shape_cast %get3A_1145 : vector<1x16xf32> to vector<16xf32>
        %add3A_1147 = arith.constant 96 : i32
        %add3A_1148 = arith.addi %add3A_1147, %add3A_1122 : i32
        %get3A_1149 = arith.index_cast %add3A_1148 : i32 to index
        %get3A_1150 = arith.constant 0 : index
        %get3A_1151 = tpu.vector_load %arg13[%get3A_1149, %get3A_1150] {strides = array<i32>} : memref<200x64xf32, #tpu.memory_space<vmem>>, vector<1x16xf32>,
        %get3A_1152 = vector.shape_cast %get3A_1151 : vector<1x16xf32> to vector<16xf32>
        %add3A_1153 = arith.constant 96 : i32
        %add3A_1154 = arith.addi %add3A_1153, %add3A_1122 : i32
        %get3A_1155 = arith.index_cast %add3A_1154 : i32 to index
        %get3A_1156 = arith.constant 16 : index
        %get3A_1157 = tpu.vector_load %arg13[%get3A_1155, %get3A_1156] {strides = array<i32>} : memref<200x64xf32, #tpu.memory_space<vmem>>, vector<1x16xf32>,
        %get3A_1158 = vector.shape_cast %get3A_1157 : vector<1x16xf32> to vector<16xf32>
        %add3A_1159 = arith.constant 96 : i32
        %add3A_1160 = arith.addi %add3A_1159, %add3A_1122 : i32
        %get3A_1161 = arith.index_cast %add3A_1160 : i32 to index
        %get3A_1162 = arith.constant 32 : index
        %get3A_1163 = tpu.vector_load %arg13[%get3A_1161, %get3A_1162] {strides = array<i32>} : memref<200x64xf32, #tpu.memory_space<vmem>>, vector<1x16xf32>,
        %get3A_1164 = vector.shape_cast %get3A_1163 : vector<1x16xf32> to vector<16xf32>
        %add3A_1165 = arith.constant 96 : i32
        %add3A_1166 = arith.addi %add3A_1165, %add3A_1122 : i32
        %get3A_1167 = arith.index_cast %add3A_1166 : i32 to index
        %get3A_1168 = arith.constant 48 : index
        %get3A_1169 = tpu.vector_load %arg13[%get3A_1167, %get3A_1168] {strides = array<i32>} : memref<200x64xf32, #tpu.memory_space<vmem>>, vector<1x16xf32>,
        %get3A_1170 = vector.shape_cast %get3A_1169 : vector<1x16xf32> to vector<16xf32>
        %add3A_1171 = arith.addf %get3A_1128, %get3A_1152 : vector<16xf32>
        %mul3A_1172 = vector.broadcast %squeeze3A_1118 : f32 to vector<16xf32>
        %mul3A_1173 = arith.mulf %add3A_1171, %mul3A_1172 : vector<16xf32>
        %add3A_1174 = arith.addf %get3A_1134, %get3A_1158 : vector<16xf32>
        %mul3A_1175 = vector.broadcast %squeeze3A_1118 : f32 to vector<16xf32>
        %mul3A_1176 = arith.mulf %add3A_1174, %mul3A_1175 : vector<16xf32>
        %add3A_1177 = arith.addf %get3A_1140, %get3A_1164 : vector<16xf32>
        %mul3A_1178 = vector.broadcast %squeeze3A_1118 : f32 to vector<16xf32>
        %mul3A_1179 = arith.mulf %add3A_1177, %mul3A_1178 : vector<16xf32>
        %add3A_1180 = arith.addf %get3A_1146, %get3A_1170 : vector<16xf32>
        %mul3A_1181 = vector.broadcast %squeeze3A_1118 : f32 to vector<16xf32>
        %mul3A_1182 = arith.mulf %add3A_1180, %mul3A_1181 : vector<16xf32>
        %swap3A_1183 = arith.index_cast %add3A_1122 : i32 to index
        %swap3A_1184 = arith.constant 0 : index
        %swap3A_1185 = tpu.vector_load %arg12[%swap3A_1183, %swap3A_1184] {strides = array<i32>} : memref<104x64xf32, #tpu.memory_space<vmem>>, vector<1x16xf32>,
        %swap3A_1186 = vector.shape_cast %swap3A_1185 : vector<1x16xf32> to vector<16xf32>
        %swap3A_1187 = vector.shape_cast %mul3A_1173 : vector<16xf32> to vector<1x16xf32>
        tpu.vector_store %arg12[%swap3A_1183, %swap3A_1184], %swap3A_1187 {strides = array<i32>} : memref<104x64xf32, #tpu.memory_space<vmem>>, vector<1x16xf32>,
        %swap3A_1188 = arith.index_cast %add3A_1122 : i32 to index
        %swap3A_1189 = arith.constant 16 : index
        %swap3A_1190 = tpu.vector_load %arg12[%swap3A_1188, %swap3A_1189] {strides = array<i32>} : memref<104x64xf32, #tpu.memory_space<vmem>>, vector<1x16xf32>,
        %swap3A_1191 = vector.shape_cast %swap3A_1190 : vector<1x16xf32> to vector<16xf32>
        %swap3A_1192 = vector.shape_cast %mul3A_1176 : vector<16xf32> to vector<1x16xf32>
        tpu.vector_store %arg12[%swap3A_1188, %swap3A_1189], %swap3A_1192 {strides = array<i32>} : memref<104x64xf32, #tpu.memory_space<vmem>>, vector<1x16xf32>,
        %swap3A_1193 = arith.index_cast %add3A_1122 : i32 to index
        %swap3A_1194 = arith.constant 32 : index
        %swap3A_1195 = tpu.vector_load %arg12[%swap3A_1193, %swap3A_1194] {strides = array<i32>} : memref<104x64xf32, #tpu.memory_space<vmem>>, vector<1x16xf32>,
        %swap3A_1196 = vector.shape_cast %swap3A_1195 : vector<1x16xf32> to vector<16xf32>
        %swap3A_1197 = vector.shape_cast %mul3A_1179 : vector<16xf32> to vector<1x16xf32>
        tpu.vector_store %arg12[%swap3A_1193, %swap3A_1194], %swap3A_1197 {strides = array<i32>} : memref<104x64xf32, #tpu.memory_space<vmem>>, vector<1x16xf32>,
        %swap3A_1198 = arith.index_cast %add3A_1122 : i32 to index
        %swap3A_1199 = arith.constant 48 : index
        %swap3A_1200 = tpu.vector_load %arg12[%swap3A_1198, %swap3A_1199] {strides = array<i32>} : memref<104x64xf32, #tpu.memory_space<vmem>>, vector<1x16xf32>,
        %swap3A_1201 = vector.shape_cast %swap3A_1200 : vector<1x16xf32> to vector<16xf32>
        %swap3A_1202 = vector.shape_cast %mul3A_1182 : vector<16xf32> to vector<1x16xf32>
        tpu.vector_store %arg12[%swap3A_1198, %swap3A_1199], %swap3A_1202 {strides = array<i32>} : memref<104x64xf32, #tpu.memory_space<vmem>>, vector<1x16xf32>,
        %slice3A_1203 = vector.extract_strided_slice %select_n3A_852 {offsets = [4], sizes = [1], strides = [1]} : vector<16xf32> to vector<1xf32>
        %squeeze3A_1204 = vector.extract %slice3A_1203[0] : f32 from vector<1xf32>
        %slice3A_1205 = vector.extract_strided_slice %mul3A_858 {offsets = [4], sizes = [1], strides = [1]} : vector<16xi32> to vector<1xi32>
        %squeeze3A_1206 = vector.extract %slice3A_1205[0] : i32 from vector<1xi32>
        %add3A_1207 = arith.constant 4 : i32
        %add3A_1208 = arith.addi %mul3A_840, %add3A_1207 : i32
        %add3A_1209 = arith.constant 0 : i32
        %add3A_1210 = arith.addi %squeeze3A_1206, %add3A_1209 : i32
        %get3A_1211 = arith.index_cast %add3A_1208 : i32 to index
        %get3A_1212 = arith.index_cast %add3A_1210 : i32 to index
        %get3A_1213 = tpu.vector_load %arg10[%get3A_1211, %get3A_1212] {strides = array<i32>} : memref<104x128xf32, #tpu.memory_space<vmem>>, vector<1x16xf32>,
        %get3A_1214 = vector.shape_cast %get3A_1213 : vector<1x16xf32> to vector<16xf32>
        %add3A_1215 = arith.constant 16 : i32
        %add3A_1216 = arith.addi %squeeze3A_1206, %add3A_1215 : i32
        %get3A_1217 = arith.index_cast %add3A_1208 : i32 to index
        %get3A_1218 = arith.index_cast %add3A_1216 : i32 to index
        %get3A_1219 = tpu.vector_load %arg10[%get3A_1217, %get3A_1218] {strides = array<i32>} : memref<104x128xf32, #tpu.memory_space<vmem>>, vector<1x16xf32>,
        %get3A_1220 = vector.shape_cast %get3A_1219 : vector<1x16xf32> to vector<16xf32>
        %add3A_1221 = arith.constant 32 : i32
        %add3A_1222 = arith.addi %squeeze3A_1206, %add3A_1221 : i32
        %get3A_1223 = arith.index_cast %add3A_1208 : i32 to index
        %get3A_1224 = arith.index_cast %add3A_1222 : i32 to index
        %get3A_1225 = tpu.vector_load %arg10[%get3A_1223, %get3A_1224] {strides = array<i32>} : memref<104x128xf32, #tpu.memory_space<vmem>>, vector<1x16xf32>,
        %get3A_1226 = vector.shape_cast %get3A_1225 : vector<1x16xf32> to vector<16xf32>
        %add3A_1227 = arith.constant 48 : i32
        %add3A_1228 = arith.addi %squeeze3A_1206, %add3A_1227 : i32
        %get3A_1229 = arith.index_cast %add3A_1208 : i32 to index
        %get3A_1230 = arith.index_cast %add3A_1228 : i32 to index
        %get3A_1231 = tpu.vector_load %arg10[%get3A_1229, %get3A_1230] {strides = array<i32>} : memref<104x128xf32, #tpu.memory_space<vmem>>, vector<1x16xf32>,
        %get3A_1232 = vector.shape_cast %get3A_1231 : vector<1x16xf32> to vector<16xf32>
        %add3A_1233 = arith.constant 96 : i32
        %add3A_1234 = arith.addi %add3A_1233, %add3A_1208 : i32
        %get3A_1235 = arith.index_cast %add3A_1234 : i32 to index
        %get3A_1236 = arith.constant 0 : index
        %get3A_1237 = tpu.vector_load %arg13[%get3A_1235, %get3A_1236] {strides = array<i32>} : memref<200x64xf32, #tpu.memory_space<vmem>>, vector<1x16xf32>,
        %get3A_1238 = vector.shape_cast %get3A_1237 : vector<1x16xf32> to vector<16xf32>
        %add3A_1239 = arith.constant 96 : i32
        %add3A_1240 = arith.addi %add3A_1239, %add3A_1208 : i32
        %get3A_1241 = arith.index_cast %add3A_1240 : i32 to index
        %get3A_1242 = arith.constant 16 : index
        %get3A_1243 = tpu.vector_load %arg13[%get3A_1241, %get3A_1242] {strides = array<i32>} : memref<200x64xf32, #tpu.memory_space<vmem>>, vector<1x16xf32>,
        %get3A_1244 = vector.shape_cast %get3A_1243 : vector<1x16xf32> to vector<16xf32>
        %add3A_1245 = arith.constant 96 : i32
        %add3A_1246 = arith.addi %add3A_1245, %add3A_1208 : i32
        %get3A_1247 = arith.index_cast %add3A_1246 : i32 to index
        %get3A_1248 = arith.constant 32 : index
        %get3A_1249 = tpu.vector_load %arg13[%get3A_1247, %get3A_1248] {strides = array<i32>} : memref<200x64xf32, #tpu.memory_space<vmem>>, vector<1x16xf32>,
        %get3A_1250 = vector.shape_cast %get3A_1249 : vector<1x16xf32> to vector<16xf32>
        %add3A_1251 = arith.constant 96 : i32
        %add3A_1252 = arith.addi %add3A_1251, %add3A_1208 : i32
        %get3A_1253 = arith.index_cast %add3A_1252 : i32 to index
        %get3A_1254 = arith.constant 48 : index
        %get3A_1255 = tpu.vector_load %arg13[%get3A_1253, %get3A_1254] {strides = array<i32>} : memref<200x64xf32, #tpu.memory_space<vmem>>, vector<1x16xf32>,
        %get3A_1256 = vector.shape_cast %get3A_1255 : vector<1x16xf32> to vector<16xf32>
        %add3A_1257 = arith.addf %get3A_1214, %get3A_1238 : vector<16xf32>
        %mul3A_1258 = vector.broadcast %squeeze3A_1204 : f32 to vector<16xf32>
        %mul3A_1259 = arith.mulf %add3A_1257, %mul3A_1258 : vector<16xf32>
        %add3A_1260 = arith.addf %get3A_1220, %get3A_1244 : vector<16xf32>
        %mul3A_1261 = vector.broadcast %squeeze3A_1204 : f32 to vector<16xf32>
        %mul3A_1262 = arith.mulf %add3A_1260, %mul3A_1261 : vector<16xf32>
        %add3A_1263 = arith.addf %get3A_1226, %get3A_1250 : vector<16xf32>
        %mul3A_1264 = vector.broadcast %squeeze3A_1204 : f32 to vector<16xf32>
        %mul3A_1265 = arith.mulf %add3A_1263, %mul3A_1264 : vector<16xf32>
        %add3A_1266 = arith.addf %get3A_1232, %get3A_1256 : vector<16xf32>
        %mul3A_1267 = vector.broadcast %squeeze3A_1204 : f32 to vector<16xf32>
        %mul3A_1268 = arith.mulf %add3A_1266, %mul3A_1267 : vector<16xf32>
        %swap3A_1269 = arith.index_cast %add3A_1208 : i32 to index
        %swap3A_1270 = arith.constant 0 : index
        %swap3A_1271 = tpu.vector_load %arg12[%swap3A_1269, %swap3A_1270] {strides = array<i32>} : memref<104x64xf32, #tpu.memory_space<vmem>>, vector<1x16xf32>,
        %swap3A_1272 = vector.shape_cast %swap3A_1271 : vector<1x16xf32> to vector<16xf32>
        %swap3A_1273 = vector.shape_cast %mul3A_1259 : vector<16xf32> to vector<1x16xf32>
        tpu.vector_store %arg12[%swap3A_1269, %swap3A_1270], %swap3A_1273 {strides = array<i32>} : memref<104x64xf32, #tpu.memory_space<vmem>>, vector<1x16xf32>,
        %swap3A_1274 = arith.index_cast %add3A_1208 : i32 to index
        %swap3A_1275 = arith.constant 16 : index
        %swap3A_1276 = tpu.vector_load %arg12[%swap3A_1274, %swap3A_1275] {strides = array<i32>} : memref<104x64xf32, #tpu.memory_space<vmem>>, vector<1x16xf32>,
        %swap3A_1277 = vector.shape_cast %swap3A_1276 : vector<1x16xf32> to vector<16xf32>
        %swap3A_1278 = vector.shape_cast %mul3A_1262 : vector<16xf32> to vector<1x16xf32>
        tpu.vector_store %arg12[%swap3A_1274, %swap3A_1275], %swap3A_1278 {strides = array<i32>} : memref<104x64xf32, #tpu.memory_space<vmem>>, vector<1x16xf32>,
        %swap3A_1279 = arith.index_cast %add3A_1208 : i32 to index
        %swap3A_1280 = arith.constant 32 : index
        %swap3A_1281 = tpu.vector_load %arg12[%swap3A_1279, %swap3A_1280] {strides = array<i32>} : memref<104x64xf32, #tpu.memory_space<vmem>>, vector<1x16xf32>,
        %swap3A_1282 = vector.shape_cast %swap3A_1281 : vector<1x16xf32> to vector<16xf32>
        %swap3A_1283 = vector.shape_cast %mul3A_1265 : vector<16xf32> to vector<1x16xf32>
        tpu.vector_store %arg12[%swap3A_1279, %swap3A_1280], %swap3A_1283 {strides = array<i32>} : memref<104x64xf32, #tpu.memory_space<vmem>>, vector<1x16xf32>,
        %swap3A_1284 = arith.index_cast %add3A_1208 : i32 to index
        %swap3A_1285 = arith.constant 48 : index
        %swap3A_1286 = tpu.vector_load %arg12[%swap3A_1284, %swap3A_1285] {strides = array<i32>} : memref<104x64xf32, #tpu.memory_space<vmem>>, vector<1x16xf32>,
        %swap3A_1287 = vector.shape_cast %swap3A_1286 : vector<1x16xf32> to vector<16xf32>
        %swap3A_1288 = vector.shape_cast %mul3A_1268 : vector<16xf32> to vector<1x16xf32>
        tpu.vector_store %arg12[%swap3A_1284, %swap3A_1285], %swap3A_1288 {strides = array<i32>} : memref<104x64xf32, #tpu.memory_space<vmem>>, vector<1x16xf32>,
        %slice3A_1289 = vector.extract_strided_slice %select_n3A_852 {offsets = [5], sizes = [1], strides = [1]} : vector<16xf32> to vector<1xf32>
        %squeeze3A_1290 = vector.extract %slice3A_1289[0] : f32 from vector<1xf32>
        %slice3A_1291 = vector.extract_strided_slice %mul3A_858 {offsets = [5], sizes = [1], strides = [1]} : vector<16xi32> to vector<1xi32>
        %squeeze3A_1292 = vector.extract %slice3A_1291[0] : i32 from vector<1xi32>
        %add3A_1293 = arith.constant 5 : i32
        %add3A_1294 = arith.addi %mul3A_840, %add3A_1293 : i32
        %add3A_1295 = arith.constant 0 : i32
        %add3A_1296 = arith.addi %squeeze3A_1292, %add3A_1295 : i32
        %get3A_1297 = arith.index_cast %add3A_1294 : i32 to index
        %get3A_1298 = arith.index_cast %add3A_1296 : i32 to index
        %get3A_1299 = tpu.vector_load %arg10[%get3A_1297, %get3A_1298] {strides = array<i32>} : memref<104x128xf32, #tpu.memory_space<vmem>>, vector<1x16xf32>,
        %get3A_1300 = vector.shape_cast %get3A_1299 : vector<1x16xf32> to vector<16xf32>
        %add3A_1301 = arith.constant 16 : i32
        %add3A_1302 = arith.addi %squeeze3A_1292, %add3A_1301 : i32
        %get3A_1303 = arith.index_cast %add3A_1294 : i32 to index
        %get3A_1304 = arith.index_cast %add3A_1302 : i32 to index
        %get3A_1305 = tpu.vector_load %arg10[%get3A_1303, %get3A_1304] {strides = array<i32>} : memref<104x128xf32, #tpu.memory_space<vmem>>, vector<1x16xf32>,
        %get3A_1306 = vector.shape_cast %get3A_1305 : vector<1x16xf32> to vector<16xf32>
        %add3A_1307 = arith.constant 32 : i32
        %add3A_1308 = arith.addi %squeeze3A_1292, %add3A_1307 : i32
        %get3A_1309 = arith.index_cast %add3A_1294 : i32 to index
        %get3A_1310 = arith.index_cast %add3A_1308 : i32 to index
        %get3A_1311 = tpu.vector_load %arg10[%get3A_1309, %get3A_1310] {strides = array<i32>} : memref<104x128xf32, #tpu.memory_space<vmem>>, vector<1x16xf32>,
        %get3A_1312 = vector.shape_cast %get3A_1311 : vector<1x16xf32> to vector<16xf32>
        %add3A_1313 = arith.constant 48 : i32
        %add3A_1314 = arith.addi %squeeze3A_1292, %add3A_1313 : i32
        %get3A_1315 = arith.index_cast %add3A_1294 : i32 to index
        %get3A_1316 = arith.index_cast %add3A_1314 : i32 to index
        %get3A_1317 = tpu.vector_load %arg10[%get3A_1315, %get3A_1316] {strides = array<i32>} : memref<104x128xf32, #tpu.memory_space<vmem>>, vector<1x16xf32>,
        %get3A_1318 = vector.shape_cast %get3A_1317 : vector<1x16xf32> to vector<16xf32>
        %add3A_1319 = arith.constant 96 : i32
        %add3A_1320 = arith.addi %add3A_1319, %add3A_1294 : i32
        %get3A_1321 = arith.index_cast %add3A_1320 : i32 to index
        %get3A_1322 = arith.constant 0 : index
        %get3A_1323 = tpu.vector_load %arg13[%get3A_1321, %get3A_1322] {strides = array<i32>} : memref<200x64xf32, #tpu.memory_space<vmem>>, vector<1x16xf32>,
        %get3A_1324 = vector.shape_cast %get3A_1323 : vector<1x16xf32> to vector<16xf32>
        %add3A_1325 = arith.constant 96 : i32
        %add3A_1326 = arith.addi %add3A_1325, %add3A_1294 : i32
        %get3A_1327 = arith.index_cast %add3A_1326 : i32 to index
        %get3A_1328 = arith.constant 16 : index
        %get3A_1329 = tpu.vector_load %arg13[%get3A_1327, %get3A_1328] {strides = array<i32>} : memref<200x64xf32, #tpu.memory_space<vmem>>, vector<1x16xf32>,
        %get3A_1330 = vector.shape_cast %get3A_1329 : vector<1x16xf32> to vector<16xf32>
        %add3A_1331 = arith.constant 96 : i32
        %add3A_1332 = arith.addi %add3A_1331, %add3A_1294 : i32
        %get3A_1333 = arith.index_cast %add3A_1332 : i32 to index
        %get3A_1334 = arith.constant 32 : index
        %get3A_1335 = tpu.vector_load %arg13[%get3A_1333, %get3A_1334] {strides = array<i32>} : memref<200x64xf32, #tpu.memory_space<vmem>>, vector<1x16xf32>,
        %get3A_1336 = vector.shape_cast %get3A_1335 : vector<1x16xf32> to vector<16xf32>
        %add3A_1337 = arith.constant 96 : i32
        %add3A_1338 = arith.addi %add3A_1337, %add3A_1294 : i32
        %get3A_1339 = arith.index_cast %add3A_1338 : i32 to index
        %get3A_1340 = arith.constant 48 : index
        %get3A_1341 = tpu.vector_load %arg13[%get3A_1339, %get3A_1340] {strides = array<i32>} : memref<200x64xf32, #tpu.memory_space<vmem>>, vector<1x16xf32>,
        %get3A_1342 = vector.shape_cast %get3A_1341 : vector<1x16xf32> to vector<16xf32>
        %add3A_1343 = arith.addf %get3A_1300, %get3A_1324 : vector<16xf32>
        %mul3A_1344 = vector.broadcast %squeeze3A_1290 : f32 to vector<16xf32>
        %mul3A_1345 = arith.mulf %add3A_1343, %mul3A_1344 : vector<16xf32>
        %add3A_1346 = arith.addf %get3A_1306, %get3A_1330 : vector<16xf32>
        %mul3A_1347 = vector.broadcast %squeeze3A_1290 : f32 to vector<16xf32>
        %mul3A_1348 = arith.mulf %add3A_1346, %mul3A_1347 : vector<16xf32>
        %add3A_1349 = arith.addf %get3A_1312, %get3A_1336 : vector<16xf32>
        %mul3A_1350 = vector.broadcast %squeeze3A_1290 : f32 to vector<16xf32>
        %mul3A_1351 = arith.mulf %add3A_1349, %mul3A_1350 : vector<16xf32>
        %add3A_1352 = arith.addf %get3A_1318, %get3A_1342 : vector<16xf32>
        %mul3A_1353 = vector.broadcast %squeeze3A_1290 : f32 to vector<16xf32>
        %mul3A_1354 = arith.mulf %add3A_1352, %mul3A_1353 : vector<16xf32>
        %swap3A_1355 = arith.index_cast %add3A_1294 : i32 to index
        %swap3A_1356 = arith.constant 0 : index
        %swap3A_1357 = tpu.vector_load %arg12[%swap3A_1355, %swap3A_1356] {strides = array<i32>} : memref<104x64xf32, #tpu.memory_space<vmem>>, vector<1x16xf32>,
        %swap3A_1358 = vector.shape_cast %swap3A_1357 : vector<1x16xf32> to vector<16xf32>
        %swap3A_1359 = vector.shape_cast %mul3A_1345 : vector<16xf32> to vector<1x16xf32>
        tpu.vector_store %arg12[%swap3A_1355, %swap3A_1356], %swap3A_1359 {strides = array<i32>} : memref<104x64xf32, #tpu.memory_space<vmem>>, vector<1x16xf32>,
        %swap3A_1360 = arith.index_cast %add3A_1294 : i32 to index
        %swap3A_1361 = arith.constant 16 : index
        %swap3A_1362 = tpu.vector_load %arg12[%swap3A_1360, %swap3A_1361] {strides = array<i32>} : memref<104x64xf32, #tpu.memory_space<vmem>>, vector<1x16xf32>,
        %swap3A_1363 = vector.shape_cast %swap3A_1362 : vector<1x16xf32> to vector<16xf32>
        %swap3A_1364 = vector.shape_cast %mul3A_1348 : vector<16xf32> to vector<1x16xf32>
        tpu.vector_store %arg12[%swap3A_1360, %swap3A_1361], %swap3A_1364 {strides = array<i32>} : memref<104x64xf32, #tpu.memory_space<vmem>>, vector<1x16xf32>,
        %swap3A_1365 = arith.index_cast %add3A_1294 : i32 to index
        %swap3A_1366 = arith.constant 32 : index
        %swap3A_1367 = tpu.vector_load %arg12[%swap3A_1365, %swap3A_1366] {strides = array<i32>} : memref<104x64xf32, #tpu.memory_space<vmem>>, vector<1x16xf32>,
        %swap3A_1368 = vector.shape_cast %swap3A_1367 : vector<1x16xf32> to vector<16xf32>
        %swap3A_1369 = vector.shape_cast %mul3A_1351 : vector<16xf32> to vector<1x16xf32>
        tpu.vector_store %arg12[%swap3A_1365, %swap3A_1366], %swap3A_1369 {strides = array<i32>} : memref<104x64xf32, #tpu.memory_space<vmem>>, vector<1x16xf32>,
        %swap3A_1370 = arith.index_cast %add3A_1294 : i32 to index
        %swap3A_1371 = arith.constant 48 : index
        %swap3A_1372 = tpu.vector_load %arg12[%swap3A_1370, %swap3A_1371] {strides = array<i32>} : memref<104x64xf32, #tpu.memory_space<vmem>>, vector<1x16xf32>,
        %swap3A_1373 = vector.shape_cast %swap3A_1372 : vector<1x16xf32> to vector<16xf32>
        %swap3A_1374 = vector.shape_cast %mul3A_1354 : vector<16xf32> to vector<1x16xf32>
        tpu.vector_store %arg12[%swap3A_1370, %swap3A_1371], %swap3A_1374 {strides = array<i32>} : memref<104x64xf32, #tpu.memory_space<vmem>>, vector<1x16xf32>,
        %slice3A_1375 = vector.extract_strided_slice %select_n3A_852 {offsets = [6], sizes = [1], strides = [1]} : vector<16xf32> to vector<1xf32>
        %squeeze3A_1376 = vector.extract %slice3A_1375[0] : f32 from vector<1xf32>
        %slice3A_1377 = vector.extract_strided_slice %mul3A_858 {offsets = [6], sizes = [1], strides = [1]} : vector<16xi32> to vector<1xi32>
        %squeeze3A_1378 = vector.extract %slice3A_1377[0] : i32 from vector<1xi32>
        %add3A_1379 = arith.constant 6 : i32
        %add3A_1380 = arith.addi %mul3A_840, %add3A_1379 : i32
        %add3A_1381 = arith.constant 0 : i32
        %add3A_1382 = arith.addi %squeeze3A_1378, %add3A_1381 : i32
        %get3A_1383 = arith.index_cast %add3A_1380 : i32 to index
        %get3A_1384 = arith.index_cast %add3A_1382 : i32 to index
        %get3A_1385 = tpu.vector_load %arg10[%get3A_1383, %get3A_1384] {strides = array<i32>} : memref<104x128xf32, #tpu.memory_space<vmem>>, vector<1x16xf32>,
        %get3A_1386 = vector.shape_cast %get3A_1385 : vector<1x16xf32> to vector<16xf32>
        %add3A_1387 = arith.constant 16 : i32
        %add3A_1388 = arith.addi %squeeze3A_1378, %add3A_1387 : i32
        %get3A_1389 = arith.index_cast %add3A_1380 : i32 to index
        %get3A_1390 = arith.index_cast %add3A_1388 : i32 to index
        %get3A_1391 = tpu.vector_load %arg10[%get3A_1389, %get3A_1390] {strides = array<i32>} : memref<104x128xf32, #tpu.memory_space<vmem>>, vector<1x16xf32>,
        %get3A_1392 = vector.shape_cast %get3A_1391 : vector<1x16xf32> to vector<16xf32>
        %add3A_1393 = arith.constant 32 : i32
        %add3A_1394 = arith.addi %squeeze3A_1378, %add3A_1393 : i32
        %get3A_1395 = arith.index_cast %add3A_1380 : i32 to index
        %get3A_1396 = arith.index_cast %add3A_1394 : i32 to index
        %get3A_1397 = tpu.vector_load %arg10[%get3A_1395, %get3A_1396] {strides = array<i32>} : memref<104x128xf32, #tpu.memory_space<vmem>>, vector<1x16xf32>,
        %get3A_1398 = vector.shape_cast %get3A_1397 : vector<1x16xf32> to vector<16xf32>
        %add3A_1399 = arith.constant 48 : i32
        %add3A_1400 = arith.addi %squeeze3A_1378, %add3A_1399 : i32
        %get3A_1401 = arith.index_cast %add3A_1380 : i32 to index
        %get3A_1402 = arith.index_cast %add3A_1400 : i32 to index
        %get3A_1403 = tpu.vector_load %arg10[%get3A_1401, %get3A_1402] {strides = array<i32>} : memref<104x128xf32, #tpu.memory_space<vmem>>, vector<1x16xf32>,
        %get3A_1404 = vector.shape_cast %get3A_1403 : vector<1x16xf32> to vector<16xf32>
        %add3A_1405 = arith.constant 96 : i32
        %add3A_1406 = arith.addi %add3A_1405, %add3A_1380 : i32
        %get3A_1407 = arith.index_cast %add3A_1406 : i32 to index
        %get3A_1408 = arith.constant 0 : index
        %get3A_1409 = tpu.vector_load %arg13[%get3A_1407, %get3A_1408] {strides = array<i32>} : memref<200x64xf32, #tpu.memory_space<vmem>>, vector<1x16xf32>,
        %get3A_1410 = vector.shape_cast %get3A_1409 : vector<1x16xf32> to vector<16xf32>
        %add3A_1411 = arith.constant 96 : i32
        %add3A_1412 = arith.addi %add3A_1411, %add3A_1380 : i32
        %get3A_1413 = arith.index_cast %add3A_1412 : i32 to index
        %get3A_1414 = arith.constant 16 : index
        %get3A_1415 = tpu.vector_load %arg13[%get3A_1413, %get3A_1414] {strides = array<i32>} : memref<200x64xf32, #tpu.memory_space<vmem>>, vector<1x16xf32>,
        %get3A_1416 = vector.shape_cast %get3A_1415 : vector<1x16xf32> to vector<16xf32>
        %add3A_1417 = arith.constant 96 : i32
        %add3A_1418 = arith.addi %add3A_1417, %add3A_1380 : i32
        %get3A_1419 = arith.index_cast %add3A_1418 : i32 to index
        %get3A_1420 = arith.constant 32 : index
        %get3A_1421 = tpu.vector_load %arg13[%get3A_1419, %get3A_1420] {strides = array<i32>} : memref<200x64xf32, #tpu.memory_space<vmem>>, vector<1x16xf32>,
        %get3A_1422 = vector.shape_cast %get3A_1421 : vector<1x16xf32> to vector<16xf32>
        %add3A_1423 = arith.constant 96 : i32
        %add3A_1424 = arith.addi %add3A_1423, %add3A_1380 : i32
        %get3A_1425 = arith.index_cast %add3A_1424 : i32 to index
        %get3A_1426 = arith.constant 48 : index
        %get3A_1427 = tpu.vector_load %arg13[%get3A_1425, %get3A_1426] {strides = array<i32>} : memref<200x64xf32, #tpu.memory_space<vmem>>, vector<1x16xf32>,
        %get3A_1428 = vector.shape_cast %get3A_1427 : vector<1x16xf32> to vector<16xf32>
        %add3A_1429 = arith.addf %get3A_1386, %get3A_1410 : vector<16xf32>
        %mul3A_1430 = vector.broadcast %squeeze3A_1376 : f32 to vector<16xf32>
        %mul3A_1431 = arith.mulf %add3A_1429, %mul3A_1430 : vector<16xf32>
        %add3A_1432 = arith.addf %get3A_1392, %get3A_1416 : vector<16xf32>
        %mul3A_1433 = vector.broadcast %squeeze3A_1376 : f32 to vector<16xf32>
        %mul3A_1434 = arith.mulf %add3A_1432, %mul3A_1433 : vector<16xf32>
        %add3A_1435 = arith.addf %get3A_1398, %get3A_1422 : vector<16xf32>
        %mul3A_1436 = vector.broadcast %squeeze3A_1376 : f32 to vector<16xf32>
        %mul3A_1437 = arith.mulf %add3A_1435, %mul3A_1436 : vector<16xf32>
        %add3A_1438 = arith.addf %get3A_1404, %get3A_1428 : vector<16xf32>
        %mul3A_1439 = vector.broadcast %squeeze3A_1376 : f32 to vector<16xf32>
        %mul3A_1440 = arith.mulf %add3A_1438, %mul3A_1439 : vector<16xf32>
        %swap3A_1441 = arith.index_cast %add3A_1380 : i32 to index
        %swap3A_1442 = arith.constant 0 : index
        %swap3A_1443 = tpu.vector_load %arg12[%swap3A_1441, %swap3A_1442] {strides = array<i32>} : memref<104x64xf32, #tpu.memory_space<vmem>>, vector<1x16xf32>,
        %swap3A_1444 = vector.shape_cast %swap3A_1443 : vector<1x16xf32> to vector<16xf32>
        %swap3A_1445 = vector.shape_cast %mul3A_1431 : vector<16xf32> to vector<1x16xf32>
        tpu.vector_store %arg12[%swap3A_1441, %swap3A_1442], %swap3A_1445 {strides = array<i32>} : memref<104x64xf32, #tpu.memory_space<vmem>>, vector<1x16xf32>,
        %swap3A_1446 = arith.index_cast %add3A_1380 : i32 to index
        %swap3A_1447 = arith.constant 16 : index
        %swap3A_1448 = tpu.vector_load %arg12[%swap3A_1446, %swap3A_1447] {strides = array<i32>} : memref<104x64xf32, #tpu.memory_space<vmem>>, vector<1x16xf32>,
        %swap3A_1449 = vector.shape_cast %swap3A_1448 : vector<1x16xf32> to vector<16xf32>
        %swap3A_1450 = vector.shape_cast %mul3A_1434 : vector<16xf32> to vector<1x16xf32>
        tpu.vector_store %arg12[%swap3A_1446, %swap3A_1447], %swap3A_1450 {strides = array<i32>} : memref<104x64xf32, #tpu.memory_space<vmem>>, vector<1x16xf32>,
        %swap3A_1451 = arith.index_cast %add3A_1380 : i32 to index
        %swap3A_1452 = arith.constant 32 : index
        %swap3A_1453 = tpu.vector_load %arg12[%swap3A_1451, %swap3A_1452] {strides = array<i32>} : memref<104x64xf32, #tpu.memory_space<vmem>>, vector<1x16xf32>,
        %swap3A_1454 = vector.shape_cast %swap3A_1453 : vector<1x16xf32> to vector<16xf32>
        %swap3A_1455 = vector.shape_cast %mul3A_1437 : vector<16xf32> to vector<1x16xf32>
        tpu.vector_store %arg12[%swap3A_1451, %swap3A_1452], %swap3A_1455 {strides = array<i32>} : memref<104x64xf32, #tpu.memory_space<vmem>>, vector<1x16xf32>,
        %swap3A_1456 = arith.index_cast %add3A_1380 : i32 to index
        %swap3A_1457 = arith.constant 48 : index
        %swap3A_1458 = tpu.vector_load %arg12[%swap3A_1456, %swap3A_1457] {strides = array<i32>} : memref<104x64xf32, #tpu.memory_space<vmem>>, vector<1x16xf32>,
        %swap3A_1459 = vector.shape_cast %swap3A_1458 : vector<1x16xf32> to vector<16xf32>
        %swap3A_1460 = vector.shape_cast %mul3A_1440 : vector<16xf32> to vector<1x16xf32>
        tpu.vector_store %arg12[%swap3A_1456, %swap3A_1457], %swap3A_1460 {strides = array<i32>} : memref<104x64xf32, #tpu.memory_space<vmem>>, vector<1x16xf32>,
        %slice3A_1461 = vector.extract_strided_slice %select_n3A_852 {offsets = [7], sizes = [1], strides = [1]} : vector<16xf32> to vector<1xf32>
        %squeeze3A_1462 = vector.extract %slice3A_1461[0] : f32 from vector<1xf32>
        %slice3A_1463 = vector.extract_strided_slice %mul3A_858 {offsets = [7], sizes = [1], strides = [1]} : vector<16xi32> to vector<1xi32>
        %squeeze3A_1464 = vector.extract %slice3A_1463[0] : i32 from vector<1xi32>
        %add3A_1465 = arith.constant 7 : i32
        %add3A_1466 = arith.addi %mul3A_840, %add3A_1465 : i32
        %add3A_1467 = arith.constant 0 : i32
        %add3A_1468 = arith.addi %squeeze3A_1464, %add3A_1467 : i32
        %get3A_1469 = arith.index_cast %add3A_1466 : i32 to index
        %get3A_1470 = arith.index_cast %add3A_1468 : i32 to index
        %get3A_1471 = tpu.vector_load %arg10[%get3A_1469, %get3A_1470] {strides = array<i32>} : memref<104x128xf32, #tpu.memory_space<vmem>>, vector<1x16xf32>,
        %get3A_1472 = vector.shape_cast %get3A_1471 : vector<1x16xf32> to vector<16xf32>
        %add3A_1473 = arith.constant 16 : i32
        %add3A_1474 = arith.addi %squeeze3A_1464, %add3A_1473 : i32
        %get3A_1475 = arith.index_cast %add3A_1466 : i32 to index
        %get3A_1476 = arith.index_cast %add3A_1474 : i32 to index
        %get3A_1477 = tpu.vector_load %arg10[%get3A_1475, %get3A_1476] {strides = array<i32>} : memref<104x128xf32, #tpu.memory_space<vmem>>, vector<1x16xf32>,
        %get3A_1478 = vector.shape_cast %get3A_1477 : vector<1x16xf32> to vector<16xf32>
        %add3A_1479 = arith.constant 32 : i32
        %add3A_1480 = arith.addi %squeeze3A_1464, %add3A_1479 : i32
        %get3A_1481 = arith.index_cast %add3A_1466 : i32 to index
        %get3A_1482 = arith.index_cast %add3A_1480 : i32 to index
        %get3A_1483 = tpu.vector_load %arg10[%get3A_1481, %get3A_1482] {strides = array<i32>} : memref<104x128xf32, #tpu.memory_space<vmem>>, vector<1x16xf32>,
        %get3A_1484 = vector.shape_cast %get3A_1483 : vector<1x16xf32> to vector<16xf32>
        %add3A_1485 = arith.constant 48 : i32
        %add3A_1486 = arith.addi %squeeze3A_1464, %add3A_1485 : i32
        %get3A_1487 = arith.index_cast %add3A_1466 : i32 to index
        %get3A_1488 = arith.index_cast %add3A_1486 : i32 to index
        %get3A_1489 = tpu.vector_load %arg10[%get3A_1487, %get3A_1488] {strides = array<i32>} : memref<104x128xf32, #tpu.memory_space<vmem>>, vector<1x16xf32>,
        %get3A_1490 = vector.shape_cast %get3A_1489 : vector<1x16xf32> to vector<16xf32>
        %add3A_1491 = arith.constant 96 : i32
        %add3A_1492 = arith.addi %add3A_1491, %add3A_1466 : i32
        %get3A_1493 = arith.index_cast %add3A_1492 : i32 to index
        %get3A_1494 = arith.constant 0 : index
        %get3A_1495 = tpu.vector_load %arg13[%get3A_1493, %get3A_1494] {strides = array<i32>} : memref<200x64xf32, #tpu.memory_space<vmem>>, vector<1x16xf32>,
        %get3A_1496 = vector.shape_cast %get3A_1495 : vector<1x16xf32> to vector<16xf32>
        %add3A_1497 = arith.constant 96 : i32
        %add3A_1498 = arith.addi %add3A_1497, %add3A_1466 : i32
        %get3A_1499 = arith.index_cast %add3A_1498 : i32 to index
        %get3A_1500 = arith.constant 16 : index
        %get3A_1501 = tpu.vector_load %arg13[%get3A_1499, %get3A_1500] {strides = array<i32>} : memref<200x64xf32, #tpu.memory_space<vmem>>, vector<1x16xf32>,
        %get3A_1502 = vector.shape_cast %get3A_1501 : vector<1x16xf32> to vector<16xf32>
        %add3A_1503 = arith.constant 96 : i32
        %add3A_1504 = arith.addi %add3A_1503, %add3A_1466 : i32
        %get3A_1505 = arith.index_cast %add3A_1504 : i32 to index
        %get3A_1506 = arith.constant 32 : index
        %get3A_1507 = tpu.vector_load %arg13[%get3A_1505, %get3A_1506] {strides = array<i32>} : memref<200x64xf32, #tpu.memory_space<vmem>>, vector<1x16xf32>,
        %get3A_1508 = vector.shape_cast %get3A_1507 : vector<1x16xf32> to vector<16xf32>
        %add3A_1509 = arith.constant 96 : i32
        %add3A_1510 = arith.addi %add3A_1509, %add3A_1466 : i32
        %get3A_1511 = arith.index_cast %add3A_1510 : i32 to index
        %get3A_1512 = arith.constant 48 : index
        %get3A_1513 = tpu.vector_load %arg13[%get3A_1511, %get3A_1512] {strides = array<i32>} : memref<200x64xf32, #tpu.memory_space<vmem>>, vector<1x16xf32>,
        %get3A_1514 = vector.shape_cast %get3A_1513 : vector<1x16xf32> to vector<16xf32>
        %add3A_1515 = arith.addf %get3A_1472, %get3A_1496 : vector<16xf32>
        %mul3A_1516 = vector.broadcast %squeeze3A_1462 : f32 to vector<16xf32>
        %mul3A_1517 = arith.mulf %add3A_1515, %mul3A_1516 : vector<16xf32>
        %add3A_1518 = arith.addf %get3A_1478, %get3A_1502 : vector<16xf32>
        %mul3A_1519 = vector.broadcast %squeeze3A_1462 : f32 to vector<16xf32>
        %mul3A_1520 = arith.mulf %add3A_1518, %mul3A_1519 : vector<16xf32>
        %add3A_1521 = arith.addf %get3A_1484, %get3A_1508 : vector<16xf32>
        %mul3A_1522 = vector.broadcast %squeeze3A_1462 : f32 to vector<16xf32>
        %mul3A_1523 = arith.mulf %add3A_1521, %mul3A_1522 : vector<16xf32>
        %add3A_1524 = arith.addf %get3A_1490, %get3A_1514 : vector<16xf32>
        %mul3A_1525 = vector.broadcast %squeeze3A_1462 : f32 to vector<16xf32>
        %mul3A_1526 = arith.mulf %add3A_1524, %mul3A_1525 : vector<16xf32>
        %swap3A_1527 = arith.index_cast %add3A_1466 : i32 to index
        %swap3A_1528 = arith.constant 0 : index
        %swap3A_1529 = tpu.vector_load %arg12[%swap3A_1527, %swap3A_1528] {strides = array<i32>} : memref<104x64xf32, #tpu.memory_space<vmem>>, vector<1x16xf32>,
        %swap3A_1530 = vector.shape_cast %swap3A_1529 : vector<1x16xf32> to vector<16xf32>
        %swap3A_1531 = vector.shape_cast %mul3A_1517 : vector<16xf32> to vector<1x16xf32>
        tpu.vector_store %arg12[%swap3A_1527, %swap3A_1528], %swap3A_1531 {strides = array<i32>} : memref<104x64xf32, #tpu.memory_space<vmem>>, vector<1x16xf32>,
        %swap3A_1532 = arith.index_cast %add3A_1466 : i32 to index
        %swap3A_1533 = arith.constant 16 : index
        %swap3A_1534 = tpu.vector_load %arg12[%swap3A_1532, %swap3A_1533] {strides = array<i32>} : memref<104x64xf32, #tpu.memory_space<vmem>>, vector<1x16xf32>,
        %swap3A_1535 = vector.shape_cast %swap3A_1534 : vector<1x16xf32> to vector<16xf32>
        %swap3A_1536 = vector.shape_cast %mul3A_1520 : vector<16xf32> to vector<1x16xf32>
        tpu.vector_store %arg12[%swap3A_1532, %swap3A_1533], %swap3A_1536 {strides = array<i32>} : memref<104x64xf32, #tpu.memory_space<vmem>>, vector<1x16xf32>,
        %swap3A_1537 = arith.index_cast %add3A_1466 : i32 to index
        %swap3A_1538 = arith.constant 32 : index
        %swap3A_1539 = tpu.vector_load %arg12[%swap3A_1537, %swap3A_1538] {strides = array<i32>} : memref<104x64xf32, #tpu.memory_space<vmem>>, vector<1x16xf32>,
        %swap3A_1540 = vector.shape_cast %swap3A_1539 : vector<1x16xf32> to vector<16xf32>
        %swap3A_1541 = vector.shape_cast %mul3A_1523 : vector<16xf32> to vector<1x16xf32>
        tpu.vector_store %arg12[%swap3A_1537, %swap3A_1538], %swap3A_1541 {strides = array<i32>} : memref<104x64xf32, #tpu.memory_space<vmem>>, vector<1x16xf32>,
        %swap3A_1542 = arith.index_cast %add3A_1466 : i32 to index
        %swap3A_1543 = arith.constant 48 : index
        %swap3A_1544 = tpu.vector_load %arg12[%swap3A_1542, %swap3A_1543] {strides = array<i32>} : memref<104x64xf32, #tpu.memory_space<vmem>>, vector<1x16xf32>,
        %swap3A_1545 = vector.shape_cast %swap3A_1544 : vector<1x16xf32> to vector<16xf32>
        %swap3A_1546 = vector.shape_cast %mul3A_1526 : vector<16xf32> to vector<1x16xf32>
        tpu.vector_store %arg12[%swap3A_1542, %swap3A_1543], %swap3A_1546 {strides = array<i32>} : memref<104x64xf32, #tpu.memory_space<vmem>>, vector<1x16xf32>,
        %slice3A_1547 = vector.extract_strided_slice %select_n3A_852 {offsets = [8], sizes = [1], strides = [1]} : vector<16xf32> to vector<1xf32>
        %squeeze3A_1548 = vector.extract %slice3A_1547[0] : f32 from vector<1xf32>
        %slice3A_1549 = vector.extract_strided_slice %mul3A_858 {offsets = [8], sizes = [1], strides = [1]} : vector<16xi32> to vector<1xi32>
        %squeeze3A_1550 = vector.extract %slice3A_1549[0] : i32 from vector<1xi32>
        %add3A_1551 = arith.constant 8 : i32
        %add3A_1552 = arith.addi %mul3A_840, %add3A_1551 : i32
        %add3A_1553 = arith.constant 0 : i32
        %add3A_1554 = arith.addi %squeeze3A_1550, %add3A_1553 : i32
        %get3A_1555 = arith.index_cast %add3A_1552 : i32 to index
        %get3A_1556 = arith.index_cast %add3A_1554 : i32 to index
        %get3A_1557 = tpu.vector_load %arg10[%get3A_1555, %get3A_1556] {strides = array<i32>} : memref<104x128xf32, #tpu.memory_space<vmem>>, vector<1x16xf32>,
        %get3A_1558 = vector.shape_cast %get3A_1557 : vector<1x16xf32> to vector<16xf32>
        %add3A_1559 = arith.constant 16 : i32
        %add3A_1560 = arith.addi %squeeze3A_1550, %add3A_1559 : i32
        %get3A_1561 = arith.index_cast %add3A_1552 : i32 to index
        %get3A_1562 = arith.index_cast %add3A_1560 : i32 to index
        %get3A_1563 = tpu.vector_load %arg10[%get3A_1561, %get3A_1562] {strides = array<i32>} : memref<104x128xf32, #tpu.memory_space<vmem>>, vector<1x16xf32>,
        %get3A_1564 = vector.shape_cast %get3A_1563 : vector<1x16xf32> to vector<16xf32>
        %add3A_1565 = arith.constant 32 : i32
        %add3A_1566 = arith.addi %squeeze3A_1550, %add3A_1565 : i32
        %get3A_1567 = arith.index_cast %add3A_1552 : i32 to index
        %get3A_1568 = arith.index_cast %add3A_1566 : i32 to index
        %get3A_1569 = tpu.vector_load %arg10[%get3A_1567, %get3A_1568] {strides = array<i32>} : memref<104x128xf32, #tpu.memory_space<vmem>>, vector<1x16xf32>,
        %get3A_1570 = vector.shape_cast %get3A_1569 : vector<1x16xf32> to vector<16xf32>
        %add3A_1571 = arith.constant 48 : i32
        %add3A_1572 = arith.addi %squeeze3A_1550, %add3A_1571 : i32
        %get3A_1573 = arith.index_cast %add3A_1552 : i32 to index
        %get3A_1574 = arith.index_cast %add3A_1572 : i32 to index
        %get3A_1575 = tpu.vector_load %arg10[%get3A_1573, %get3A_1574] {strides = array<i32>} : memref<104x128xf32, #tpu.memory_space<vmem>>, vector<1x16xf32>,
        %get3A_1576 = vector.shape_cast %get3A_1575 : vector<1x16xf32> to vector<16xf32>
        %add3A_1577 = arith.constant 96 : i32
        %add3A_1578 = arith.addi %add3A_1577, %add3A_1552 : i32
        %get3A_1579 = arith.index_cast %add3A_1578 : i32 to index
        %get3A_1580 = arith.constant 0 : index
        %get3A_1581 = tpu.vector_load %arg13[%get3A_1579, %get3A_1580] {strides = array<i32>} : memref<200x64xf32, #tpu.memory_space<vmem>>, vector<1x16xf32>,
        %get3A_1582 = vector.shape_cast %get3A_1581 : vector<1x16xf32> to vector<16xf32>
        %add3A_1583 = arith.constant 96 : i32
        %add3A_1584 = arith.addi %add3A_1583, %add3A_1552 : i32
        %get3A_1585 = arith.index_cast %add3A_1584 : i32 to index
        %get3A_1586 = arith.constant 16 : index
        %get3A_1587 = tpu.vector_load %arg13[%get3A_1585, %get3A_1586] {strides = array<i32>} : memref<200x64xf32, #tpu.memory_space<vmem>>, vector<1x16xf32>,
        %get3A_1588 = vector.shape_cast %get3A_1587 : vector<1x16xf32> to vector<16xf32>
        %add3A_1589 = arith.constant 96 : i32
        %add3A_1590 = arith.addi %add3A_1589, %add3A_1552 : i32
        %get3A_1591 = arith.index_cast %add3A_1590 : i32 to index
        %get3A_1592 = arith.constant 32 : index
        %get3A_1593 = tpu.vector_load %arg13[%get3A_1591, %get3A_1592] {strides = array<i32>} : memref<200x64xf32, #tpu.memory_space<vmem>>, vector<1x16xf32>,
        %get3A_1594 = vector.shape_cast %get3A_1593 : vector<1x16xf32> to vector<16xf32>
        %add3A_1595 = arith.constant 96 : i32
        %add3A_1596 = arith.addi %add3A_1595, %add3A_1552 : i32
        %get3A_1597 = arith.index_cast %add3A_1596 : i32 to index
        %get3A_1598 = arith.constant 48 : index
        %get3A_1599 = tpu.vector_load %arg13[%get3A_1597, %get3A_1598] {strides = array<i32>} : memref<200x64xf32, #tpu.memory_space<vmem>>, vector<1x16xf32>,
        %get3A_1600 = vector.shape_cast %get3A_1599 : vector<1x16xf32> to vector<16xf32>
        %add3A_1601 = arith.addf %get3A_1558, %get3A_1582 : vector<16xf32>
        %mul3A_1602 = vector.broadcast %squeeze3A_1548 : f32 to vector<16xf32>
        %mul3A_1603 = arith.mulf %add3A_1601, %mul3A_1602 : vector<16xf32>
        %add3A_1604 = arith.addf %get3A_1564, %get3A_1588 : vector<16xf32>
        %mul3A_1605 = vector.broadcast %squeeze3A_1548 : f32 to vector<16xf32>
        %mul3A_1606 = arith.mulf %add3A_1604, %mul3A_1605 : vector<16xf32>
        %add3A_1607 = arith.addf %get3A_1570, %get3A_1594 : vector<16xf32>
        %mul3A_1608 = vector.broadcast %squeeze3A_1548 : f32 to vector<16xf32>
        %mul3A_1609 = arith.mulf %add3A_1607, %mul3A_1608 : vector<16xf32>
        %add3A_1610 = arith.addf %get3A_1576, %get3A_1600 : vector<16xf32>
        %mul3A_1611 = vector.broadcast %squeeze3A_1548 : f32 to vector<16xf32>
        %mul3A_1612 = arith.mulf %add3A_1610, %mul3A_1611 : vector<16xf32>
        %swap3A_1613 = arith.index_cast %add3A_1552 : i32 to index
        %swap3A_1614 = arith.constant 0 : index
        %swap3A_1615 = tpu.vector_load %arg12[%swap3A_1613, %swap3A_1614] {strides = array<i32>} : memref<104x64xf32, #tpu.memory_space<vmem>>, vector<1x16xf32>,
        %swap3A_1616 = vector.shape_cast %swap3A_1615 : vector<1x16xf32> to vector<16xf32>
        %swap3A_1617 = vector.shape_cast %mul3A_1603 : vector<16xf32> to vector<1x16xf32>
        tpu.vector_store %arg12[%swap3A_1613, %swap3A_1614], %swap3A_1617 {strides = array<i32>} : memref<104x64xf32, #tpu.memory_space<vmem>>, vector<1x16xf32>,
        %swap3A_1618 = arith.index_cast %add3A_1552 : i32 to index
        %swap3A_1619 = arith.constant 16 : index
        %swap3A_1620 = tpu.vector_load %arg12[%swap3A_1618, %swap3A_1619] {strides = array<i32>} : memref<104x64xf32, #tpu.memory_space<vmem>>, vector<1x16xf32>,
        %swap3A_1621 = vector.shape_cast %swap3A_1620 : vector<1x16xf32> to vector<16xf32>
        %swap3A_1622 = vector.shape_cast %mul3A_1606 : vector<16xf32> to vector<1x16xf32>
        tpu.vector_store %arg12[%swap3A_1618, %swap3A_1619], %swap3A_1622 {strides = array<i32>} : memref<104x64xf32, #tpu.memory_space<vmem>>, vector<1x16xf32>,
        %swap3A_1623 = arith.index_cast %add3A_1552 : i32 to index
        %swap3A_1624 = arith.constant 32 : index
        %swap3A_1625 = tpu.vector_load %arg12[%swap3A_1623, %swap3A_1624] {strides = array<i32>} : memref<104x64xf32, #tpu.memory_space<vmem>>, vector<1x16xf32>,
        %swap3A_1626 = vector.shape_cast %swap3A_1625 : vector<1x16xf32> to vector<16xf32>
        %swap3A_1627 = vector.shape_cast %mul3A_1609 : vector<16xf32> to vector<1x16xf32>
        tpu.vector_store %arg12[%swap3A_1623, %swap3A_1624], %swap3A_1627 {strides = array<i32>} : memref<104x64xf32, #tpu.memory_space<vmem>>, vector<1x16xf32>,
        %swap3A_1628 = arith.index_cast %add3A_1552 : i32 to index
        %swap3A_1629 = arith.constant 48 : index
        %swap3A_1630 = tpu.vector_load %arg12[%swap3A_1628, %swap3A_1629] {strides = array<i32>} : memref<104x64xf32, #tpu.memory_space<vmem>>, vector<1x16xf32>,
        %swap3A_1631 = vector.shape_cast %swap3A_1630 : vector<1x16xf32> to vector<16xf32>
        %swap3A_1632 = vector.shape_cast %mul3A_1612 : vector<16xf32> to vector<1x16xf32>
        tpu.vector_store %arg12[%swap3A_1628, %swap3A_1629], %swap3A_1632 {strides = array<i32>} : memref<104x64xf32, #tpu.memory_space<vmem>>, vector<1x16xf32>,
        %slice3A_1633 = vector.extract_strided_slice %select_n3A_852 {offsets = [9], sizes = [1], strides = [1]} : vector<16xf32> to vector<1xf32>
        %squeeze3A_1634 = vector.extract %slice3A_1633[0] : f32 from vector<1xf32>
        %slice3A_1635 = vector.extract_strided_slice %mul3A_858 {offsets = [9], sizes = [1], strides = [1]} : vector<16xi32> to vector<1xi32>
        %squeeze3A_1636 = vector.extract %slice3A_1635[0] : i32 from vector<1xi32>
        %add3A_1637 = arith.constant 9 : i32
        %add3A_1638 = arith.addi %mul3A_840, %add3A_1637 : i32
        %add3A_1639 = arith.constant 0 : i32
        %add3A_1640 = arith.addi %squeeze3A_1636, %add3A_1639 : i32
        %get3A_1641 = arith.index_cast %add3A_1638 : i32 to index
        %get3A_1642 = arith.index_cast %add3A_1640 : i32 to index
        %get3A_1643 = tpu.vector_load %arg10[%get3A_1641, %get3A_1642] {strides = array<i32>} : memref<104x128xf32, #tpu.memory_space<vmem>>, vector<1x16xf32>,
        %get3A_1644 = vector.shape_cast %get3A_1643 : vector<1x16xf32> to vector<16xf32>
        %add3A_1645 = arith.constant 16 : i32
        %add3A_1646 = arith.addi %squeeze3A_1636, %add3A_1645 : i32
        %get3A_1647 = arith.index_cast %add3A_1638 : i32 to index
        %get3A_1648 = arith.index_cast %add3A_1646 : i32 to index
        %get3A_1649 = tpu.vector_load %arg10[%get3A_1647, %get3A_1648] {strides = array<i32>} : memref<104x128xf32, #tpu.memory_space<vmem>>, vector<1x16xf32>,
        %get3A_1650 = vector.shape_cast %get3A_1649 : vector<1x16xf32> to vector<16xf32>
        %add3A_1651 = arith.constant 32 : i32
        %add3A_1652 = arith.addi %squeeze3A_1636, %add3A_1651 : i32
        %get3A_1653 = arith.index_cast %add3A_1638 : i32 to index
        %get3A_1654 = arith.index_cast %add3A_1652 : i32 to index
        %get3A_1655 = tpu.vector_load %arg10[%get3A_1653, %get3A_1654] {strides = array<i32>} : memref<104x128xf32, #tpu.memory_space<vmem>>, vector<1x16xf32>,
        %get3A_1656 = vector.shape_cast %get3A_1655 : vector<1x16xf32> to vector<16xf32>
        %add3A_1657 = arith.constant 48 : i32
        %add3A_1658 = arith.addi %squeeze3A_1636, %add3A_1657 : i32
        %get3A_1659 = arith.index_cast %add3A_1638 : i32 to index
        %get3A_1660 = arith.index_cast %add3A_1658 : i32 to index
        %get3A_1661 = tpu.vector_load %arg10[%get3A_1659, %get3A_1660] {strides = array<i32>} : memref<104x128xf32, #tpu.memory_space<vmem>>, vector<1x16xf32>,
        %get3A_1662 = vector.shape_cast %get3A_1661 : vector<1x16xf32> to vector<16xf32>
        %add3A_1663 = arith.constant 96 : i32
        %add3A_1664 = arith.addi %add3A_1663, %add3A_1638 : i32
        %get3A_1665 = arith.index_cast %add3A_1664 : i32 to index
        %get3A_1666 = arith.constant 0 : index
        %get3A_1667 = tpu.vector_load %arg13[%get3A_1665, %get3A_1666] {strides = array<i32>} : memref<200x64xf32, #tpu.memory_space<vmem>>, vector<1x16xf32>,
        %get3A_1668 = vector.shape_cast %get3A_1667 : vector<1x16xf32> to vector<16xf32>
        %add3A_1669 = arith.constant 96 : i32
        %add3A_1670 = arith.addi %add3A_1669, %add3A_1638 : i32
        %get3A_1671 = arith.index_cast %add3A_1670 : i32 to index
        %get3A_1672 = arith.constant 16 : index
        %get3A_1673 = tpu.vector_load %arg13[%get3A_1671, %get3A_1672] {strides = array<i32>} : memref<200x64xf32, #tpu.memory_space<vmem>>, vector<1x16xf32>,
        %get3A_1674 = vector.shape_cast %get3A_1673 : vector<1x16xf32> to vector<16xf32>
        %add3A_1675 = arith.constant 96 : i32
        %add3A_1676 = arith.addi %add3A_1675, %add3A_1638 : i32
        %get3A_1677 = arith.index_cast %add3A_1676 : i32 to index
        %get3A_1678 = arith.constant 32 : index
        %get3A_1679 = tpu.vector_load %arg13[%get3A_1677, %get3A_1678] {strides = array<i32>} : memref<200x64xf32, #tpu.memory_space<vmem>>, vector<1x16xf32>,
        %get3A_1680 = vector.shape_cast %get3A_1679 : vector<1x16xf32> to vector<16xf32>
        %add3A_1681 = arith.constant 96 : i32
        %add3A_1682 = arith.addi %add3A_1681, %add3A_1638 : i32
        %get3A_1683 = arith.index_cast %add3A_1682 : i32 to index
        %get3A_1684 = arith.constant 48 : index
        %get3A_1685 = tpu.vector_load %arg13[%get3A_1683, %get3A_1684] {strides = array<i32>} : memref<200x64xf32, #tpu.memory_space<vmem>>, vector<1x16xf32>,
        %get3A_1686 = vector.shape_cast %get3A_1685 : vector<1x16xf32> to vector<16xf32>
        %add3A_1687 = arith.addf %get3A_1644, %get3A_1668 : vector<16xf32>
        %mul3A_1688 = vector.broadcast %squeeze3A_1634 : f32 to vector<16xf32>
        %mul3A_1689 = arith.mulf %add3A_1687, %mul3A_1688 : vector<16xf32>
        %add3A_1690 = arith.addf %get3A_1650, %get3A_1674 : vector<16xf32>
        %mul3A_1691 = vector.broadcast %squeeze3A_1634 : f32 to vector<16xf32>
        %mul3A_1692 = arith.mulf %add3A_1690, %mul3A_1691 : vector<16xf32>
        %add3A_1693 = arith.addf %get3A_1656, %get3A_1680 : vector<16xf32>
        %mul3A_1694 = vector.broadcast %squeeze3A_1634 : f32 to vector<16xf32>
        %mul3A_1695 = arith.mulf %add3A_1693, %mul3A_1694 : vector<16xf32>
        %add3A_1696 = arith.addf %get3A_1662, %get3A_1686 : vector<16xf32>
        %mul3A_1697 = vector.broadcast %squeeze3A_1634 : f32 to vector<16xf32>
        %mul3A_1698 = arith.mulf %add3A_1696, %mul3A_1697 : vector<16xf32>
        %swap3A_1699 = arith.index_cast %add3A_1638 : i32 to index
        %swap3A_1700 = arith.constant 0 : index
        %swap3A_1701 = tpu.vector_load %arg12[%swap3A_1699, %swap3A_1700] {strides = array<i32>} : memref<104x64xf32, #tpu.memory_space<vmem>>, vector<1x16xf32>,
        %swap3A_1702 = vector.shape_cast %swap3A_1701 : vector<1x16xf32> to vector<16xf32>
        %swap3A_1703 = vector.shape_cast %mul3A_1689 : vector<16xf32> to vector<1x16xf32>
        tpu.vector_store %arg12[%swap3A_1699, %swap3A_1700], %swap3A_1703 {strides = array<i32>} : memref<104x64xf32, #tpu.memory_space<vmem>>, vector<1x16xf32>,
        %swap3A_1704 = arith.index_cast %add3A_1638 : i32 to index
        %swap3A_1705 = arith.constant 16 : index
        %swap3A_1706 = tpu.vector_load %arg12[%swap3A_1704, %swap3A_1705] {strides = array<i32>} : memref<104x64xf32, #tpu.memory_space<vmem>>, vector<1x16xf32>,
        %swap3A_1707 = vector.shape_cast %swap3A_1706 : vector<1x16xf32> to vector<16xf32>
        %swap3A_1708 = vector.shape_cast %mul3A_1692 : vector<16xf32> to vector<1x16xf32>
        tpu.vector_store %arg12[%swap3A_1704, %swap3A_1705], %swap3A_1708 {strides = array<i32>} : memref<104x64xf32, #tpu.memory_space<vmem>>, vector<1x16xf32>,
        %swap3A_1709 = arith.index_cast %add3A_1638 : i32 to index
        %swap3A_1710 = arith.constant 32 : index
        %swap3A_1711 = tpu.vector_load %arg12[%swap3A_1709, %swap3A_1710] {strides = array<i32>} : memref<104x64xf32, #tpu.memory_space<vmem>>, vector<1x16xf32>,
        %swap3A_1712 = vector.shape_cast %swap3A_1711 : vector<1x16xf32> to vector<16xf32>
        %swap3A_1713 = vector.shape_cast %mul3A_1695 : vector<16xf32> to vector<1x16xf32>
        tpu.vector_store %arg12[%swap3A_1709, %swap3A_1710], %swap3A_1713 {strides = array<i32>} : memref<104x64xf32, #tpu.memory_space<vmem>>, vector<1x16xf32>,
        %swap3A_1714 = arith.index_cast %add3A_1638 : i32 to index
        %swap3A_1715 = arith.constant 48 : index
        %swap3A_1716 = tpu.vector_load %arg12[%swap3A_1714, %swap3A_1715] {strides = array<i32>} : memref<104x64xf32, #tpu.memory_space<vmem>>, vector<1x16xf32>,
        %swap3A_1717 = vector.shape_cast %swap3A_1716 : vector<1x16xf32> to vector<16xf32>
        %swap3A_1718 = vector.shape_cast %mul3A_1698 : vector<16xf32> to vector<1x16xf32>
        tpu.vector_store %arg12[%swap3A_1714, %swap3A_1715], %swap3A_1718 {strides = array<i32>} : memref<104x64xf32, #tpu.memory_space<vmem>>, vector<1x16xf32>,
        %slice3A_1719 = vector.extract_strided_slice %select_n3A_852 {offsets = [10], sizes = [1], strides = [1]} : vector<16xf32> to vector<1xf32>
        %squeeze3A_1720 = vector.extract %slice3A_1719[0] : f32 from vector<1xf32>
        %slice3A_1721 = vector.extract_strided_slice %mul3A_858 {offsets = [10], sizes = [1], strides = [1]} : vector<16xi32> to vector<1xi32>
        %squeeze3A_1722 = vector.extract %slice3A_1721[0] : i32 from vector<1xi32>
        %add3A_1723 = arith.constant 10 : i32
        %add3A_1724 = arith.addi %mul3A_840, %add3A_1723 : i32
        %add3A_1725 = arith.constant 0 : i32
        %add3A_1726 = arith.addi %squeeze3A_1722, %add3A_1725 : i32
        %get3A_1727 = arith.index_cast %add3A_1724 : i32 to index
        %get3A_1728 = arith.index_cast %add3A_1726 : i32 to index
        %get3A_1729 = tpu.vector_load %arg10[%get3A_1727, %get3A_1728] {strides = array<i32>} : memref<104x128xf32, #tpu.memory_space<vmem>>, vector<1x16xf32>,
        %get3A_1730 = vector.shape_cast %get3A_1729 : vector<1x16xf32> to vector<16xf32>
        %add3A_1731 = arith.constant 16 : i32
        %add3A_1732 = arith.addi %squeeze3A_1722, %add3A_1731 : i32
        %get3A_1733 = arith.index_cast %add3A_1724 : i32 to index
        %get3A_1734 = arith.index_cast %add3A_1732 : i32 to index
        %get3A_1735 = tpu.vector_load %arg10[%get3A_1733, %get3A_1734] {strides = array<i32>} : memref<104x128xf32, #tpu.memory_space<vmem>>, vector<1x16xf32>,
        %get3A_1736 = vector.shape_cast %get3A_1735 : vector<1x16xf32> to vector<16xf32>
        %add3A_1737 = arith.constant 32 : i32
        %add3A_1738 = arith.addi %squeeze3A_1722, %add3A_1737 : i32
        %get3A_1739 = arith.index_cast %add3A_1724 : i32 to index
        %get3A_1740 = arith.index_cast %add3A_1738 : i32 to index
        %get3A_1741 = tpu.vector_load %arg10[%get3A_1739, %get3A_1740] {strides = array<i32>} : memref<104x128xf32, #tpu.memory_space<vmem>>, vector<1x16xf32>,
        %get3A_1742 = vector.shape_cast %get3A_1741 : vector<1x16xf32> to vector<16xf32>
        %add3A_1743 = arith.constant 48 : i32
        %add3A_1744 = arith.addi %squeeze3A_1722, %add3A_1743 : i32
        %get3A_1745 = arith.index_cast %add3A_1724 : i32 to index
        %get3A_1746 = arith.index_cast %add3A_1744 : i32 to index
        %get3A_1747 = tpu.vector_load %arg10[%get3A_1745, %get3A_1746] {strides = array<i32>} : memref<104x128xf32, #tpu.memory_space<vmem>>, vector<1x16xf32>,
        %get3A_1748 = vector.shape_cast %get3A_1747 : vector<1x16xf32> to vector<16xf32>
        %add3A_1749 = arith.constant 96 : i32
        %add3A_1750 = arith.addi %add3A_1749, %add3A_1724 : i32
        %get3A_1751 = arith.index_cast %add3A_1750 : i32 to index
        %get3A_1752 = arith.constant 0 : index
        %get3A_1753 = tpu.vector_load %arg13[%get3A_1751, %get3A_1752] {strides = array<i32>} : memref<200x64xf32, #tpu.memory_space<vmem>>, vector<1x16xf32>,
        %get3A_1754 = vector.shape_cast %get3A_1753 : vector<1x16xf32> to vector<16xf32>
        %add3A_1755 = arith.constant 96 : i32
        %add3A_1756 = arith.addi %add3A_1755, %add3A_1724 : i32
        %get3A_1757 = arith.index_cast %add3A_1756 : i32 to index
        %get3A_1758 = arith.constant 16 : index
        %get3A_1759 = tpu.vector_load %arg13[%get3A_1757, %get3A_1758] {strides = array<i32>} : memref<200x64xf32, #tpu.memory_space<vmem>>, vector<1x16xf32>,
        %get3A_1760 = vector.shape_cast %get3A_1759 : vector<1x16xf32> to vector<16xf32>
        %add3A_1761 = arith.constant 96 : i32
        %add3A_1762 = arith.addi %add3A_1761, %add3A_1724 : i32
        %get3A_1763 = arith.index_cast %add3A_1762 : i32 to index
        %get3A_1764 = arith.constant 32 : index
        %get3A_1765 = tpu.vector_load %arg13[%get3A_1763, %get3A_1764] {strides = array<i32>} : memref<200x64xf32, #tpu.memory_space<vmem>>, vector<1x16xf32>,
        %get3A_1766 = vector.shape_cast %get3A_1765 : vector<1x16xf32> to vector<16xf32>
        %add3A_1767 = arith.constant 96 : i32
        %add3A_1768 = arith.addi %add3A_1767, %add3A_1724 : i32
        %get3A_1769 = arith.index_cast %add3A_1768 : i32 to index
        %get3A_1770 = arith.constant 48 : index
        %get3A_1771 = tpu.vector_load %arg13[%get3A_1769, %get3A_1770] {strides = array<i32>} : memref<200x64xf32, #tpu.memory_space<vmem>>, vector<1x16xf32>,
        %get3A_1772 = vector.shape_cast %get3A_1771 : vector<1x16xf32> to vector<16xf32>
        %add3A_1773 = arith.addf %get3A_1730, %get3A_1754 : vector<16xf32>
        %mul3A_1774 = vector.broadcast %squeeze3A_1720 : f32 to vector<16xf32>
        %mul3A_1775 = arith.mulf %add3A_1773, %mul3A_1774 : vector<16xf32>
        %add3A_1776 = arith.addf %get3A_1736, %get3A_1760 : vector<16xf32>
        %mul3A_1777 = vector.broadcast %squeeze3A_1720 : f32 to vector<16xf32>
        %mul3A_1778 = arith.mulf %add3A_1776, %mul3A_1777 : vector<16xf32>
        %add3A_1779 = arith.addf %get3A_1742, %get3A_1766 : vector<16xf32>
        %mul3A_1780 = vector.broadcast %squeeze3A_1720 : f32 to vector<16xf32>
        %mul3A_1781 = arith.mulf %add3A_1779, %mul3A_1780 : vector<16xf32>
        %add3A_1782 = arith.addf %get3A_1748, %get3A_1772 : vector<16xf32>
        %mul3A_1783 = vector.broadcast %squeeze3A_1720 : f32 to vector<16xf32>
        %mul3A_1784 = arith.mulf %add3A_1782, %mul3A_1783 : vector<16xf32>
        %swap3A_1785 = arith.index_cast %add3A_1724 : i32 to index
        %swap3A_1786 = arith.constant 0 : index
        %swap3A_1787 = tpu.vector_load %arg12[%swap3A_1785, %swap3A_1786] {strides = array<i32>} : memref<104x64xf32, #tpu.memory_space<vmem>>, vector<1x16xf32>,
        %swap3A_1788 = vector.shape_cast %swap3A_1787 : vector<1x16xf32> to vector<16xf32>
        %swap3A_1789 = vector.shape_cast %mul3A_1775 : vector<16xf32> to vector<1x16xf32>
        tpu.vector_store %arg12[%swap3A_1785, %swap3A_1786], %swap3A_1789 {strides = array<i32>} : memref<104x64xf32, #tpu.memory_space<vmem>>, vector<1x16xf32>,
        %swap3A_1790 = arith.index_cast %add3A_1724 : i32 to index
        %swap3A_1791 = arith.constant 16 : index
        %swap3A_1792 = tpu.vector_load %arg12[%swap3A_1790, %swap3A_1791] {strides = array<i32>} : memref<104x64xf32, #tpu.memory_space<vmem>>, vector<1x16xf32>,
        %swap3A_1793 = vector.shape_cast %swap3A_1792 : vector<1x16xf32> to vector<16xf32>
        %swap3A_1794 = vector.shape_cast %mul3A_1778 : vector<16xf32> to vector<1x16xf32>
        tpu.vector_store %arg12[%swap3A_1790, %swap3A_1791], %swap3A_1794 {strides = array<i32>} : memref<104x64xf32, #tpu.memory_space<vmem>>, vector<1x16xf32>,
        %swap3A_1795 = arith.index_cast %add3A_1724 : i32 to index
        %swap3A_1796 = arith.constant 32 : index
        %swap3A_1797 = tpu.vector_load %arg12[%swap3A_1795, %swap3A_1796] {strides = array<i32>} : memref<104x64xf32, #tpu.memory_space<vmem>>, vector<1x16xf32>,
        %swap3A_1798 = vector.shape_cast %swap3A_1797 : vector<1x16xf32> to vector<16xf32>
        %swap3A_1799 = vector.shape_cast %mul3A_1781 : vector<16xf32> to vector<1x16xf32>
        tpu.vector_store %arg12[%swap3A_1795, %swap3A_1796], %swap3A_1799 {strides = array<i32>} : memref<104x64xf32, #tpu.memory_space<vmem>>, vector<1x16xf32>,
        %swap3A_1800 = arith.index_cast %add3A_1724 : i32 to index
        %swap3A_1801 = arith.constant 48 : index
        %swap3A_1802 = tpu.vector_load %arg12[%swap3A_1800, %swap3A_1801] {strides = array<i32>} : memref<104x64xf32, #tpu.memory_space<vmem>>, vector<1x16xf32>,
        %swap3A_1803 = vector.shape_cast %swap3A_1802 : vector<1x16xf32> to vector<16xf32>
        %swap3A_1804 = vector.shape_cast %mul3A_1784 : vector<16xf32> to vector<1x16xf32>
        tpu.vector_store %arg12[%swap3A_1800, %swap3A_1801], %swap3A_1804 {strides = array<i32>} : memref<104x64xf32, #tpu.memory_space<vmem>>, vector<1x16xf32>,
        %slice3A_1805 = vector.extract_strided_slice %select_n3A_852 {offsets = [11], sizes = [1], strides = [1]} : vector<16xf32> to vector<1xf32>
        %squeeze3A_1806 = vector.extract %slice3A_1805[0] : f32 from vector<1xf32>
        %slice3A_1807 = vector.extract_strided_slice %mul3A_858 {offsets = [11], sizes = [1], strides = [1]} : vector<16xi32> to vector<1xi32>
        %squeeze3A_1808 = vector.extract %slice3A_1807[0] : i32 from vector<1xi32>
        %add3A_1809 = arith.constant 11 : i32
        %add3A_1810 = arith.addi %mul3A_840, %add3A_1809 : i32
        %add3A_1811 = arith.constant 0 : i32
        %add3A_1812 = arith.addi %squeeze3A_1808, %add3A_1811 : i32
        %get3A_1813 = arith.index_cast %add3A_1810 : i32 to index
        %get3A_1814 = arith.index_cast %add3A_1812 : i32 to index
        %get3A_1815 = tpu.vector_load %arg10[%get3A_1813, %get3A_1814] {strides = array<i32>} : memref<104x128xf32, #tpu.memory_space<vmem>>, vector<1x16xf32>,
        %get3A_1816 = vector.shape_cast %get3A_1815 : vector<1x16xf32> to vector<16xf32>
        %add3A_1817 = arith.constant 16 : i32
        %add3A_1818 = arith.addi %squeeze3A_1808, %add3A_1817 : i32
        %get3A_1819 = arith.index_cast %add3A_1810 : i32 to index
        %get3A_1820 = arith.index_cast %add3A_1818 : i32 to index
        %get3A_1821 = tpu.vector_load %arg10[%get3A_1819, %get3A_1820] {strides = array<i32>} : memref<104x128xf32, #tpu.memory_space<vmem>>, vector<1x16xf32>,
        %get3A_1822 = vector.shape_cast %get3A_1821 : vector<1x16xf32> to vector<16xf32>
        %add3A_1823 = arith.constant 32 : i32
        %add3A_1824 = arith.addi %squeeze3A_1808, %add3A_1823 : i32
        %get3A_1825 = arith.index_cast %add3A_1810 : i32 to index
        %get3A_1826 = arith.index_cast %add3A_1824 : i32 to index
        %get3A_1827 = tpu.vector_load %arg10[%get3A_1825, %get3A_1826] {strides = array<i32>} : memref<104x128xf32, #tpu.memory_space<vmem>>, vector<1x16xf32>,
        %get3A_1828 = vector.shape_cast %get3A_1827 : vector<1x16xf32> to vector<16xf32>
        %add3A_1829 = arith.constant 48 : i32
        %add3A_1830 = arith.addi %squeeze3A_1808, %add3A_1829 : i32
        %get3A_1831 = arith.index_cast %add3A_1810 : i32 to index
        %get3A_1832 = arith.index_cast %add3A_1830 : i32 to index
        %get3A_1833 = tpu.vector_load %arg10[%get3A_1831, %get3A_1832] {strides = array<i32>} : memref<104x128xf32, #tpu.memory_space<vmem>>, vector<1x16xf32>,
        %get3A_1834 = vector.shape_cast %get3A_1833 : vector<1x16xf32> to vector<16xf32>
        %add3A_1835 = arith.constant 96 : i32
        %add3A_1836 = arith.addi %add3A_1835, %add3A_1810 : i32
        %get3A_1837 = arith.index_cast %add3A_1836 : i32 to index
        %get3A_1838 = arith.constant 0 : index
        %get3A_1839 = tpu.vector_load %arg13[%get3A_1837, %get3A_1838] {strides = array<i32>} : memref<200x64xf32, #tpu.memory_space<vmem>>, vector<1x16xf32>,
        %get3A_1840 = vector.shape_cast %get3A_1839 : vector<1x16xf32> to vector<16xf32>
        %add3A_1841 = arith.constant 96 : i32
        %add3A_1842 = arith.addi %add3A_1841, %add3A_1810 : i32
        %get3A_1843 = arith.index_cast %add3A_1842 : i32 to index
        %get3A_1844 = arith.constant 16 : index
        %get3A_1845 = tpu.vector_load %arg13[%get3A_1843, %get3A_1844] {strides = array<i32>} : memref<200x64xf32, #tpu.memory_space<vmem>>, vector<1x16xf32>,
        %get3A_1846 = vector.shape_cast %get3A_1845 : vector<1x16xf32> to vector<16xf32>
        %add3A_1847 = arith.constant 96 : i32
        %add3A_1848 = arith.addi %add3A_1847, %add3A_1810 : i32
        %get3A_1849 = arith.index_cast %add3A_1848 : i32 to index
        %get3A_1850 = arith.constant 32 : index
        %get3A_1851 = tpu.vector_load %arg13[%get3A_1849, %get3A_1850] {strides = array<i32>} : memref<200x64xf32, #tpu.memory_space<vmem>>, vector<1x16xf32>,
        %get3A_1852 = vector.shape_cast %get3A_1851 : vector<1x16xf32> to vector<16xf32>
        %add3A_1853 = arith.constant 96 : i32
        %add3A_1854 = arith.addi %add3A_1853, %add3A_1810 : i32
        %get3A_1855 = arith.index_cast %add3A_1854 : i32 to index
        %get3A_1856 = arith.constant 48 : index
        %get3A_1857 = tpu.vector_load %arg13[%get3A_1855, %get3A_1856] {strides = array<i32>} : memref<200x64xf32, #tpu.memory_space<vmem>>, vector<1x16xf32>,
        %get3A_1858 = vector.shape_cast %get3A_1857 : vector<1x16xf32> to vector<16xf32>
        %add3A_1859 = arith.addf %get3A_1816, %get3A_1840 : vector<16xf32>
        %mul3A_1860 = vector.broadcast %squeeze3A_1806 : f32 to vector<16xf32>
        %mul3A_1861 = arith.mulf %add3A_1859, %mul3A_1860 : vector<16xf32>
        %add3A_1862 = arith.addf %get3A_1822, %get3A_1846 : vector<16xf32>
        %mul3A_1863 = vector.broadcast %squeeze3A_1806 : f32 to vector<16xf32>
        %mul3A_1864 = arith.mulf %add3A_1862, %mul3A_1863 : vector<16xf32>
        %add3A_1865 = arith.addf %get3A_1828, %get3A_1852 : vector<16xf32>
        %mul3A_1866 = vector.broadcast %squeeze3A_1806 : f32 to vector<16xf32>
        %mul3A_1867 = arith.mulf %add3A_1865, %mul3A_1866 : vector<16xf32>
        %add3A_1868 = arith.addf %get3A_1834, %get3A_1858 : vector<16xf32>
        %mul3A_1869 = vector.broadcast %squeeze3A_1806 : f32 to vector<16xf32>
        %mul3A_1870 = arith.mulf %add3A_1868, %mul3A_1869 : vector<16xf32>
        %swap3A_1871 = arith.index_cast %add3A_1810 : i32 to index
        %swap3A_1872 = arith.constant 0 : index
        %swap3A_1873 = tpu.vector_load %arg12[%swap3A_1871, %swap3A_1872] {strides = array<i32>} : memref<104x64xf32, #tpu.memory_space<vmem>>, vector<1x16xf32>,
        %swap3A_1874 = vector.shape_cast %swap3A_1873 : vector<1x16xf32> to vector<16xf32>
        %swap3A_1875 = vector.shape_cast %mul3A_1861 : vector<16xf32> to vector<1x16xf32>
        tpu.vector_store %arg12[%swap3A_1871, %swap3A_1872], %swap3A_1875 {strides = array<i32>} : memref<104x64xf32, #tpu.memory_space<vmem>>, vector<1x16xf32>,
        %swap3A_1876 = arith.index_cast %add3A_1810 : i32 to index
        %swap3A_1877 = arith.constant 16 : index
        %swap3A_1878 = tpu.vector_load %arg12[%swap3A_1876, %swap3A_1877] {strides = array<i32>} : memref<104x64xf32, #tpu.memory_space<vmem>>, vector<1x16xf32>,
        %swap3A_1879 = vector.shape_cast %swap3A_1878 : vector<1x16xf32> to vector<16xf32>
        %swap3A_1880 = vector.shape_cast %mul3A_1864 : vector<16xf32> to vector<1x16xf32>
        tpu.vector_store %arg12[%swap3A_1876, %swap3A_1877], %swap3A_1880 {strides = array<i32>} : memref<104x64xf32, #tpu.memory_space<vmem>>, vector<1x16xf32>,
        %swap3A_1881 = arith.index_cast %add3A_1810 : i32 to index
        %swap3A_1882 = arith.constant 32 : index
        %swap3A_1883 = tpu.vector_load %arg12[%swap3A_1881, %swap3A_1882] {strides = array<i32>} : memref<104x64xf32, #tpu.memory_space<vmem>>, vector<1x16xf32>,
        %swap3A_1884 = vector.shape_cast %swap3A_1883 : vector<1x16xf32> to vector<16xf32>
        %swap3A_1885 = vector.shape_cast %mul3A_1867 : vector<16xf32> to vector<1x16xf32>
        tpu.vector_store %arg12[%swap3A_1881, %swap3A_1882], %swap3A_1885 {strides = array<i32>} : memref<104x64xf32, #tpu.memory_space<vmem>>, vector<1x16xf32>,
        %swap3A_1886 = arith.index_cast %add3A_1810 : i32 to index
        %swap3A_1887 = arith.constant 48 : index
        %swap3A_1888 = tpu.vector_load %arg12[%swap3A_1886, %swap3A_1887] {strides = array<i32>} : memref<104x64xf32, #tpu.memory_space<vmem>>, vector<1x16xf32>,
        %swap3A_1889 = vector.shape_cast %swap3A_1888 : vector<1x16xf32> to vector<16xf32>
        %swap3A_1890 = vector.shape_cast %mul3A_1870 : vector<16xf32> to vector<1x16xf32>
        tpu.vector_store %arg12[%swap3A_1886, %swap3A_1887], %swap3A_1890 {strides = array<i32>} : memref<104x64xf32, #tpu.memory_space<vmem>>, vector<1x16xf32>,
        %slice3A_1891 = vector.extract_strided_slice %select_n3A_852 {offsets = [12], sizes = [1], strides = [1]} : vector<16xf32> to vector<1xf32>
        %squeeze3A_1892 = vector.extract %slice3A_1891[0] : f32 from vector<1xf32>
        %slice3A_1893 = vector.extract_strided_slice %mul3A_858 {offsets = [12], sizes = [1], strides = [1]} : vector<16xi32> to vector<1xi32>
        %squeeze3A_1894 = vector.extract %slice3A_1893[0] : i32 from vector<1xi32>
        %add3A_1895 = arith.constant 12 : i32
        %add3A_1896 = arith.addi %mul3A_840, %add3A_1895 : i32
        %add3A_1897 = arith.constant 0 : i32
        %add3A_1898 = arith.addi %squeeze3A_1894, %add3A_1897 : i32
        %get3A_1899 = arith.index_cast %add3A_1896 : i32 to index
        %get3A_1900 = arith.index_cast %add3A_1898 : i32 to index
        %get3A_1901 = tpu.vector_load %arg10[%get3A_1899, %get3A_1900] {strides = array<i32>} : memref<104x128xf32, #tpu.memory_space<vmem>>, vector<1x16xf32>,
        %get3A_1902 = vector.shape_cast %get3A_1901 : vector<1x16xf32> to vector<16xf32>
        %add3A_1903 = arith.constant 16 : i32
        %add3A_1904 = arith.addi %squeeze3A_1894, %add3A_1903 : i32
        %get3A_1905 = arith.index_cast %add3A_1896 : i32 to index
        %get3A_1906 = arith.index_cast %add3A_1904 : i32 to index
        %get3A_1907 = tpu.vector_load %arg10[%get3A_1905, %get3A_1906] {strides = array<i32>} : memref<104x128xf32, #tpu.memory_space<vmem>>, vector<1x16xf32>,
        %get3A_1908 = vector.shape_cast %get3A_1907 : vector<1x16xf32> to vector<16xf32>
        %add3A_1909 = arith.constant 32 : i32
        %add3A_1910 = arith.addi %squeeze3A_1894, %add3A_1909 : i32
        %get3A_1911 = arith.index_cast %add3A_1896 : i32 to index
        %get3A_1912 = arith.index_cast %add3A_1910 : i32 to index
        %get3A_1913 = tpu.vector_load %arg10[%get3A_1911, %get3A_1912] {strides = array<i32>} : memref<104x128xf32, #tpu.memory_space<vmem>>, vector<1x16xf32>,
        %get3A_1914 = vector.shape_cast %get3A_1913 : vector<1x16xf32> to vector<16xf32>
        %add3A_1915 = arith.constant 48 : i32
        %add3A_1916 = arith.addi %squeeze3A_1894, %add3A_1915 : i32
        %get3A_1917 = arith.index_cast %add3A_1896 : i32 to index
        %get3A_1918 = arith.index_cast %add3A_1916 : i32 to index
        %get3A_1919 = tpu.vector_load %arg10[%get3A_1917, %get3A_1918] {strides = array<i32>} : memref<104x128xf32, #tpu.memory_space<vmem>>, vector<1x16xf32>,
        %get3A_1920 = vector.shape_cast %get3A_1919 : vector<1x16xf32> to vector<16xf32>
        %add3A_1921 = arith.constant 96 : i32
        %add3A_1922 = arith.addi %add3A_1921, %add3A_1896 : i32
        %get3A_1923 = arith.index_cast %add3A_1922 : i32 to index
        %get3A_1924 = arith.constant 0 : index
        %get3A_1925 = tpu.vector_load %arg13[%get3A_1923, %get3A_1924] {strides = array<i32>} : memref<200x64xf32, #tpu.memory_space<vmem>>, vector<1x16xf32>,
        %get3A_1926 = vector.shape_cast %get3A_1925 : vector<1x16xf32> to vector<16xf32>
        %add3A_1927 = arith.constant 96 : i32
        %add3A_1928 = arith.addi %add3A_1927, %add3A_1896 : i32
        %get3A_1929 = arith.index_cast %add3A_1928 : i32 to index
        %get3A_1930 = arith.constant 16 : index
        %get3A_1931 = tpu.vector_load %arg13[%get3A_1929, %get3A_1930] {strides = array<i32>} : memref<200x64xf32, #tpu.memory_space<vmem>>, vector<1x16xf32>,
        %get3A_1932 = vector.shape_cast %get3A_1931 : vector<1x16xf32> to vector<16xf32>
        %add3A_1933 = arith.constant 96 : i32
        %add3A_1934 = arith.addi %add3A_1933, %add3A_1896 : i32
        %get3A_1935 = arith.index_cast %add3A_1934 : i32 to index
        %get3A_1936 = arith.constant 32 : index
        %get3A_1937 = tpu.vector_load %arg13[%get3A_1935, %get3A_1936] {strides = array<i32>} : memref<200x64xf32, #tpu.memory_space<vmem>>, vector<1x16xf32>,
        %get3A_1938 = vector.shape_cast %get3A_1937 : vector<1x16xf32> to vector<16xf32>
        %add3A_1939 = arith.constant 96 : i32
        %add3A_1940 = arith.addi %add3A_1939, %add3A_1896 : i32
        %get3A_1941 = arith.index_cast %add3A_1940 : i32 to index
        %get3A_1942 = arith.constant 48 : index
        %get3A_1943 = tpu.vector_load %arg13[%get3A_1941, %get3A_1942] {strides = array<i32>} : memref<200x64xf32, #tpu.memory_space<vmem>>, vector<1x16xf32>,
        %get3A_1944 = vector.shape_cast %get3A_1943 : vector<1x16xf32> to vector<16xf32>
        %add3A_1945 = arith.addf %get3A_1902, %get3A_1926 : vector<16xf32>
        %mul3A_1946 = vector.broadcast %squeeze3A_1892 : f32 to vector<16xf32>
        %mul3A_1947 = arith.mulf %add3A_1945, %mul3A_1946 : vector<16xf32>
        %add3A_1948 = arith.addf %get3A_1908, %get3A_1932 : vector<16xf32>
        %mul3A_1949 = vector.broadcast %squeeze3A_1892 : f32 to vector<16xf32>
        %mul3A_1950 = arith.mulf %add3A_1948, %mul3A_1949 : vector<16xf32>
        %add3A_1951 = arith.addf %get3A_1914, %get3A_1938 : vector<16xf32>
        %mul3A_1952 = vector.broadcast %squeeze3A_1892 : f32 to vector<16xf32>
        %mul3A_1953 = arith.mulf %add3A_1951, %mul3A_1952 : vector<16xf32>
        %add3A_1954 = arith.addf %get3A_1920, %get3A_1944 : vector<16xf32>
        %mul3A_1955 = vector.broadcast %squeeze3A_1892 : f32 to vector<16xf32>
        %mul3A_1956 = arith.mulf %add3A_1954, %mul3A_1955 : vector<16xf32>
        %swap3A_1957 = arith.index_cast %add3A_1896 : i32 to index
        %swap3A_1958 = arith.constant 0 : index
        %swap3A_1959 = tpu.vector_load %arg12[%swap3A_1957, %swap3A_1958] {strides = array<i32>} : memref<104x64xf32, #tpu.memory_space<vmem>>, vector<1x16xf32>,
        %swap3A_1960 = vector.shape_cast %swap3A_1959 : vector<1x16xf32> to vector<16xf32>
        %swap3A_1961 = vector.shape_cast %mul3A_1947 : vector<16xf32> to vector<1x16xf32>
        tpu.vector_store %arg12[%swap3A_1957, %swap3A_1958], %swap3A_1961 {strides = array<i32>} : memref<104x64xf32, #tpu.memory_space<vmem>>, vector<1x16xf32>,
        %swap3A_1962 = arith.index_cast %add3A_1896 : i32 to index
        %swap3A_1963 = arith.constant 16 : index
        %swap3A_1964 = tpu.vector_load %arg12[%swap3A_1962, %swap3A_1963] {strides = array<i32>} : memref<104x64xf32, #tpu.memory_space<vmem>>, vector<1x16xf32>,
        %swap3A_1965 = vector.shape_cast %swap3A_1964 : vector<1x16xf32> to vector<16xf32>
        %swap3A_1966 = vector.shape_cast %mul3A_1950 : vector<16xf32> to vector<1x16xf32>
        tpu.vector_store %arg12[%swap3A_1962, %swap3A_1963], %swap3A_1966 {strides = array<i32>} : memref<104x64xf32, #tpu.memory_space<vmem>>, vector<1x16xf32>,
        %swap3A_1967 = arith.index_cast %add3A_1896 : i32 to index
        %swap3A_1968 = arith.constant 32 : index
        %swap3A_1969 = tpu.vector_load %arg12[%swap3A_1967, %swap3A_1968] {strides = array<i32>} : memref<104x64xf32, #tpu.memory_space<vmem>>, vector<1x16xf32>,
        %swap3A_1970 = vector.shape_cast %swap3A_1969 : vector<1x16xf32> to vector<16xf32>
        %swap3A_1971 = vector.shape_cast %mul3A_1953 : vector<16xf32> to vector<1x16xf32>
        tpu.vector_store %arg12[%swap3A_1967, %swap3A_1968], %swap3A_1971 {strides = array<i32>} : memref<104x64xf32, #tpu.memory_space<vmem>>, vector<1x16xf32>,
        %swap3A_1972 = arith.index_cast %add3A_1896 : i32 to index
        %swap3A_1973 = arith.constant 48 : index
        %swap3A_1974 = tpu.vector_load %arg12[%swap3A_1972, %swap3A_1973] {strides = array<i32>} : memref<104x64xf32, #tpu.memory_space<vmem>>, vector<1x16xf32>,
        %swap3A_1975 = vector.shape_cast %swap3A_1974 : vector<1x16xf32> to vector<16xf32>
        %swap3A_1976 = vector.shape_cast %mul3A_1956 : vector<16xf32> to vector<1x16xf32>
        tpu.vector_store %arg12[%swap3A_1972, %swap3A_1973], %swap3A_1976 {strides = array<i32>} : memref<104x64xf32, #tpu.memory_space<vmem>>, vector<1x16xf32>,
        %slice3A_1977 = vector.extract_strided_slice %select_n3A_852 {offsets = [13], sizes = [1], strides = [1]} : vector<16xf32> to vector<1xf32>
        %squeeze3A_1978 = vector.extract %slice3A_1977[0] : f32 from vector<1xf32>
        %slice3A_1979 = vector.extract_strided_slice %mul3A_858 {offsets = [13], sizes = [1], strides = [1]} : vector<16xi32> to vector<1xi32>
        %squeeze3A_1980 = vector.extract %slice3A_1979[0] : i32 from vector<1xi32>
        %add3A_1981 = arith.constant 13 : i32
        %add3A_1982 = arith.addi %mul3A_840, %add3A_1981 : i32
        %add3A_1983 = arith.constant 0 : i32
        %add3A_1984 = arith.addi %squeeze3A_1980, %add3A_1983 : i32
        %get3A_1985 = arith.index_cast %add3A_1982 : i32 to index
        %get3A_1986 = arith.index_cast %add3A_1984 : i32 to index
        %get3A_1987 = tpu.vector_load %arg10[%get3A_1985, %get3A_1986] {strides = array<i32>} : memref<104x128xf32, #tpu.memory_space<vmem>>, vector<1x16xf32>,
        %get3A_1988 = vector.shape_cast %get3A_1987 : vector<1x16xf32> to vector<16xf32>
        %add3A_1989 = arith.constant 16 : i32
        %add3A_1990 = arith.addi %squeeze3A_1980, %add3A_1989 : i32
        %get3A_1991 = arith.index_cast %add3A_1982 : i32 to index
        %get3A_1992 = arith.index_cast %add3A_1990 : i32 to index
        %get3A_1993 = tpu.vector_load %arg10[%get3A_1991, %get3A_1992] {strides = array<i32>} : memref<104x128xf32, #tpu.memory_space<vmem>>, vector<1x16xf32>,
        %get3A_1994 = vector.shape_cast %get3A_1993 : vector<1x16xf32> to vector<16xf32>
        %add3A_1995 = arith.constant 32 : i32
        %add3A_1996 = arith.addi %squeeze3A_1980, %add3A_1995 : i32
        %get3A_1997 = arith.index_cast %add3A_1982 : i32 to index
        %get3A_1998 = arith.index_cast %add3A_1996 : i32 to index
        %get3A_1999 = tpu.vector_load %arg10[%get3A_1997, %get3A_1998] {strides = array<i32>} : memref<104x128xf32, #tpu.memory_space<vmem>>, vector<1x16xf32>,
        %get3A_2000 = vector.shape_cast %get3A_1999 : vector<1x16xf32> to vector<16xf32>
        %add3A_2001 = arith.constant 48 : i32
        %add3A_2002 = arith.addi %squeeze3A_1980, %add3A_2001 : i32
        %get3A_2003 = arith.index_cast %add3A_1982 : i32 to index
        %get3A_2004 = arith.index_cast %add3A_2002 : i32 to index
        %get3A_2005 = tpu.vector_load %arg10[%get3A_2003, %get3A_2004] {strides = array<i32>} : memref<104x128xf32, #tpu.memory_space<vmem>>, vector<1x16xf32>,
        %get3A_2006 = vector.shape_cast %get3A_2005 : vector<1x16xf32> to vector<16xf32>
        %add3A_2007 = arith.constant 96 : i32
        %add3A_2008 = arith.addi %add3A_2007, %add3A_1982 : i32
        %get3A_2009 = arith.index_cast %add3A_2008 : i32 to index
        %get3A_2010 = arith.constant 0 : index
        %get3A_2011 = tpu.vector_load %arg13[%get3A_2009, %get3A_2010] {strides = array<i32>} : memref<200x64xf32, #tpu.memory_space<vmem>>, vector<1x16xf32>,
        %get3A_2012 = vector.shape_cast %get3A_2011 : vector<1x16xf32> to vector<16xf32>
        %add3A_2013 = arith.constant 96 : i32
        %add3A_2014 = arith.addi %add3A_2013, %add3A_1982 : i32
        %get3A_2015 = arith.index_cast %add3A_2014 : i32 to index
        %get3A_2016 = arith.constant 16 : index
        %get3A_2017 = tpu.vector_load %arg13[%get3A_2015, %get3A_2016] {strides = array<i32>} : memref<200x64xf32, #tpu.memory_space<vmem>>, vector<1x16xf32>,
        %get3A_2018 = vector.shape_cast %get3A_2017 : vector<1x16xf32> to vector<16xf32>
        %add3A_2019 = arith.constant 96 : i32
        %add3A_2020 = arith.addi %add3A_2019, %add3A_1982 : i32
        %get3A_2021 = arith.index_cast %add3A_2020 : i32 to index
        %get3A_2022 = arith.constant 32 : index
        %get3A_2023 = tpu.vector_load %arg13[%get3A_2021, %get3A_2022] {strides = array<i32>} : memref<200x64xf32, #tpu.memory_space<vmem>>, vector<1x16xf32>,
        %get3A_2024 = vector.shape_cast %get3A_2023 : vector<1x16xf32> to vector<16xf32>
        %add3A_2025 = arith.constant 96 : i32
        %add3A_2026 = arith.addi %add3A_2025, %add3A_1982 : i32
        %get3A_2027 = arith.index_cast %add3A_2026 : i32 to index
        %get3A_2028 = arith.constant 48 : index
        %get3A_2029 = tpu.vector_load %arg13[%get3A_2027, %get3A_2028] {strides = array<i32>} : memref<200x64xf32, #tpu.memory_space<vmem>>, vector<1x16xf32>,
        %get3A_2030 = vector.shape_cast %get3A_2029 : vector<1x16xf32> to vector<16xf32>
        %add3A_2031 = arith.addf %get3A_1988, %get3A_2012 : vector<16xf32>
        %mul3A_2032 = vector.broadcast %squeeze3A_1978 : f32 to vector<16xf32>
        %mul3A_2033 = arith.mulf %add3A_2031, %mul3A_2032 : vector<16xf32>
        %add3A_2034 = arith.addf %get3A_1994, %get3A_2018 : vector<16xf32>
        %mul3A_2035 = vector.broadcast %squeeze3A_1978 : f32 to vector<16xf32>
        %mul3A_2036 = arith.mulf %add3A_2034, %mul3A_2035 : vector<16xf32>
        %add3A_2037 = arith.addf %get3A_2000, %get3A_2024 : vector<16xf32>
        %mul3A_2038 = vector.broadcast %squeeze3A_1978 : f32 to vector<16xf32>
        %mul3A_2039 = arith.mulf %add3A_2037, %mul3A_2038 : vector<16xf32>
        %add3A_2040 = arith.addf %get3A_2006, %get3A_2030 : vector<16xf32>
        %mul3A_2041 = vector.broadcast %squeeze3A_1978 : f32 to vector<16xf32>
        %mul3A_2042 = arith.mulf %add3A_2040, %mul3A_2041 : vector<16xf32>
        %swap3A_2043 = arith.index_cast %add3A_1982 : i32 to index
        %swap3A_2044 = arith.constant 0 : index
        %swap3A_2045 = tpu.vector_load %arg12[%swap3A_2043, %swap3A_2044] {strides = array<i32>} : memref<104x64xf32, #tpu.memory_space<vmem>>, vector<1x16xf32>,
        %swap3A_2046 = vector.shape_cast %swap3A_2045 : vector<1x16xf32> to vector<16xf32>
        %swap3A_2047 = vector.shape_cast %mul3A_2033 : vector<16xf32> to vector<1x16xf32>
        tpu.vector_store %arg12[%swap3A_2043, %swap3A_2044], %swap3A_2047 {strides = array<i32>} : memref<104x64xf32, #tpu.memory_space<vmem>>, vector<1x16xf32>,
        %swap3A_2048 = arith.index_cast %add3A_1982 : i32 to index
        %swap3A_2049 = arith.constant 16 : index
        %swap3A_2050 = tpu.vector_load %arg12[%swap3A_2048, %swap3A_2049] {strides = array<i32>} : memref<104x64xf32, #tpu.memory_space<vmem>>, vector<1x16xf32>,
        %swap3A_2051 = vector.shape_cast %swap3A_2050 : vector<1x16xf32> to vector<16xf32>
        %swap3A_2052 = vector.shape_cast %mul3A_2036 : vector<16xf32> to vector<1x16xf32>
        tpu.vector_store %arg12[%swap3A_2048, %swap3A_2049], %swap3A_2052 {strides = array<i32>} : memref<104x64xf32, #tpu.memory_space<vmem>>, vector<1x16xf32>,
        %swap3A_2053 = arith.index_cast %add3A_1982 : i32 to index
        %swap3A_2054 = arith.constant 32 : index
        %swap3A_2055 = tpu.vector_load %arg12[%swap3A_2053, %swap3A_2054] {strides = array<i32>} : memref<104x64xf32, #tpu.memory_space<vmem>>, vector<1x16xf32>,
        %swap3A_2056 = vector.shape_cast %swap3A_2055 : vector<1x16xf32> to vector<16xf32>
        %swap3A_2057 = vector.shape_cast %mul3A_2039 : vector<16xf32> to vector<1x16xf32>
        tpu.vector_store %arg12[%swap3A_2053, %swap3A_2054], %swap3A_2057 {strides = array<i32>} : memref<104x64xf32, #tpu.memory_space<vmem>>, vector<1x16xf32>,
        %swap3A_2058 = arith.index_cast %add3A_1982 : i32 to index
        %swap3A_2059 = arith.constant 48 : index
        %swap3A_2060 = tpu.vector_load %arg12[%swap3A_2058, %swap3A_2059] {strides = array<i32>} : memref<104x64xf32, #tpu.memory_space<vmem>>, vector<1x16xf32>,
        %swap3A_2061 = vector.shape_cast %swap3A_2060 : vector<1x16xf32> to vector<16xf32>
        %swap3A_2062 = vector.shape_cast %mul3A_2042 : vector<16xf32> to vector<1x16xf32>
        tpu.vector_store %arg12[%swap3A_2058, %swap3A_2059], %swap3A_2062 {strides = array<i32>} : memref<104x64xf32, #tpu.memory_space<vmem>>, vector<1x16xf32>,
        %slice3A_2063 = vector.extract_strided_slice %select_n3A_852 {offsets = [14], sizes = [1], strides = [1]} : vector<16xf32> to vector<1xf32>
        %squeeze3A_2064 = vector.extract %slice3A_2063[0] : f32 from vector<1xf32>
        %slice3A_2065 = vector.extract_strided_slice %mul3A_858 {offsets = [14], sizes = [1], strides = [1]} : vector<16xi32> to vector<1xi32>
        %squeeze3A_2066 = vector.extract %slice3A_2065[0] : i32 from vector<1xi32>
        %add3A_2067 = arith.constant 14 : i32
        %add3A_2068 = arith.addi %mul3A_840, %add3A_2067 : i32
        %add3A_2069 = arith.constant 0 : i32
        %add3A_2070 = arith.addi %squeeze3A_2066, %add3A_2069 : i32
        %get3A_2071 = arith.index_cast %add3A_2068 : i32 to index
        %get3A_2072 = arith.index_cast %add3A_2070 : i32 to index
        %get3A_2073 = tpu.vector_load %arg10[%get3A_2071, %get3A_2072] {strides = array<i32>} : memref<104x128xf32, #tpu.memory_space<vmem>>, vector<1x16xf32>,
        %get3A_2074 = vector.shape_cast %get3A_2073 : vector<1x16xf32> to vector<16xf32>
        %add3A_2075 = arith.constant 16 : i32
        %add3A_2076 = arith.addi %squeeze3A_2066, %add3A_2075 : i32
        %get3A_2077 = arith.index_cast %add3A_2068 : i32 to index
        %get3A_2078 = arith.index_cast %add3A_2076 : i32 to index
        %get3A_2079 = tpu.vector_load %arg10[%get3A_2077, %get3A_2078] {strides = array<i32>} : memref<104x128xf32, #tpu.memory_space<vmem>>, vector<1x16xf32>,
        %get3A_2080 = vector.shape_cast %get3A_2079 : vector<1x16xf32> to vector<16xf32>
        %add3A_2081 = arith.constant 32 : i32
        %add3A_2082 = arith.addi %squeeze3A_2066, %add3A_2081 : i32
        %get3A_2083 = arith.index_cast %add3A_2068 : i32 to index
        %get3A_2084 = arith.index_cast %add3A_2082 : i32 to index
        %get3A_2085 = tpu.vector_load %arg10[%get3A_2083, %get3A_2084] {strides = array<i32>} : memref<104x128xf32, #tpu.memory_space<vmem>>, vector<1x16xf32>,
        %get3A_2086 = vector.shape_cast %get3A_2085 : vector<1x16xf32> to vector<16xf32>
        %add3A_2087 = arith.constant 48 : i32
        %add3A_2088 = arith.addi %squeeze3A_2066, %add3A_2087 : i32
        %get3A_2089 = arith.index_cast %add3A_2068 : i32 to index
        %get3A_2090 = arith.index_cast %add3A_2088 : i32 to index
        %get3A_2091 = tpu.vector_load %arg10[%get3A_2089, %get3A_2090] {strides = array<i32>} : memref<104x128xf32, #tpu.memory_space<vmem>>, vector<1x16xf32>,
        %get3A_2092 = vector.shape_cast %get3A_2091 : vector<1x16xf32> to vector<16xf32>
        %add3A_2093 = arith.constant 96 : i32
        %add3A_2094 = arith.addi %add3A_2093, %add3A_2068 : i32
        %get3A_2095 = arith.index_cast %add3A_2094 : i32 to index
        %get3A_2096 = arith.constant 0 : index
        %get3A_2097 = tpu.vector_load %arg13[%get3A_2095, %get3A_2096] {strides = array<i32>} : memref<200x64xf32, #tpu.memory_space<vmem>>, vector<1x16xf32>,
        %get3A_2098 = vector.shape_cast %get3A_2097 : vector<1x16xf32> to vector<16xf32>
        %add3A_2099 = arith.constant 96 : i32
        %add3A_2100 = arith.addi %add3A_2099, %add3A_2068 : i32
        %get3A_2101 = arith.index_cast %add3A_2100 : i32 to index
        %get3A_2102 = arith.constant 16 : index
        %get3A_2103 = tpu.vector_load %arg13[%get3A_2101, %get3A_2102] {strides = array<i32>} : memref<200x64xf32, #tpu.memory_space<vmem>>, vector<1x16xf32>,
        %get3A_2104 = vector.shape_cast %get3A_2103 : vector<1x16xf32> to vector<16xf32>
        %add3A_2105 = arith.constant 96 : i32
        %add3A_2106 = arith.addi %add3A_2105, %add3A_2068 : i32
        %get3A_2107 = arith.index_cast %add3A_2106 : i32 to index
        %get3A_2108 = arith.constant 32 : index
        %get3A_2109 = tpu.vector_load %arg13[%get3A_2107, %get3A_2108] {strides = array<i32>} : memref<200x64xf32, #tpu.memory_space<vmem>>, vector<1x16xf32>,
        %get3A_2110 = vector.shape_cast %get3A_2109 : vector<1x16xf32> to vector<16xf32>
        %add3A_2111 = arith.constant 96 : i32
        %add3A_2112 = arith.addi %add3A_2111, %add3A_2068 : i32
        %get3A_2113 = arith.index_cast %add3A_2112 : i32 to index
        %get3A_2114 = arith.constant 48 : index
        %get3A_2115 = tpu.vector_load %arg13[%get3A_2113, %get3A_2114] {strides = array<i32>} : memref<200x64xf32, #tpu.memory_space<vmem>>, vector<1x16xf32>,
        %get3A_2116 = vector.shape_cast %get3A_2115 : vector<1x16xf32> to vector<16xf32>
        %add3A_2117 = arith.addf %get3A_2074, %get3A_2098 : vector<16xf32>
        %mul3A_2118 = vector.broadcast %squeeze3A_2064 : f32 to vector<16xf32>
        %mul3A_2119 = arith.mulf %add3A_2117, %mul3A_2118 : vector<16xf32>
        %add3A_2120 = arith.addf %get3A_2080, %get3A_2104 : vector<16xf32>
        %mul3A_2121 = vector.broadcast %squeeze3A_2064 : f32 to vector<16xf32>
        %mul3A_2122 = arith.mulf %add3A_2120, %mul3A_2121 : vector<16xf32>
        %add3A_2123 = arith.addf %get3A_2086, %get3A_2110 : vector<16xf32>
        %mul3A_2124 = vector.broadcast %squeeze3A_2064 : f32 to vector<16xf32>
        %mul3A_2125 = arith.mulf %add3A_2123, %mul3A_2124 : vector<16xf32>
        %add3A_2126 = arith.addf %get3A_2092, %get3A_2116 : vector<16xf32>
        %mul3A_2127 = vector.broadcast %squeeze3A_2064 : f32 to vector<16xf32>
        %mul3A_2128 = arith.mulf %add3A_2126, %mul3A_2127 : vector<16xf32>
        %swap3A_2129 = arith.index_cast %add3A_2068 : i32 to index
        %swap3A_2130 = arith.constant 0 : index
        %swap3A_2131 = tpu.vector_load %arg12[%swap3A_2129, %swap3A_2130] {strides = array<i32>} : memref<104x64xf32, #tpu.memory_space<vmem>>, vector<1x16xf32>,
        %swap3A_2132 = vector.shape_cast %swap3A_2131 : vector<1x16xf32> to vector<16xf32>
        %swap3A_2133 = vector.shape_cast %mul3A_2119 : vector<16xf32> to vector<1x16xf32>
        tpu.vector_store %arg12[%swap3A_2129, %swap3A_2130], %swap3A_2133 {strides = array<i32>} : memref<104x64xf32, #tpu.memory_space<vmem>>, vector<1x16xf32>,
        %swap3A_2134 = arith.index_cast %add3A_2068 : i32 to index
        %swap3A_2135 = arith.constant 16 : index
        %swap3A_2136 = tpu.vector_load %arg12[%swap3A_2134, %swap3A_2135] {strides = array<i32>} : memref<104x64xf32, #tpu.memory_space<vmem>>, vector<1x16xf32>,
        %swap3A_2137 = vector.shape_cast %swap3A_2136 : vector<1x16xf32> to vector<16xf32>
        %swap3A_2138 = vector.shape_cast %mul3A_2122 : vector<16xf32> to vector<1x16xf32>
        tpu.vector_store %arg12[%swap3A_2134, %swap3A_2135], %swap3A_2138 {strides = array<i32>} : memref<104x64xf32, #tpu.memory_space<vmem>>, vector<1x16xf32>,
        %swap3A_2139 = arith.index_cast %add3A_2068 : i32 to index
        %swap3A_2140 = arith.constant 32 : index
        %swap3A_2141 = tpu.vector_load %arg12[%swap3A_2139, %swap3A_2140] {strides = array<i32>} : memref<104x64xf32, #tpu.memory_space<vmem>>, vector<1x16xf32>,
        %swap3A_2142 = vector.shape_cast %swap3A_2141 : vector<1x16xf32> to vector<16xf32>
        %swap3A_2143 = vector.shape_cast %mul3A_2125 : vector<16xf32> to vector<1x16xf32>
        tpu.vector_store %arg12[%swap3A_2139, %swap3A_2140], %swap3A_2143 {strides = array<i32>} : memref<104x64xf32, #tpu.memory_space<vmem>>, vector<1x16xf32>,
        %swap3A_2144 = arith.index_cast %add3A_2068 : i32 to index
        %swap3A_2145 = arith.constant 48 : index
        %swap3A_2146 = tpu.vector_load %arg12[%swap3A_2144, %swap3A_2145] {strides = array<i32>} : memref<104x64xf32, #tpu.memory_space<vmem>>, vector<1x16xf32>,
        %swap3A_2147 = vector.shape_cast %swap3A_2146 : vector<1x16xf32> to vector<16xf32>
        %swap3A_2148 = vector.shape_cast %mul3A_2128 : vector<16xf32> to vector<1x16xf32>
        tpu.vector_store %arg12[%swap3A_2144, %swap3A_2145], %swap3A_2148 {strides = array<i32>} : memref<104x64xf32, #tpu.memory_space<vmem>>, vector<1x16xf32>,
        %slice3A_2149 = vector.extract_strided_slice %select_n3A_852 {offsets = [15], sizes = [1], strides = [1]} : vector<16xf32> to vector<1xf32>
        %squeeze3A_2150 = vector.extract %slice3A_2149[0] : f32 from vector<1xf32>
        %slice3A_2151 = vector.extract_strided_slice %mul3A_858 {offsets = [15], sizes = [1], strides = [1]} : vector<16xi32> to vector<1xi32>
        %squeeze3A_2152 = vector.extract %slice3A_2151[0] : i32 from vector<1xi32>
        %add3A_2153 = arith.constant 15 : i32
        %add3A_2154 = arith.addi %mul3A_840, %add3A_2153 : i32
        %add3A_2155 = arith.constant 0 : i32
        %add3A_2156 = arith.addi %squeeze3A_2152, %add3A_2155 : i32
        %get3A_2157 = arith.index_cast %add3A_2154 : i32 to index
        %get3A_2158 = arith.index_cast %add3A_2156 : i32 to index
        %get3A_2159 = tpu.vector_load %arg10[%get3A_2157, %get3A_2158] {strides = array<i32>} : memref<104x128xf32, #tpu.memory_space<vmem>>, vector<1x16xf32>,
        %get3A_2160 = vector.shape_cast %get3A_2159 : vector<1x16xf32> to vector<16xf32>
        %add3A_2161 = arith.constant 16 : i32
        %add3A_2162 = arith.addi %squeeze3A_2152, %add3A_2161 : i32
        %get3A_2163 = arith.index_cast %add3A_2154 : i32 to index
        %get3A_2164 = arith.index_cast %add3A_2162 : i32 to index
        %get3A_2165 = tpu.vector_load %arg10[%get3A_2163, %get3A_2164] {strides = array<i32>} : memref<104x128xf32, #tpu.memory_space<vmem>>, vector<1x16xf32>,
        %get3A_2166 = vector.shape_cast %get3A_2165 : vector<1x16xf32> to vector<16xf32>
        %add3A_2167 = arith.constant 32 : i32
        %add3A_2168 = arith.addi %squeeze3A_2152, %add3A_2167 : i32
        %get3A_2169 = arith.index_cast %add3A_2154 : i32 to index
        %get3A_2170 = arith.index_cast %add3A_2168 : i32 to index
        %get3A_2171 = tpu.vector_load %arg10[%get3A_2169, %get3A_2170] {strides = array<i32>} : memref<104x128xf32, #tpu.memory_space<vmem>>, vector<1x16xf32>,
        %get3A_2172 = vector.shape_cast %get3A_2171 : vector<1x16xf32> to vector<16xf32>
        %add3A_2173 = arith.constant 48 : i32
        %add3A_2174 = arith.addi %squeeze3A_2152, %add3A_2173 : i32
        %get3A_2175 = arith.index_cast %add3A_2154 : i32 to index
        %get3A_2176 = arith.index_cast %add3A_2174 : i32 to index
        %get3A_2177 = tpu.vector_load %arg10[%get3A_2175, %get3A_2176] {strides = array<i32>} : memref<104x128xf32, #tpu.memory_space<vmem>>, vector<1x16xf32>,
        %get3A_2178 = vector.shape_cast %get3A_2177 : vector<1x16xf32> to vector<16xf32>
        %add3A_2179 = arith.constant 96 : i32
        %add3A_2180 = arith.addi %add3A_2179, %add3A_2154 : i32
        %get3A_2181 = arith.index_cast %add3A_2180 : i32 to index
        %get3A_2182 = arith.constant 0 : index
        %get3A_2183 = tpu.vector_load %arg13[%get3A_2181, %get3A_2182] {strides = array<i32>} : memref<200x64xf32, #tpu.memory_space<vmem>>, vector<1x16xf32>,
        %get3A_2184 = vector.shape_cast %get3A_2183 : vector<1x16xf32> to vector<16xf32>
        %add3A_2185 = arith.constant 96 : i32
        %add3A_2186 = arith.addi %add3A_2185, %add3A_2154 : i32
        %get3A_2187 = arith.index_cast %add3A_2186 : i32 to index
        %get3A_2188 = arith.constant 16 : index
        %get3A_2189 = tpu.vector_load %arg13[%get3A_2187, %get3A_2188] {strides = array<i32>} : memref<200x64xf32, #tpu.memory_space<vmem>>, vector<1x16xf32>,
        %get3A_2190 = vector.shape_cast %get3A_2189 : vector<1x16xf32> to vector<16xf32>
        %add3A_2191 = arith.constant 96 : i32
        %add3A_2192 = arith.addi %add3A_2191, %add3A_2154 : i32
        %get3A_2193 = arith.index_cast %add3A_2192 : i32 to index
        %get3A_2194 = arith.constant 32 : index
        %get3A_2195 = tpu.vector_load %arg13[%get3A_2193, %get3A_2194] {strides = array<i32>} : memref<200x64xf32, #tpu.memory_space<vmem>>, vector<1x16xf32>,
        %get3A_2196 = vector.shape_cast %get3A_2195 : vector<1x16xf32> to vector<16xf32>
        %add3A_2197 = arith.constant 96 : i32
        %add3A_2198 = arith.addi %add3A_2197, %add3A_2154 : i32
        %get3A_2199 = arith.index_cast %add3A_2198 : i32 to index
        %get3A_2200 = arith.constant 48 : index
        %get3A_2201 = tpu.vector_load %arg13[%get3A_2199, %get3A_2200] {strides = array<i32>} : memref<200x64xf32, #tpu.memory_space<vmem>>, vector<1x16xf32>,
        %get3A_2202 = vector.shape_cast %get3A_2201 : vector<1x16xf32> to vector<16xf32>
        %add3A_2203 = arith.addf %get3A_2160, %get3A_2184 : vector<16xf32>
        %mul3A_2204 = vector.broadcast %squeeze3A_2150 : f32 to vector<16xf32>
        %mul3A_2205 = arith.mulf %add3A_2203, %mul3A_2204 : vector<16xf32>
        %add3A_2206 = arith.addf %get3A_2166, %get3A_2190 : vector<16xf32>
        %mul3A_2207 = vector.broadcast %squeeze3A_2150 : f32 to vector<16xf32>
        %mul3A_2208 = arith.mulf %add3A_2206, %mul3A_2207 : vector<16xf32>
        %add3A_2209 = arith.addf %get3A_2172, %get3A_2196 : vector<16xf32>
        %mul3A_2210 = vector.broadcast %squeeze3A_2150 : f32 to vector<16xf32>
        %mul3A_2211 = arith.mulf %add3A_2209, %mul3A_2210 : vector<16xf32>
        %add3A_2212 = arith.addf %get3A_2178, %get3A_2202 : vector<16xf32>
        %mul3A_2213 = vector.broadcast %squeeze3A_2150 : f32 to vector<16xf32>
        %mul3A_2214 = arith.mulf %add3A_2212, %mul3A_2213 : vector<16xf32>
        %swap3A_2215 = arith.index_cast %add3A_2154 : i32 to index
        %swap3A_2216 = arith.constant 0 : index
        %swap3A_2217 = tpu.vector_load %arg12[%swap3A_2215, %swap3A_2216] {strides = array<i32>} : memref<104x64xf32, #tpu.memory_space<vmem>>, vector<1x16xf32>,
        %swap3A_2218 = vector.shape_cast %swap3A_2217 : vector<1x16xf32> to vector<16xf32>
        %swap3A_2219 = vector.shape_cast %mul3A_2205 : vector<16xf32> to vector<1x16xf32>
        tpu.vector_store %arg12[%swap3A_2215, %swap3A_2216], %swap3A_2219 {strides = array<i32>} : memref<104x64xf32, #tpu.memory_space<vmem>>, vector<1x16xf32>,
        %swap3A_2220 = arith.index_cast %add3A_2154 : i32 to index
        %swap3A_2221 = arith.constant 16 : index
        %swap3A_2222 = tpu.vector_load %arg12[%swap3A_2220, %swap3A_2221] {strides = array<i32>} : memref<104x64xf32, #tpu.memory_space<vmem>>, vector<1x16xf32>,
        %swap3A_2223 = vector.shape_cast %swap3A_2222 : vector<1x16xf32> to vector<16xf32>
        %swap3A_2224 = vector.shape_cast %mul3A_2208 : vector<16xf32> to vector<1x16xf32>
        tpu.vector_store %arg12[%swap3A_2220, %swap3A_2221], %swap3A_2224 {strides = array<i32>} : memref<104x64xf32, #tpu.memory_space<vmem>>, vector<1x16xf32>,
        %swap3A_2225 = arith.index_cast %add3A_2154 : i32 to index
        %swap3A_2226 = arith.constant 32 : index
        %swap3A_2227 = tpu.vector_load %arg12[%swap3A_2225, %swap3A_2226] {strides = array<i32>} : memref<104x64xf32, #tpu.memory_space<vmem>>, vector<1x16xf32>,
        %swap3A_2228 = vector.shape_cast %swap3A_2227 : vector<1x16xf32> to vector<16xf32>
        %swap3A_2229 = vector.shape_cast %mul3A_2211 : vector<16xf32> to vector<1x16xf32>
        tpu.vector_store %arg12[%swap3A_2225, %swap3A_2226], %swap3A_2229 {strides = array<i32>} : memref<104x64xf32, #tpu.memory_space<vmem>>, vector<1x16xf32>,
        %swap3A_2230 = arith.index_cast %add3A_2154 : i32 to index
        %swap3A_2231 = arith.constant 48 : index
        %swap3A_2232 = tpu.vector_load %arg12[%swap3A_2230, %swap3A_2231] {strides = array<i32>} : memref<104x64xf32, #tpu.memory_space<vmem>>, vector<1x16xf32>,
        %swap3A_2233 = vector.shape_cast %swap3A_2232 : vector<1x16xf32> to vector<16xf32>
        %swap3A_2234 = vector.shape_cast %mul3A_2214 : vector<16xf32> to vector<1x16xf32>
        tpu.vector_store %arg12[%swap3A_2230, %swap3A_2231], %swap3A_2234 {strides = array<i32>} : memref<104x64xf32, #tpu.memory_space<vmem>>, vector<1x16xf32>,
        %scan3A_2235 = arith.constant 0 : i32
        scf.yield %scan3A_2235 : i32
      }
      %scan3A_112 = arith.constant 6 : i32
      %add3A_113 = arith.constant 96 : i32
      %add3A_114 = arith.addi %add3A_105, %add3A_113 : i32
      %get3A = arith.index_cast %add3A_114 : i32 to index
      %get3A_115 = tpu.vector_load %arg6[%get3A] {strides = array<i32>} : memref<6416xi32, #tpu.memory_space<vmem>>, vector<16xi32>,
      %get3A_116 = vector.shape_cast %get3A_115 : vector<16xi32> to vector<16xi32>
      %eq3A = arith.constant 0 : i32
      %eq3A_117 = vector.broadcast %eq3A : i32 to vector<16xi32>
      %eq3A_118 = arith.cmpi eq, %get3A_116, %eq3A_117 : vector<16xi32>
      %jit3A = arith.constant 0.000000e+00 : f32
      %jit3A_119 = arith.constant 1.000000e+00 : f32
      %broadcast_in_dim3A = vector.broadcast %jit3A : f32 to vector<16xf32>
      %broadcast_in_dim3A_120 = vector.broadcast %jit3A_119 : f32 to vector<16xf32>
      %select_n3A = arith.select %eq3A_118, %broadcast_in_dim3A, %broadcast_in_dim3A_120 : vector<16xi1>, vector<16xf32>
      %and3A = arith.constant 1 : i32
      %and3A_121 = vector.broadcast %and3A : i32 to vector<16xi32>
      %and3A_122 = arith.andi %get3A_116, %and3A_121 : vector<16xi32>
      %mul3A_123 = arith.constant 64 : i32
      %mul3A_124 = vector.broadcast %mul3A_123 : i32 to vector<16xi32>
      %mul3A_125 = arith.muli %and3A_122, %mul3A_124 : vector<16xi32>
      %slice3A = vector.extract_strided_slice %select_n3A {offsets = [0], sizes = [1], strides = [1]} : vector<16xf32> to vector<1xf32>
      %squeeze3A = vector.extract %slice3A[0] : f32 from vector<1xf32>
      %slice3A_126 = vector.extract_strided_slice %mul3A_125 {offsets = [0], sizes = [1], strides = [1]} : vector<16xi32> to vector<1xi32>
      %squeeze3A_127 = vector.extract %slice3A_126[0] : i32 from vector<1xi32>
      %add3A_128 = arith.constant 0 : i32
      %add3A_129 = arith.addi %squeeze3A_127, %add3A_128 : i32
      %get3A_130 = arith.constant 96 : i32
      %get3A_131 = arith.index_cast %get3A_130 : i32 to index
      %get3A_132 = arith.index_cast %add3A_129 : i32 to index
      %get3A_133 = tpu.vector_load %arg10[%get3A_131, %get3A_132] {strides = array<i32>} : memref<104x128xf32, #tpu.memory_space<vmem>>, vector<1x16xf32>,
      %get3A_134 = vector.shape_cast %get3A_133 : vector<1x16xf32> to vector<16xf32>
      %add3A_135 = arith.constant 16 : i32
      %add3A_136 = arith.addi %squeeze3A_127, %add3A_135 : i32
      %get3A_137 = arith.constant 96 : i32
      %get3A_138 = arith.index_cast %get3A_137 : i32 to index
      %get3A_139 = arith.index_cast %add3A_136 : i32 to index
      %get3A_140 = tpu.vector_load %arg10[%get3A_138, %get3A_139] {strides = array<i32>} : memref<104x128xf32, #tpu.memory_space<vmem>>, vector<1x16xf32>,
      %get3A_141 = vector.shape_cast %get3A_140 : vector<1x16xf32> to vector<16xf32>
      %add3A_142 = arith.constant 32 : i32
      %add3A_143 = arith.addi %squeeze3A_127, %add3A_142 : i32
      %get3A_144 = arith.constant 96 : i32
      %get3A_145 = arith.index_cast %get3A_144 : i32 to index
      %get3A_146 = arith.index_cast %add3A_143 : i32 to index
      %get3A_147 = tpu.vector_load %arg10[%get3A_145, %get3A_146] {strides = array<i32>} : memref<104x128xf32, #tpu.memory_space<vmem>>, vector<1x16xf32>,
      %get3A_148 = vector.shape_cast %get3A_147 : vector<1x16xf32> to vector<16xf32>
      %add3A_149 = arith.constant 48 : i32
      %add3A_150 = arith.addi %squeeze3A_127, %add3A_149 : i32
      %get3A_151 = arith.constant 96 : i32
      %get3A_152 = arith.index_cast %get3A_151 : i32 to index
      %get3A_153 = arith.index_cast %add3A_150 : i32 to index
      %get3A_154 = tpu.vector_load %arg10[%get3A_152, %get3A_153] {strides = array<i32>} : memref<104x128xf32, #tpu.memory_space<vmem>>, vector<1x16xf32>,
      %get3A_155 = vector.shape_cast %get3A_154 : vector<1x16xf32> to vector<16xf32>
      %get3A_156 = arith.constant 192 : i32
      %get3A_157 = arith.index_cast %get3A_156 : i32 to index
      %get3A_158 = arith.constant 0 : index
      %get3A_159 = tpu.vector_load %arg13[%get3A_157, %get3A_158] {strides = array<i32>} : memref<200x64xf32, #tpu.memory_space<vmem>>, vector<1x16xf32>,
      %get3A_160 = vector.shape_cast %get3A_159 : vector<1x16xf32> to vector<16xf32>
      %get3A_161 = arith.constant 192 : i32
      %get3A_162 = arith.index_cast %get3A_161 : i32 to index
      %get3A_163 = arith.constant 16 : index
      %get3A_164 = tpu.vector_load %arg13[%get3A_162, %get3A_163] {strides = array<i32>} : memref<200x64xf32, #tpu.memory_space<vmem>>, vector<1x16xf32>,
      %get3A_165 = vector.shape_cast %get3A_164 : vector<1x16xf32> to vector<16xf32>
      %get3A_166 = arith.constant 192 : i32
      %get3A_167 = arith.index_cast %get3A_166 : i32 to index
      %get3A_168 = arith.constant 32 : index
      %get3A_169 = tpu.vector_load %arg13[%get3A_167, %get3A_168] {strides = array<i32>} : memref<200x64xf32, #tpu.memory_space<vmem>>, vector<1x16xf32>,
      %get3A_170 = vector.shape_cast %get3A_169 : vector<1x16xf32> to vector<16xf32>
      %get3A_171 = arith.constant 192 : i32
      %get3A_172 = arith.index_cast %get3A_171 : i32 to index
      %get3A_173 = arith.constant 48 : index
      %get3A_174 = tpu.vector_load %arg13[%get3A_172, %get3A_173] {strides = array<i32>} : memref<200x64xf32, #tpu.memory_space<vmem>>, vector<1x16xf32>,
      %get3A_175 = vector.shape_cast %get3A_174 : vector<1x16xf32> to vector<16xf32>
      %add3A_176 = arith.addf %get3A_134, %get3A_160 : vector<16xf32>
      %mul3A_177 = vector.broadcast %squeeze3A : f32 to vector<16xf32>
      %mul3A_178 = arith.mulf %add3A_176, %mul3A_177 : vector<16xf32>
      %add3A_179 = arith.addf %get3A_141, %get3A_165 : vector<16xf32>
      %mul3A_180 = vector.broadcast %squeeze3A : f32 to vector<16xf32>
      %mul3A_181 = arith.mulf %add3A_179, %mul3A_180 : vector<16xf32>
      %add3A_182 = arith.addf %get3A_148, %get3A_170 : vector<16xf32>
      %mul3A_183 = vector.broadcast %squeeze3A : f32 to vector<16xf32>
      %mul3A_184 = arith.mulf %add3A_182, %mul3A_183 : vector<16xf32>
      %add3A_185 = arith.addf %get3A_155, %get3A_175 : vector<16xf32>
      %mul3A_186 = vector.broadcast %squeeze3A : f32 to vector<16xf32>
      %mul3A_187 = arith.mulf %add3A_185, %mul3A_186 : vector<16xf32>
      %swap3A = arith.constant 96 : i32
      %swap3A_188 = arith.index_cast %swap3A : i32 to index
      %swap3A_189 = arith.constant 0 : index
      %swap3A_190 = tpu.vector_load %arg12[%swap3A_188, %swap3A_189] {strides = array<i32>} : memref<104x64xf32, #tpu.memory_space<vmem>>, vector<1x16xf32>,
      %swap3A_191 = vector.shape_cast %swap3A_190 : vector<1x16xf32> to vector<16xf32>
      %swap3A_192 = vector.shape_cast %mul3A_178 : vector<16xf32> to vector<1x16xf32>
      tpu.vector_store %arg12[%swap3A_188, %swap3A_189], %swap3A_192 {strides = array<i32>} : memref<104x64xf32, #tpu.memory_space<vmem>>, vector<1x16xf32>,
      %swap3A_193 = arith.constant 96 : i32
      %swap3A_194 = arith.index_cast %swap3A_193 : i32 to index
      %swap3A_195 = arith.constant 16 : index
      %swap3A_196 = tpu.vector_load %arg12[%swap3A_194, %swap3A_195] {strides = array<i32>} : memref<104x64xf32, #tpu.memory_space<vmem>>, vector<1x16xf32>,
      %swap3A_197 = vector.shape_cast %swap3A_196 : vector<1x16xf32> to vector<16xf32>
      %swap3A_198 = vector.shape_cast %mul3A_181 : vector<16xf32> to vector<1x16xf32>
      tpu.vector_store %arg12[%swap3A_194, %swap3A_195], %swap3A_198 {strides = array<i32>} : memref<104x64xf32, #tpu.memory_space<vmem>>, vector<1x16xf32>,
      %swap3A_199 = arith.constant 96 : i32
      %swap3A_200 = arith.index_cast %swap3A_199 : i32 to index
      %swap3A_201 = arith.constant 32 : index
      %swap3A_202 = tpu.vector_load %arg12[%swap3A_200, %swap3A_201] {strides = array<i32>} : memref<104x64xf32, #tpu.memory_space<vmem>>, vector<1x16xf32>,
      %swap3A_203 = vector.shape_cast %swap3A_202 : vector<1x16xf32> to vector<16xf32>
      %swap3A_204 = vector.shape_cast %mul3A_184 : vector<16xf32> to vector<1x16xf32>
      tpu.vector_store %arg12[%swap3A_200, %swap3A_201], %swap3A_204 {strides = array<i32>} : memref<104x64xf32, #tpu.memory_space<vmem>>, vector<1x16xf32>,
      %swap3A_205 = arith.constant 96 : i32
      %swap3A_206 = arith.index_cast %swap3A_205 : i32 to index
      %swap3A_207 = arith.constant 48 : index
      %swap3A_208 = tpu.vector_load %arg12[%swap3A_206, %swap3A_207] {strides = array<i32>} : memref<104x64xf32, #tpu.memory_space<vmem>>, vector<1x16xf32>,
      %swap3A_209 = vector.shape_cast %swap3A_208 : vector<1x16xf32> to vector<16xf32>
      %swap3A_210 = vector.shape_cast %mul3A_187 : vector<16xf32> to vector<1x16xf32>
      tpu.vector_store %arg12[%swap3A_206, %swap3A_207], %swap3A_210 {strides = array<i32>} : memref<104x64xf32, #tpu.memory_space<vmem>>, vector<1x16xf32>,
      %slice3A_211 = vector.extract_strided_slice %select_n3A {offsets = [1], sizes = [1], strides = [1]} : vector<16xf32> to vector<1xf32>
      %squeeze3A_212 = vector.extract %slice3A_211[0] : f32 from vector<1xf32>
      %slice3A_213 = vector.extract_strided_slice %mul3A_125 {offsets = [1], sizes = [1], strides = [1]} : vector<16xi32> to vector<1xi32>
      %squeeze3A_214 = vector.extract %slice3A_213[0] : i32 from vector<1xi32>
      %add3A_215 = arith.constant 0 : i32
      %add3A_216 = arith.addi %squeeze3A_214, %add3A_215 : i32
      %get3A_217 = arith.constant 97 : i32
      %get3A_218 = arith.index_cast %get3A_217 : i32 to index
      %get3A_219 = arith.index_cast %add3A_216 : i32 to index
      %get3A_220 = tpu.vector_load %arg10[%get3A_218, %get3A_219] {strides = array<i32>} : memref<104x128xf32, #tpu.memory_space<vmem>>, vector<1x16xf32>,
      %get3A_221 = vector.shape_cast %get3A_220 : vector<1x16xf32> to vector<16xf32>
      %add3A_222 = arith.constant 16 : i32
      %add3A_223 = arith.addi %squeeze3A_214, %add3A_222 : i32
      %get3A_224 = arith.constant 97 : i32
      %get3A_225 = arith.index_cast %get3A_224 : i32 to index
      %get3A_226 = arith.index_cast %add3A_223 : i32 to index
      %get3A_227 = tpu.vector_load %arg10[%get3A_225, %get3A_226] {strides = array<i32>} : memref<104x128xf32, #tpu.memory_space<vmem>>, vector<1x16xf32>,
      %get3A_228 = vector.shape_cast %get3A_227 : vector<1x16xf32> to vector<16xf32>
      %add3A_229 = arith.constant 32 : i32
      %add3A_230 = arith.addi %squeeze3A_214, %add3A_229 : i32
      %get3A_231 = arith.constant 97 : i32
      %get3A_232 = arith.index_cast %get3A_231 : i32 to index
      %get3A_233 = arith.index_cast %add3A_230 : i32 to index
      %get3A_234 = tpu.vector_load %arg10[%get3A_232, %get3A_233] {strides = array<i32>} : memref<104x128xf32, #tpu.memory_space<vmem>>, vector<1x16xf32>,
      %get3A_235 = vector.shape_cast %get3A_234 : vector<1x16xf32> to vector<16xf32>
      %add3A_236 = arith.constant 48 : i32
      %add3A_237 = arith.addi %squeeze3A_214, %add3A_236 : i32
      %get3A_238 = arith.constant 97 : i32
      %get3A_239 = arith.index_cast %get3A_238 : i32 to index
      %get3A_240 = arith.index_cast %add3A_237 : i32 to index
      %get3A_241 = tpu.vector_load %arg10[%get3A_239, %get3A_240] {strides = array<i32>} : memref<104x128xf32, #tpu.memory_space<vmem>>, vector<1x16xf32>,
      %get3A_242 = vector.shape_cast %get3A_241 : vector<1x16xf32> to vector<16xf32>
      %get3A_243 = arith.constant 193 : i32
      %get3A_244 = arith.index_cast %get3A_243 : i32 to index
      %get3A_245 = arith.constant 0 : index
      %get3A_246 = tpu.vector_load %arg13[%get3A_244, %get3A_245] {strides = array<i32>} : memref<200x64xf32, #tpu.memory_space<vmem>>, vector<1x16xf32>,
      %get3A_247 = vector.shape_cast %get3A_246 : vector<1x16xf32> to vector<16xf32>
      %get3A_248 = arith.constant 193 : i32
      %get3A_249 = arith.index_cast %get3A_248 : i32 to index
      %get3A_250 = arith.constant 16 : index
      %get3A_251 = tpu.vector_load %arg13[%get3A_249, %get3A_250] {strides = array<i32>} : memref<200x64xf32, #tpu.memory_space<vmem>>, vector<1x16xf32>,
      %get3A_252 = vector.shape_cast %get3A_251 : vector<1x16xf32> to vector<16xf32>
      %get3A_253 = arith.constant 193 : i32
      %get3A_254 = arith.index_cast %get3A_253 : i32 to index
      %get3A_255 = arith.constant 32 : index
      %get3A_256 = tpu.vector_load %arg13[%get3A_254, %get3A_255] {strides = array<i32>} : memref<200x64xf32, #tpu.memory_space<vmem>>, vector<1x16xf32>,
      %get3A_257 = vector.shape_cast %get3A_256 : vector<1x16xf32> to vector<16xf32>
      %get3A_258 = arith.constant 193 : i32
      %get3A_259 = arith.index_cast %get3A_258 : i32 to index
      %get3A_260 = arith.constant 48 : index
      %get3A_261 = tpu.vector_load %arg13[%get3A_259, %get3A_260] {strides = array<i32>} : memref<200x64xf32, #tpu.memory_space<vmem>>, vector<1x16xf32>,
      %get3A_262 = vector.shape_cast %get3A_261 : vector<1x16xf32> to vector<16xf32>
      %add3A_263 = arith.addf %get3A_221, %get3A_247 : vector<16xf32>
      %mul3A_264 = vector.broadcast %squeeze3A_212 : f32 to vector<16xf32>
      %mul3A_265 = arith.mulf %add3A_263, %mul3A_264 : vector<16xf32>
      %add3A_266 = arith.addf %get3A_228, %get3A_252 : vector<16xf32>
      %mul3A_267 = vector.broadcast %squeeze3A_212 : f32 to vector<16xf32>
      %mul3A_268 = arith.mulf %add3A_266, %mul3A_267 : vector<16xf32>
      %add3A_269 = arith.addf %get3A_235, %get3A_257 : vector<16xf32>
      %mul3A_270 = vector.broadcast %squeeze3A_212 : f32 to vector<16xf32>
      %mul3A_271 = arith.mulf %add3A_269, %mul3A_270 : vector<16xf32>
      %add3A_272 = arith.addf %get3A_242, %get3A_262 : vector<16xf32>
      %mul3A_273 = vector.broadcast %squeeze3A_212 : f32 to vector<16xf32>
      %mul3A_274 = arith.mulf %add3A_272, %mul3A_273 : vector<16xf32>
      %swap3A_275 = arith.constant 97 : i32
      %swap3A_276 = arith.index_cast %swap3A_275 : i32 to index
      %swap3A_277 = arith.constant 0 : index
      %swap3A_278 = tpu.vector_load %arg12[%swap3A_276, %swap3A_277] {strides = array<i32>} : memref<104x64xf32, #tpu.memory_space<vmem>>, vector<1x16xf32>,
      %swap3A_279 = vector.shape_cast %swap3A_278 : vector<1x16xf32> to vector<16xf32>
      %swap3A_280 = vector.shape_cast %mul3A_265 : vector<16xf32> to vector<1x16xf32>
      tpu.vector_store %arg12[%swap3A_276, %swap3A_277], %swap3A_280 {strides = array<i32>} : memref<104x64xf32, #tpu.memory_space<vmem>>, vector<1x16xf32>,
      %swap3A_281 = arith.constant 97 : i32
      %swap3A_282 = arith.index_cast %swap3A_281 : i32 to index
      %swap3A_283 = arith.constant 16 : index
      %swap3A_284 = tpu.vector_load %arg12[%swap3A_282, %swap3A_283] {strides = array<i32>} : memref<104x64xf32, #tpu.memory_space<vmem>>, vector<1x16xf32>,
      %swap3A_285 = vector.shape_cast %swap3A_284 : vector<1x16xf32> to vector<16xf32>
      %swap3A_286 = vector.shape_cast %mul3A_268 : vector<16xf32> to vector<1x16xf32>
      tpu.vector_store %arg12[%swap3A_282, %swap3A_283], %swap3A_286 {strides = array<i32>} : memref<104x64xf32, #tpu.memory_space<vmem>>, vector<1x16xf32>,
      %swap3A_287 = arith.constant 97 : i32
      %swap3A_288 = arith.index_cast %swap3A_287 : i32 to index
      %swap3A_289 = arith.constant 32 : index
      %swap3A_290 = tpu.vector_load %arg12[%swap3A_288, %swap3A_289] {strides = array<i32>} : memref<104x64xf32, #tpu.memory_space<vmem>>, vector<1x16xf32>,
      %swap3A_291 = vector.shape_cast %swap3A_290 : vector<1x16xf32> to vector<16xf32>
      %swap3A_292 = vector.shape_cast %mul3A_271 : vector<16xf32> to vector<1x16xf32>
      tpu.vector_store %arg12[%swap3A_288, %swap3A_289], %swap3A_292 {strides = array<i32>} : memref<104x64xf32, #tpu.memory_space<vmem>>, vector<1x16xf32>,
      %swap3A_293 = arith.constant 97 : i32
      %swap3A_294 = arith.index_cast %swap3A_293 : i32 to index
      %swap3A_295 = arith.constant 48 : index
      %swap3A_296 = tpu.vector_load %arg12[%swap3A_294, %swap3A_295] {strides = array<i32>} : memref<104x64xf32, #tpu.memory_space<vmem>>, vector<1x16xf32>,
      %swap3A_297 = vector.shape_cast %swap3A_296 : vector<1x16xf32> to vector<16xf32>
      %swap3A_298 = vector.shape_cast %mul3A_274 : vector<16xf32> to vector<1x16xf32>
      tpu.vector_store %arg12[%swap3A_294, %swap3A_295], %swap3A_298 {strides = array<i32>} : memref<104x64xf32, #tpu.memory_space<vmem>>, vector<1x16xf32>,
      %slice3A_299 = vector.extract_strided_slice %select_n3A {offsets = [2], sizes = [1], strides = [1]} : vector<16xf32> to vector<1xf32>
      %squeeze3A_300 = vector.extract %slice3A_299[0] : f32 from vector<1xf32>
      %slice3A_301 = vector.extract_strided_slice %mul3A_125 {offsets = [2], sizes = [1], strides = [1]} : vector<16xi32> to vector<1xi32>
      %squeeze3A_302 = vector.extract %slice3A_301[0] : i32 from vector<1xi32>
      %add3A_303 = arith.constant 0 : i32
      %add3A_304 = arith.addi %squeeze3A_302, %add3A_303 : i32
      %get3A_305 = arith.constant 98 : i32
      %get3A_306 = arith.index_cast %get3A_305 : i32 to index
      %get3A_307 = arith.index_cast %add3A_304 : i32 to index
      %get3A_308 = tpu.vector_load %arg10[%get3A_306, %get3A_307] {strides = array<i32>} : memref<104x128xf32, #tpu.memory_space<vmem>>, vector<1x16xf32>,
      %get3A_309 = vector.shape_cast %get3A_308 : vector<1x16xf32> to vector<16xf32>
      %add3A_310 = arith.constant 16 : i32
      %add3A_311 = arith.addi %squeeze3A_302, %add3A_310 : i32
      %get3A_312 = arith.constant 98 : i32
      %get3A_313 = arith.index_cast %get3A_312 : i32 to index
      %get3A_314 = arith.index_cast %add3A_311 : i32 to index
      %get3A_315 = tpu.vector_load %arg10[%get3A_313, %get3A_314] {strides = array<i32>} : memref<104x128xf32, #tpu.memory_space<vmem>>, vector<1x16xf32>,
      %get3A_316 = vector.shape_cast %get3A_315 : vector<1x16xf32> to vector<16xf32>
      %add3A_317 = arith.constant 32 : i32
      %add3A_318 = arith.addi %squeeze3A_302, %add3A_317 : i32
      %get3A_319 = arith.constant 98 : i32
      %get3A_320 = arith.index_cast %get3A_319 : i32 to index
      %get3A_321 = arith.index_cast %add3A_318 : i32 to index
      %get3A_322 = tpu.vector_load %arg10[%get3A_320, %get3A_321] {strides = array<i32>} : memref<104x128xf32, #tpu.memory_space<vmem>>, vector<1x16xf32>,
      %get3A_323 = vector.shape_cast %get3A_322 : vector<1x16xf32> to vector<16xf32>
      %add3A_324 = arith.constant 48 : i32
      %add3A_325 = arith.addi %squeeze3A_302, %add3A_324 : i32
      %get3A_326 = arith.constant 98 : i32
      %get3A_327 = arith.index_cast %get3A_326 : i32 to index
      %get3A_328 = arith.index_cast %add3A_325 : i32 to index
      %get3A_329 = tpu.vector_load %arg10[%get3A_327, %get3A_328] {strides = array<i32>} : memref<104x128xf32, #tpu.memory_space<vmem>>, vector<1x16xf32>,
      %get3A_330 = vector.shape_cast %get3A_329 : vector<1x16xf32> to vector<16xf32>
      %get3A_331 = arith.constant 194 : i32
      %get3A_332 = arith.index_cast %get3A_331 : i32 to index
      %get3A_333 = arith.constant 0 : index
      %get3A_334 = tpu.vector_load %arg13[%get3A_332, %get3A_333] {strides = array<i32>} : memref<200x64xf32, #tpu.memory_space<vmem>>, vector<1x16xf32>,
      %get3A_335 = vector.shape_cast %get3A_334 : vector<1x16xf32> to vector<16xf32>
      %get3A_336 = arith.constant 194 : i32
      %get3A_337 = arith.index_cast %get3A_336 : i32 to index
      %get3A_338 = arith.constant 16 : index
      %get3A_339 = tpu.vector_load %arg13[%get3A_337, %get3A_338] {strides = array<i32>} : memref<200x64xf32, #tpu.memory_space<vmem>>, vector<1x16xf32>,
      %get3A_340 = vector.shape_cast %get3A_339 : vector<1x16xf32> to vector<16xf32>
      %get3A_341 = arith.constant 194 : i32
      %get3A_342 = arith.index_cast %get3A_341 : i32 to index
      %get3A_343 = arith.constant 32 : index
      %get3A_344 = tpu.vector_load %arg13[%get3A_342, %get3A_343] {strides = array<i32>} : memref<200x64xf32, #tpu.memory_space<vmem>>, vector<1x16xf32>,
      %get3A_345 = vector.shape_cast %get3A_344 : vector<1x16xf32> to vector<16xf32>
      %get3A_346 = arith.constant 194 : i32
      %get3A_347 = arith.index_cast %get3A_346 : i32 to index
      %get3A_348 = arith.constant 48 : index
      %get3A_349 = tpu.vector_load %arg13[%get3A_347, %get3A_348] {strides = array<i32>} : memref<200x64xf32, #tpu.memory_space<vmem>>, vector<1x16xf32>,
      %get3A_350 = vector.shape_cast %get3A_349 : vector<1x16xf32> to vector<16xf32>
      %add3A_351 = arith.addf %get3A_309, %get3A_335 : vector<16xf32>
      %mul3A_352 = vector.broadcast %squeeze3A_300 : f32 to vector<16xf32>
      %mul3A_353 = arith.mulf %add3A_351, %mul3A_352 : vector<16xf32>
      %add3A_354 = arith.addf %get3A_316, %get3A_340 : vector<16xf32>
      %mul3A_355 = vector.broadcast %squeeze3A_300 : f32 to vector<16xf32>
      %mul3A_356 = arith.mulf %add3A_354, %mul3A_355 : vector<16xf32>
      %add3A_357 = arith.addf %get3A_323, %get3A_345 : vector<16xf32>
      %mul3A_358 = vector.broadcast %squeeze3A_300 : f32 to vector<16xf32>
      %mul3A_359 = arith.mulf %add3A_357, %mul3A_358 : vector<16xf32>
      %add3A_360 = arith.addf %get3A_330, %get3A_350 : vector<16xf32>
      %mul3A_361 = vector.broadcast %squeeze3A_300 : f32 to vector<16xf32>
      %mul3A_362 = arith.mulf %add3A_360, %mul3A_361 : vector<16xf32>
      %swap3A_363 = arith.constant 98 : i32
      %swap3A_364 = arith.index_cast %swap3A_363 : i32 to index
      %swap3A_365 = arith.constant 0 : index
      %swap3A_366 = tpu.vector_load %arg12[%swap3A_364, %swap3A_365] {strides = array<i32>} : memref<104x64xf32, #tpu.memory_space<vmem>>, vector<1x16xf32>,
      %swap3A_367 = vector.shape_cast %swap3A_366 : vector<1x16xf32> to vector<16xf32>
      %swap3A_368 = vector.shape_cast %mul3A_353 : vector<16xf32> to vector<1x16xf32>
      tpu.vector_store %arg12[%swap3A_364, %swap3A_365], %swap3A_368 {strides = array<i32>} : memref<104x64xf32, #tpu.memory_space<vmem>>, vector<1x16xf32>,
      %swap3A_369 = arith.constant 98 : i32
      %swap3A_370 = arith.index_cast %swap3A_369 : i32 to index
      %swap3A_371 = arith.constant 16 : index
      %swap3A_372 = tpu.vector_load %arg12[%swap3A_370, %swap3A_371] {strides = array<i32>} : memref<104x64xf32, #tpu.memory_space<vmem>>, vector<1x16xf32>,
      %swap3A_373 = vector.shape_cast %swap3A_372 : vector<1x16xf32> to vector<16xf32>
      %swap3A_374 = vector.shape_cast %mul3A_356 : vector<16xf32> to vector<1x16xf32>
      tpu.vector_store %arg12[%swap3A_370, %swap3A_371], %swap3A_374 {strides = array<i32>} : memref<104x64xf32, #tpu.memory_space<vmem>>, vector<1x16xf32>,
      %swap3A_375 = arith.constant 98 : i32
      %swap3A_376 = arith.index_cast %swap3A_375 : i32 to index
      %swap3A_377 = arith.constant 32 : index
      %swap3A_378 = tpu.vector_load %arg12[%swap3A_376, %swap3A_377] {strides = array<i32>} : memref<104x64xf32, #tpu.memory_space<vmem>>, vector<1x16xf32>,
      %swap3A_379 = vector.shape_cast %swap3A_378 : vector<1x16xf32> to vector<16xf32>
      %swap3A_380 = vector.shape_cast %mul3A_359 : vector<16xf32> to vector<1x16xf32>
      tpu.vector_store %arg12[%swap3A_376, %swap3A_377], %swap3A_380 {strides = array<i32>} : memref<104x64xf32, #tpu.memory_space<vmem>>, vector<1x16xf32>,
      %swap3A_381 = arith.constant 98 : i32
      %swap3A_382 = arith.index_cast %swap3A_381 : i32 to index
      %swap3A_383 = arith.constant 48 : index
      %swap3A_384 = tpu.vector_load %arg12[%swap3A_382, %swap3A_383] {strides = array<i32>} : memref<104x64xf32, #tpu.memory_space<vmem>>, vector<1x16xf32>,
      %swap3A_385 = vector.shape_cast %swap3A_384 : vector<1x16xf32> to vector<16xf32>
      %swap3A_386 = vector.shape_cast %mul3A_362 : vector<16xf32> to vector<1x16xf32>
      tpu.vector_store %arg12[%swap3A_382, %swap3A_383], %swap3A_386 {strides = array<i32>} : memref<104x64xf32, #tpu.memory_space<vmem>>, vector<1x16xf32>,
      %slice3A_387 = vector.extract_strided_slice %select_n3A {offsets = [3], sizes = [1], strides = [1]} : vector<16xf32> to vector<1xf32>
      %squeeze3A_388 = vector.extract %slice3A_387[0] : f32 from vector<1xf32>
      %slice3A_389 = vector.extract_strided_slice %mul3A_125 {offsets = [3], sizes = [1], strides = [1]} : vector<16xi32> to vector<1xi32>
      %squeeze3A_390 = vector.extract %slice3A_389[0] : i32 from vector<1xi32>
      %add3A_391 = arith.constant 0 : i32
      %add3A_392 = arith.addi %squeeze3A_390, %add3A_391 : i32
      %get3A_393 = arith.constant 99 : i32
      %get3A_394 = arith.index_cast %get3A_393 : i32 to index
      %get3A_395 = arith.index_cast %add3A_392 : i32 to index
      %get3A_396 = tpu.vector_load %arg10[%get3A_394, %get3A_395] {strides = array<i32>} : memref<104x128xf32, #tpu.memory_space<vmem>>, vector<1x16xf32>,
      %get3A_397 = vector.shape_cast %get3A_396 : vector<1x16xf32> to vector<16xf32>
      %add3A_398 = arith.constant 16 : i32
      %add3A_399 = arith.addi %squeeze3A_390, %add3A_398 : i32
      %get3A_400 = arith.constant 99 : i32
      %get3A_401 = arith.index_cast %get3A_400 : i32 to index
      %get3A_402 = arith.index_cast %add3A_399 : i32 to index
      %get3A_403 = tpu.vector_load %arg10[%get3A_401, %get3A_402] {strides = array<i32>} : memref<104x128xf32, #tpu.memory_space<vmem>>, vector<1x16xf32>,
      %get3A_404 = vector.shape_cast %get3A_403 : vector<1x16xf32> to vector<16xf32>
      %add3A_405 = arith.constant 32 : i32
      %add3A_406 = arith.addi %squeeze3A_390, %add3A_405 : i32
      %get3A_407 = arith.constant 99 : i32
      %get3A_408 = arith.index_cast %get3A_407 : i32 to index
      %get3A_409 = arith.index_cast %add3A_406 : i32 to index
      %get3A_410 = tpu.vector_load %arg10[%get3A_408, %get3A_409] {strides = array<i32>} : memref<104x128xf32, #tpu.memory_space<vmem>>, vector<1x16xf32>,
      %get3A_411 = vector.shape_cast %get3A_410 : vector<1x16xf32> to vector<16xf32>
      %add3A_412 = arith.constant 48 : i32
      %add3A_413 = arith.addi %squeeze3A_390, %add3A_412 : i32
      %get3A_414 = arith.constant 99 : i32
      %get3A_415 = arith.index_cast %get3A_414 : i32 to index
      %get3A_416 = arith.index_cast %add3A_413 : i32 to index
      %get3A_417 = tpu.vector_load %arg10[%get3A_415, %get3A_416] {strides = array<i32>} : memref<104x128xf32, #tpu.memory_space<vmem>>, vector<1x16xf32>,
      %get3A_418 = vector.shape_cast %get3A_417 : vector<1x16xf32> to vector<16xf32>
      %get3A_419 = arith.constant 195 : i32
      %get3A_420 = arith.index_cast %get3A_419 : i32 to index
      %get3A_421 = arith.constant 0 : index
      %get3A_422 = tpu.vector_load %arg13[%get3A_420, %get3A_421] {strides = array<i32>} : memref<200x64xf32, #tpu.memory_space<vmem>>, vector<1x16xf32>,
      %get3A_423 = vector.shape_cast %get3A_422 : vector<1x16xf32> to vector<16xf32>
      %get3A_424 = arith.constant 195 : i32
      %get3A_425 = arith.index_cast %get3A_424 : i32 to index
      %get3A_426 = arith.constant 16 : index
      %get3A_427 = tpu.vector_load %arg13[%get3A_425, %get3A_426] {strides = array<i32>} : memref<200x64xf32, #tpu.memory_space<vmem>>, vector<1x16xf32>,
      %get3A_428 = vector.shape_cast %get3A_427 : vector<1x16xf32> to vector<16xf32>
      %get3A_429 = arith.constant 195 : i32
      %get3A_430 = arith.index_cast %get3A_429 : i32 to index
      %get3A_431 = arith.constant 32 : index
      %get3A_432 = tpu.vector_load %arg13[%get3A_430, %get3A_431] {strides = array<i32>} : memref<200x64xf32, #tpu.memory_space<vmem>>, vector<1x16xf32>,
      %get3A_433 = vector.shape_cast %get3A_432 : vector<1x16xf32> to vector<16xf32>
      %get3A_434 = arith.constant 195 : i32
      %get3A_435 = arith.index_cast %get3A_434 : i32 to index
      %get3A_436 = arith.constant 48 : index
      %get3A_437 = tpu.vector_load %arg13[%get3A_435, %get3A_436] {strides = array<i32>} : memref<200x64xf32, #tpu.memory_space<vmem>>, vector<1x16xf32>,
      %get3A_438 = vector.shape_cast %get3A_437 : vector<1x16xf32> to vector<16xf32>
      %add3A_439 = arith.addf %get3A_397, %get3A_423 : vector<16xf32>
      %mul3A_440 = vector.broadcast %squeeze3A_388 : f32 to vector<16xf32>
      %mul3A_441 = arith.mulf %add3A_439, %mul3A_440 : vector<16xf32>
      %add3A_442 = arith.addf %get3A_404, %get3A_428 : vector<16xf32>
      %mul3A_443 = vector.broadcast %squeeze3A_388 : f32 to vector<16xf32>
      %mul3A_444 = arith.mulf %add3A_442, %mul3A_443 : vector<16xf32>
      %add3A_445 = arith.addf %get3A_411, %get3A_433 : vector<16xf32>
      %mul3A_446 = vector.broadcast %squeeze3A_388 : f32 to vector<16xf32>
      %mul3A_447 = arith.mulf %add3A_445, %mul3A_446 : vector<16xf32>
      %add3A_448 = arith.addf %get3A_418, %get3A_438 : vector<16xf32>
      %mul3A_449 = vector.broadcast %squeeze3A_388 : f32 to vector<16xf32>
      %mul3A_450 = arith.mulf %add3A_448, %mul3A_449 : vector<16xf32>
      %swap3A_451 = arith.constant 99 : i32
      %swap3A_452 = arith.index_cast %swap3A_451 : i32 to index
      %swap3A_453 = arith.constant 0 : index
      %swap3A_454 = tpu.vector_load %arg12[%swap3A_452, %swap3A_453] {strides = array<i32>} : memref<104x64xf32, #tpu.memory_space<vmem>>, vector<1x16xf32>,
      %swap3A_455 = vector.shape_cast %swap3A_454 : vector<1x16xf32> to vector<16xf32>
      %swap3A_456 = vector.shape_cast %mul3A_441 : vector<16xf32> to vector<1x16xf32>
      tpu.vector_store %arg12[%swap3A_452, %swap3A_453], %swap3A_456 {strides = array<i32>} : memref<104x64xf32, #tpu.memory_space<vmem>>, vector<1x16xf32>,
      %swap3A_457 = arith.constant 99 : i32
      %swap3A_458 = arith.index_cast %swap3A_457 : i32 to index
      %swap3A_459 = arith.constant 16 : index
      %swap3A_460 = tpu.vector_load %arg12[%swap3A_458, %swap3A_459] {strides = array<i32>} : memref<104x64xf32, #tpu.memory_space<vmem>>, vector<1x16xf32>,
      %swap3A_461 = vector.shape_cast %swap3A_460 : vector<1x16xf32> to vector<16xf32>
      %swap3A_462 = vector.shape_cast %mul3A_444 : vector<16xf32> to vector<1x16xf32>
      tpu.vector_store %arg12[%swap3A_458, %swap3A_459], %swap3A_462 {strides = array<i32>} : memref<104x64xf32, #tpu.memory_space<vmem>>, vector<1x16xf32>,
      %swap3A_463 = arith.constant 99 : i32
      %swap3A_464 = arith.index_cast %swap3A_463 : i32 to index
      %swap3A_465 = arith.constant 32 : index
      %swap3A_466 = tpu.vector_load %arg12[%swap3A_464, %swap3A_465] {strides = array<i32>} : memref<104x64xf32, #tpu.memory_space<vmem>>, vector<1x16xf32>,
      %swap3A_467 = vector.shape_cast %swap3A_466 : vector<1x16xf32> to vector<16xf32>
      %swap3A_468 = vector.shape_cast %mul3A_447 : vector<16xf32> to vector<1x16xf32>
      tpu.vector_store %arg12[%swap3A_464, %swap3A_465], %swap3A_468 {strides = array<i32>} : memref<104x64xf32, #tpu.memory_space<vmem>>, vector<1x16xf32>,
      %swap3A_469 = arith.constant 99 : i32
      %swap3A_470 = arith.index_cast %swap3A_469 : i32 to index
      %swap3A_471 = arith.constant 48 : index
      %swap3A_472 = tpu.vector_load %arg12[%swap3A_470, %swap3A_471] {strides = array<i32>} : memref<104x64xf32, #tpu.memory_space<vmem>>, vector<1x16xf32>,
      %swap3A_473 = vector.shape_cast %swap3A_472 : vector<1x16xf32> to vector<16xf32>
      %swap3A_474 = vector.shape_cast %mul3A_450 : vector<16xf32> to vector<1x16xf32>
      tpu.vector_store %arg12[%swap3A_470, %swap3A_471], %swap3A_474 {strides = array<i32>} : memref<104x64xf32, #tpu.memory_space<vmem>>, vector<1x16xf32>,
      %slice3A_475 = vector.extract_strided_slice %select_n3A {offsets = [4], sizes = [1], strides = [1]} : vector<16xf32> to vector<1xf32>
      %squeeze3A_476 = vector.extract %slice3A_475[0] : f32 from vector<1xf32>
      %slice3A_477 = vector.extract_strided_slice %mul3A_125 {offsets = [4], sizes = [1], strides = [1]} : vector<16xi32> to vector<1xi32>
      %squeeze3A_478 = vector.extract %slice3A_477[0] : i32 from vector<1xi32>
      %add3A_479 = arith.constant 0 : i32
      %add3A_480 = arith.addi %squeeze3A_478, %add3A_479 : i32
      %get3A_481 = arith.constant 100 : i32
      %get3A_482 = arith.index_cast %get3A_481 : i32 to index
      %get3A_483 = arith.index_cast %add3A_480 : i32 to index
      %get3A_484 = tpu.vector_load %arg10[%get3A_482, %get3A_483] {strides = array<i32>} : memref<104x128xf32, #tpu.memory_space<vmem>>, vector<1x16xf32>,
      %get3A_485 = vector.shape_cast %get3A_484 : vector<1x16xf32> to vector<16xf32>
      %add3A_486 = arith.constant 16 : i32
      %add3A_487 = arith.addi %squeeze3A_478, %add3A_486 : i32
      %get3A_488 = arith.constant 100 : i32
      %get3A_489 = arith.index_cast %get3A_488 : i32 to index
      %get3A_490 = arith.index_cast %add3A_487 : i32 to index
      %get3A_491 = tpu.vector_load %arg10[%get3A_489, %get3A_490] {strides = array<i32>} : memref<104x128xf32, #tpu.memory_space<vmem>>, vector<1x16xf32>,
      %get3A_492 = vector.shape_cast %get3A_491 : vector<1x16xf32> to vector<16xf32>
      %add3A_493 = arith.constant 32 : i32
      %add3A_494 = arith.addi %squeeze3A_478, %add3A_493 : i32
      %get3A_495 = arith.constant 100 : i32
      %get3A_496 = arith.index_cast %get3A_495 : i32 to index
      %get3A_497 = arith.index_cast %add3A_494 : i32 to index
      %get3A_498 = tpu.vector_load %arg10[%get3A_496, %get3A_497] {strides = array<i32>} : memref<104x128xf32, #tpu.memory_space<vmem>>, vector<1x16xf32>,
      %get3A_499 = vector.shape_cast %get3A_498 : vector<1x16xf32> to vector<16xf32>
      %add3A_500 = arith.constant 48 : i32
      %add3A_501 = arith.addi %squeeze3A_478, %add3A_500 : i32
      %get3A_502 = arith.constant 100 : i32
      %get3A_503 = arith.index_cast %get3A_502 : i32 to index
      %get3A_504 = arith.index_cast %add3A_501 : i32 to index
      %get3A_505 = tpu.vector_load %arg10[%get3A_503, %get3A_504] {strides = array<i32>} : memref<104x128xf32, #tpu.memory_space<vmem>>, vector<1x16xf32>,
      %get3A_506 = vector.shape_cast %get3A_505 : vector<1x16xf32> to vector<16xf32>
      %get3A_507 = arith.constant 196 : i32
      %get3A_508 = arith.index_cast %get3A_507 : i32 to index
      %get3A_509 = arith.constant 0 : index
      %get3A_510 = tpu.vector_load %arg13[%get3A_508, %get3A_509] {strides = array<i32>} : memref<200x64xf32, #tpu.memory_space<vmem>>, vector<1x16xf32>,
      %get3A_511 = vector.shape_cast %get3A_510 : vector<1x16xf32> to vector<16xf32>
      %get3A_512 = arith.constant 196 : i32
      %get3A_513 = arith.index_cast %get3A_512 : i32 to index
      %get3A_514 = arith.constant 16 : index
      %get3A_515 = tpu.vector_load %arg13[%get3A_513, %get3A_514] {strides = array<i32>} : memref<200x64xf32, #tpu.memory_space<vmem>>, vector<1x16xf32>,
      %get3A_516 = vector.shape_cast %get3A_515 : vector<1x16xf32> to vector<16xf32>
      %get3A_517 = arith.constant 196 : i32
      %get3A_518 = arith.index_cast %get3A_517 : i32 to index
      %get3A_519 = arith.constant 32 : index
      %get3A_520 = tpu.vector_load %arg13[%get3A_518, %get3A_519] {strides = array<i32>} : memref<200x64xf32, #tpu.memory_space<vmem>>, vector<1x16xf32>,
      %get3A_521 = vector.shape_cast %get3A_520 : vector<1x16xf32> to vector<16xf32>
      %get3A_522 = arith.constant 196 : i32
      %get3A_523 = arith.index_cast %get3A_522 : i32 to index
      %get3A_524 = arith.constant 48 : index
      %get3A_525 = tpu.vector_load %arg13[%get3A_523, %get3A_524] {strides = array<i32>} : memref<200x64xf32, #tpu.memory_space<vmem>>, vector<1x16xf32>,
      %get3A_526 = vector.shape_cast %get3A_525 : vector<1x16xf32> to vector<16xf32>
      %add3A_527 = arith.addf %get3A_485, %get3A_511 : vector<16xf32>
      %mul3A_528 = vector.broadcast %squeeze3A_476 : f32 to vector<16xf32>
      %mul3A_529 = arith.mulf %add3A_527, %mul3A_528 : vector<16xf32>
      %add3A_530 = arith.addf %get3A_492, %get3A_516 : vector<16xf32>
      %mul3A_531 = vector.broadcast %squeeze3A_476 : f32 to vector<16xf32>
      %mul3A_532 = arith.mulf %add3A_530, %mul3A_531 : vector<16xf32>
      %add3A_533 = arith.addf %get3A_499, %get3A_521 : vector<16xf32>
      %mul3A_534 = vector.broadcast %squeeze3A_476 : f32 to vector<16xf32>
      %mul3A_535 = arith.mulf %add3A_533, %mul3A_534 : vector<16xf32>
      %add3A_536 = arith.addf %get3A_506, %get3A_526 : vector<16xf32>
      %mul3A_537 = vector.broadcast %squeeze3A_476 : f32 to vector<16xf32>
      %mul3A_538 = arith.mulf %add3A_536, %mul3A_537 : vector<16xf32>
      %swap3A_539 = arith.constant 100 : i32
      %swap3A_540 = arith.index_cast %swap3A_539 : i32 to index
      %swap3A_541 = arith.constant 0 : index
      %swap3A_542 = tpu.vector_load %arg12[%swap3A_540, %swap3A_541] {strides = array<i32>} : memref<104x64xf32, #tpu.memory_space<vmem>>, vector<1x16xf32>,
      %swap3A_543 = vector.shape_cast %swap3A_542 : vector<1x16xf32> to vector<16xf32>
      %swap3A_544 = vector.shape_cast %mul3A_529 : vector<16xf32> to vector<1x16xf32>
      tpu.vector_store %arg12[%swap3A_540, %swap3A_541], %swap3A_544 {strides = array<i32>} : memref<104x64xf32, #tpu.memory_space<vmem>>, vector<1x16xf32>,
      %swap3A_545 = arith.constant 100 : i32
      %swap3A_546 = arith.index_cast %swap3A_545 : i32 to index
      %swap3A_547 = arith.constant 16 : index
      %swap3A_548 = tpu.vector_load %arg12[%swap3A_546, %swap3A_547] {strides = array<i32>} : memref<104x64xf32, #tpu.memory_space<vmem>>, vector<1x16xf32>,
      %swap3A_549 = vector.shape_cast %swap3A_548 : vector<1x16xf32> to vector<16xf32>
      %swap3A_550 = vector.shape_cast %mul3A_532 : vector<16xf32> to vector<1x16xf32>
      tpu.vector_store %arg12[%swap3A_546, %swap3A_547], %swap3A_550 {strides = array<i32>} : memref<104x64xf32, #tpu.memory_space<vmem>>, vector<1x16xf32>,
      %swap3A_551 = arith.constant 100 : i32
      %swap3A_552 = arith.index_cast %swap3A_551 : i32 to index
      %swap3A_553 = arith.constant 32 : index
      %swap3A_554 = tpu.vector_load %arg12[%swap3A_552, %swap3A_553] {strides = array<i32>} : memref<104x64xf32, #tpu.memory_space<vmem>>, vector<1x16xf32>,
      %swap3A_555 = vector.shape_cast %swap3A_554 : vector<1x16xf32> to vector<16xf32>
      %swap3A_556 = vector.shape_cast %mul3A_535 : vector<16xf32> to vector<1x16xf32>
      tpu.vector_store %arg12[%swap3A_552, %swap3A_553], %swap3A_556 {strides = array<i32>} : memref<104x64xf32, #tpu.memory_space<vmem>>, vector<1x16xf32>,
      %swap3A_557 = arith.constant 100 : i32
      %swap3A_558 = arith.index_cast %swap3A_557 : i32 to index
      %swap3A_559 = arith.constant 48 : index
      %swap3A_560 = tpu.vector_load %arg12[%swap3A_558, %swap3A_559] {strides = array<i32>} : memref<104x64xf32, #tpu.memory_space<vmem>>, vector<1x16xf32>,
      %swap3A_561 = vector.shape_cast %swap3A_560 : vector<1x16xf32> to vector<16xf32>
      %swap3A_562 = vector.shape_cast %mul3A_538 : vector<16xf32> to vector<1x16xf32>
      tpu.vector_store %arg12[%swap3A_558, %swap3A_559], %swap3A_562 {strides = array<i32>} : memref<104x64xf32, #tpu.memory_space<vmem>>, vector<1x16xf32>,
      %slice3A_563 = vector.extract_strided_slice %select_n3A {offsets = [5], sizes = [1], strides = [1]} : vector<16xf32> to vector<1xf32>
      %squeeze3A_564 = vector.extract %slice3A_563[0] : f32 from vector<1xf32>
      %slice3A_565 = vector.extract_strided_slice %mul3A_125 {offsets = [5], sizes = [1], strides = [1]} : vector<16xi32> to vector<1xi32>
      %squeeze3A_566 = vector.extract %slice3A_565[0] : i32 from vector<1xi32>
      %add3A_567 = arith.constant 0 : i32
      %add3A_568 = arith.addi %squeeze3A_566, %add3A_567 : i32
      %get3A_569 = arith.constant 101 : i32
      %get3A_570 = arith.index_cast %get3A_569 : i32 to index
      %get3A_571 = arith.index_cast %add3A_568 : i32 to index
      %get3A_572 = tpu.vector_load %arg10[%get3A_570, %get3A_571] {strides = array<i32>} : memref<104x128xf32, #tpu.memory_space<vmem>>, vector<1x16xf32>,
      %get3A_573 = vector.shape_cast %get3A_572 : vector<1x16xf32> to vector<16xf32>
      %add3A_574 = arith.constant 16 : i32
      %add3A_575 = arith.addi %squeeze3A_566, %add3A_574 : i32
      %get3A_576 = arith.constant 101 : i32
      %get3A_577 = arith.index_cast %get3A_576 : i32 to index
      %get3A_578 = arith.index_cast %add3A_575 : i32 to index
      %get3A_579 = tpu.vector_load %arg10[%get3A_577, %get3A_578] {strides = array<i32>} : memref<104x128xf32, #tpu.memory_space<vmem>>, vector<1x16xf32>,
      %get3A_580 = vector.shape_cast %get3A_579 : vector<1x16xf32> to vector<16xf32>
      %add3A_581 = arith.constant 32 : i32
      %add3A_582 = arith.addi %squeeze3A_566, %add3A_581 : i32
      %get3A_583 = arith.constant 101 : i32
      %get3A_584 = arith.index_cast %get3A_583 : i32 to index
      %get3A_585 = arith.index_cast %add3A_582 : i32 to index
      %get3A_586 = tpu.vector_load %arg10[%get3A_584, %get3A_585] {strides = array<i32>} : memref<104x128xf32, #tpu.memory_space<vmem>>, vector<1x16xf32>,
      %get3A_587 = vector.shape_cast %get3A_586 : vector<1x16xf32> to vector<16xf32>
      %add3A_588 = arith.constant 48 : i32
      %add3A_589 = arith.addi %squeeze3A_566, %add3A_588 : i32
      %get3A_590 = arith.constant 101 : i32
      %get3A_591 = arith.index_cast %get3A_590 : i32 to index
      %get3A_592 = arith.index_cast %add3A_589 : i32 to index
      %get3A_593 = tpu.vector_load %arg10[%get3A_591, %get3A_592] {strides = array<i32>} : memref<104x128xf32, #tpu.memory_space<vmem>>, vector<1x16xf32>,
      %get3A_594 = vector.shape_cast %get3A_593 : vector<1x16xf32> to vector<16xf32>
      %get3A_595 = arith.constant 197 : i32
      %get3A_596 = arith.index_cast %get3A_595 : i32 to index
      %get3A_597 = arith.constant 0 : index
      %get3A_598 = tpu.vector_load %arg13[%get3A_596, %get3A_597] {strides = array<i32>} : memref<200x64xf32, #tpu.memory_space<vmem>>, vector<1x16xf32>,
      %get3A_599 = vector.shape_cast %get3A_598 : vector<1x16xf32> to vector<16xf32>
      %get3A_600 = arith.constant 197 : i32
      %get3A_601 = arith.index_cast %get3A_600 : i32 to index
      %get3A_602 = arith.constant 16 : index
      %get3A_603 = tpu.vector_load %arg13[%get3A_601, %get3A_602] {strides = array<i32>} : memref<200x64xf32, #tpu.memory_space<vmem>>, vector<1x16xf32>,
      %get3A_604 = vector.shape_cast %get3A_603 : vector<1x16xf32> to vector<16xf32>
      %get3A_605 = arith.constant 197 : i32
      %get3A_606 = arith.index_cast %get3A_605 : i32 to index
      %get3A_607 = arith.constant 32 : index
      %get3A_608 = tpu.vector_load %arg13[%get3A_606, %get3A_607] {strides = array<i32>} : memref<200x64xf32, #tpu.memory_space<vmem>>, vector<1x16xf32>,
      %get3A_609 = vector.shape_cast %get3A_608 : vector<1x16xf32> to vector<16xf32>
      %get3A_610 = arith.constant 197 : i32
      %get3A_611 = arith.index_cast %get3A_610 : i32 to index
      %get3A_612 = arith.constant 48 : index
      %get3A_613 = tpu.vector_load %arg13[%get3A_611, %get3A_612] {strides = array<i32>} : memref<200x64xf32, #tpu.memory_space<vmem>>, vector<1x16xf32>,
      %get3A_614 = vector.shape_cast %get3A_613 : vector<1x16xf32> to vector<16xf32>
      %add3A_615 = arith.addf %get3A_573, %get3A_599 : vector<16xf32>
      %mul3A_616 = vector.broadcast %squeeze3A_564 : f32 to vector<16xf32>
      %mul3A_617 = arith.mulf %add3A_615, %mul3A_616 : vector<16xf32>
      %add3A_618 = arith.addf %get3A_580, %get3A_604 : vector<16xf32>
      %mul3A_619 = vector.broadcast %squeeze3A_564 : f32 to vector<16xf32>
      %mul3A_620 = arith.mulf %add3A_618, %mul3A_619 : vector<16xf32>
      %add3A_621 = arith.addf %get3A_587, %get3A_609 : vector<16xf32>
      %mul3A_622 = vector.broadcast %squeeze3A_564 : f32 to vector<16xf32>
      %mul3A_623 = arith.mulf %add3A_621, %mul3A_622 : vector<16xf32>
      %add3A_624 = arith.addf %get3A_594, %get3A_614 : vector<16xf32>
      %mul3A_625 = vector.broadcast %squeeze3A_564 : f32 to vector<16xf32>
      %mul3A_626 = arith.mulf %add3A_624, %mul3A_625 : vector<16xf32>
      %swap3A_627 = arith.constant 101 : i32
      %swap3A_628 = arith.index_cast %swap3A_627 : i32 to index
      %swap3A_629 = arith.constant 0 : index
      %swap3A_630 = tpu.vector_load %arg12[%swap3A_628, %swap3A_629] {strides = array<i32>} : memref<104x64xf32, #tpu.memory_space<vmem>>, vector<1x16xf32>,
      %swap3A_631 = vector.shape_cast %swap3A_630 : vector<1x16xf32> to vector<16xf32>
      %swap3A_632 = vector.shape_cast %mul3A_617 : vector<16xf32> to vector<1x16xf32>
      tpu.vector_store %arg12[%swap3A_628, %swap3A_629], %swap3A_632 {strides = array<i32>} : memref<104x64xf32, #tpu.memory_space<vmem>>, vector<1x16xf32>,
      %swap3A_633 = arith.constant 101 : i32
      %swap3A_634 = arith.index_cast %swap3A_633 : i32 to index
      %swap3A_635 = arith.constant 16 : index
      %swap3A_636 = tpu.vector_load %arg12[%swap3A_634, %swap3A_635] {strides = array<i32>} : memref<104x64xf32, #tpu.memory_space<vmem>>, vector<1x16xf32>,
      %swap3A_637 = vector.shape_cast %swap3A_636 : vector<1x16xf32> to vector<16xf32>
      %swap3A_638 = vector.shape_cast %mul3A_620 : vector<16xf32> to vector<1x16xf32>
      tpu.vector_store %arg12[%swap3A_634, %swap3A_635], %swap3A_638 {strides = array<i32>} : memref<104x64xf32, #tpu.memory_space<vmem>>, vector<1x16xf32>,
      %swap3A_639 = arith.constant 101 : i32
      %swap3A_640 = arith.index_cast %swap3A_639 : i32 to index
      %swap3A_641 = arith.constant 32 : index
      %swap3A_642 = tpu.vector_load %arg12[%swap3A_640, %swap3A_641] {strides = array<i32>} : memref<104x64xf32, #tpu.memory_space<vmem>>, vector<1x16xf32>,
      %swap3A_643 = vector.shape_cast %swap3A_642 : vector<1x16xf32> to vector<16xf32>
      %swap3A_644 = vector.shape_cast %mul3A_623 : vector<16xf32> to vector<1x16xf32>
      tpu.vector_store %arg12[%swap3A_640, %swap3A_641], %swap3A_644 {strides = array<i32>} : memref<104x64xf32, #tpu.memory_space<vmem>>, vector<1x16xf32>,
      %swap3A_645 = arith.constant 101 : i32
      %swap3A_646 = arith.index_cast %swap3A_645 : i32 to index
      %swap3A_647 = arith.constant 48 : index
      %swap3A_648 = tpu.vector_load %arg12[%swap3A_646, %swap3A_647] {strides = array<i32>} : memref<104x64xf32, #tpu.memory_space<vmem>>, vector<1x16xf32>,
      %swap3A_649 = vector.shape_cast %swap3A_648 : vector<1x16xf32> to vector<16xf32>
      %swap3A_650 = vector.shape_cast %mul3A_626 : vector<16xf32> to vector<1x16xf32>
      tpu.vector_store %arg12[%swap3A_646, %swap3A_647], %swap3A_650 {strides = array<i32>} : memref<104x64xf32, #tpu.memory_space<vmem>>, vector<1x16xf32>,
      %slice3A_651 = vector.extract_strided_slice %select_n3A {offsets = [6], sizes = [1], strides = [1]} : vector<16xf32> to vector<1xf32>
      %squeeze3A_652 = vector.extract %slice3A_651[0] : f32 from vector<1xf32>
      %slice3A_653 = vector.extract_strided_slice %mul3A_125 {offsets = [6], sizes = [1], strides = [1]} : vector<16xi32> to vector<1xi32>
      %squeeze3A_654 = vector.extract %slice3A_653[0] : i32 from vector<1xi32>
      %add3A_655 = arith.constant 0 : i32
      %add3A_656 = arith.addi %squeeze3A_654, %add3A_655 : i32
      %get3A_657 = arith.constant 102 : i32
      %get3A_658 = arith.index_cast %get3A_657 : i32 to index
      %get3A_659 = arith.index_cast %add3A_656 : i32 to index
      %get3A_660 = tpu.vector_load %arg10[%get3A_658, %get3A_659] {strides = array<i32>} : memref<104x128xf32, #tpu.memory_space<vmem>>, vector<1x16xf32>,
      %get3A_661 = vector.shape_cast %get3A_660 : vector<1x16xf32> to vector<16xf32>
      %add3A_662 = arith.constant 16 : i32
      %add3A_663 = arith.addi %squeeze3A_654, %add3A_662 : i32
      %get3A_664 = arith.constant 102 : i32
      %get3A_665 = arith.index_cast %get3A_664 : i32 to index
      %get3A_666 = arith.index_cast %add3A_663 : i32 to index
      %get3A_667 = tpu.vector_load %arg10[%get3A_665, %get3A_666] {strides = array<i32>} : memref<104x128xf32, #tpu.memory_space<vmem>>, vector<1x16xf32>,
      %get3A_668 = vector.shape_cast %get3A_667 : vector<1x16xf32> to vector<16xf32>
      %add3A_669 = arith.constant 32 : i32
      %add3A_670 = arith.addi %squeeze3A_654, %add3A_669 : i32
      %get3A_671 = arith.constant 102 : i32
      %get3A_672 = arith.index_cast %get3A_671 : i32 to index
      %get3A_673 = arith.index_cast %add3A_670 : i32 to index
      %get3A_674 = tpu.vector_load %arg10[%get3A_672, %get3A_673] {strides = array<i32>} : memref<104x128xf32, #tpu.memory_space<vmem>>, vector<1x16xf32>,
      %get3A_675 = vector.shape_cast %get3A_674 : vector<1x16xf32> to vector<16xf32>
      %add3A_676 = arith.constant 48 : i32
      %add3A_677 = arith.addi %squeeze3A_654, %add3A_676 : i32
      %get3A_678 = arith.constant 102 : i32
      %get3A_679 = arith.index_cast %get3A_678 : i32 to index
      %get3A_680 = arith.index_cast %add3A_677 : i32 to index
      %get3A_681 = tpu.vector_load %arg10[%get3A_679, %get3A_680] {strides = array<i32>} : memref<104x128xf32, #tpu.memory_space<vmem>>, vector<1x16xf32>,
      %get3A_682 = vector.shape_cast %get3A_681 : vector<1x16xf32> to vector<16xf32>
      %get3A_683 = arith.constant 198 : i32
      %get3A_684 = arith.index_cast %get3A_683 : i32 to index
      %get3A_685 = arith.constant 0 : index
      %get3A_686 = tpu.vector_load %arg13[%get3A_684, %get3A_685] {strides = array<i32>} : memref<200x64xf32, #tpu.memory_space<vmem>>, vector<1x16xf32>,
      %get3A_687 = vector.shape_cast %get3A_686 : vector<1x16xf32> to vector<16xf32>
      %get3A_688 = arith.constant 198 : i32
      %get3A_689 = arith.index_cast %get3A_688 : i32 to index
      %get3A_690 = arith.constant 16 : index
      %get3A_691 = tpu.vector_load %arg13[%get3A_689, %get3A_690] {strides = array<i32>} : memref<200x64xf32, #tpu.memory_space<vmem>>, vector<1x16xf32>,
      %get3A_692 = vector.shape_cast %get3A_691 : vector<1x16xf32> to vector<16xf32>
      %get3A_693 = arith.constant 198 : i32
      %get3A_694 = arith.index_cast %get3A_693 : i32 to index
      %get3A_695 = arith.constant 32 : index
      %get3A_696 = tpu.vector_load %arg13[%get3A_694, %get3A_695] {strides = array<i32>} : memref<200x64xf32, #tpu.memory_space<vmem>>, vector<1x16xf32>,
      %get3A_697 = vector.shape_cast %get3A_696 : vector<1x16xf32> to vector<16xf32>
      %get3A_698 = arith.constant 198 : i32
      %get3A_699 = arith.index_cast %get3A_698 : i32 to index
      %get3A_700 = arith.constant 48 : index
      %get3A_701 = tpu.vector_load %arg13[%get3A_699, %get3A_700] {strides = array<i32>} : memref<200x64xf32, #tpu.memory_space<vmem>>, vector<1x16xf32>,
      %get3A_702 = vector.shape_cast %get3A_701 : vector<1x16xf32> to vector<16xf32>
      %add3A_703 = arith.addf %get3A_661, %get3A_687 : vector<16xf32>
      %mul3A_704 = vector.broadcast %squeeze3A_652 : f32 to vector<16xf32>
      %mul3A_705 = arith.mulf %add3A_703, %mul3A_704 : vector<16xf32>
      %add3A_706 = arith.addf %get3A_668, %get3A_692 : vector<16xf32>
      %mul3A_707 = vector.broadcast %squeeze3A_652 : f32 to vector<16xf32>
      %mul3A_708 = arith.mulf %add3A_706, %mul3A_707 : vector<16xf32>
      %add3A_709 = arith.addf %get3A_675, %get3A_697 : vector<16xf32>
      %mul3A_710 = vector.broadcast %squeeze3A_652 : f32 to vector<16xf32>
      %mul3A_711 = arith.mulf %add3A_709, %mul3A_710 : vector<16xf32>
      %add3A_712 = arith.addf %get3A_682, %get3A_702 : vector<16xf32>
      %mul3A_713 = vector.broadcast %squeeze3A_652 : f32 to vector<16xf32>
      %mul3A_714 = arith.mulf %add3A_712, %mul3A_713 : vector<16xf32>
      %swap3A_715 = arith.constant 102 : i32
      %swap3A_716 = arith.index_cast %swap3A_715 : i32 to index
      %swap3A_717 = arith.constant 0 : index
      %swap3A_718 = tpu.vector_load %arg12[%swap3A_716, %swap3A_717] {strides = array<i32>} : memref<104x64xf32, #tpu.memory_space<vmem>>, vector<1x16xf32>,
      %swap3A_719 = vector.shape_cast %swap3A_718 : vector<1x16xf32> to vector<16xf32>
      %swap3A_720 = vector.shape_cast %mul3A_705 : vector<16xf32> to vector<1x16xf32>
      tpu.vector_store %arg12[%swap3A_716, %swap3A_717], %swap3A_720 {strides = array<i32>} : memref<104x64xf32, #tpu.memory_space<vmem>>, vector<1x16xf32>,
      %swap3A_721 = arith.constant 102 : i32
      %swap3A_722 = arith.index_cast %swap3A_721 : i32 to index
      %swap3A_723 = arith.constant 16 : index
      %swap3A_724 = tpu.vector_load %arg12[%swap3A_722, %swap3A_723] {strides = array<i32>} : memref<104x64xf32, #tpu.memory_space<vmem>>, vector<1x16xf32>,
      %swap3A_725 = vector.shape_cast %swap3A_724 : vector<1x16xf32> to vector<16xf32>
      %swap3A_726 = vector.shape_cast %mul3A_708 : vector<16xf32> to vector<1x16xf32>
      tpu.vector_store %arg12[%swap3A_722, %swap3A_723], %swap3A_726 {strides = array<i32>} : memref<104x64xf32, #tpu.memory_space<vmem>>, vector<1x16xf32>,
      %swap3A_727 = arith.constant 102 : i32
      %swap3A_728 = arith.index_cast %swap3A_727 : i32 to index
      %swap3A_729 = arith.constant 32 : index
      %swap3A_730 = tpu.vector_load %arg12[%swap3A_728, %swap3A_729] {strides = array<i32>} : memref<104x64xf32, #tpu.memory_space<vmem>>, vector<1x16xf32>,
      %swap3A_731 = vector.shape_cast %swap3A_730 : vector<1x16xf32> to vector<16xf32>
      %swap3A_732 = vector.shape_cast %mul3A_711 : vector<16xf32> to vector<1x16xf32>
      tpu.vector_store %arg12[%swap3A_728, %swap3A_729], %swap3A_732 {strides = array<i32>} : memref<104x64xf32, #tpu.memory_space<vmem>>, vector<1x16xf32>,
      %swap3A_733 = arith.constant 102 : i32
      %swap3A_734 = arith.index_cast %swap3A_733 : i32 to index
      %swap3A_735 = arith.constant 48 : index
      %swap3A_736 = tpu.vector_load %arg12[%swap3A_734, %swap3A_735] {strides = array<i32>} : memref<104x64xf32, #tpu.memory_space<vmem>>, vector<1x16xf32>,
      %swap3A_737 = vector.shape_cast %swap3A_736 : vector<1x16xf32> to vector<16xf32>
      %swap3A_738 = vector.shape_cast %mul3A_714 : vector<16xf32> to vector<1x16xf32>
      tpu.vector_store %arg12[%swap3A_734, %swap3A_735], %swap3A_738 {strides = array<i32>} : memref<104x64xf32, #tpu.memory_space<vmem>>, vector<1x16xf32>,
      %slice3A_739 = vector.extract_strided_slice %select_n3A {offsets = [7], sizes = [1], strides = [1]} : vector<16xf32> to vector<1xf32>
      %squeeze3A_740 = vector.extract %slice3A_739[0] : f32 from vector<1xf32>
      %slice3A_741 = vector.extract_strided_slice %mul3A_125 {offsets = [7], sizes = [1], strides = [1]} : vector<16xi32> to vector<1xi32>
      %squeeze3A_742 = vector.extract %slice3A_741[0] : i32 from vector<1xi32>
      %add3A_743 = arith.constant 0 : i32
      %add3A_744 = arith.addi %squeeze3A_742, %add3A_743 : i32
      %get3A_745 = arith.constant 103 : i32
      %get3A_746 = arith.index_cast %get3A_745 : i32 to index
      %get3A_747 = arith.index_cast %add3A_744 : i32 to index
      %get3A_748 = tpu.vector_load %arg10[%get3A_746, %get3A_747] {strides = array<i32>} : memref<104x128xf32, #tpu.memory_space<vmem>>, vector<1x16xf32>,
      %get3A_749 = vector.shape_cast %get3A_748 : vector<1x16xf32> to vector<16xf32>
      %add3A_750 = arith.constant 16 : i32
      %add3A_751 = arith.addi %squeeze3A_742, %add3A_750 : i32
      %get3A_752 = arith.constant 103 : i32
      %get3A_753 = arith.index_cast %get3A_752 : i32 to index
      %get3A_754 = arith.index_cast %add3A_751 : i32 to index
      %get3A_755 = tpu.vector_load %arg10[%get3A_753, %get3A_754] {strides = array<i32>} : memref<104x128xf32, #tpu.memory_space<vmem>>, vector<1x16xf32>,
      %get3A_756 = vector.shape_cast %get3A_755 : vector<1x16xf32> to vector<16xf32>
      %add3A_757 = arith.constant 32 : i32
      %add3A_758 = arith.addi %squeeze3A_742, %add3A_757 : i32
      %get3A_759 = arith.constant 103 : i32
      %get3A_760 = arith.index_cast %get3A_759 : i32 to index
      %get3A_761 = arith.index_cast %add3A_758 : i32 to index
      %get3A_762 = tpu.vector_load %arg10[%get3A_760, %get3A_761] {strides = array<i32>} : memref<104x128xf32, #tpu.memory_space<vmem>>, vector<1x16xf32>,
      %get3A_763 = vector.shape_cast %get3A_762 : vector<1x16xf32> to vector<16xf32>
      %add3A_764 = arith.constant 48 : i32
      %add3A_765 = arith.addi %squeeze3A_742, %add3A_764 : i32
      %get3A_766 = arith.constant 103 : i32
      %get3A_767 = arith.index_cast %get3A_766 : i32 to index
      %get3A_768 = arith.index_cast %add3A_765 : i32 to index
      %get3A_769 = tpu.vector_load %arg10[%get3A_767, %get3A_768] {strides = array<i32>} : memref<104x128xf32, #tpu.memory_space<vmem>>, vector<1x16xf32>,
      %get3A_770 = vector.shape_cast %get3A_769 : vector<1x16xf32> to vector<16xf32>
      %get3A_771 = arith.constant 199 : i32
      %get3A_772 = arith.index_cast %get3A_771 : i32 to index
      %get3A_773 = arith.constant 0 : index
      %get3A_774 = tpu.vector_load %arg13[%get3A_772, %get3A_773] {strides = array<i32>} : memref<200x64xf32, #tpu.memory_space<vmem>>, vector<1x16xf32>,
      %get3A_775 = vector.shape_cast %get3A_774 : vector<1x16xf32> to vector<16xf32>
      %get3A_776 = arith.constant 199 : i32
      %get3A_777 = arith.index_cast %get3A_776 : i32 to index
      %get3A_778 = arith.constant 16 : index
      %get3A_779 = tpu.vector_load %arg13[%get3A_777, %get3A_778] {strides = array<i32>} : memref<200x64xf32, #tpu.memory_space<vmem>>, vector<1x16xf32>,
      %get3A_780 = vector.shape_cast %get3A_779 : vector<1x16xf32> to vector<16xf32>
      %get3A_781 = arith.constant 199 : i32
      %get3A_782 = arith.index_cast %get3A_781 : i32 to index
      %get3A_783 = arith.constant 32 : index
      %get3A_784 = tpu.vector_load %arg13[%get3A_782, %get3A_783] {strides = array<i32>} : memref<200x64xf32, #tpu.memory_space<vmem>>, vector<1x16xf32>,
      %get3A_785 = vector.shape_cast %get3A_784 : vector<1x16xf32> to vector<16xf32>
      %get3A_786 = arith.constant 199 : i32
      %get3A_787 = arith.index_cast %get3A_786 : i32 to index
      %get3A_788 = arith.constant 48 : index
      %get3A_789 = tpu.vector_load %arg13[%get3A_787, %get3A_788] {strides = array<i32>} : memref<200x64xf32, #tpu.memory_space<vmem>>, vector<1x16xf32>,
      %get3A_790 = vector.shape_cast %get3A_789 : vector<1x16xf32> to vector<16xf32>
      %add3A_791 = arith.addf %get3A_749, %get3A_775 : vector<16xf32>
      %mul3A_792 = vector.broadcast %squeeze3A_740 : f32 to vector<16xf32>
      %mul3A_793 = arith.mulf %add3A_791, %mul3A_792 : vector<16xf32>
      %add3A_794 = arith.addf %get3A_756, %get3A_780 : vector<16xf32>
      %mul3A_795 = vector.broadcast %squeeze3A_740 : f32 to vector<16xf32>
      %mul3A_796 = arith.mulf %add3A_794, %mul3A_795 : vector<16xf32>
      %add3A_797 = arith.addf %get3A_763, %get3A_785 : vector<16xf32>
      %mul3A_798 = vector.broadcast %squeeze3A_740 : f32 to vector<16xf32>
      %mul3A_799 = arith.mulf %add3A_797, %mul3A_798 : vector<16xf32>
      %add3A_800 = arith.addf %get3A_770, %get3A_790 : vector<16xf32>
      %mul3A_801 = vector.broadcast %squeeze3A_740 : f32 to vector<16xf32>
      %mul3A_802 = arith.mulf %add3A_800, %mul3A_801 : vector<16xf32>
      %swap3A_803 = arith.constant 103 : i32
      %swap3A_804 = arith.index_cast %swap3A_803 : i32 to index
      %swap3A_805 = arith.constant 0 : index
      %swap3A_806 = tpu.vector_load %arg12[%swap3A_804, %swap3A_805] {strides = array<i32>} : memref<104x64xf32, #tpu.memory_space<vmem>>, vector<1x16xf32>,
      %swap3A_807 = vector.shape_cast %swap3A_806 : vector<1x16xf32> to vector<16xf32>
      %swap3A_808 = vector.shape_cast %mul3A_793 : vector<16xf32> to vector<1x16xf32>
      tpu.vector_store %arg12[%swap3A_804, %swap3A_805], %swap3A_808 {strides = array<i32>} : memref<104x64xf32, #tpu.memory_space<vmem>>, vector<1x16xf32>,
      %swap3A_809 = arith.constant 103 : i32
      %swap3A_810 = arith.index_cast %swap3A_809 : i32 to index
      %swap3A_811 = arith.constant 16 : index
      %swap3A_812 = tpu.vector_load %arg12[%swap3A_810, %swap3A_811] {strides = array<i32>} : memref<104x64xf32, #tpu.memory_space<vmem>>, vector<1x16xf32>,
      %swap3A_813 = vector.shape_cast %swap3A_812 : vector<1x16xf32> to vector<16xf32>
      %swap3A_814 = vector.shape_cast %mul3A_796 : vector<16xf32> to vector<1x16xf32>
      tpu.vector_store %arg12[%swap3A_810, %swap3A_811], %swap3A_814 {strides = array<i32>} : memref<104x64xf32, #tpu.memory_space<vmem>>, vector<1x16xf32>,
      %swap3A_815 = arith.constant 103 : i32
      %swap3A_816 = arith.index_cast %swap3A_815 : i32 to index
      %swap3A_817 = arith.constant 32 : index
      %swap3A_818 = tpu.vector_load %arg12[%swap3A_816, %swap3A_817] {strides = array<i32>} : memref<104x64xf32, #tpu.memory_space<vmem>>, vector<1x16xf32>,
      %swap3A_819 = vector.shape_cast %swap3A_818 : vector<1x16xf32> to vector<16xf32>
      %swap3A_820 = vector.shape_cast %mul3A_799 : vector<16xf32> to vector<1x16xf32>
      tpu.vector_store %arg12[%swap3A_816, %swap3A_817], %swap3A_820 {strides = array<i32>} : memref<104x64xf32, #tpu.memory_space<vmem>>, vector<1x16xf32>,
      %swap3A_821 = arith.constant 103 : i32
      %swap3A_822 = arith.index_cast %swap3A_821 : i32 to index
      %swap3A_823 = arith.constant 48 : index
      %swap3A_824 = tpu.vector_load %arg12[%swap3A_822, %swap3A_823] {strides = array<i32>} : memref<104x64xf32, #tpu.memory_space<vmem>>, vector<1x16xf32>,
      %swap3A_825 = vector.shape_cast %swap3A_824 : vector<1x16xf32> to vector<16xf32>
      %swap3A_826 = vector.shape_cast %mul3A_802 : vector<16xf32> to vector<1x16xf32>
      tpu.vector_store %arg12[%swap3A_822, %swap3A_823], %swap3A_826 {strides = array<i32>} : memref<104x64xf32, #tpu.memory_space<vmem>>, vector<1x16xf32>,
      %add3A_827 = arith.addi %mul3A_4, %scan3A_40 : i32
      %dma_start3A_828 = arith.constant 96 : i32
      %dma_start3A_829 = arith.constant 0 : i32
      %dma_start3A_830 = tpu.memref_slice %arg5[%add3A_827, %dma_start3A_828, %dma_start3A_829] : memref<1024x200x64xf32, #tpu.memory_space<hbm>> -> memref<1x104x64xf32, #tpu.memory_space<hbm>>
      %dma_start3A_831 = tpu.memref_squeeze %dma_start3A_830 : memref<1x104x64xf32, #tpu.memory_space<hbm>> -> memref<104x64xf32, #tpu.memory_space<hbm>>
      %dma_start3A_832 = arith.constant 96 : i32
      %dma_start3A_833 = arith.constant 0 : i32
      %dma_start3A_834 = tpu.memref_slice %arg5[%add3A_827, %dma_start3A_832, %dma_start3A_833] : memref<1024x200x64xf32, #tpu.memory_space<hbm>> -> memref<1x104x64xf32, #tpu.memory_space<hbm>>
      %dma_start3A_835 = tpu.memref_squeeze %dma_start3A_834 : memref<1x104x64xf32, #tpu.memory_space<hbm>> -> memref<104x64xf32, #tpu.memory_space<hbm>>
      tpu.enqueue_dma source(%arg12 : memref<104x64xf32, #tpu.memory_space<vmem>>) target(%dma_start3A_835 : memref<104x64xf32, #tpu.memory_space<hbm>>) target_semaphore(%arg17 : memref<!tpu.dma_semaphore, #tpu.memory_space<semaphore_mem>>)
      %scan3A_836 = arith.constant 0 : i32
      scf.yield %scan3A_836 : i32
    }
    %scan3A_24 = arith.constant 32 : i32
    %dma_wait3A = arith.constant 0 : i32
    %dma_wait3A_25 = arith.constant 0 : i32
    %dma_wait3A_26 = tpu.memref_slice %arg5[%mul3A_4, %dma_wait3A, %dma_wait3A_25] : memref<1024x200x64xf32, #tpu.memory_space<hbm>> -> memref<1x96x64xf32, #tpu.memory_space<hbm>>
    %dma_wait3A_27 = tpu.memref_squeeze %dma_wait3A_26 : memref<1x96x64xf32, #tpu.memory_space<hbm>> -> memref<96x64xf32, #tpu.memory_space<hbm>>
    %dma_wait3A_28 = arith.constant 0 : i32
    %dma_wait3A_29 = arith.constant 0 : i32
    %dma_wait3A_30 = tpu.memref_slice %arg5[%mul3A_4, %dma_wait3A_28, %dma_wait3A_29] : memref<1024x200x64xf32, #tpu.memory_space<hbm>> -> memref<1x96x64xf32, #tpu.memory_space<hbm>>
    %dma_wait3A_31 = tpu.memref_squeeze %dma_wait3A_30 : memref<1x96x64xf32, #tpu.memory_space<hbm>> -> memref<96x64xf32, #tpu.memory_space<hbm>>
    tpu.wait_dma2 semaphore(%arg16 : memref<!tpu.dma_semaphore, #tpu.memory_space<semaphore_mem>>) src(%arg11 : memref<96x64xf32, #tpu.memory_space<vmem>>) dst(%dma_wait3A_31 : memref<96x64xf32, #tpu.memory_space<hbm>>)
    %dma_wait3A_32 = arith.constant 96 : i32
    %dma_wait3A_33 = arith.constant 0 : i32
    %dma_wait3A_34 = tpu.memref_slice %arg5[%mul3A_4, %dma_wait3A_32, %dma_wait3A_33] : memref<1024x200x64xf32, #tpu.memory_space<hbm>> -> memref<1x104x64xf32, #tpu.memory_space<hbm>>
    %dma_wait3A_35 = tpu.memref_squeeze %dma_wait3A_34 : memref<1x104x64xf32, #tpu.memory_space<hbm>> -> memref<104x64xf32, #tpu.memory_space<hbm>>
    %dma_wait3A_36 = arith.constant 96 : i32
    %dma_wait3A_37 = arith.constant 0 : i32
    %dma_wait3A_38 = tpu.memref_slice %arg5[%mul3A_4, %dma_wait3A_36, %dma_wait3A_37] : memref<1024x200x64xf32, #tpu.memory_space<hbm>> -> memref<1x104x64xf32, #tpu.memory_space<hbm>>
    %dma_wait3A_39 = tpu.memref_squeeze %dma_wait3A_38 : memref<1x104x64xf32, #tpu.memory_space<hbm>> -> memref<104x64xf32, #tpu.memory_space<hbm>>
    tpu.wait_dma2 semaphore(%arg17 : memref<!tpu.dma_semaphore, #tpu.memory_space<semaphore_mem>>) src(%arg12 : memref<104x64xf32, #tpu.memory_space<vmem>>) dst(%dma_wait3A_39 : memref<104x64xf32, #tpu.memory_space<hbm>>)
    return
  }
}

</mosaic_0001>

<sc_bundles>
// kernel: kernel.3.cloned.1.call-start
scs
__scs_entry_jumppad:
0x0: {  	(pc) =	sbr.rel $0x88, $3  }
0x1: {  	(tag) =	ssettag $0x0;
	lr =	simm.s32 $0x1  }
0x2: {  	[smem:$0x3F9F] =	sst lr;
	_ =	strace $0xD0000000  }
0x3: {  	_ = 	snop  }
0x4: {  	_ = 	snop  }
0x5: {  	_ = 	snop  }
0x6: {  	_ = 	snop  }
0x7: {  	_ = 	snop  }
__scs_overlays_trampoline_lowered:
0x8: {  	[smem:$0x3FAE] =	sst s0  }
0x9: {  	[smem:$0x3FAF] =	sst s1  }
0xa: {  	[smem:$0x3FB0] =	sst s2  }
0xb: {  	[smem:$0x3FB1] =	sst s3  }
0xc: {  	[smem:$0x3FB2] =	sst s4  }
0xd: {  	[smem:$0x3FB3] =	sst s5  }
0xe: {  	[smem:$0x3FB4] =	sst s6  }
0xf: {  	[smem:$0x3FB5] =	sst s7  }
0x10: {  	[smem:$0x3FB6] =	sst s8  }
0x11: {  	[smem:$0x3FB7] =	sst s9;
	s0 =	simm.s32 @!p0 $0x0  }
0x12: {  	s1 =	sld [smem:$0x3F9D];
	s0 =	simm.s32 @p0 $0x1  }
0x13: {  	[smem:$0x3FB8] =	sst s0;
	s0 =	simm.s32 @!p1 $0x0  }
0x14: {  	s2 =	sld [smem:$0x3F9C];
	s0 =	simm.s32 @p1 $0x1  }
0x15: {  	[smem:$0x3FB9] =	sst s0;
	s0 =	simm.s32 @!p2 $0x0  }
0x16: {  	s3 =	sld [smem:$0x3FDB];
	s0 =	simm.s32 @p2 $0x1  }
0x17: {  	s4 =	simm.s32 $0x1BF5;
	[smem:$0x3FBB] =	sst s0  }
0x18: {  	s0 =	sld [smem:$0x3F9E];
	_ =	swait.ge [sflag:s4], $0x0  }
0x19: {  	s7 =	sld [smem:$0x3F9F]  }
0x1a: {  	s8 =	sadd.s32 $0xFFFFE003, lr  }
0x1b: {  	s9 =	sadd.s32 $0xFFFFFEF7, lr;
	s5 =	simm.s32 $0xFFFFFFFF;
	p2 =	slt.u32 s8, $0xFFFFF086  }
0x1c: {  	p1 =	slt.u32 s9, $0xF7A;
	s5 =	simm.s32 @!p2 $0x0  }
0x1d: {  	s5 =	simm.s32 @p1 $0x1;
	p0 =	seq.s32 s7, s2  }
0x1e: {  	s7 =	smul.u32 @!p0 $0xF7A, s2;
	p2 =	seq.s32 @!p0 s5, $0x0  }
0x1f: {  	s9 =	smul.u32 $0xF7A, s1;
	s8 =	simm.s32 @!p0 $0x1BF5;
	p2 =	por !p2, p0  }
0x20: {  	[sflag:s8] =	ssyncset.s32 @!p0 $0xFFFFF086;
	s6 =	sadd.s32 @!p0 s3, s7;
	s7 =	simm.s32 @!p0 $0x108  }
0x21: {  	s3 =	sadd.s32 s3, s9;
	s6 =	sadd.s32 @!p0 $0x88, s6;
	s7 =	simm.s32 @p2 $0x1082  }
0x22: {  	[simem:s7], [sflag:s8] =	dma.local @!p0 [hbm:s6], $0xF7A  }
0x23: {  	s9 =	sor.u32 $0xD0000000, s2;
	s6 =	simm.s32 $0x108;
	_ =	swait.ge @!p0 [sflag:s8], $0x0  }
0x24: {  	s3 =	sadd.s32 $0x88, s3;
	s6 =	simm.s32 @!p1 $0x1082;
	[sflag:s4] =	ssyncset.s32 $0xFFFFF086  }
0x25: {  	[simem:s6], [sflag:s4] =	dma.local [hbm:s3], $0xF7A  }
0x26: {  	[smem:$0x3F9F] =	sst s1;
	(tag) =	ssettag s2;
	_ =	strace s9  }
0x27: {  	s1 =	sld [smem:$0x3FAF]  }
0x28: {  	s2 =	sld [smem:$0x3FB0]  }
0x29: {  	s4 =	sld [smem:$0x3FB2]  }
0x2a: {  	p0 =	seq.s32 s5, $0x0;
	s5 =	sld [smem:$0x3FB3]  }
0x2b: {  	s6 =	sld [smem:$0x3FB4]  }
0x2c: {  	s7 =	sld [smem:$0x3FB5]  }
0x2d: {  	s3 =	simm.s32 $0x108;
	s8 =	sld [smem:$0x3FB6]  }
0x2e: {  	s3 =	simm.s32 @!p0 $0x1082;
	s9 =	sld [smem:$0x3FB7]  }
0x2f: {  	lr =	sadd.s32 s0, s3;
	s0 =	sld [smem:$0x3FAE]  }
0x30: {  	s3 =	sld [smem:$0x3FB1]  }
0x31: {  	[smem:$0x3FBA] =	sst s10  }
0x32: {  	s10 =	sld [smem:$0x3FB8];
	_ =	sdelay $0x3  }
0x33: {  	p0 =	seq.s32 s10, $0x1;
	s10 =	sld [smem:$0x3FBA];
	_ =	sdelay $0x3  }
0x34: {  	[smem:$0x3FBA] =	sst s10  }
0x35: {  	s10 =	sld [smem:$0x3FB9];
	_ =	sdelay $0x3  }
0x36: {  	p1 =	seq.s32 s10, $0x1;
	s10 =	sld [smem:$0x3FBA];
	_ =	sdelay $0x3  }
0x37: {  	[smem:$0x3FBA] =	sst s10  }
0x38: {  	s10 =	sld [smem:$0x3FBB]  }
0x39: {  	_ = 	snop;
	(pc) =	sbr.ind lr, $3  }
0x3a: {  	_ = 	snop  }
0x3b: {  	_ = 	snop  }
0x3c: {  	p2 =	seq.s32 s10, $0x1;
	s10 =	sld [smem:$0x3FBA]  }
0x3d: {  	_ =	shalt  }
0x3e: {  	_ =	shalt  }
0x3f: {  	_ =	shalt  }
0x40: {  	_ =	shalt  }
0x41: {  	_ =	shalt  }
0x42: {  	_ =	shalt  }
0x43: {  	_ =	shalt  }
0x44: {  	_ =	shalt  }
0x45: {  	_ =	shalt  }
0x46: {  	_ =	shalt  }
0x47: {  	_ =	shalt  }
0x48: {  	_ =	shalt  }
0x49: {  	_ =	shalt  }
0x4a: {  	_ =	shalt  }
0x4b: {  	_ =	shalt  }
0x4c: {  	_ =	shalt  }
0x4d: {  	_ =	shalt  }
0x4e: {  	_ =	shalt  }
0x4f: {  	_ =	shalt  }
0x50: {  	_ =	shalt  }
0x51: {  	_ =	shalt  }
0x52: {  	_ =	shalt  }
0x53: {  	_ =	shalt  }
0x54: {  	_ =	shalt  }
0x55: {  	_ =	shalt  }
0x56: {  	_ =	shalt  }
0x57: {  	_ =	shalt  }
0x58: {  	_ =	shalt  }
0x59: {  	_ =	shalt  }
0x5a: {  	_ =	shalt  }
0x5b: {  	_ =	shalt  }
0x5c: {  	_ =	shalt  }
0x5d: {  	_ =	shalt  }
0x5e: {  	_ =	shalt  }
0x5f: {  	_ =	shalt  }
0x60: {  	_ =	shalt  }
0x61: {  	_ =	shalt  }
0x62: {  	_ =	shalt  }
0x63: {  	_ =	shalt  }
0x64: {  	_ =	shalt  }
0x65: {  	_ =	shalt  }
0x66: {  	_ =	shalt  }
0x67: {  	_ =	shalt  }
0x68: {  	_ =	shalt  }
0x69: {  	_ =	shalt  }
0x6a: {  	_ =	shalt  }
0x6b: {  	_ =	shalt  }
0x6c: {  	_ =	shalt  }
0x6d: {  	_ =	shalt  }
0x6e: {  	_ =	shalt  }
0x6f: {  	_ =	shalt  }
0x70: {  	_ =	shalt  }
0x71: {  	_ =	shalt  }
0x72: {  	_ =	shalt  }
0x73: {  	_ =	shalt  }
0x74: {  	_ =	shalt  }
0x75: {  	_ =	shalt  }
0x76: {  	_ =	shalt  }
0x77: {  	_ =	shalt  }
0x78: {  	_ =	shalt  }
0x79: {  	_ =	shalt  }
0x7a: {  	_ =	shalt  }
0x7b: {  	_ =	shalt  }
0x7c: {  	_ =	shalt  }
0x7d: {  	_ =	shalt  }
0x7e: {  	_ =	shalt  }
0x7f: {  	_ =	shalt  }
0x80: {  	_ =	shalt  }
0x81: {  	_ =	shalt  }
0x82: {  	_ =	shalt  }
0x83: {  	_ =	shalt  }
0x84: {  	_ =	shalt  }
0x85: {  	_ =	shalt  }
0x86: {  	_ =	shalt  }
0x87: {  	_ =	shalt  }
.Lfunc_end0:
.L_simem_size_0:
called_computation_lowered:
.L_overlay_start_0:
0x88: {  	s2 =	sld [smem:$0x3FD9]  }
0x89: {  	s3 =	sld [smem:$0x3FFE];
	_ =	sdelay $0x1  }
0x8a: {  	s1 =	srdreg.scid  }
0x8b: {  	s0 =	sand.u32 $0x1, s1  }
0x8c: {  	s17 =	sshll.u32 s0, $0xA;
	s2 =	sadd.s32 s3, s2  }
0x8d: {  	s2 =	sadd.s32 s2, s17  }
0x8e: {  	[smem:$0x3FC6] =	sst s2  }
0x8f: {  	_ = 	snop  }
0x90: {  	s2 =	sld [smem:$0x3FD0];
	(tm) =	ssettm $0x1  }
0x91: {  	s18 =	sld [smem:$0x3FFB];
	_ =	sdelay $0x3  }
0x92: {  	_ =	strace s18  }
0x93: {  	s3 =	sld [smem:$0x3FFC];
	_ =	sdelay $0x3  }
0x94: {  	_ =	strace s3  }
0x95: {  	s3 =	sld [smem:$0x3FFD];
	_ =	sdelay $0x3  }
0x96: {  	_ =	strace s3  }
0x97: {  	_ =	strace $0x8FFFFFFF  }
0x98: {  	s19 =	sld [smem:$0x3FDB];
	_ =	sdelay $0x1  }
0x99: {  	s4 =	simm.s32 $_scs_section_size  }
0x9a: {  	s5 =	simm.s32 $_size__tile_overlayer_lowered;
	s6 =	simm.s32 $_tile_overlayer_lowered  }
0x9b: {  	s22 =	simm.s32 $0x1BFF;
	s21 =	sshll.u32 s6, $0x1;
	s3 =	sadd.s32 s4, s19  }
0x9c: {  	s7 =	simm.s32 $0x0;
	s20 =	sshll.u32 s5, $0x1;
	s5 =	sadd.s32 s21, s3  }
0x9d: {  	[timem:s7], [sflag:s22] =	dma.local [hbm:s5], s20  }
0x9e: {  	_ =	swait.ge [sflag:s22], s20  }
0x9f: {  	s4 =	ssub.s32 $0x0, s20;
	[sflag:s22] =	ssyncset.done $0x0  }
0xa0: {  	[sflag:s22] =	ssyncadd.s32 s4;
	_ =	sdelay $0x1  }
0xa1: {  	s23 =	simm.s32 $0x1B8B  }
0xa2: {  	_ =	swait.ge [sflag:s23], $0x1  }
0xa3: {  	[sflag:s23] =	ssyncset.done $0x0  }
0xa4: {  	s25 =	simm.s32 $0x1B8E;
	s24 =	sld [smem:$0x3FFE];
	[sflag:s23] =	ssyncadd.s32 $0xFFFFFFFF  }
0xa5: {  	s26 =	simm.s32 $execute0_lowered;
	[smem:$0x3FD2] =	sst s25  }
0xa6: {  	s5 =	sshll.u32 s26, $0x1;
	_ =	strace $0x80000046;
	[dreg:$0x1] =	wrdreg $0xFFFFFFFF  }
0xa7: {  	s28 =	simm.s32 $_size_execute0_lowered;
	s3 =	sadd.s32 s3, s5;
	[dreg:$0x0] =	wrdreg $0x0  }
0xa8: {  	s5 =	sshll.u32 s28, $0x1;
	[dreg:$0x2] =	wrdreg s3  }
0xa9: {  	[dreg:$0x3] =	wrdreg s5  }
0xaa: {  	[dreg:$0x4] =	wrdreg $0xC0  }
0xab: {  	_ =	task [dreg:s7], $0x5FFFF  }
0xac: {  	[dreg:$0x1] =	wrdreg $0xFFFFFFFF  }
0xad: {  	[dreg:$0x0] =	wrdreg $0x60  }
0xae: {  	[dreg:$0x2] =	wrdreg s2  }
0xaf: {  	[dreg:$0x3] =	wrdreg s24  }
0xb0: {  	[dreg:$0x4] =	wrdreg $0x9  }
0xb1: {  	_ =	task.clear_ibuf [dreg:s7], $0x5FFFF;
	_ =	strace $0x90000046  }
0xb2: {  	s29 =	simm.s32 $0x9;
	_ =	strace $0x80000048  }
0xb3: {  	_ =	swait.ge [sflag:s29], $0x1  }
0xb4: {  	[sflag:s29] =	ssyncadd.s32 $0xFFFFFFFF  }
0xb5: {  	_ =	strace $0x90000048  }
0xb6: {  	_ =	sfence  }
0xb7: {  	s30 =	sld [smem:$0x0];
	_ =	sdelay $0x2  }
0xb8: {  	s31 =	sshll.u32 s1, $0xD;
	s1 =	sshrl.u32 s1, $0x2  }
0xb9: {  	s3 =	sand.u32 $0x4000, s31;
	s1 =	sadd.s32 s1, s30  }
0xba: {  	s0 =	sor.u32 s3, s0;
	s1 =	sshll.u32 s1, $0x11  }
0xbb: {  	s0 =	sor.u32 s1, s0  }
0xbc: {  	s0 =	sadd.s32 $0x8F2B, s0  }
0xbd: {  	[sflag:s0] =	ssyncadd.remote.s32 $0x1  }
0xbe: {  	_ =	sfence.sel $0xFFFF  }
0xbf: {  	[dreg:$0x0] =	wrdreg $0xFFFFFFFF;
	(pc) =	sbr.abs _section_cstart, $3  }
0xc0: {  	[dreg:$0x1] =	wrdreg $0xFFFFFFFF  }
0xc1: {  	_ =	task.clear_ibuf [dreg:s7], $0x2FFFF;
	_ =	strace $0x9FFFFFFF  }
0xc2: {  	(tm) =	ssettm $0x7FFFFFFF  }
0xc3: {  	_ =	shalt  }
tec
execute0_lowered:
.L_overlay_start_1:
0x0: {  	(tag) =	ssettag $0x1  }
0x1: {  	s0 =	rddreg [dreg:$0x0]  }
0x2: {  	s2 =	rddreg [dreg:$0x1];
	s4 =	srdreg.scid  }
0x3: {  	s1 =	stileid.u32;
	s3 =	simm.s32 $0x0;
	s10 =	simm.s32 $0x5  }
0x4: {  	s11 =	simm.s32 $0x1980;
	s12 =	simm.s32 $0x1A80;
	s13 =	simm.s32 $0x68  }
0x5: {  	s14 =	simm.s32 $0x1A00;
	s15 =	simm.s32 $0x4A80;
	s16 =	simm.s32 $0x1  }
0x6: {  	s17 =	simm.s32 $0x7E80;
	s18 =	simm.s32 $0x2;
	s19 =	simm.s32 $0x4  }
0x7: {  	s20 =	simm.s32 $0xAE80;
	s21 =	simm.s32 $0x3;
	s22 =	simm.s32 $0x60  }
0x8: {  	s23 =	simm.s32 $0x0;
	s4 =	sand.u32 $0x1, s4;
	s5 =	sshll.u32 s1, $0x1  }
0x9: {  	[smem:$0x7FF] =	sst s3;
	s6 =	ssub.s32 $0x2, s4;
	s7 =	sor.u32 s4, s5  }
0xa: {  	_ =	strace $0x80000047;
	s8 =	sshrl.u32 s6, $0x1;
	s9 =	smul.u32 $0x320, s7  }
0xb: {  	s4 =	sadd.s32 $0xF43200, s2;
	s5 =	sadd.s32 $0xE00, s2;
	s8 =	ssub.s32 s6, s8  }
0xc: {  	v0 =	vimm.f32 $1.000000000e+00;
	s6 =	sshll.u32 s7, $0x5;
	s7 =	sadd.s32 s0, s9;
	s8 =	smax.u32 s8, $0x1  }
.LBB2_1:
0xd: {  	s0 =	simm.s32 $0xE280  }
0xe: {  	[tilespmem:s0], [sflag:$0x5] =	stream.linear.gather [hbm4b:s2+s3], $0x6400, $0x38;
	[tilespmem:$0x14680] =	vst v63  }
0xf: {  	_ =	swait.ge [sflag:s10], $0x6400  }
0x10: {  	[sflag:s10] =	ssyncset.done $0x0  }
0x11: {  	[sflag:s10] =	ssyncadd.s32 $0xFFFF9C00  }
0x12: {  	[tilespmem:s3], [sflag:$0x5] =	stream.linear.gather [hbm4b:s7+s3], $0x1900, $0x38;
	[tilespmem:$0x14680] =	vst v63  }
0x13: {  	_ =	swait.ge [sflag:s10], $0x1900  }
0x14: {  	[sflag:s10] =	ssyncset.done $0x0  }
0x15: {  	[sflag:s10] =	ssyncadd.s32 $0xFFFFE700  }
0x16: {  	v1 =	vld [tilespmem:$0x0]  }
0x17: {  	v2 =	vld [tilespmem:$0x10]  }
0x18: {  	v3 =	vld [tilespmem:$0x20]  }
0x19: {  	v4 =	vld [tilespmem:$0x30]  }
0x1a: {  	v5 =	vld [tilespmem:$0x40]  }
0x1b: {  	v6 =	vld [tilespmem:$0x50];
	v1 =	vshrl.u32 v1, $0x1  }
0x1c: {  	[tilespmem:$0x1980] =	vst v1;
	v1 =	vshrl.u32 v2, $0x1  }
0x1d: {  	[tilespmem:$0x1990] =	vst v1;
	v1 =	vshrl.u32 v3, $0x1  }
0x1e: {  	[tilespmem:$0x19A0] =	vst v1;
	v1 =	vshrl.u32 v4, $0x1  }
0x1f: {  	[tilespmem:$0x19B0] =	vst v1;
	v1 =	vshrl.u32 v5, $0x1  }
0x20: {  	[tilespmem:$0x19C0] =	vst v1;
	v1 =	vshrl.u32 v6, $0x1  }
0x21: {  	s24 =	simm.s32 $0x60;
	s25 =	simm.s32 $0x0;
	s26 =	simm.s32 $0x0;
	[tilespmem:$0x19D0] =	vst v1  }
0x22: {  	[tilespmem:s12], [sflag:$0x1] =	stream.indirect.gather [hbm4b:s4+s22], $0x80, s11, s22, $0xb8;
	[tilespmem:$0x14680] =	vst v63  }
.LBB2_2:
0x23: {  	s0 =	smul.u32 $0x320, s26;
	_ =	sdelay $0x1  }
0x24: {  	s28 =	sshra.s32 s0, $0x2  }
0x25: {  	v1 =	vld [tilespmem:s28+$0x60];
	_ =	sdelay $0x4  }
0x26: {  	v1 =	vshrl.u32 v1, $0x1  }
0x27: {  	[tilespmem:$0x1A00] =	vst v1  }
0x28: {  	v1 =	vld [tilespmem:s28+$0x70];
	_ =	sdelay $0x4  }
0x29: {  	v1 =	vshrl.u32 v1, $0x1  }
0x2a: {  	[tilespmem:$0x1A10] =	vst v1  }
0x2b: {  	v1 =	vld [tilespmem:s28+$0x80];
	_ =	sdelay $0x4  }
0x2c: {  	v1 =	vshrl.u32 v1, $0x1  }
0x2d: {  	[tilespmem:$0x1A20] =	vst v1  }
0x2e: {  	v1 =	vld [tilespmem:s28+$0x90];
	_ =	sdelay $0x4  }
0x2f: {  	v1 =	vshrl.u32 v1, $0x1  }
0x30: {  	[tilespmem:$0x1A30] =	vst v1  }
0x31: {  	v1 =	vld [tilespmem:s28+$0xA0];
	_ =	sdelay $0x4  }
0x32: {  	v1 =	vshrl.u32 v1, $0x1  }
0x33: {  	[tilespmem:$0x1A40] =	vst v1  }
0x34: {  	v1 =	vld [tilespmem:s28+$0xB0];
	_ =	sdelay $0x4  }
0x35: {  	v1 =	vshrl.u32 v1, $0x1  }
0x36: {  	[tilespmem:$0x1A50] =	vst v1  }
0x37: {  	v1 =	vld [tilespmem:s28+$0xC0];
	_ =	sdelay $0x4  }
0x38: {  	v1 =	vshrl.u32 v1, $0x1  }
0x39: {  	[tilespmem:$0x1A60] =	vst v1  }
0x3a: {  	[tilespmem:s15], [sflag:$0x2] =	stream.indirect.gather [hbm4b:s4+s13], $0x80, s14, s13, $0xb8;
	[tilespmem:$0x14680] =	vst v63  }
0x3b: {  	_ =	swait.ge [sflag:s16], $0x3000  }
0x3c: {  	p0 =	seq.s32 s26, $0x0;
	[sflag:s16] =	ssyncset.done $0x0  }
0x3d: {  	s0 =	simm.s32 @!p0 $0x3;
	[sflag:s16] =	ssyncadd.s32 $0xFFFFD000  }
0x3e: {  	_ =	swait.ge @!p0 [sflag:s0], $0x3000  }
0x3f: {  	[sflag:s0] =	ssyncset.done @!p0 $0x0  }
0x40: {  	s29 =	simm.s32 $0x0;
	s30 =	smov.u32 s25;
	[sflag:s0] =	ssyncadd.s32 @!p0 $0xFFFFD000  }
.LBB2_3:
0x41: {  	v1 =	vld [tilespmem:s30+$0x0];
	_ =	sdelay $0x4  }
0x42: {  	v2 =	vshll.u32 v1, $0x6  }
0x43: {  	s31 =	sshra.s32 s29, $0x2;
	v2 =	vand.u32 $0x40, v2  }
0x44: {  	v2 =	vadd.s32 s31, v2  }
0x45: {  	(v2sf) =	vpush v2, $0x1  }
0x46: {  	(v2sf) =	vpush v2, $0x0;
	_ =	sdelay $0xb  }
0x47: {  	v7 =	vld [tilespmem:s31+$0xE280]  }
0x48: {  	v8 =	vld [tilespmem:s31+$0xE290]  }
0x49: {  	v9 =	vld [tilespmem:s31+$0xE2A0];
	s0 =	spop (v2sf)  }
0x4a: {  	v10 =	vld [tilespmem:s31+$0xE2B0];
	s1 =	spop (v2sf)  }
0x4b: {  	v3 =	vld [tilespmem:s1+$0x1A80]  }
0x4c: {  	v4 =	vld [tilespmem:s1+$0x1A90]  }
0x4d: {  	v5 =	vld [tilespmem:s1+$0x1AA0]  }
0x4e: {  	vm0 =	veq.s32 v1, $0x0;
	v6 =	vld [tilespmem:s1+$0x1AB0]  }
0x4f: {  	v1 =	vsel vm0, $0x0, v0  }
0x50: {  	v28 =	vbroadcast v1, $0x0;
	v3 =	vadd.f32 v7, v3  }
0x51: {  	v4 =	vadd.f32 v8, v4  }
0x52: {  	v5 =	vadd.f32 v9, v5;
	v3 =	vmul.f32 v3, v28  }
0x53: {  	v6 =	vadd.f32 v10, v6;
	v4 =	vmul.f32 v4, v28  }
0x54: {  	v30 =	vld [tilespmem:s31+$0xE300];
	(v2sf) =	vpush v2, $0x3;
	v5 =	vmul.f32 v5, v28;
	[tilespmem:s31+$0x7E80] =	vst v3  }
0x55: {  	v31 =	vld [tilespmem:s31+$0xE310];
	(v2sf) =	vpush v2, $0x2;
	v3 =	vmul.f32 v6, v28;
	[tilespmem:s31+$0x7E90] =	vst v4  }
0x56: {  	v32 =	vld [tilespmem:s31+$0xE320];
	[tilespmem:s31+$0x7EA0] =	vst v5  }
0x57: {  	v33 =	vld [tilespmem:s31+$0xE330];
	[tilespmem:s31+$0x7EB0] =	vst v3  }
0x58: {  	v3 =	vld [tilespmem:s0+$0x1B00]  }
0x59: {  	v4 =	vld [tilespmem:s0+$0x1B10]  }
0x5a: {  	v5 =	vld [tilespmem:s0+$0x1B20]  }
0x5b: {  	v29 =	vld [tilespmem:s0+$0x1B30];
	_ =	sdelay $0x1  }
0x5c: {  	v34 =	vbroadcast v1, $0x1;
	v3 =	vadd.f32 v30, v3  }
0x5d: {  	v4 =	vadd.f32 v31, v4  }
0x5e: {  	v5 =	vadd.f32 v32, v5;
	v3 =	vmul.f32 v3, v34  }
0x5f: {  	v6 =	vadd.f32 v33, v29;
	v4 =	vmul.f32 v4, v34  }
0x60: {  	v36 =	vld [tilespmem:s31+$0xE380];
	v5 =	vmul.f32 v5, v34;
	[tilespmem:s31+$0x7F00] =	vst v3  }
0x61: {  	v37 =	vld [tilespmem:s31+$0xE390];
	v3 =	vmul.f32 v6, v34;
	[tilespmem:s31+$0x7F10] =	vst v4  }
0x62: {  	v38 =	vld [tilespmem:s31+$0xE3A0];
	s0 =	spop (v2sf);
	[tilespmem:s31+$0x7F20] =	vst v5  }
0x63: {  	v39 =	vld [tilespmem:s31+$0xE3B0];
	s9 =	spop (v2sf);
	[tilespmem:s31+$0x7F30] =	vst v3  }
0x64: {  	v3 =	vld [tilespmem:s9+$0x1B80]  }
0x65: {  	v4 =	vld [tilespmem:s9+$0x1B90]  }
0x66: {  	v5 =	vld [tilespmem:s9+$0x1BA0]  }
0x67: {  	v35 =	vld [tilespmem:s9+$0x1BB0];
	_ =	sdelay $0x1  }
0x68: {  	v40 =	vbroadcast v1, $0x2;
	v3 =	vadd.f32 v36, v3  }
0x69: {  	v4 =	vadd.f32 v37, v4  }
0x6a: {  	v5 =	vadd.f32 v38, v5;
	v3 =	vmul.f32 v3, v40  }
0x6b: {  	v6 =	vadd.f32 v39, v35;
	v4 =	vmul.f32 v4, v40  }
0x6c: {  	v42 =	vld [tilespmem:s31+$0xE400];
	(v2sf) =	vpush v2, $0x5;
	v5 =	vmul.f32 v5, v40;
	[tilespmem:s31+$0x7F80] =	vst v3  }
0x6d: {  	v43 =	vld [tilespmem:s31+$0xE410];
	(v2sf) =	vpush v2, $0x4;
	v3 =	vmul.f32 v6, v40;
	[tilespmem:s31+$0x7F90] =	vst v4  }
0x6e: {  	v44 =	vld [tilespmem:s31+$0xE420];
	[tilespmem:s31+$0x7FA0] =	vst v5  }
0x6f: {  	v45 =	vld [tilespmem:s31+$0xE430];
	[tilespmem:s31+$0x7FB0] =	vst v3  }
0x70: {  	v3 =	vld [tilespmem:s0+$0x1C00]  }
0x71: {  	v4 =	vld [tilespmem:s0+$0x1C10]  }
0x72: {  	v5 =	vld [tilespmem:s0+$0x1C20]  }
0x73: {  	v41 =	vld [tilespmem:s0+$0x1C30];
	_ =	sdelay $0x1  }
0x74: {  	v46 =	vbroadcast v1, $0x3;
	v3 =	vadd.f32 v42, v3  }
0x75: {  	v4 =	vadd.f32 v43, v4  }
0x76: {  	v5 =	vadd.f32 v44, v5;
	v3 =	vmul.f32 v3, v46  }
0x77: {  	v6 =	vadd.f32 v45, v41;
	v4 =	vmul.f32 v4, v46  }
0x78: {  	v48 =	vld [tilespmem:s31+$0xE480];
	v5 =	vmul.f32 v5, v46;
	[tilespmem:s31+$0x8000] =	vst v3  }
0x79: {  	v49 =	vld [tilespmem:s31+$0xE490];
	v3 =	vmul.f32 v6, v46;
	[tilespmem:s31+$0x8010] =	vst v4  }
0x7a: {  	v50 =	vld [tilespmem:s31+$0xE4A0];
	s0 =	spop (v2sf);
	[tilespmem:s31+$0x8020] =	vst v5  }
0x7b: {  	v51 =	vld [tilespmem:s31+$0xE4B0];
	s9 =	spop (v2sf);
	[tilespmem:s31+$0x8030] =	vst v3  }
0x7c: {  	v3 =	vld [tilespmem:s9+$0x1C80]  }
0x7d: {  	v4 =	vld [tilespmem:s9+$0x1C90]  }
0x7e: {  	v5 =	vld [tilespmem:s9+$0x1CA0]  }
0x7f: {  	v47 =	vld [tilespmem:s9+$0x1CB0];
	_ =	sdelay $0x1  }
0x80: {  	v52 =	vbroadcast v1, $0x4;
	v3 =	vadd.f32 v48, v3  }
0x81: {  	v4 =	vadd.f32 v49, v4  }
0x82: {  	v5 =	vadd.f32 v50, v5;
	v3 =	vmul.f32 v3, v52  }
0x83: {  	v6 =	vadd.f32 v51, v47;
	v4 =	vmul.f32 v4, v52  }
0x84: {  	v54 =	vld [tilespmem:s31+$0xE500];
	(v2sf) =	vpush v2, $0x7;
	v5 =	vmul.f32 v5, v52;
	[tilespmem:s31+$0x8080] =	vst v3  }
0x85: {  	v55 =	vld [tilespmem:s31+$0xE510];
	(v2sf) =	vpush v2, $0x6;
	v3 =	vmul.f32 v6, v52;
	[tilespmem:s31+$0x8090] =	vst v4  }
0x86: {  	v56 =	vld [tilespmem:s31+$0xE520];
	[tilespmem:s31+$0x80A0] =	vst v5  }
0x87: {  	v57 =	vld [tilespmem:s31+$0xE530];
	[tilespmem:s31+$0x80B0] =	vst v3  }
0x88: {  	v3 =	vld [tilespmem:s0+$0x1D00]  }
0x89: {  	v4 =	vld [tilespmem:s0+$0x1D10]  }
0x8a: {  	v5 =	vld [tilespmem:s0+$0x1D20]  }
0x8b: {  	v53 =	vld [tilespmem:s0+$0x1D30];
	_ =	sdelay $0x1  }
0x8c: {  	v58 =	vbroadcast v1, $0x5;
	v3 =	vadd.f32 v54, v3  }
0x8d: {  	v4 =	vadd.f32 v55, v4  }
0x8e: {  	v5 =	vadd.f32 v56, v5;
	v3 =	vmul.f32 v3, v58  }
0x8f: {  	v6 =	vadd.f32 v57, v53;
	v4 =	vmul.f32 v4, v58  }
0x90: {  	v60 =	vld [tilespmem:s31+$0xE580];
	v5 =	vmul.f32 v5, v58;
	[tilespmem:s31+$0x8100] =	vst v3  }
0x91: {  	v61 =	vld [tilespmem:s31+$0xE590];
	v3 =	vmul.f32 v6, v58;
	[tilespmem:s31+$0x8110] =	vst v4  }
0x92: {  	v62 =	vld [tilespmem:s31+$0xE5A0];
	s0 =	spop (v2sf);
	[tilespmem:s31+$0x8120] =	vst v5  }
0x93: {  	v63 =	vld [tilespmem:s31+$0xE5B0];
	s9 =	spop (v2sf);
	[tilespmem:s31+$0x8130] =	vst v3  }
0x94: {  	v3 =	vld [tilespmem:s9+$0x1D80]  }
0x95: {  	v4 =	vld [tilespmem:s9+$0x1D90]  }
0x96: {  	v5 =	vld [tilespmem:s9+$0x1DA0]  }
0x97: {  	v59 =	vld [tilespmem:s9+$0x1DB0];
	_ =	sdelay $0x1  }
0x98: {  	v11 =	vbroadcast v1, $0x6;
	v3 =	vadd.f32 v60, v3  }
0x99: {  	v4 =	vadd.f32 v61, v4  }
0x9a: {  	v5 =	vadd.f32 v62, v5;
	v3 =	vmul.f32 v3, v11  }
0x9b: {  	v6 =	vadd.f32 v63, v59;
	v4 =	vmul.f32 v4, v11  }
0x9c: {  	v13 =	vld [tilespmem:s31+$0xE600];
	(v2sf) =	vpush v2, $0x9;
	v5 =	vmul.f32 v5, v11;
	[tilespmem:s31+$0x8180] =	vst v3  }
0x9d: {  	v14 =	vld [tilespmem:s31+$0xE610];
	(v2sf) =	vpush v2, $0x8;
	v3 =	vmul.f32 v6, v11;
	[tilespmem:s31+$0x8190] =	vst v4  }
0x9e: {  	v15 =	vld [tilespmem:s31+$0xE620];
	[tilespmem:s31+$0x81A0] =	vst v5  }
0x9f: {  	v16 =	vld [tilespmem:s31+$0xE630];
	[tilespmem:s31+$0x81B0] =	vst v3  }
0xa0: {  	v3 =	vld [tilespmem:s0+$0x1E00]  }
0xa1: {  	v4 =	vld [tilespmem:s0+$0x1E10]  }
0xa2: {  	v5 =	vld [tilespmem:s0+$0x1E20]  }
0xa3: {  	v12 =	vld [tilespmem:s0+$0x1E30];
	_ =	sdelay $0x1  }
0xa4: {  	v17 =	vbroadcast v1, $0x7;
	v3 =	vadd.f32 v13, v3  }
0xa5: {  	v4 =	vadd.f32 v14, v4  }
0xa6: {  	v5 =	vadd.f32 v15, v5;
	v3 =	vmul.f32 v3, v17  }
0xa7: {  	v6 =	vadd.f32 v16, v12;
	v4 =	vmul.f32 v4, v17  }
0xa8: {  	v19 =	vld [tilespmem:s31+$0xE680];
	v5 =	vmul.f32 v5, v17;
	[tilespmem:s31+$0x8200] =	vst v3  }
0xa9: {  	v20 =	vld [tilespmem:s31+$0xE690];
	v3 =	vmul.f32 v6, v17;
	[tilespmem:s31+$0x8210] =	vst v4  }
0xaa: {  	v21 =	vld [tilespmem:s31+$0xE6A0];
	s0 =	spop (v2sf);
	[tilespmem:s31+$0x8220] =	vst v5  }
0xab: {  	v22 =	vld [tilespmem:s31+$0xE6B0];
	s9 =	spop (v2sf);
	[tilespmem:s31+$0x8230] =	vst v3  }
0xac: {  	v3 =	vld [tilespmem:s9+$0x1E80]  }
0xad: {  	v4 =	vld [tilespmem:s9+$0x1E90]  }
0xae: {  	v5 =	vld [tilespmem:s9+$0x1EA0]  }
0xaf: {  	v18 =	vld [tilespmem:s9+$0x1EB0];
	_ =	sdelay $0x1  }
0xb0: {  	v23 =	vbroadcast v1, $0x8;
	v3 =	vadd.f32 v19, v3  }
0xb1: {  	v4 =	vadd.f32 v20, v4  }
0xb2: {  	v5 =	vadd.f32 v21, v5;
	v3 =	vmul.f32 v3, v23  }
0xb3: {  	v6 =	vadd.f32 v22, v18;
	v4 =	vmul.f32 v4, v23  }
0xb4: {  	v25 =	vld [tilespmem:s31+$0xE700];
	(v2sf) =	vpush v2, $0xB;
	v5 =	vmul.f32 v5, v23;
	[tilespmem:s31+$0x8280] =	vst v3  }
0xb5: {  	v26 =	vld [tilespmem:s31+$0xE710];
	(v2sf) =	vpush v2, $0xA;
	v3 =	vmul.f32 v6, v23;
	[tilespmem:s31+$0x8290] =	vst v4  }
0xb6: {  	v27 =	vld [tilespmem:s31+$0xE720];
	[tilespmem:s31+$0x82A0] =	vst v5  }
0xb7: {  	v28 =	vld [tilespmem:s31+$0xE730];
	[tilespmem:s31+$0x82B0] =	vst v3  }
0xb8: {  	v3 =	vld [tilespmem:s0+$0x1F00]  }
0xb9: {  	v4 =	vld [tilespmem:s0+$0x1F10]  }
0xba: {  	v5 =	vld [tilespmem:s0+$0x1F20]  }
0xbb: {  	v24 =	vld [tilespmem:s0+$0x1F30];
	_ =	sdelay $0x1  }
0xbc: {  	v29 =	vbroadcast v1, $0x9;
	v3 =	vadd.f32 v25, v3  }
0xbd: {  	v4 =	vadd.f32 v26, v4  }
0xbe: {  	v5 =	vadd.f32 v27, v5;
	v3 =	vmul.f32 v3, v29  }
0xbf: {  	v6 =	vadd.f32 v28, v24;
	v4 =	vmul.f32 v4, v29  }
0xc0: {  	v31 =	vld [tilespmem:s31+$0xE780];
	v5 =	vmul.f32 v5, v29;
	[tilespmem:s31+$0x8300] =	vst v3  }
0xc1: {  	v32 =	vld [tilespmem:s31+$0xE790];
	v3 =	vmul.f32 v6, v29;
	[tilespmem:s31+$0x8310] =	vst v4  }
0xc2: {  	v33 =	vld [tilespmem:s31+$0xE7A0];
	s0 =	spop (v2sf);
	[tilespmem:s31+$0x8320] =	vst v5  }
0xc3: {  	v34 =	vld [tilespmem:s31+$0xE7B0];
	s9 =	spop (v2sf);
	[tilespmem:s31+$0x8330] =	vst v3  }
0xc4: {  	v3 =	vld [tilespmem:s9+$0x1F80]  }
0xc5: {  	v4 =	vld [tilespmem:s9+$0x1F90]  }
0xc6: {  	v5 =	vld [tilespmem:s9+$0x1FA0]  }
0xc7: {  	v30 =	vld [tilespmem:s9+$0x1FB0];
	_ =	sdelay $0x1  }
0xc8: {  	v35 =	vbroadcast v1, $0xA;
	v3 =	vadd.f32 v31, v3  }
0xc9: {  	v4 =	vadd.f32 v32, v4  }
0xca: {  	v5 =	vadd.f32 v33, v5;
	v3 =	vmul.f32 v3, v35  }
0xcb: {  	v6 =	vadd.f32 v34, v30;
	v4 =	vmul.f32 v4, v35  }
0xcc: {  	v37 =	vld [tilespmem:s31+$0xE800];
	(v2sf) =	vpush v2, $0xD;
	v5 =	vmul.f32 v5, v35;
	[tilespmem:s31+$0x8380] =	vst v3  }
0xcd: {  	v38 =	vld [tilespmem:s31+$0xE810];
	(v2sf) =	vpush v2, $0xC;
	v3 =	vmul.f32 v6, v35;
	[tilespmem:s31+$0x8390] =	vst v4  }
0xce: {  	v39 =	vld [tilespmem:s31+$0xE820];
	[tilespmem:s31+$0x83A0] =	vst v5  }
0xcf: {  	v40 =	vld [tilespmem:s31+$0xE830];
	[tilespmem:s31+$0x83B0] =	vst v3  }
0xd0: {  	v3 =	vld [tilespmem:s0+$0x2000]  }
0xd1: {  	v4 =	vld [tilespmem:s0+$0x2010]  }
0xd2: {  	v5 =	vld [tilespmem:s0+$0x2020]  }
0xd3: {  	v36 =	vld [tilespmem:s0+$0x2030];
	_ =	sdelay $0x1  }
0xd4: {  	v41 =	vbroadcast v1, $0xB;
	v3 =	vadd.f32 v37, v3  }
0xd5: {  	v4 =	vadd.f32 v38, v4  }
0xd6: {  	v5 =	vadd.f32 v39, v5;
	v3 =	vmul.f32 v3, v41  }
0xd7: {  	v6 =	vadd.f32 v40, v36;
	v4 =	vmul.f32 v4, v41  }
0xd8: {  	v43 =	vld [tilespmem:s31+$0xE880];
	v5 =	vmul.f32 v5, v41;
	[tilespmem:s31+$0x8400] =	vst v3  }
0xd9: {  	v44 =	vld [tilespmem:s31+$0xE890];
	v3 =	vmul.f32 v6, v41;
	[tilespmem:s31+$0x8410] =	vst v4  }
0xda: {  	v45 =	vld [tilespmem:s31+$0xE8A0];
	s0 =	spop (v2sf);
	[tilespmem:s31+$0x8420] =	vst v5  }
0xdb: {  	v46 =	vld [tilespmem:s31+$0xE8B0];
	s9 =	spop (v2sf);
	[tilespmem:s31+$0x8430] =	vst v3  }
0xdc: {  	v3 =	vld [tilespmem:s9+$0x2080]  }
0xdd: {  	v4 =	vld [tilespmem:s9+$0x2090]  }
0xde: {  	v5 =	vld [tilespmem:s9+$0x20A0]  }
0xdf: {  	v42 =	vld [tilespmem:s9+$0x20B0];
	_ =	sdelay $0x1  }
0xe0: {  	v47 =	vbroadcast v1, $0xC;
	v3 =	vadd.f32 v43, v3  }
0xe1: {  	v4 =	vadd.f32 v44, v4  }
0xe2: {  	v5 =	vadd.f32 v45, v5;
	v3 =	vmul.f32 v3, v47  }
0xe3: {  	v6 =	vadd.f32 v46, v42;
	v4 =	vmul.f32 v4, v47  }
0xe4: {  	v48 =	vld [tilespmem:s31+$0xE900];
	(v2sf) =	vpush v2, $0xF;
	v5 =	vmul.f32 v5, v47;
	[tilespmem:s31+$0x8480] =	vst v3  }
0xe5: {  	v49 =	vld [tilespmem:s31+$0xE910];
	(v2sf) =	vpush v2, $0xE;
	v3 =	vmul.f32 v6, v47;
	[tilespmem:s31+$0x8490] =	vst v4  }
0xe6: {  	v50 =	vld [tilespmem:s31+$0xE920];
	[tilespmem:s31+$0x84A0] =	vst v5  }
0xe7: {  	v51 =	vld [tilespmem:s31+$0xE930];
	[tilespmem:s31+$0x84B0] =	vst v3  }
0xe8: {  	v3 =	vld [tilespmem:s0+$0x2100]  }
0xe9: {  	v4 =	vld [tilespmem:s0+$0x2110]  }
0xea: {  	v2 =	vld [tilespmem:s0+$0x2120]  }
0xeb: {  	v5 =	vld [tilespmem:s0+$0x2130];
	_ =	sdelay $0x1  }
0xec: {  	v52 =	vbroadcast v1, $0xD;
	v3 =	vadd.f32 v48, v3  }
0xed: {  	v4 =	vadd.f32 v49, v4  }
0xee: {  	v2 =	vadd.f32 v50, v2;
	v3 =	vmul.f32 v3, v52  }
0xef: {  	v5 =	vadd.f32 v51, v5;
	v4 =	vmul.f32 v4, v52  }
0xf0: {  	v54 =	vld [tilespmem:s31+$0xE980];
	v2 =	vmul.f32 v2, v52;
	[tilespmem:s31+$0x8500] =	vst v3  }
0xf1: {  	v55 =	vld [tilespmem:s31+$0xE990];
	v3 =	vmul.f32 v5, v52;
	[tilespmem:s31+$0x8510] =	vst v4  }
0xf2: {  	v56 =	vld [tilespmem:s31+$0xE9A0];
	s0 =	spop (v2sf);
	[tilespmem:s31+$0x8520] =	vst v2  }
0xf3: {  	v57 =	vld [tilespmem:s31+$0xE9B0];
	s9 =	spop (v2sf);
	[tilespmem:s31+$0x8530] =	vst v3  }
0xf4: {  	v2 =	vld [tilespmem:s9+$0x2180]  }
0xf5: {  	v3 =	vld [tilespmem:s9+$0x2190]  }
0xf6: {  	v4 =	vld [tilespmem:s9+$0x21A0]  }
0xf7: {  	v53 =	vld [tilespmem:s9+$0x21B0];
	_ =	sdelay $0x1  }
0xf8: {  	v58 =	vbroadcast v1, $0xE;
	v2 =	vadd.f32 v54, v2  }
0xf9: {  	v3 =	vadd.f32 v55, v3  }
0xfa: {  	v4 =	vadd.f32 v56, v4;
	v2 =	vmul.f32 v2, v58  }
0xfb: {  	v5 =	vadd.f32 v57, v53;
	v3 =	vmul.f32 v3, v58  }
0xfc: {  	v60 =	vld [tilespmem:s31+$0xEA00];
	v4 =	vmul.f32 v4, v58;
	[tilespmem:s31+$0x8580] =	vst v2  }
0xfd: {  	v61 =	vld [tilespmem:s31+$0xEA10];
	v2 =	vmul.f32 v5, v58;
	[tilespmem:s31+$0x8590] =	vst v3  }
0xfe: {  	v62 =	vld [tilespmem:s31+$0xEA20];
	[tilespmem:s31+$0x85A0] =	vst v4  }
0xff: {  	v63 =	vld [tilespmem:s31+$0xEA30];
	[tilespmem:s31+$0x85B0] =	vst v2  }
0x100: {  	v2 =	vld [tilespmem:s0+$0x2200]  }
0x101: {  	v3 =	vld [tilespmem:s0+$0x2210]  }
0x102: {  	v4 =	vld [tilespmem:s0+$0x2220]  }
0x103: {  	v59 =	vld [tilespmem:s0+$0x2230];
	_ =	sdelay $0x1  }
0x104: {  	v1 =	vbroadcast v1, $0xF;
	v2 =	vadd.f32 v60, v2  }
0x105: {  	v3 =	vadd.f32 v61, v3  }
0x106: {  	p1 =	sne.s32 s29, $0xA000;
	v4 =	vadd.f32 v62, v4;
	v2 =	vmul.f32 v2, v1  }
.Ltmp0:
0x107: {  	v5 =	vadd.f32 v63, v59;
	v3 =	vmul.f32 v3, v1;
	(pc) =	sbr.rel @p1 .LBB2_3-.Ltmp0, $4  }
0x108: {  	v4 =	vmul.f32 v4, v1;
	[tilespmem:s31+$0x8600] =	vst v2  }
0x109: {  	v1 =	vmul.f32 v5, v1;
	[tilespmem:s31+$0x8610] =	vst v3  }
0x10a: {  	[tilespmem:s31+$0x8620] =	vst v4  }
0x10b: {  	s30 =	sadd.s32 $0x10, s30;
	s29 =	sadd.s32 $0x2000, s29;
	[tilespmem:s31+$0x8630] =	vst v1  }
0x10c: {  	s0 =	sadd.s32 s6, s26  }
0x10d: {  	p1 =	seq.s32 s26, $0x1F;
	s0 =	smul.u32 $0x6400, s0  }
.Ltmp1:
0x10e: {  	_ = 	snop;
	(pc) =	sbr.rel @!p1 .LBB2_5-.Ltmp1, $4  }
0x10f: {  	_ = 	snop  }
0x110: {  	s0 =	sshrl.u32 s0, $0x3  }
0x111: {  	s29 =	sadd.s32 s5, s0  }
0x112: {  	[hbm4b:s29+s3] =	stream.linear.scatter [tilespmem:s17], [sflag:$0x3], $0x3000, $0x38;
	[tilespmem:$0x14680] =	vst v63  }
.Ltmp2:
0x113: {  	(pc) =	sbr.rel .LBB2_7-.Ltmp2, $4  }
0x114: {  	_ = 	snop  }
0x115: {  	_ =	swait.ge [sflag:s18], $0x3400  }
0x116: {  	[sflag:s18] =	ssyncset.done $0x0  }
0x117: {  	[sflag:s18] =	ssyncadd.s32 $0xFFFFCC00  }
.LBB2_5:
0x118: {  	v1 =	vld [tilespmem:s28+$0xC8];
	_ =	sdelay $0x4  }
0x119: {  	v1 =	vshrl.u32 v1, $0x1  }
0x11a: {  	[tilespmem:$0x1980] =	vst v1  }
0x11b: {  	v1 =	vld [tilespmem:s28+$0xD8];
	_ =	sdelay $0x4  }
0x11c: {  	v1 =	vshrl.u32 v1, $0x1  }
0x11d: {  	[tilespmem:$0x1990] =	vst v1  }
0x11e: {  	v1 =	vld [tilespmem:s28+$0xE8];
	_ =	sdelay $0x4  }
0x11f: {  	v1 =	vshrl.u32 v1, $0x1  }
0x120: {  	[tilespmem:$0x19A0] =	vst v1  }
0x121: {  	v1 =	vld [tilespmem:s28+$0xF8];
	_ =	sdelay $0x4  }
0x122: {  	v1 =	vshrl.u32 v1, $0x1  }
0x123: {  	[tilespmem:$0x19B0] =	vst v1  }
0x124: {  	v1 =	vld [tilespmem:s28+$0x108];
	_ =	sdelay $0x4  }
0x125: {  	v1 =	vshrl.u32 v1, $0x1  }
0x126: {  	[tilespmem:$0x19C0] =	vst v1  }
0x127: {  	v1 =	vld [tilespmem:s28+$0x118];
	_ =	sdelay $0x4  }
0x128: {  	v1 =	vshrl.u32 v1, $0x1  }
.Ltmp3:
0x129: {  	[tilespmem:$0x19D0] =	vst v1;
	(pc) =	sbr.rel @p0 .LBB2_8-.Ltmp3, $4  }
0x12a: {  	[tilespmem:s12], [sflag:$0x1] =	stream.indirect.gather [hbm4b:s4+s22], $0x80, s11, s22, $0xb8;
	[tilespmem:$0x14680] =	vst v63  }
0x12b: {  	_ =	swait.ge [sflag:s18], $0x3400  }
0x12c: {  	[sflag:s18] =	ssyncset.done $0x0  }
0x12d: {  	[sflag:s18] =	ssyncadd.s32 $0xFFFFCC00  }
.LBB2_7:
0x12e: {  	_ =	swait.ge [sflag:s19], $0x3400  }
0x12f: {  	[sflag:s19] =	ssyncset.done $0x0  }
0x130: {  	[sflag:s19] =	ssyncadd.s32 $0xFFFFCC00  }
.LBB2_8:
0x131: {  	s30 =	simm.s32 $0x0;
	s31 =	smov.u32 s24  }
.LBB2_9:
0x132: {  	v1 =	vld [tilespmem:s31+$0x0];
	_ =	sdelay $0x4  }
0x133: {  	v2 =	vshll.u32 v1, $0x6  }
0x134: {  	s0 =	sshra.s32 s30, $0x2;
	v2 =	vand.u32 $0x40, v2  }
0x135: {  	v2 =	vadd.s32 s0, v2  }
0x136: {  	(v2sf) =	vpush v2, $0x1  }
0x137: {  	(v2sf) =	vpush v2, $0x0;
	_ =	sdelay $0xb  }
0x138: {  	v7 =	vld [tilespmem:s0+$0x11280]  }
0x139: {  	v8 =	vld [tilespmem:s0+$0x11290]  }
0x13a: {  	v9 =	vld [tilespmem:s0+$0x112A0];
	s1 =	spop (v2sf)  }
0x13b: {  	v10 =	vld [tilespmem:s0+$0x112B0];
	s9 =	spop (v2sf)  }
0x13c: {  	v3 =	vld [tilespmem:s9+$0x4A80]  }
0x13d: {  	v4 =	vld [tilespmem:s9+$0x4A90]  }
0x13e: {  	v5 =	vld [tilespmem:s9+$0x4AA0]  }
0x13f: {  	vm0 =	veq.s32 v1, $0x0;
	v6 =	vld [tilespmem:s9+$0x4AB0]  }
0x140: {  	v1 =	vsel vm0, $0x0, v0  }
0x141: {  	v28 =	vbroadcast v1, $0x0;
	v3 =	vadd.f32 v7, v3  }
0x142: {  	v4 =	vadd.f32 v8, v4  }
0x143: {  	v5 =	vadd.f32 v9, v5;
	v3 =	vmul.f32 v3, v28  }
0x144: {  	v6 =	vadd.f32 v10, v6;
	v4 =	vmul.f32 v4, v28  }
0x145: {  	v30 =	vld [tilespmem:s0+$0x11300];
	(v2sf) =	vpush v2, $0x3;
	v5 =	vmul.f32 v5, v28;
	[tilespmem:s0+$0xAE80] =	vst v3  }
0x146: {  	v31 =	vld [tilespmem:s0+$0x11310];
	(v2sf) =	vpush v2, $0x2;
	v3 =	vmul.f32 v6, v28;
	[tilespmem:s0+$0xAE90] =	vst v4  }
0x147: {  	v32 =	vld [tilespmem:s0+$0x11320];
	[tilespmem:s0+$0xAEA0] =	vst v5  }
0x148: {  	v33 =	vld [tilespmem:s0+$0x11330];
	[tilespmem:s0+$0xAEB0] =	vst v3  }
0x149: {  	v3 =	vld [tilespmem:s1+$0x4B00]  }
0x14a: {  	v4 =	vld [tilespmem:s1+$0x4B10]  }
0x14b: {  	v5 =	vld [tilespmem:s1+$0x4B20]  }
0x14c: {  	v29 =	vld [tilespmem:s1+$0x4B30];
	_ =	sdelay $0x1  }
0x14d: {  	v34 =	vbroadcast v1, $0x1;
	v3 =	vadd.f32 v30, v3  }
0x14e: {  	v4 =	vadd.f32 v31, v4  }
0x14f: {  	v5 =	vadd.f32 v32, v5;
	v3 =	vmul.f32 v3, v34  }
0x150: {  	v6 =	vadd.f32 v33, v29;
	v4 =	vmul.f32 v4, v34  }
0x151: {  	v36 =	vld [tilespmem:s0+$0x11380];
	v5 =	vmul.f32 v5, v34;
	[tilespmem:s0+$0xAF00] =	vst v3  }
0x152: {  	v37 =	vld [tilespmem:s0+$0x11390];
	v3 =	vmul.f32 v6, v34;
	[tilespmem:s0+$0xAF10] =	vst v4  }
0x153: {  	v38 =	vld [tilespmem:s0+$0x113A0];
	s1 =	spop (v2sf);
	[tilespmem:s0+$0xAF20] =	vst v5  }
0x154: {  	v39 =	vld [tilespmem:s0+$0x113B0];
	s9 =	spop (v2sf);
	[tilespmem:s0+$0xAF30] =	vst v3  }
0x155: {  	v3 =	vld [tilespmem:s9+$0x4B80]  }
0x156: {  	v4 =	vld [tilespmem:s9+$0x4B90]  }
0x157: {  	v5 =	vld [tilespmem:s9+$0x4BA0]  }
0x158: {  	v35 =	vld [tilespmem:s9+$0x4BB0];
	_ =	sdelay $0x1  }
0x159: {  	v40 =	vbroadcast v1, $0x2;
	v3 =	vadd.f32 v36, v3  }
0x15a: {  	v4 =	vadd.f32 v37, v4  }
0x15b: {  	v5 =	vadd.f32 v38, v5;
	v3 =	vmul.f32 v3, v40  }
0x15c: {  	v6 =	vadd.f32 v39, v35;
	v4 =	vmul.f32 v4, v40  }
0x15d: {  	v42 =	vld [tilespmem:s0+$0x11400];
	(v2sf) =	vpush v2, $0x5;
	v5 =	vmul.f32 v5, v40;
	[tilespmem:s0+$0xAF80] =	vst v3  }
0x15e: {  	v43 =	vld [tilespmem:s0+$0x11410];
	(v2sf) =	vpush v2, $0x4;
	v3 =	vmul.f32 v6, v40;
	[tilespmem:s0+$0xAF90] =	vst v4  }
0x15f: {  	v44 =	vld [tilespmem:s0+$0x11420];
	[tilespmem:s0+$0xAFA0] =	vst v5  }
0x160: {  	v45 =	vld [tilespmem:s0+$0x11430];
	[tilespmem:s0+$0xAFB0] =	vst v3  }
0x161: {  	v3 =	vld [tilespmem:s1+$0x4C00]  }
0x162: {  	v4 =	vld [tilespmem:s1+$0x4C10]  }
0x163: {  	v5 =	vld [tilespmem:s1+$0x4C20]  }
0x164: {  	v41 =	vld [tilespmem:s1+$0x4C30];
	_ =	sdelay $0x1  }
0x165: {  	v46 =	vbroadcast v1, $0x3;
	v3 =	vadd.f32 v42, v3  }
0x166: {  	v4 =	vadd.f32 v43, v4  }
0x167: {  	v5 =	vadd.f32 v44, v5;
	v3 =	vmul.f32 v3, v46  }
0x168: {  	v6 =	vadd.f32 v45, v41;
	v4 =	vmul.f32 v4, v46  }
0x169: {  	v48 =	vld [tilespmem:s0+$0x11480];
	v5 =	vmul.f32 v5, v46;
	[tilespmem:s0+$0xB000] =	vst v3  }
0x16a: {  	v49 =	vld [tilespmem:s0+$0x11490];
	v3 =	vmul.f32 v6, v46;
	[tilespmem:s0+$0xB010] =	vst v4  }
0x16b: {  	v50 =	vld [tilespmem:s0+$0x114A0];
	s1 =	spop (v2sf);
	[tilespmem:s0+$0xB020] =	vst v5  }
0x16c: {  	v51 =	vld [tilespmem:s0+$0x114B0];
	s9 =	spop (v2sf);
	[tilespmem:s0+$0xB030] =	vst v3  }
0x16d: {  	v3 =	vld [tilespmem:s9+$0x4C80]  }
0x16e: {  	v4 =	vld [tilespmem:s9+$0x4C90]  }
0x16f: {  	v5 =	vld [tilespmem:s9+$0x4CA0]  }
0x170: {  	v47 =	vld [tilespmem:s9+$0x4CB0];
	_ =	sdelay $0x1  }
0x171: {  	v52 =	vbroadcast v1, $0x4;
	v3 =	vadd.f32 v48, v3  }
0x172: {  	v4 =	vadd.f32 v49, v4  }
0x173: {  	v5 =	vadd.f32 v50, v5;
	v3 =	vmul.f32 v3, v52  }
0x174: {  	v6 =	vadd.f32 v51, v47;
	v4 =	vmul.f32 v4, v52  }
0x175: {  	v54 =	vld [tilespmem:s0+$0x11500];
	(v2sf) =	vpush v2, $0x7;
	v5 =	vmul.f32 v5, v52;
	[tilespmem:s0+$0xB080] =	vst v3  }
0x176: {  	v55 =	vld [tilespmem:s0+$0x11510];
	(v2sf) =	vpush v2, $0x6;
	v3 =	vmul.f32 v6, v52;
	[tilespmem:s0+$0xB090] =	vst v4  }
0x177: {  	v56 =	vld [tilespmem:s0+$0x11520];
	[tilespmem:s0+$0xB0A0] =	vst v5  }
0x178: {  	v57 =	vld [tilespmem:s0+$0x11530];
	[tilespmem:s0+$0xB0B0] =	vst v3  }
0x179: {  	v3 =	vld [tilespmem:s1+$0x4D00]  }
0x17a: {  	v4 =	vld [tilespmem:s1+$0x4D10]  }
0x17b: {  	v5 =	vld [tilespmem:s1+$0x4D20]  }
0x17c: {  	v53 =	vld [tilespmem:s1+$0x4D30];
	_ =	sdelay $0x1  }
0x17d: {  	v58 =	vbroadcast v1, $0x5;
	v3 =	vadd.f32 v54, v3  }
0x17e: {  	v4 =	vadd.f32 v55, v4  }
0x17f: {  	v5 =	vadd.f32 v56, v5;
	v3 =	vmul.f32 v3, v58  }
0x180: {  	v6 =	vadd.f32 v57, v53;
	v4 =	vmul.f32 v4, v58  }
0x181: {  	v60 =	vld [tilespmem:s0+$0x11580];
	v5 =	vmul.f32 v5, v58;
	[tilespmem:s0+$0xB100] =	vst v3  }
0x182: {  	v61 =	vld [tilespmem:s0+$0x11590];
	v3 =	vmul.f32 v6, v58;
	[tilespmem:s0+$0xB110] =	vst v4  }
0x183: {  	v62 =	vld [tilespmem:s0+$0x115A0];
	s1 =	spop (v2sf);
	[tilespmem:s0+$0xB120] =	vst v5  }
0x184: {  	v63 =	vld [tilespmem:s0+$0x115B0];
	s9 =	spop (v2sf);
	[tilespmem:s0+$0xB130] =	vst v3  }
0x185: {  	v3 =	vld [tilespmem:s9+$0x4D80]  }
0x186: {  	v4 =	vld [tilespmem:s9+$0x4D90]  }
0x187: {  	v5 =	vld [tilespmem:s9+$0x4DA0]  }
0x188: {  	v59 =	vld [tilespmem:s9+$0x4DB0];
	_ =	sdelay $0x1  }
0x189: {  	v11 =	vbroadcast v1, $0x6;
	v3 =	vadd.f32 v60, v3  }
0x18a: {  	v4 =	vadd.f32 v61, v4  }
0x18b: {  	v5 =	vadd.f32 v62, v5;
	v3 =	vmul.f32 v3, v11  }
0x18c: {  	v6 =	vadd.f32 v63, v59;
	v4 =	vmul.f32 v4, v11  }
0x18d: {  	v13 =	vld [tilespmem:s0+$0x11600];
	(v2sf) =	vpush v2, $0x9;
	v5 =	vmul.f32 v5, v11;
	[tilespmem:s0+$0xB180] =	vst v3  }
0x18e: {  	v14 =	vld [tilespmem:s0+$0x11610];
	(v2sf) =	vpush v2, $0x8;
	v3 =	vmul.f32 v6, v11;
	[tilespmem:s0+$0xB190] =	vst v4  }
0x18f: {  	v15 =	vld [tilespmem:s0+$0x11620];
	[tilespmem:s0+$0xB1A0] =	vst v5  }
0x190: {  	v16 =	vld [tilespmem:s0+$0x11630];
	[tilespmem:s0+$0xB1B0] =	vst v3  }
0x191: {  	v3 =	vld [tilespmem:s1+$0x4E00]  }
0x192: {  	v4 =	vld [tilespmem:s1+$0x4E10]  }
0x193: {  	v5 =	vld [tilespmem:s1+$0x4E20]  }
0x194: {  	v12 =	vld [tilespmem:s1+$0x4E30];
	_ =	sdelay $0x1  }
0x195: {  	v17 =	vbroadcast v1, $0x7;
	v3 =	vadd.f32 v13, v3  }
0x196: {  	v4 =	vadd.f32 v14, v4  }
0x197: {  	v5 =	vadd.f32 v15, v5;
	v3 =	vmul.f32 v3, v17  }
0x198: {  	v6 =	vadd.f32 v16, v12;
	v4 =	vmul.f32 v4, v17  }
0x199: {  	v19 =	vld [tilespmem:s0+$0x11680];
	v5 =	vmul.f32 v5, v17;
	[tilespmem:s0+$0xB200] =	vst v3  }
0x19a: {  	v20 =	vld [tilespmem:s0+$0x11690];
	v3 =	vmul.f32 v6, v17;
	[tilespmem:s0+$0xB210] =	vst v4  }
0x19b: {  	v21 =	vld [tilespmem:s0+$0x116A0];
	s1 =	spop (v2sf);
	[tilespmem:s0+$0xB220] =	vst v5  }
0x19c: {  	v22 =	vld [tilespmem:s0+$0x116B0];
	s9 =	spop (v2sf);
	[tilespmem:s0+$0xB230] =	vst v3  }
0x19d: {  	v3 =	vld [tilespmem:s9+$0x4E80]  }
0x19e: {  	v4 =	vld [tilespmem:s9+$0x4E90]  }
0x19f: {  	v5 =	vld [tilespmem:s9+$0x4EA0]  }
0x1a0: {  	v18 =	vld [tilespmem:s9+$0x4EB0];
	_ =	sdelay $0x1  }
0x1a1: {  	v23 =	vbroadcast v1, $0x8;
	v3 =	vadd.f32 v19, v3  }
0x1a2: {  	v4 =	vadd.f32 v20, v4  }
0x1a3: {  	v5 =	vadd.f32 v21, v5;
	v3 =	vmul.f32 v3, v23  }
0x1a4: {  	v6 =	vadd.f32 v22, v18;
	v4 =	vmul.f32 v4, v23  }
0x1a5: {  	v25 =	vld [tilespmem:s0+$0x11700];
	(v2sf) =	vpush v2, $0xB;
	v5 =	vmul.f32 v5, v23;
	[tilespmem:s0+$0xB280] =	vst v3  }
0x1a6: {  	v26 =	vld [tilespmem:s0+$0x11710];
	(v2sf) =	vpush v2, $0xA;
	v3 =	vmul.f32 v6, v23;
	[tilespmem:s0+$0xB290] =	vst v4  }
0x1a7: {  	v27 =	vld [tilespmem:s0+$0x11720];
	[tilespmem:s0+$0xB2A0] =	vst v5  }
0x1a8: {  	v28 =	vld [tilespmem:s0+$0x11730];
	[tilespmem:s0+$0xB2B0] =	vst v3  }
0x1a9: {  	v3 =	vld [tilespmem:s1+$0x4F00]  }
0x1aa: {  	v4 =	vld [tilespmem:s1+$0x4F10]  }
0x1ab: {  	v5 =	vld [tilespmem:s1+$0x4F20]  }
0x1ac: {  	v24 =	vld [tilespmem:s1+$0x4F30];
	_ =	sdelay $0x1  }
0x1ad: {  	v29 =	vbroadcast v1, $0x9;
	v3 =	vadd.f32 v25, v3  }
0x1ae: {  	v4 =	vadd.f32 v26, v4  }
0x1af: {  	v5 =	vadd.f32 v27, v5;
	v3 =	vmul.f32 v3, v29  }
0x1b0: {  	v6 =	vadd.f32 v28, v24;
	v4 =	vmul.f32 v4, v29  }
0x1b1: {  	v31 =	vld [tilespmem:s0+$0x11780];
	v5 =	vmul.f32 v5, v29;
	[tilespmem:s0+$0xB300] =	vst v3  }
0x1b2: {  	v32 =	vld [tilespmem:s0+$0x11790];
	v3 =	vmul.f32 v6, v29;
	[tilespmem:s0+$0xB310] =	vst v4  }
0x1b3: {  	v33 =	vld [tilespmem:s0+$0x117A0];
	s1 =	spop (v2sf);
	[tilespmem:s0+$0xB320] =	vst v5  }
0x1b4: {  	v34 =	vld [tilespmem:s0+$0x117B0];
	s9 =	spop (v2sf);
	[tilespmem:s0+$0xB330] =	vst v3  }
0x1b5: {  	v3 =	vld [tilespmem:s9+$0x4F80]  }
0x1b6: {  	v4 =	vld [tilespmem:s9+$0x4F90]  }
0x1b7: {  	v5 =	vld [tilespmem:s9+$0x4FA0]  }
0x1b8: {  	v30 =	vld [tilespmem:s9+$0x4FB0];
	_ =	sdelay $0x1  }
0x1b9: {  	v35 =	vbroadcast v1, $0xA;
	v3 =	vadd.f32 v31, v3  }
0x1ba: {  	v4 =	vadd.f32 v32, v4  }
0x1bb: {  	v5 =	vadd.f32 v33, v5;
	v3 =	vmul.f32 v3, v35  }
0x1bc: {  	v6 =	vadd.f32 v34, v30;
	v4 =	vmul.f32 v4, v35  }
0x1bd: {  	v37 =	vld [tilespmem:s0+$0x11800];
	(v2sf) =	vpush v2, $0xD;
	v5 =	vmul.f32 v5, v35;
	[tilespmem:s0+$0xB380] =	vst v3  }
0x1be: {  	v38 =	vld [tilespmem:s0+$0x11810];
	(v2sf) =	vpush v2, $0xC;
	v3 =	vmul.f32 v6, v35;
	[tilespmem:s0+$0xB390] =	vst v4  }
0x1bf: {  	v39 =	vld [tilespmem:s0+$0x11820];
	[tilespmem:s0+$0xB3A0] =	vst v5  }
0x1c0: {  	v40 =	vld [tilespmem:s0+$0x11830];
	[tilespmem:s0+$0xB3B0] =	vst v3  }
0x1c1: {  	v3 =	vld [tilespmem:s1+$0x5000]  }
0x1c2: {  	v4 =	vld [tilespmem:s1+$0x5010]  }
0x1c3: {  	v5 =	vld [tilespmem:s1+$0x5020]  }
0x1c4: {  	v36 =	vld [tilespmem:s1+$0x5030];
	_ =	sdelay $0x1  }
0x1c5: {  	v41 =	vbroadcast v1, $0xB;
	v3 =	vadd.f32 v37, v3  }
0x1c6: {  	v4 =	vadd.f32 v38, v4  }
0x1c7: {  	v5 =	vadd.f32 v39, v5;
	v3 =	vmul.f32 v3, v41  }
0x1c8: {  	v6 =	vadd.f32 v40, v36;
	v4 =	vmul.f32 v4, v41  }
0x1c9: {  	v43 =	vld [tilespmem:s0+$0x11880];
	v5 =	vmul.f32 v5, v41;
	[tilespmem:s0+$0xB400] =	vst v3  }
0x1ca: {  	v44 =	vld [tilespmem:s0+$0x11890];
	v3 =	vmul.f32 v6, v41;
	[tilespmem:s0+$0xB410] =	vst v4  }
0x1cb: {  	v45 =	vld [tilespmem:s0+$0x118A0];
	s1 =	spop (v2sf);
	[tilespmem:s0+$0xB420] =	vst v5  }
0x1cc: {  	v46 =	vld [tilespmem:s0+$0x118B0];
	s9 =	spop (v2sf);
	[tilespmem:s0+$0xB430] =	vst v3  }
0x1cd: {  	v3 =	vld [tilespmem:s9+$0x5080]  }
0x1ce: {  	v4 =	vld [tilespmem:s9+$0x5090]  }
0x1cf: {  	v5 =	vld [tilespmem:s9+$0x50A0]  }
0x1d0: {  	v42 =	vld [tilespmem:s9+$0x50B0];
	_ =	sdelay $0x1  }
0x1d1: {  	v47 =	vbroadcast v1, $0xC;
	v3 =	vadd.f32 v43, v3  }
0x1d2: {  	v4 =	vadd.f32 v44, v4  }
0x1d3: {  	v5 =	vadd.f32 v45, v5;
	v3 =	vmul.f32 v3, v47  }
0x1d4: {  	v6 =	vadd.f32 v46, v42;
	v4 =	vmul.f32 v4, v47  }
0x1d5: {  	v48 =	vld [tilespmem:s0+$0x11900];
	(v2sf) =	vpush v2, $0xF;
	v5 =	vmul.f32 v5, v47;
	[tilespmem:s0+$0xB480] =	vst v3  }
0x1d6: {  	v49 =	vld [tilespmem:s0+$0x11910];
	(v2sf) =	vpush v2, $0xE;
	v3 =	vmul.f32 v6, v47;
	[tilespmem:s0+$0xB490] =	vst v4  }
0x1d7: {  	v50 =	vld [tilespmem:s0+$0x11920];
	[tilespmem:s0+$0xB4A0] =	vst v5  }
0x1d8: {  	v51 =	vld [tilespmem:s0+$0x11930];
	[tilespmem:s0+$0xB4B0] =	vst v3  }
0x1d9: {  	v3 =	vld [tilespmem:s1+$0x5100]  }
0x1da: {  	v4 =	vld [tilespmem:s1+$0x5110]  }
0x1db: {  	v2 =	vld [tilespmem:s1+$0x5120]  }
0x1dc: {  	v5 =	vld [tilespmem:s1+$0x5130];
	_ =	sdelay $0x1  }
0x1dd: {  	v52 =	vbroadcast v1, $0xD;
	v3 =	vadd.f32 v48, v3  }
0x1de: {  	v4 =	vadd.f32 v49, v4  }
0x1df: {  	v2 =	vadd.f32 v50, v2;
	v3 =	vmul.f32 v3, v52  }
0x1e0: {  	v5 =	vadd.f32 v51, v5;
	v4 =	vmul.f32 v4, v52  }
0x1e1: {  	v54 =	vld [tilespmem:s0+$0x11980];
	v2 =	vmul.f32 v2, v52;
	[tilespmem:s0+$0xB500] =	vst v3  }
0x1e2: {  	v55 =	vld [tilespmem:s0+$0x11990];
	v3 =	vmul.f32 v5, v52;
	[tilespmem:s0+$0xB510] =	vst v4  }
0x1e3: {  	v56 =	vld [tilespmem:s0+$0x119A0];
	s1 =	spop (v2sf);
	[tilespmem:s0+$0xB520] =	vst v2  }
0x1e4: {  	v57 =	vld [tilespmem:s0+$0x119B0];
	s9 =	spop (v2sf);
	[tilespmem:s0+$0xB530] =	vst v3  }
0x1e5: {  	v2 =	vld [tilespmem:s9+$0x5180]  }
0x1e6: {  	v3 =	vld [tilespmem:s9+$0x5190]  }
0x1e7: {  	v4 =	vld [tilespmem:s9+$0x51A0]  }
0x1e8: {  	v53 =	vld [tilespmem:s9+$0x51B0];
	_ =	sdelay $0x1  }
0x1e9: {  	v58 =	vbroadcast v1, $0xE;
	v2 =	vadd.f32 v54, v2  }
0x1ea: {  	v3 =	vadd.f32 v55, v3  }
0x1eb: {  	v4 =	vadd.f32 v56, v4;
	v2 =	vmul.f32 v2, v58  }
0x1ec: {  	v5 =	vadd.f32 v57, v53;
	v3 =	vmul.f32 v3, v58  }
0x1ed: {  	v60 =	vld [tilespmem:s0+$0x11A00];
	v4 =	vmul.f32 v4, v58;
	[tilespmem:s0+$0xB580] =	vst v2  }
0x1ee: {  	v61 =	vld [tilespmem:s0+$0x11A10];
	v2 =	vmul.f32 v5, v58;
	[tilespmem:s0+$0xB590] =	vst v3  }
0x1ef: {  	v62 =	vld [tilespmem:s0+$0x11A20];
	[tilespmem:s0+$0xB5A0] =	vst v4  }
0x1f0: {  	v63 =	vld [tilespmem:s0+$0x11A30];
	[tilespmem:s0+$0xB5B0] =	vst v2  }
0x1f1: {  	v2 =	vld [tilespmem:s1+$0x5200]  }
0x1f2: {  	v3 =	vld [tilespmem:s1+$0x5210]  }
0x1f3: {  	v4 =	vld [tilespmem:s1+$0x5220]  }
0x1f4: {  	v59 =	vld [tilespmem:s1+$0x5230];
	_ =	sdelay $0x1  }
0x1f5: {  	v1 =	vbroadcast v1, $0xF;
	v2 =	vadd.f32 v60, v2  }
0x1f6: {  	v3 =	vadd.f32 v61, v3  }
0x1f7: {  	p0 =	sne.s32 s30, $0xA000;
	v4 =	vadd.f32 v62, v4;
	v2 =	vmul.f32 v2, v1  }
.Ltmp4:
0x1f8: {  	v5 =	vadd.f32 v63, v59;
	v3 =	vmul.f32 v3, v1;
	(pc) =	sbr.rel @p0 .LBB2_9-.Ltmp4, $4  }
0x1f9: {  	v4 =	vmul.f32 v4, v1;
	[tilespmem:s0+$0xB600] =	vst v2  }
0x1fa: {  	v1 =	vmul.f32 v5, v1;
	[tilespmem:s0+$0xB610] =	vst v3  }
0x1fb: {  	[tilespmem:s0+$0xB620] =	vst v4  }
0x1fc: {  	s31 =	sadd.s32 $0x10, s31;
	s30 =	sadd.s32 $0x2000, s30;
	[tilespmem:s0+$0xB630] =	vst v1  }
0x1fd: {  	v1 =	vld [tilespmem:s28+$0xC0];
	_ =	sdelay $0x4  }
0x1fe: {  	v2 =	vshll.u32 v1, $0x6  }
0x1ff: {  	v2 =	vand.u32 $0x40, v2  }
0x200: {  	(v2sf) =	vpush v2, $0x0;
	_ =	sdelay $0xe  }
0x201: {  	s0 =	spop (v2sf);
	(v2sf) =	vpush v2, $0x1;
	_ =	sdelay $0xa  }
0x202: {  	v7 =	vld [tilespmem:$0x14280]  }
0x203: {  	v8 =	vld [tilespmem:$0x14290]  }
0x204: {  	v9 =	vld [tilespmem:$0x142A0]  }
0x205: {  	v10 =	vld [tilespmem:$0x142B0]  }
0x206: {  	v3 =	vld [tilespmem:s0+$0x7A80];
	s28 =	spop (v2sf);
	(v2sf) =	vpush v2, $0x2  }
0x207: {  	v4 =	vld [tilespmem:s0+$0x7A90]  }
0x208: {  	v5 =	vld [tilespmem:s0+$0x7AA0]  }
0x209: {  	vm0 =	veq.s32 v1, $0x0;
	v6 =	vld [tilespmem:s0+$0x7AB0]  }
0x20a: {  	v1 =	vsel vm0, $0x0, v0  }
0x20b: {  	v23 =	vbroadcast v1, $0x0;
	v3 =	vadd.f32 v7, v3  }
0x20c: {  	v4 =	vadd.f32 v8, v4  }
0x20d: {  	v5 =	vadd.f32 v9, v5;
	v3 =	vmul.f32 v3, v23  }
0x20e: {  	v6 =	vadd.f32 v10, v6;
	v4 =	vmul.f32 v4, v23  }
0x20f: {  	v25 =	vld [tilespmem:$0x14300];
	v5 =	vmul.f32 v5, v23;
	[tilespmem:$0xDE80] =	vst v3  }
0x210: {  	v26 =	vld [tilespmem:$0x14310];
	v3 =	vmul.f32 v6, v23;
	[tilespmem:$0xDE90] =	vst v4  }
0x211: {  	v27 =	vld [tilespmem:$0x14320];
	[tilespmem:$0xDEA0] =	vst v5  }
0x212: {  	v28 =	vld [tilespmem:$0x14330];
	[tilespmem:$0xDEB0] =	vst v3  }
0x213: {  	v3 =	vld [tilespmem:s28+$0x7B00]  }
0x214: {  	v4 =	vld [tilespmem:s28+$0x7B10]  }
0x215: {  	v5 =	vld [tilespmem:s28+$0x7B20];
	s30 =	spop (v2sf);
	(v2sf) =	vpush v2, $0x3  }
0x216: {  	v24 =	vld [tilespmem:s28+$0x7B30];
	_ =	sdelay $0x1  }
0x217: {  	v29 =	vbroadcast v1, $0x1;
	v3 =	vadd.f32 v25, v3  }
0x218: {  	v4 =	vadd.f32 v26, v4  }
0x219: {  	v5 =	vadd.f32 v27, v5;
	v3 =	vmul.f32 v3, v29  }
0x21a: {  	v6 =	vadd.f32 v28, v24;
	v4 =	vmul.f32 v4, v29  }
0x21b: {  	v31 =	vld [tilespmem:$0x14380];
	v5 =	vmul.f32 v5, v29;
	[tilespmem:$0xDF00] =	vst v3  }
0x21c: {  	v32 =	vld [tilespmem:$0x14390];
	v3 =	vmul.f32 v6, v29;
	[tilespmem:$0xDF10] =	vst v4  }
0x21d: {  	v33 =	vld [tilespmem:$0x143A0];
	[tilespmem:$0xDF20] =	vst v5  }
0x21e: {  	v34 =	vld [tilespmem:$0x143B0];
	[tilespmem:$0xDF30] =	vst v3  }
0x21f: {  	v3 =	vld [tilespmem:s30+$0x7B80]  }
0x220: {  	v4 =	vld [tilespmem:s30+$0x7B90]  }
0x221: {  	v5 =	vld [tilespmem:s30+$0x7BA0]  }
0x222: {  	v30 =	vld [tilespmem:s30+$0x7BB0]  }
0x223: {  	s31 =	spop (v2sf);
	(v2sf) =	vpush v2, $0x4  }
0x224: {  	v35 =	vbroadcast v1, $0x2;
	v3 =	vadd.f32 v31, v3  }
0x225: {  	v4 =	vadd.f32 v32, v4  }
0x226: {  	v5 =	vadd.f32 v33, v5;
	v3 =	vmul.f32 v3, v35  }
0x227: {  	v6 =	vadd.f32 v34, v30;
	v4 =	vmul.f32 v4, v35  }
0x228: {  	v37 =	vld [tilespmem:$0x14400];
	v5 =	vmul.f32 v5, v35;
	[tilespmem:$0xDF80] =	vst v3  }
0x229: {  	v38 =	vld [tilespmem:$0x14410];
	v3 =	vmul.f32 v6, v35;
	[tilespmem:$0xDF90] =	vst v4  }
0x22a: {  	v39 =	vld [tilespmem:$0x14420];
	[tilespmem:$0xDFA0] =	vst v5  }
0x22b: {  	v40 =	vld [tilespmem:$0x14430];
	[tilespmem:$0xDFB0] =	vst v3  }
0x22c: {  	v3 =	vld [tilespmem:s31+$0x7C00]  }
0x22d: {  	v4 =	vld [tilespmem:s31+$0x7C10]  }
0x22e: {  	v5 =	vld [tilespmem:s31+$0x7C20]  }
0x22f: {  	v36 =	vld [tilespmem:s31+$0x7C30];
	_ =	sdelay $0x1  }
0x230: {  	v41 =	vbroadcast v1, $0x3;
	v3 =	vadd.f32 v37, v3  }
0x231: {  	v4 =	vadd.f32 v38, v4;
	s1 =	spop (v2sf);
	(v2sf) =	vpush v2, $0x5  }
0x232: {  	v5 =	vadd.f32 v39, v5;
	v3 =	vmul.f32 v3, v41  }
0x233: {  	v6 =	vadd.f32 v40, v36;
	v4 =	vmul.f32 v4, v41  }
0x234: {  	v43 =	vld [tilespmem:$0x14480];
	v5 =	vmul.f32 v5, v41;
	[tilespmem:$0xE000] =	vst v3  }
0x235: {  	v44 =	vld [tilespmem:$0x14490];
	v3 =	vmul.f32 v6, v41;
	[tilespmem:$0xE010] =	vst v4  }
0x236: {  	v45 =	vld [tilespmem:$0x144A0];
	[tilespmem:$0xE020] =	vst v5  }
0x237: {  	v46 =	vld [tilespmem:$0x144B0];
	[tilespmem:$0xE030] =	vst v3  }
0x238: {  	v3 =	vld [tilespmem:s1+$0x7C80]  }
0x239: {  	v4 =	vld [tilespmem:s1+$0x7C90]  }
0x23a: {  	v5 =	vld [tilespmem:s1+$0x7CA0]  }
0x23b: {  	v42 =	vld [tilespmem:s1+$0x7CB0];
	_ =	sdelay $0x1  }
0x23c: {  	v47 =	vbroadcast v1, $0x4;
	v3 =	vadd.f32 v43, v3  }
0x23d: {  	v4 =	vadd.f32 v44, v4  }
0x23e: {  	v5 =	vadd.f32 v45, v5;
	v3 =	vmul.f32 v3, v47  }
0x23f: {  	v6 =	vadd.f32 v46, v42;
	v4 =	vmul.f32 v4, v47;
	s9 =	spop (v2sf);
	(v2sf) =	vpush v2, $0x6  }
0x240: {  	v49 =	vld [tilespmem:$0x14500];
	v5 =	vmul.f32 v5, v47;
	[tilespmem:$0xE080] =	vst v3  }
0x241: {  	v50 =	vld [tilespmem:$0x14510];
	v3 =	vmul.f32 v6, v47;
	[tilespmem:$0xE090] =	vst v4  }
0x242: {  	v51 =	vld [tilespmem:$0x14520];
	[tilespmem:$0xE0A0] =	vst v5  }
0x243: {  	v52 =	vld [tilespmem:$0x14530];
	[tilespmem:$0xE0B0] =	vst v3  }
0x244: {  	v3 =	vld [tilespmem:s9+$0x7D00]  }
0x245: {  	v4 =	vld [tilespmem:s9+$0x7D10]  }
0x246: {  	v5 =	vld [tilespmem:s9+$0x7D20]  }
0x247: {  	v48 =	vld [tilespmem:s9+$0x7D30];
	_ =	sdelay $0x1  }
0x248: {  	v53 =	vbroadcast v1, $0x5;
	v3 =	vadd.f32 v49, v3  }
0x249: {  	v4 =	vadd.f32 v50, v4  }
0x24a: {  	v5 =	vadd.f32 v51, v5;
	v3 =	vmul.f32 v3, v53  }
0x24b: {  	v6 =	vadd.f32 v52, v48;
	v4 =	vmul.f32 v4, v53  }
0x24c: {  	v54 =	vld [tilespmem:$0x14580];
	v5 =	vmul.f32 v5, v53;
	[tilespmem:$0xE100] =	vst v3  }
0x24d: {  	v55 =	vld [tilespmem:$0x14590];
	v3 =	vmul.f32 v6, v53;
	[tilespmem:$0xE110] =	vst v4;
	s28 =	spop (v2sf);
	(v2sf) =	vpush v2, $0x7  }
0x24e: {  	v56 =	vld [tilespmem:$0x145A0];
	[tilespmem:$0xE120] =	vst v5  }
0x24f: {  	v57 =	vld [tilespmem:$0x145B0];
	[tilespmem:$0xE130] =	vst v3  }
0x250: {  	v3 =	vld [tilespmem:s28+$0x7D80]  }
0x251: {  	v4 =	vld [tilespmem:s28+$0x7D90]  }
0x252: {  	v2 =	vld [tilespmem:s28+$0x7DA0]  }
0x253: {  	v5 =	vld [tilespmem:s28+$0x7DB0];
	_ =	sdelay $0x1  }
0x254: {  	v58 =	vbroadcast v1, $0x6;
	v3 =	vadd.f32 v54, v3  }
0x255: {  	v4 =	vadd.f32 v55, v4  }
0x256: {  	v2 =	vadd.f32 v56, v2;
	v3 =	vmul.f32 v3, v58  }
0x257: {  	v5 =	vadd.f32 v57, v5;
	v4 =	vmul.f32 v4, v58  }
0x258: {  	v60 =	vld [tilespmem:$0x14600];
	v2 =	vmul.f32 v2, v58;
	[tilespmem:$0xE180] =	vst v3  }
0x259: {  	v61 =	vld [tilespmem:$0x14610];
	v3 =	vmul.f32 v5, v58;
	[tilespmem:$0xE190] =	vst v4  }
0x25a: {  	v62 =	vld [tilespmem:$0x14620];
	[tilespmem:$0xE1A0] =	vst v2  }
0x25b: {  	v63 =	vld [tilespmem:$0x14630];
	[tilespmem:$0xE1B0] =	vst v3;
	s30 =	spop (v2sf)  }
0x25c: {  	v2 =	vld [tilespmem:s30+$0x7E00]  }
0x25d: {  	v3 =	vld [tilespmem:s30+$0x7E10]  }
0x25e: {  	v4 =	vld [tilespmem:s30+$0x7E20]  }
0x25f: {  	v59 =	vld [tilespmem:s30+$0x7E30];
	_ =	sdelay $0x1  }
0x260: {  	v1 =	vbroadcast v1, $0x7;
	v2 =	vadd.f32 v60, v2  }
0x261: {  	v3 =	vadd.f32 v61, v3  }
0x262: {  	s26 =	sadd.s32 $0x1, s26;
	v4 =	vadd.f32 v62, v4;
	v2 =	vmul.f32 v2, v1  }
0x263: {  	p0 =	sne.s32 s26, $0x20;
	v5 =	vadd.f32 v63, v59;
	v3 =	vmul.f32 v3, v1  }
.Ltmp5:
0x264: {  	v4 =	vmul.f32 v4, v1;
	[tilespmem:$0xE200] =	vst v2;
	(pc) =	sbr.rel @p0 .LBB2_2-.Ltmp5, $4  }
0x265: {  	v1 =	vmul.f32 v5, v1;
	[tilespmem:$0xE210] =	vst v3  }
0x266: {  	[tilespmem:$0xE220] =	vst v4  }
0x267: {  	s25 =	sadd.s32 $0xC8, s25;
	s24 =	sadd.s32 $0xC8, s24;
	s31 =	sadd.s32 $0x600, s29;
	[tilespmem:$0xE230] =	vst v1  }
0x268: {  	[hbm4b:s31+s3] =	stream.linear.scatter [tilespmem:s20], [sflag:$0x4], $0x3400, $0x38;
	[tilespmem:$0x14680] =	vst v63  }
0x269: {  	s23 =	sadd.s32 $0x1, s23  }
0x26a: {  	_ =	swait.ge [sflag:s21], $0x3000;
	p0 =	sne.s32 s23, s8  }
.Ltmp6:
0x26b: {  	[sflag:s21] =	ssyncset.done $0x0;
	(pc) =	sbr.rel @p0 .LBB2_1-.Ltmp6, $4  }
0x26c: {  	[sflag:s21] =	ssyncadd.s32 $0xFFFFD000  }
0x26d: {  	_ =	swait.ge [sflag:s19], $0x3400  }
0x26e: {  	[sflag:s19] =	ssyncset.done $0x0  }
0x26f: {  	[sflag:s19] =	ssyncadd.s32 $0xFFFFCC00  }
0x270: {  	_ =	sfence.sel $0x180000  }
0x271: {  	[bflag:$0x0] =	sbarrier.arrive $0xFFFF  }
0x272: {  	_ =	strace $0x90000047  }
0x273: {  	s0 =	stileid.u32;
	[bflag:$0x2] =	sbarrier.arrive $0xFFFF  }
0x274: {  	p0 =	sne.s32 s0, $0x0;
	s0 =	rddreg [dreg:$0x2]  }
0x275: {  	s0 =	sadd.s32 @!p0 $0x100000, s0  }
0x276: {  	[sflag:s0] =	ssyncadd.tile.s32 @!p0 $0x1;
	_ =	shalt  }
.Lfunc_end2:
_tile_overlayer_lowered:
.L_overlay_start_2:
0x277: {  	(tag) =	ssettag $0x2  }
0x278: {  	s0 =	rddreg [dreg:$0x0];
	s2 =	stileid.u32  }
0x279: {  	s1 =	rddreg [dreg:$0x1];
	p0 =	sne.s32 s2, $0x0  }
0x27a: {  	s3 =	rddreg [dreg:$0x2];
	[bflag:$0x3] =	sbarrier.arrive $0xFFFF;
	s2 =	simm.s32 @!p0 $0x1C05  }
0x27b: {  	[timem:s3], [sflag:s2] =	dma.local @!p0 [hbm:s0], s1  }
0x27c: {  	s0 =	simm.s32 @!p0 $0x5  }
0x27d: {  	_ =	swait.ge @!p0 [sflag:s0], s1  }
0x27e: {  	s1 =	ssub.s32 @!p0 $0x0, s1;
	[sflag:s0] =	ssyncset.done @!p0 $0x0  }
0x27f: {  	[sflag:s0] =	ssyncadd.s32 @!p0 s1  }
0x280: {  	[bflag:$0x3] =	sbarrier.arrive $0xFFFF  }
0x281: {  	_ =	shalt  }

</sc_bundles>
